<compile_context>
chip_gen: v7x
topology: tpu7x:2x2x1
jax: 0.10.2.dev20260603
libtpu: 0.0.44.dev20260713+nightly
codegen_flags: <defaults>
</compile_context>

<pallas_src>
import functools

import jax
import jax.numpy as jnp
from jax import lax
from jax.experimental import pallas as pl
from jax.experimental.pallas import tpu as pltpu
from jax.experimental.pallas import tpu_sc as plsc

N = 10000
D = 256
H = 256
C = 16
E = 100000
NREL = 3

NC = 2
NS = 16
K = 125
NCH = E // (NS * K)
NPAD = 10240
RPT = NPAD // NS
HD = H // NC

_mesh = plsc.VectorSubcoreMesh(core_axis_name="c", subcore_axis_name="s")



DW = 128


@functools.partial(
    pl.kernel,
    out_type=jax.ShapeDtypeStruct((6, NPAD, DW), jnp.float32),
    mesh=_mesh,
    scratch_types=[
        pltpu.VMEM((K, DW), jnp.float32),
        pltpu.VMEM((NCH, K), jnp.int32),
        pltpu.MemorySpace.VMEM_SHARED((NPAD, DW), jnp.float32),
        pltpu.SemaphoreType.DMA,
    ],
)
def _deg_kernel(idx_hbm, ones_hbm, zeros_hbm, out_hbm, ones_v, idx_v, acc, ssem):
    c = lax.axis_index("c")
    s = lax.axis_index("s")
    pltpu.sync_copy(ones_hbm, ones_v)

    def _wait_s():
        pltpu.make_async_copy(ones_v, acc.at[idx_v.at[0]], ssem).wait()

    for a in range(3):
        g = 3 * c + a
        pltpu.sync_copy(zeros_hbm.at[pl.ds(s * RPT, RPT)],
                        acc.at[pl.ds(s * RPT, RPT)])
        pltpu.sync_copy(idx_hbm.at[g, s], idx_v)
        plsc.subcore_barrier()

        @pl.loop(0, NCH)
        def _(j):
            pltpu.async_copy(ones_v, acc.at[idx_v.at[j]], ssem, add=True)

            @pl.when(j >= 3)
            def _():
                _wait_s()

        for _ in range(3):
            _wait_s()
        plsc.subcore_barrier()
        pltpu.sync_copy(acc.at[pl.ds(s * RPT, RPT)],
                        out_hbm.at[g, pl.ds(s * RPT, RPT)])
        plsc.subcore_barrier()


@functools.partial(
    pl.kernel,
    out_type=jax.ShapeDtypeStruct((NREL, NC, NPAD, HD), jnp.float32),
    mesh=_mesh,
    scratch_types=[
        pltpu.VMEM((NCH, K), jnp.int32),
        pltpu.VMEM((NCH, K), jnp.int32),
        pltpu.VMEM((K, HD), jnp.float32),
        pltpu.VMEM((K, HD), jnp.float32),
        pltpu.MemorySpace.VMEM_SHARED((NPAD, HD), jnp.float32),
        pltpu.SemaphoreType.DMA,
        pltpu.SemaphoreType.DMA,
        pltpu.SemaphoreType.DMA,
        pltpu.SemaphoreType.DMA,
    ],
)
def _agg_kernel(xt_hbm, sidx_hbm, didx_hbm, zeros_hbm, out_hbm,
                src_v, dst_v, buf0, buf1, acc, gs0, gs1, ss0, ss1):
    c = lax.axis_index("c")
    s = lax.axis_index("s")
    for r in range(NREL):
        pltpu.sync_copy(zeros_hbm.at[pl.ds(s * RPT, RPT)],
                        acc.at[pl.ds(s * RPT, RPT)])
        pltpu.sync_copy(sidx_hbm.at[r, s], src_v)
        pltpu.sync_copy(didx_hbm.at[r, s], dst_v)
        plsc.subcore_barrier()

        table = xt_hbm.at[r, c]
        pltpu.async_copy(table.at[src_v.at[0]], buf0, gs0)

        @pl.loop(0, NCH // 2)
        def _(i):
            j0 = 2 * i
            j1 = 2 * i + 1
            pltpu.async_copy(table.at[src_v.at[j1]], buf1, gs1)
            pltpu.make_async_copy(table.at[src_v.at[0]], buf0, gs0).wait()
            pltpu.sync_copy(buf0, acc.at[dst_v.at[j0]], add=True)

            @pl.when(j1 + 1 < NCH)
            def _():
                pltpu.async_copy(table.at[src_v.at[j1 + 1]], buf0, gs0)

            pltpu.make_async_copy(table.at[src_v.at[0]], buf1, gs1).wait()
            pltpu.sync_copy(buf1, acc.at[dst_v.at[j1]], add=True)

        plsc.subcore_barrier()
        pltpu.sync_copy(acc.at[pl.ds(s * RPT, RPT)],
                        out_hbm.at[r, c, pl.ds(s * RPT, RPT)])
        plsc.subcore_barrier()



_BR = 2048
_NB = NPAD // _BR




def _prep_body(x_ref, cnt_ref, xt_ref, dinv_ref):
    cnt = cnt_ref[...][:, :, 0]
    dinvs = lax.rsqrt(jnp.maximum(cnt, 1.0))
    dinv_ref[...] = jnp.concatenate(
        [dinvs, jnp.zeros((2, _BR), jnp.float32)], axis=0)[None]
    xb = x_ref[...]
    outs = []
    for r in range(NREL):
        xs = xb * dinvs[2 * r][:, None]
        outs.append(jnp.stack([xs[:, :HD], xs[:, HD:]], axis=0))
    xt_ref[...] = jnp.stack(outs, axis=0)


def _dense1_body(agg_ref, dinv_ref, w_ref, b_ref, xt_ref):
    dv = dinv_ref[...][0]
    agg = agg_ref[...]
    acc = jnp.zeros((_BR, H), jnp.float32)
    for r in range(NREL):
        a = jnp.concatenate([agg[r, 0], agg[r, 1]], axis=1)
        a = a * dv[2 * r + 1][:, None]
        acc = acc + jnp.dot(a, w_ref[...][r], preferred_element_type=jnp.float32)
    h = jnp.maximum(acc + jnp.sum(b_ref[...], axis=0)[None, :], 0.0)
    outs = []
    for r in range(NREL):
        hs = h * dv[2 * r][:, None]
        outs.append(jnp.stack([hs[:, :HD], hs[:, HD:]], axis=0))
    xt_ref[...] = jnp.stack(outs, axis=0)


def _dense2_body(agg_ref, dinv_ref, w_ref, b_ref, wc_ref, bc_ref, out_ref, acc_ref):
    dv = dinv_ref[...][0]
    agg = agg_ref[...]
    acc = jnp.zeros((_BR, H), jnp.float32)
    for r in range(NREL):
        a = jnp.concatenate([agg[r, 0], agg[r, 1]], axis=1)
        a = a * dv[2 * r + 1][:, None]
        acc = acc + jnp.dot(a, w_ref[...][r], preferred_element_type=jnp.float32)
    h2 = jnp.maximum(acc + jnp.sum(b_ref[...], axis=0)[None, :], 0.0)
    row = pl.program_id(0) * _BR + lax.broadcasted_iota(jnp.int32, (_BR, 1), 0)
    h2 = jnp.where(row < N, h2, 0.0)
    part = jnp.dot(jnp.ones((8, _BR), jnp.float32), h2,
                   preferred_element_type=jnp.float32)

    @pl.when(pl.program_id(0) == 0)
    def _():
        acc_ref[...] = jnp.zeros((8, H), jnp.float32)

    acc_ref[...] += part
    hg = acc_ref[0:1, :] * (1.0 / N)
    out_ref[...] = jnp.dot(hg, wc_ref[...], preferred_element_type=jnp.float32) \
        + bc_ref[0:1, :]


def _cnt_spec():
    return pl.BlockSpec((6, _BR, DW), lambda b: (0, b, 0))


def _dinv_spec():
    return pl.BlockSpec((1, 8, _BR), lambda b: (b, 0, 0))


def _agg_spec():
    return pl.BlockSpec((NREL, NC, _BR, HD), lambda b: (0, 0, b, 0))


def _xt_spec():
    return pl.BlockSpec((NREL, NC, _BR, HD), lambda b: (0, 0, b, 0))


_prep_call = pl.pallas_call(
    _prep_body,
    grid=(_NB,),
    in_specs=[pl.BlockSpec((_BR, D), lambda b: (b, 0)), _cnt_spec()],
    out_specs=(_xt_spec(), _dinv_spec()),
    out_shape=(jax.ShapeDtypeStruct((NREL, NC, N, HD), jnp.float32),
               jax.ShapeDtypeStruct((_NB, 8, _BR), jnp.float32)),
)

_dense1_call = pl.pallas_call(
    _dense1_body,
    grid=(_NB,),
    in_specs=[
        _agg_spec(),
        _dinv_spec(),
        pl.BlockSpec((NREL, H, H), lambda b: (0, 0, 0)),
        pl.BlockSpec((8, H), lambda b: (0, 0)),
    ],
    out_specs=_xt_spec(),
    out_shape=jax.ShapeDtypeStruct((NREL, NC, N, HD), jnp.float32),
)

_dense2_call = pl.pallas_call(
    _dense2_body,
    grid=(_NB,),
    in_specs=[
        _agg_spec(),
        _dinv_spec(),
        pl.BlockSpec((NREL, H, H), lambda b: (0, 0, 0)),
        pl.BlockSpec((8, H), lambda b: (0, 0)),
        pl.BlockSpec((H, C), lambda b: (0, 0)),
        pl.BlockSpec((8, C), lambda b: (0, 0)),
    ],
    out_specs=pl.BlockSpec((1, C), lambda b: (0, 0)),
    out_shape=jax.ShapeDtypeStruct((1, C), jnp.float32),
    scratch_shapes=[pltpu.VMEM((8, H), jnp.float32)],
)


def _pad8(*rows):
    z = jnp.zeros((8, rows[0].shape[0]), jnp.float32)
    for i, r in enumerate(rows):
        z = z.at[i].set(r)
    return z


def kernel(x, e0, e1, e2, W1_0, b1_0, W1_1, b1_1, W1_2, b1_2,
           W2_0, b2_0, W2_1, b2_1, W2_2, b2_2, Wc, bc):
    src = jnp.stack([e0[0], e1[0], e2[0]]).astype(jnp.int32)
    dst = jnp.stack([e0[1], e1[1], e2[1]]).astype(jnp.int32)
    sidx = src.reshape(NREL, NS, NCH, K)
    didx = dst.reshape(NREL, NS, NCH, K)
    idx6 = jnp.stack([src, dst], axis=1).reshape(6, NS, NCH, K)

    zeros128 = jnp.zeros((NPAD, HD), jnp.float32)
    onesd = jnp.ones((K, DW), jnp.float32)
    zerosd = jnp.zeros((NPAD, DW), jnp.float32)

    w1 = jnp.stack([W1_0, W1_1, W1_2])
    w2 = jnp.stack([W2_0, W2_1, W2_2])
    b1 = _pad8(b1_0, b1_1, b1_2)
    b2 = _pad8(b2_0, b2_1, b2_2)
    bc8 = _pad8(bc)

    counts = _deg_kernel(idx6, onesd, zerosd)
    xt1, dinv8 = _prep_call(x, counts)
    agg1 = _agg_kernel(xt1, sidx, didx, zeros128)
    xt2 = _dense1_call(agg1, dinv8, w1, b1)
    agg2 = _agg_kernel(xt2, sidx, didx, zeros128)
    out = _dense2_call(agg2, dinv8, w2, b2, Wc, bc8)
    return out

# --- scband reference (transcript-rebuilt; emitter-appended) ---
"""Pipeline reference for scband-hetero-classifier-39702677684613 (READ-ONLY COPY).

The authoritative reference and input builder live on the scoring server;
editing this copy changes nothing except your own understanding.
"""

import jax, jax.numpy as jnp
import numpy as np

N = 10000
D = 256
H = 256
C = 16
E = 100000
NREL = 3


def setup_inputs(seed: int = 0) -> dict:
    key = jax.random.key(seed)
    ks = jax.random.split(key, 24)
    inp = {}
    inp["x"] = jax.random.normal(ks[0], (N, D), dtype=jnp.float32)
    inp["e0"] = jax.random.randint(ks[1], (2, E), 0, N)
    inp["e1"] = jax.random.randint(ks[2], (2, E), 0, N)
    inp["e2"] = jax.random.randint(ks[3], (2, E), 0, N)
    # GraphConv weights per relation, layer 1 (in_dim -> hidden) and layer 2 (hidden -> hidden)
    for r in range(NREL):
        inp[f"W1_{r}"] = jax.random.normal(ks[4 + r], (D, H), dtype=jnp.float32) * (1.0 / np.sqrt(D))
        inp[f"b1_{r}"] = jnp.zeros((H,), dtype=jnp.float32)
        inp[f"W2_{r}"] = jax.random.normal(ks[8 + r], (H, H), dtype=jnp.float32) * (1.0 / np.sqrt(H))
        inp[f"b2_{r}"] = jnp.zeros((H,), dtype=jnp.float32)
    inp["Wc"] = jax.random.normal(ks[12], (H, C), dtype=jnp.float32) * (1.0 / np.sqrt(H))
    inp["bc"] = jnp.zeros((C,), dtype=jnp.float32)
    return inp


def _graph_conv(x, src, dst, W, b):
    # DGL GraphConv with norm='both': D_out^{-1/2} -> scatter-sum -> D_in^{-1/2} -> linear
    deg_out = jnp.clip(jnp.bincount(src, length=N), 1).astype(x.dtype)
    deg_in = jnp.clip(jnp.bincount(dst, length=N), 1).astype(x.dtype)
    xs = x * (deg_out ** -0.5)[:, None]
    agg = jax.ops.segment_sum(xs[src], dst, num_segments=N)
    agg = agg * (deg_in ** -0.5)[:, None]
    return agg @ W + b


def reference(x, e0, e1, e2, W1_0, b1_0, W1_1, b1_1, W1_2, b1_2,
              W2_0, b2_0, W2_1, b2_1, W2_2, b2_2, Wc, bc):
    edges = [e0, e1, e2]
    W1s = [W1_0, W1_1, W1_2]
    b1s = [b1_0, b1_1, b1_2]
    W2s = [W2_0, W2_1, W2_2]
    b2s = [b2_0, b2_1, b2_2]
    # conv1: HeteroGraphConv aggregate='sum' over relations
    h = jnp.zeros((N, H), dtype=x.dtype)
    for r in range(NREL):
        h = h + _graph_conv(x, edges[r][0], edges[r][1], W1s[r], b1s[r])
    h = jax.nn.relu(h)
    # conv2
    h2 = jnp.zeros((N, H), dtype=x.dtype)
    for r in range(NREL):
        h2 = h2 + _graph_conv(h, edges[r][0], edges[r][1], W2s[r], b2s[r])
    h2 = jax.nn.relu(h2)
    # dgl.mean_nodes over the single ntype, single graph in batch -> [1, H]
    hg = jnp.mean(h2, axis=0, keepdims=True)
    return hg @ Wc + bc

if __name__ == "__main__":
    import jax
    _d = setup_inputs()
    print(jax.jit(kernel)(*tuple(_d.values())))

</pallas_src>

<mosaic_0001>
#map = affine_map<(d0, d1) -> (0, 0, 0, 0)>
#map1 = affine_map<(d0, d1) -> (0, 0)>
module attributes {stable_mosaic.version = 14 : i64} {
  func.func @_agg_kernel(%arg0: i32, %arg1: i32, %arg2: memref<3x2x10000x128xf32, #tpu.memory_space<hbm>>, %arg3: memref<3x16x50x125xi32, #tpu.memory_space<hbm>>, %arg4: memref<3x16x50x125xi32, #tpu.memory_space<hbm>>, %arg5: memref<10240x128xf32, #tpu.memory_space<hbm>>, %arg6: memref<3x2x10240x128xf32, #tpu.memory_space<hbm>>, %arg7: memref<50x125xi32, #tpu.memory_space<vmem>>, %arg8: memref<50x125xi32, #tpu.memory_space<vmem>>, %arg9: memref<125x128xf32, #tpu.memory_space<vmem>>, %arg10: memref<125x128xf32, #tpu.memory_space<vmem>>, %arg11: memref<10240x128xf32, #tpu.memory_space<vmem_shared>>, %arg12: memref<!tpu.dma_semaphore, #tpu.memory_space<semaphore_mem>>, %arg13: memref<!tpu.dma_semaphore, #tpu.memory_space<semaphore_mem>>, %arg14: memref<!tpu.dma_semaphore, #tpu.memory_space<semaphore_mem>>, %arg15: memref<!tpu.dma_semaphore, #tpu.memory_space<semaphore_mem>>) attributes {dimension_semantics = [#tpu.dimension_semantics<core_parallel>, #tpu.dimension_semantics<subcore_parallel>], iteration_bounds = array<i64: 2, 16>, scalar_prefetch = 0 : i64, scratch_operands = 9 : i64, tpu.core_type = #tpu.core_type<sc_vector_subcore>, window_params = [{transform_indices = #map}, {transform_indices = #map}, {transform_indices = #map}, {transform_indices = #map1}, {transform_indices = #map}]} {
    %mul3A = arith.constant 640 : i32
    %mul3A_0 = arith.muli %arg1, %mul3A : i32
    %mul3A_1 = arith.constant 640 : i32
    %mul3A_2 = arith.muli %arg1, %mul3A_1 : i32
    "tpu.region"() ({
      %run_scoped3A_91 = tpu.sem_alloc : memref<!tpu.dma_semaphore, #tpu.memory_space<semaphore_mem>>
      %dma_start3A_92 = arith.constant 0 : i32
      %dma_start3A_93 = tpu.memref_slice %arg11[%mul3A_2, %dma_start3A_92] : memref<10240x128xf32, #tpu.memory_space<vmem_shared>> -> memref<640x128xf32, #tpu.memory_space<vmem_shared>>
      %dma_start3A_94 = arith.constant 0 : i32
      %dma_start3A_95 = tpu.memref_slice %arg5[%mul3A_0, %dma_start3A_94] : memref<10240x128xf32, #tpu.memory_space<hbm>> -> memref<640x128xf32, #tpu.memory_space<hbm>>
      tpu.enqueue_dma source(%dma_start3A_95 : memref<640x128xf32, #tpu.memory_space<hbm>>) target(%dma_start3A_93 : memref<640x128xf32, #tpu.memory_space<vmem_shared>>) target_semaphore(%run_scoped3A_91 : memref<!tpu.dma_semaphore, #tpu.memory_space<semaphore_mem>>)
      %dma_wait3A = arith.constant 0 : i32
      %dma_wait3A_96 = tpu.memref_slice %arg11[%mul3A_2, %dma_wait3A] : memref<10240x128xf32, #tpu.memory_space<vmem_shared>> -> memref<640x128xf32, #tpu.memory_space<vmem_shared>>
      %dma_wait3A_97 = arith.constant 0 : i32
      %dma_wait3A_98 = tpu.memref_slice %arg5[%mul3A_0, %dma_wait3A_97] : memref<10240x128xf32, #tpu.memory_space<hbm>> -> memref<640x128xf32, #tpu.memory_space<hbm>>
      tpu.wait_dma2 semaphore(%run_scoped3A_91 : memref<!tpu.dma_semaphore, #tpu.memory_space<semaphore_mem>>) src(%dma_wait3A_98 : memref<640x128xf32, #tpu.memory_space<hbm>>) dst(%dma_wait3A_96 : memref<640x128xf32, #tpu.memory_space<vmem_shared>>)
      tpu.yield
    }) : () -> ()
    %run_scoped3A = arith.constant 0 : i32
    "tpu.region"() ({
      %run_scoped3A_91 = tpu.sem_alloc : memref<!tpu.dma_semaphore, #tpu.memory_space<semaphore_mem>>
      %dma_start3A_92 = arith.constant 0 : i32
      %dma_start3A_93 = arith.constant 0 : i32
      %dma_start3A_94 = tpu.memref_slice %arg3[%run_scoped3A, %arg1, %dma_start3A_92, %dma_start3A_93] : memref<3x16x50x125xi32, #tpu.memory_space<hbm>> -> memref<1x1x50x125xi32, #tpu.memory_space<hbm>>
      %dma_start3A_95 = tpu.memref_squeeze %dma_start3A_94 : memref<1x1x50x125xi32, #tpu.memory_space<hbm>> -> memref<50x125xi32, #tpu.memory_space<hbm>>
      %dma_start3A_96 = arith.constant 0 : i32
      %dma_start3A_97 = arith.constant 0 : i32
      %dma_start3A_98 = tpu.memref_slice %arg3[%run_scoped3A, %arg1, %dma_start3A_96, %dma_start3A_97] : memref<3x16x50x125xi32, #tpu.memory_space<hbm>> -> memref<1x1x50x125xi32, #tpu.memory_space<hbm>>
      %dma_start3A_99 = tpu.memref_squeeze %dma_start3A_98 : memref<1x1x50x125xi32, #tpu.memory_space<hbm>> -> memref<50x125xi32, #tpu.memory_space<hbm>>
      tpu.enqueue_dma source(%dma_start3A_99 : memref<50x125xi32, #tpu.memory_space<hbm>>) target(%arg7 : memref<50x125xi32, #tpu.memory_space<vmem>>) target_semaphore(%run_scoped3A_91 : memref<!tpu.dma_semaphore, #tpu.memory_space<semaphore_mem>>)
      %dma_wait3A = arith.constant 0 : i32
      %dma_wait3A_100 = arith.constant 0 : i32
      %dma_wait3A_101 = tpu.memref_slice %arg3[%run_scoped3A, %arg1, %dma_wait3A, %dma_wait3A_100] : memref<3x16x50x125xi32, #tpu.memory_space<hbm>> -> memref<1x1x50x125xi32, #tpu.memory_space<hbm>>
      %dma_wait3A_102 = tpu.memref_squeeze %dma_wait3A_101 : memref<1x1x50x125xi32, #tpu.memory_space<hbm>> -> memref<50x125xi32, #tpu.memory_space<hbm>>
      %dma_wait3A_103 = arith.constant 0 : i32
      %dma_wait3A_104 = arith.constant 0 : i32
      %dma_wait3A_105 = tpu.memref_slice %arg3[%run_scoped3A, %arg1, %dma_wait3A_103, %dma_wait3A_104] : memref<3x16x50x125xi32, #tpu.memory_space<hbm>> -> memref<1x1x50x125xi32, #tpu.memory_space<hbm>>
      %dma_wait3A_106 = tpu.memref_squeeze %dma_wait3A_105 : memref<1x1x50x125xi32, #tpu.memory_space<hbm>> -> memref<50x125xi32, #tpu.memory_space<hbm>>
      tpu.wait_dma2 semaphore(%run_scoped3A_91 : memref<!tpu.dma_semaphore, #tpu.memory_space<semaphore_mem>>) src(%dma_wait3A_106 : memref<50x125xi32, #tpu.memory_space<hbm>>) dst(%arg7 : memref<50x125xi32, #tpu.memory_space<vmem>>)
      tpu.yield
    }) : () -> ()
    %run_scoped3A_3 = arith.constant 0 : i32
    "tpu.region"() ({
      %run_scoped3A_91 = tpu.sem_alloc : memref<!tpu.dma_semaphore, #tpu.memory_space<semaphore_mem>>
      %dma_start3A_92 = arith.constant 0 : i32
      %dma_start3A_93 = arith.constant 0 : i32
      %dma_start3A_94 = tpu.memref_slice %arg4[%run_scoped3A_3, %arg1, %dma_start3A_92, %dma_start3A_93] : memref<3x16x50x125xi32, #tpu.memory_space<hbm>> -> memref<1x1x50x125xi32, #tpu.memory_space<hbm>>
      %dma_start3A_95 = tpu.memref_squeeze %dma_start3A_94 : memref<1x1x50x125xi32, #tpu.memory_space<hbm>> -> memref<50x125xi32, #tpu.memory_space<hbm>>
      %dma_start3A_96 = arith.constant 0 : i32
      %dma_start3A_97 = arith.constant 0 : i32
      %dma_start3A_98 = tpu.memref_slice %arg4[%run_scoped3A_3, %arg1, %dma_start3A_96, %dma_start3A_97] : memref<3x16x50x125xi32, #tpu.memory_space<hbm>> -> memref<1x1x50x125xi32, #tpu.memory_space<hbm>>
      %dma_start3A_99 = tpu.memref_squeeze %dma_start3A_98 : memref<1x1x50x125xi32, #tpu.memory_space<hbm>> -> memref<50x125xi32, #tpu.memory_space<hbm>>
      tpu.enqueue_dma source(%dma_start3A_99 : memref<50x125xi32, #tpu.memory_space<hbm>>) target(%arg8 : memref<50x125xi32, #tpu.memory_space<vmem>>) target_semaphore(%run_scoped3A_91 : memref<!tpu.dma_semaphore, #tpu.memory_space<semaphore_mem>>)
      %dma_wait3A = arith.constant 0 : i32
      %dma_wait3A_100 = arith.constant 0 : i32
      %dma_wait3A_101 = tpu.memref_slice %arg4[%run_scoped3A_3, %arg1, %dma_wait3A, %dma_wait3A_100] : memref<3x16x50x125xi32, #tpu.memory_space<hbm>> -> memref<1x1x50x125xi32, #tpu.memory_space<hbm>>
      %dma_wait3A_102 = tpu.memref_squeeze %dma_wait3A_101 : memref<1x1x50x125xi32, #tpu.memory_space<hbm>> -> memref<50x125xi32, #tpu.memory_space<hbm>>
      %dma_wait3A_103 = arith.constant 0 : i32
      %dma_wait3A_104 = arith.constant 0 : i32
      %dma_wait3A_105 = tpu.memref_slice %arg4[%run_scoped3A_3, %arg1, %dma_wait3A_103, %dma_wait3A_104] : memref<3x16x50x125xi32, #tpu.memory_space<hbm>> -> memref<1x1x50x125xi32, #tpu.memory_space<hbm>>
      %dma_wait3A_106 = tpu.memref_squeeze %dma_wait3A_105 : memref<1x1x50x125xi32, #tpu.memory_space<hbm>> -> memref<50x125xi32, #tpu.memory_space<hbm>>
      tpu.wait_dma2 semaphore(%run_scoped3A_91 : memref<!tpu.dma_semaphore, #tpu.memory_space<semaphore_mem>>) src(%dma_wait3A_106 : memref<50x125xi32, #tpu.memory_space<hbm>>) dst(%arg8 : memref<50x125xi32, #tpu.memory_space<vmem>>)
      tpu.yield
    }) : () -> ()
    %barrier3A = arith.constant 0 : index
    tpu.barrier barrier_id(%barrier3A)
    %dma_start3A = arith.constant 0 : i32
    %dma_start3A_4 = arith.constant 0 : i32
    %dma_start3A_5 = arith.constant 0 : i32
    %dma_start3A_6 = tpu.memref_slice %arg7[%dma_start3A_4, %dma_start3A_5] : memref<50x125xi32, #tpu.memory_space<vmem>> -> memref<1x125xi32, #tpu.memory_space<vmem>>
    %dma_start3A_7 = tpu.memref_squeeze %dma_start3A_6 : memref<1x125xi32, #tpu.memory_space<vmem>> -> memref<125xi32, #tpu.memory_space<vmem>>
    %dma_start3A_8 = arith.constant 0 : i32
    %dma_start3A_9 = arith.constant 0 : i32
    %dma_start3A_10 = tpu.memref_slice %arg2[%dma_start3A, %arg0, %dma_start3A_8, %dma_start3A_9] : memref<3x2x10000x128xf32, #tpu.memory_space<hbm>> -> memref<1x1x10000x128xf32, #tpu.memory_space<hbm>>
    %dma_start3A_11 = tpu.memref_squeeze %dma_start3A_10 : memref<1x1x10000x128xf32, #tpu.memory_space<hbm>> -> memref<10000x128xf32, #tpu.memory_space<hbm>>
    %dma_start3A_12 = arith.constant 0 : i32
    %dma_start3A_13 = arith.constant 0 : i32
    %dma_start3A_14 = tpu.memref_slice %dma_start3A_11[%dma_start3A_12, %dma_start3A_13] : memref<10000x128xf32, #tpu.memory_space<hbm>> -> memref<10000x128xf32, #tpu.memory_space<hbm>>
    tpu.enqueue_indirect_dma source(%dma_start3A_14 : memref<10000x128xf32, #tpu.memory_space<hbm>>) target(%arg9 : memref<125x128xf32, #tpu.memory_space<vmem>>) offsets(%dma_start3A_7 : memref<125xi32, #tpu.memory_space<vmem>>) semaphore(%arg12 : memref<!tpu.dma_semaphore, #tpu.memory_space<semaphore_mem>>)
    %scan3A = arith.constant 0 : i32
    %scan3A_15 = arith.constant 0 : i32
    %scan3A_16 = arith.constant 25 : i32
    %scan3A_17 = arith.addi %scan3A_15, %scan3A_16 : i32
    %scan3A_18 = arith.constant 1 : i32
    scf.for %scan3A_91 = %scan3A_15 to %scan3A_17 step %scan3A_18  : i32 {
      %mul3A_92 = arith.constant 1 : i32
      %mul3A_93 = arith.muli %scan3A_91, %mul3A_92 : i32
      %add3A = arith.constant 0 : i32
      %add3A_94 = arith.addi %add3A, %mul3A_93 : i32
      %mul3A_95 = arith.constant 2 : i32
      %mul3A_96 = arith.muli %mul3A_95, %add3A_94 : i32
      %mul3A_97 = arith.constant 2 : i32
      %mul3A_98 = arith.muli %mul3A_97, %add3A_94 : i32
      %add3A_99 = arith.constant 1 : i32
      %add3A_100 = arith.addi %mul3A_98, %add3A_99 : i32
      %dma_start3A_101 = arith.constant 0 : i32
      %dma_start3A_102 = tpu.memref_slice %arg7[%add3A_100, %dma_start3A_101] : memref<50x125xi32, #tpu.memory_space<vmem>> -> memref<1x125xi32, #tpu.memory_space<vmem>>
      %dma_start3A_103 = tpu.memref_squeeze %dma_start3A_102 : memref<1x125xi32, #tpu.memory_space<vmem>> -> memref<125xi32, #tpu.memory_space<vmem>>
      %dma_start3A_104 = arith.constant 0 : i32
      %dma_start3A_105 = arith.constant 0 : i32
      %dma_start3A_106 = tpu.memref_slice %arg2[%scan3A, %arg0, %dma_start3A_104, %dma_start3A_105] : memref<3x2x10000x128xf32, #tpu.memory_space<hbm>> -> memref<1x1x10000x128xf32, #tpu.memory_space<hbm>>
      %dma_start3A_107 = tpu.memref_squeeze %dma_start3A_106 : memref<1x1x10000x128xf32, #tpu.memory_space<hbm>> -> memref<10000x128xf32, #tpu.memory_space<hbm>>
      %dma_start3A_108 = arith.constant 0 : i32
      %dma_start3A_109 = arith.constant 0 : i32
      %dma_start3A_110 = tpu.memref_slice %dma_start3A_107[%dma_start3A_108, %dma_start3A_109] : memref<10000x128xf32, #tpu.memory_space<hbm>> -> memref<10000x128xf32, #tpu.memory_space<hbm>>
      tpu.enqueue_indirect_dma source(%dma_start3A_110 : memref<10000x128xf32, #tpu.memory_space<hbm>>) target(%arg10 : memref<125x128xf32, #tpu.memory_space<vmem>>) offsets(%dma_start3A_103 : memref<125xi32, #tpu.memory_space<vmem>>) semaphore(%arg13 : memref<!tpu.dma_semaphore, #tpu.memory_space<semaphore_mem>>)
      %dma_wait3A = arith.constant 0 : i32
      %dma_wait3A_111 = arith.constant 0 : i32
      %dma_wait3A_112 = tpu.memref_slice %arg7[%dma_wait3A, %dma_wait3A_111] : memref<50x125xi32, #tpu.memory_space<vmem>> -> memref<1x125xi32, #tpu.memory_space<vmem>>
      %dma_wait3A_113 = tpu.memref_squeeze %dma_wait3A_112 : memref<1x125xi32, #tpu.memory_space<vmem>> -> memref<125xi32, #tpu.memory_space<vmem>>
      %dma_wait3A_114 = arith.constant 0 : i32
      %dma_wait3A_115 = arith.constant 0 : i32
      %dma_wait3A_116 = tpu.memref_slice %arg2[%scan3A, %arg0, %dma_wait3A_114, %dma_wait3A_115] : memref<3x2x10000x128xf32, #tpu.memory_space<hbm>> -> memref<1x1x10000x128xf32, #tpu.memory_space<hbm>>
      %dma_wait3A_117 = tpu.memref_squeeze %dma_wait3A_116 : memref<1x1x10000x128xf32, #tpu.memory_space<hbm>> -> memref<10000x128xf32, #tpu.memory_space<hbm>>
      %dma_wait3A_118 = arith.constant 0 : i32
      %dma_wait3A_119 = arith.constant 0 : i32
      %dma_wait3A_120 = tpu.memref_slice %dma_wait3A_117[%dma_wait3A_118, %dma_wait3A_119] : memref<10000x128xf32, #tpu.memory_space<hbm>> -> memref<10000x128xf32, #tpu.memory_space<hbm>>
      tpu.wait_indirect_dma semaphore(%arg12 : memref<!tpu.dma_semaphore, #tpu.memory_space<semaphore_mem>>) src(%dma_wait3A_120 : memref<10000x128xf32, #tpu.memory_space<hbm>>) dst(%arg9 : memref<125x128xf32, #tpu.memory_space<vmem>>)
      "tpu.region"() ({
        %run_scoped3A_136 = tpu.sem_alloc : memref<!tpu.dma_semaphore, #tpu.memory_space<semaphore_mem>>
        %dma_start3A_137 = arith.constant 0 : i32
        %dma_start3A_138 = tpu.memref_slice %arg8[%mul3A_96, %dma_start3A_137] : memref<50x125xi32, #tpu.memory_space<vmem>> -> memref<1x125xi32, #tpu.memory_space<vmem>>
        %dma_start3A_139 = tpu.memref_squeeze %dma_start3A_138 : memref<1x125xi32, #tpu.memory_space<vmem>> -> memref<125xi32, #tpu.memory_space<vmem>>
        %dma_start3A_140 = arith.constant 0 : i32
        %dma_start3A_141 = arith.constant 0 : i32
        %dma_start3A_142 = tpu.memref_slice %arg11[%dma_start3A_140, %dma_start3A_141] : memref<10240x128xf32, #tpu.memory_space<vmem_shared>> -> memref<10240x128xf32, #tpu.memory_space<vmem_shared>>
        tpu.enqueue_indirect_dma source(%arg9 : memref<125x128xf32, #tpu.memory_space<vmem>>) target(%dma_start3A_142 : memref<10240x128xf32, #tpu.memory_space<vmem_shared>>) offsets(%dma_start3A_139 : memref<125xi32, #tpu.memory_space<vmem>>) semaphore(%run_scoped3A_136 : memref<!tpu.dma_semaphore, #tpu.memory_space<semaphore_mem>>) {add = true}
        %dma_wait3A_143 = arith.constant 0 : i32
        %dma_wait3A_144 = tpu.memref_slice %arg8[%mul3A_96, %dma_wait3A_143] : memref<50x125xi32, #tpu.memory_space<vmem>> -> memref<1x125xi32, #tpu.memory_space<vmem>>
        %dma_wait3A_145 = tpu.memref_squeeze %dma_wait3A_144 : memref<1x125xi32, #tpu.memory_space<vmem>> -> memref<125xi32, #tpu.memory_space<vmem>>
        %dma_wait3A_146 = arith.constant 0 : i32
        %dma_wait3A_147 = arith.constant 0 : i32
        %dma_wait3A_148 = tpu.memref_slice %arg11[%dma_wait3A_146, %dma_wait3A_147] : memref<10240x128xf32, #tpu.memory_space<vmem_shared>> -> memref<10240x128xf32, #tpu.memory_space<vmem_shared>>
        tpu.wait_indirect_dma semaphore(%run_scoped3A_136 : memref<!tpu.dma_semaphore, #tpu.memory_space<semaphore_mem>>) src(%arg9 : memref<125x128xf32, #tpu.memory_space<vmem>>) dst(%dma_wait3A_148 : memref<10240x128xf32, #tpu.memory_space<vmem_shared>>)
        tpu.yield
      }) : () -> ()
      %add3A_121 = arith.constant 1 : i32
      %add3A_122 = arith.addi %add3A_100, %add3A_121 : i32
      %lt3A = arith.constant 50 : i32
      %lt3A_123 = arith.cmpi slt, %add3A_122, %lt3A : i32
      %convert_element_type3A = arith.extui %lt3A_123 : i1 to i32
      %cond3A = arith.constant 0 : i32
      %cond3A_124 = arith.cmpi ne, %convert_element_type3A, %cond3A : i32
      scf.if %cond3A_124 {
        %add3A_136 = arith.constant 1 : i32
        %add3A_137 = arith.addi %add3A_100, %add3A_136 : i32
        %dma_start3A_138 = arith.constant 0 : i32
        %dma_start3A_139 = tpu.memref_slice %arg7[%add3A_137, %dma_start3A_138] : memref<50x125xi32, #tpu.memory_space<vmem>> -> memref<1x125xi32, #tpu.memory_space<vmem>>
        %dma_start3A_140 = tpu.memref_squeeze %dma_start3A_139 : memref<1x125xi32, #tpu.memory_space<vmem>> -> memref<125xi32, #tpu.memory_space<vmem>>
        %dma_start3A_141 = arith.constant 0 : i32
        %dma_start3A_142 = arith.constant 0 : i32
        %dma_start3A_143 = tpu.memref_slice %arg2[%scan3A, %arg0, %dma_start3A_141, %dma_start3A_142] : memref<3x2x10000x128xf32, #tpu.memory_space<hbm>> -> memref<1x1x10000x128xf32, #tpu.memory_space<hbm>>
        %dma_start3A_144 = tpu.memref_squeeze %dma_start3A_143 : memref<1x1x10000x128xf32, #tpu.memory_space<hbm>> -> memref<10000x128xf32, #tpu.memory_space<hbm>>
        %dma_start3A_145 = arith.constant 0 : i32
        %dma_start3A_146 = arith.constant 0 : i32
        %dma_start3A_147 = tpu.memref_slice %dma_start3A_144[%dma_start3A_145, %dma_start3A_146] : memref<10000x128xf32, #tpu.memory_space<hbm>> -> memref<10000x128xf32, #tpu.memory_space<hbm>>
        tpu.enqueue_indirect_dma source(%dma_start3A_147 : memref<10000x128xf32, #tpu.memory_space<hbm>>) target(%arg9 : memref<125x128xf32, #tpu.memory_space<vmem>>) offsets(%dma_start3A_140 : memref<125xi32, #tpu.memory_space<vmem>>) semaphore(%arg12 : memref<!tpu.dma_semaphore, #tpu.memory_space<semaphore_mem>>)
      } else {
      }
      %dma_wait3A_125 = arith.constant 0 : i32
      %dma_wait3A_126 = arith.constant 0 : i32
      %dma_wait3A_127 = tpu.memref_slice %arg7[%dma_wait3A_125, %dma_wait3A_126] : memref<50x125xi32, #tpu.memory_space<vmem>> -> memref<1x125xi32, #tpu.memory_space<vmem>>
      %dma_wait3A_128 = tpu.memref_squeeze %dma_wait3A_127 : memref<1x125xi32, #tpu.memory_space<vmem>> -> memref<125xi32, #tpu.memory_space<vmem>>
      %dma_wait3A_129 = arith.constant 0 : i32
      %dma_wait3A_130 = arith.constant 0 : i32
      %dma_wait3A_131 = tpu.memref_slice %arg2[%scan3A, %arg0, %dma_wait3A_129, %dma_wait3A_130] : memref<3x2x10000x128xf32, #tpu.memory_space<hbm>> -> memref<1x1x10000x128xf32, #tpu.memory_space<hbm>>
      %dma_wait3A_132 = tpu.memref_squeeze %dma_wait3A_131 : memref<1x1x10000x128xf32, #tpu.memory_space<hbm>> -> memref<10000x128xf32, #tpu.memory_space<hbm>>
      %dma_wait3A_133 = arith.constant 0 : i32
      %dma_wait3A_134 = arith.constant 0 : i32
      %dma_wait3A_135 = tpu.memref_slice %dma_wait3A_132[%dma_wait3A_133, %dma_wait3A_134] : memref<10000x128xf32, #tpu.memory_space<hbm>> -> memref<10000x128xf32, #tpu.memory_space<hbm>>
      tpu.wait_indirect_dma semaphore(%arg13 : memref<!tpu.dma_semaphore, #tpu.memory_space<semaphore_mem>>) src(%dma_wait3A_135 : memref<10000x128xf32, #tpu.memory_space<hbm>>) dst(%arg10 : memref<125x128xf32, #tpu.memory_space<vmem>>)
      "tpu.region"() ({
        %run_scoped3A_136 = tpu.sem_alloc : memref<!tpu.dma_semaphore, #tpu.memory_space<semaphore_mem>>
        %dma_start3A_137 = arith.constant 0 : i32
        %dma_start3A_138 = tpu.memref_slice %arg8[%add3A_100, %dma_start3A_137] : memref<50x125xi32, #tpu.memory_space<vmem>> -> memref<1x125xi32, #tpu.memory_space<vmem>>
        %dma_start3A_139 = tpu.memref_squeeze %dma_start3A_138 : memref<1x125xi32, #tpu.memory_space<vmem>> -> memref<125xi32, #tpu.memory_space<vmem>>
        %dma_start3A_140 = arith.constant 0 : i32
        %dma_start3A_141 = arith.constant 0 : i32
        %dma_start3A_142 = tpu.memref_slice %arg11[%dma_start3A_140, %dma_start3A_141] : memref<10240x128xf32, #tpu.memory_space<vmem_shared>> -> memref<10240x128xf32, #tpu.memory_space<vmem_shared>>
        tpu.enqueue_indirect_dma source(%arg10 : memref<125x128xf32, #tpu.memory_space<vmem>>) target(%dma_start3A_142 : memref<10240x128xf32, #tpu.memory_space<vmem_shared>>) offsets(%dma_start3A_139 : memref<125xi32, #tpu.memory_space<vmem>>) semaphore(%run_scoped3A_136 : memref<!tpu.dma_semaphore, #tpu.memory_space<semaphore_mem>>) {add = true}
        %dma_wait3A_143 = arith.constant 0 : i32
        %dma_wait3A_144 = tpu.memref_slice %arg8[%add3A_100, %dma_wait3A_143] : memref<50x125xi32, #tpu.memory_space<vmem>> -> memref<1x125xi32, #tpu.memory_space<vmem>>
        %dma_wait3A_145 = tpu.memref_squeeze %dma_wait3A_144 : memref<1x125xi32, #tpu.memory_space<vmem>> -> memref<125xi32, #tpu.memory_space<vmem>>
        %dma_wait3A_146 = arith.constant 0 : i32
        %dma_wait3A_147 = arith.constant 0 : i32
        %dma_wait3A_148 = tpu.memref_slice %arg11[%dma_wait3A_146, %dma_wait3A_147] : memref<10240x128xf32, #tpu.memory_space<vmem_shared>> -> memref<10240x128xf32, #tpu.memory_space<vmem_shared>>
        tpu.wait_indirect_dma semaphore(%run_scoped3A_136 : memref<!tpu.dma_semaphore, #tpu.memory_space<semaphore_mem>>) src(%arg10 : memref<125x128xf32, #tpu.memory_space<vmem>>) dst(%dma_wait3A_148 : memref<10240x128xf32, #tpu.memory_space<vmem_shared>>)
        tpu.yield
      }) : () -> ()
    }
    %scan3A_19 = arith.constant 25 : i32
    %barrier3A_20 = arith.constant 0 : index
    tpu.barrier barrier_id(%barrier3A_20)
    %mul3A_21 = arith.constant 640 : i32
    %mul3A_22 = arith.muli %arg1, %mul3A_21 : i32
    %mul3A_23 = arith.constant 640 : i32
    %mul3A_24 = arith.muli %arg1, %mul3A_23 : i32
    %run_scoped3A_25 = arith.constant 0 : i32
    "tpu.region"() ({
      %run_scoped3A_91 = tpu.sem_alloc : memref<!tpu.dma_semaphore, #tpu.memory_space<semaphore_mem>>
      %dma_start3A_92 = arith.constant 0 : i32
      %dma_start3A_93 = tpu.memref_slice %arg6[%run_scoped3A_25, %arg0, %mul3A_24, %dma_start3A_92] : memref<3x2x10240x128xf32, #tpu.memory_space<hbm>> -> memref<1x1x640x128xf32, #tpu.memory_space<hbm>>
      %dma_start3A_94 = tpu.memref_squeeze %dma_start3A_93 : memref<1x1x640x128xf32, #tpu.memory_space<hbm>> -> memref<640x128xf32, #tpu.memory_space<hbm>>
      %dma_start3A_95 = arith.constant 0 : i32
      %dma_start3A_96 = tpu.memref_slice %arg11[%mul3A_22, %dma_start3A_95] : memref<10240x128xf32, #tpu.memory_space<vmem_shared>> -> memref<640x128xf32, #tpu.memory_space<vmem_shared>>
      tpu.enqueue_dma source(%dma_start3A_96 : memref<640x128xf32, #tpu.memory_space<vmem_shared>>) target(%dma_start3A_94 : memref<640x128xf32, #tpu.memory_space<hbm>>) target_semaphore(%run_scoped3A_91 : memref<!tpu.dma_semaphore, #tpu.memory_space<semaphore_mem>>)
      %dma_wait3A = arith.constant 0 : i32
      %dma_wait3A_97 = tpu.memref_slice %arg6[%run_scoped3A_25, %arg0, %mul3A_24, %dma_wait3A] : memref<3x2x10240x128xf32, #tpu.memory_space<hbm>> -> memref<1x1x640x128xf32, #tpu.memory_space<hbm>>
      %dma_wait3A_98 = tpu.memref_squeeze %dma_wait3A_97 : memref<1x1x640x128xf32, #tpu.memory_space<hbm>> -> memref<640x128xf32, #tpu.memory_space<hbm>>
      %dma_wait3A_99 = arith.constant 0 : i32
      %dma_wait3A_100 = tpu.memref_slice %arg11[%mul3A_22, %dma_wait3A_99] : memref<10240x128xf32, #tpu.memory_space<vmem_shared>> -> memref<640x128xf32, #tpu.memory_space<vmem_shared>>
      tpu.wait_dma2 semaphore(%run_scoped3A_91 : memref<!tpu.dma_semaphore, #tpu.memory_space<semaphore_mem>>) src(%dma_wait3A_100 : memref<640x128xf32, #tpu.memory_space<vmem_shared>>) dst(%dma_wait3A_98 : memref<640x128xf32, #tpu.memory_space<hbm>>)
      tpu.yield
    }) : () -> ()
    %barrier3A_26 = arith.constant 0 : index
    tpu.barrier barrier_id(%barrier3A_26)
    %mul3A_27 = arith.constant 640 : i32
    %mul3A_28 = arith.muli %arg1, %mul3A_27 : i32
    %mul3A_29 = arith.constant 640 : i32
    %mul3A_30 = arith.muli %arg1, %mul3A_29 : i32
    "tpu.region"() ({
      %run_scoped3A_91 = tpu.sem_alloc : memref<!tpu.dma_semaphore, #tpu.memory_space<semaphore_mem>>
      %dma_start3A_92 = arith.constant 0 : i32
      %dma_start3A_93 = tpu.memref_slice %arg11[%mul3A_30, %dma_start3A_92] : memref<10240x128xf32, #tpu.memory_space<vmem_shared>> -> memref<640x128xf32, #tpu.memory_space<vmem_shared>>
      %dma_start3A_94 = arith.constant 0 : i32
      %dma_start3A_95 = tpu.memref_slice %arg5[%mul3A_28, %dma_start3A_94] : memref<10240x128xf32, #tpu.memory_space<hbm>> -> memref<640x128xf32, #tpu.memory_space<hbm>>
      tpu.enqueue_dma source(%dma_start3A_95 : memref<640x128xf32, #tpu.memory_space<hbm>>) target(%dma_start3A_93 : memref<640x128xf32, #tpu.memory_space<vmem_shared>>) target_semaphore(%run_scoped3A_91 : memref<!tpu.dma_semaphore, #tpu.memory_space<semaphore_mem>>)
      %dma_wait3A = arith.constant 0 : i32
      %dma_wait3A_96 = tpu.memref_slice %arg11[%mul3A_30, %dma_wait3A] : memref<10240x128xf32, #tpu.memory_space<vmem_shared>> -> memref<640x128xf32, #tpu.memory_space<vmem_shared>>
      %dma_wait3A_97 = arith.constant 0 : i32
      %dma_wait3A_98 = tpu.memref_slice %arg5[%mul3A_28, %dma_wait3A_97] : memref<10240x128xf32, #tpu.memory_space<hbm>> -> memref<640x128xf32, #tpu.memory_space<hbm>>
      tpu.wait_dma2 semaphore(%run_scoped3A_91 : memref<!tpu.dma_semaphore, #tpu.memory_space<semaphore_mem>>) src(%dma_wait3A_98 : memref<640x128xf32, #tpu.memory_space<hbm>>) dst(%dma_wait3A_96 : memref<640x128xf32, #tpu.memory_space<vmem_shared>>)
      tpu.yield
    }) : () -> ()
    %run_scoped3A_31 = arith.constant 1 : i32
    "tpu.region"() ({
      %run_scoped3A_91 = tpu.sem_alloc : memref<!tpu.dma_semaphore, #tpu.memory_space<semaphore_mem>>
      %dma_start3A_92 = arith.constant 0 : i32
      %dma_start3A_93 = arith.constant 0 : i32
      %dma_start3A_94 = tpu.memref_slice %arg3[%run_scoped3A_31, %arg1, %dma_start3A_92, %dma_start3A_93] : memref<3x16x50x125xi32, #tpu.memory_space<hbm>> -> memref<1x1x50x125xi32, #tpu.memory_space<hbm>>
      %dma_start3A_95 = tpu.memref_squeeze %dma_start3A_94 : memref<1x1x50x125xi32, #tpu.memory_space<hbm>> -> memref<50x125xi32, #tpu.memory_space<hbm>>
      %dma_start3A_96 = arith.constant 0 : i32
      %dma_start3A_97 = arith.constant 0 : i32
      %dma_start3A_98 = tpu.memref_slice %arg3[%run_scoped3A_31, %arg1, %dma_start3A_96, %dma_start3A_97] : memref<3x16x50x125xi32, #tpu.memory_space<hbm>> -> memref<1x1x50x125xi32, #tpu.memory_space<hbm>>
      %dma_start3A_99 = tpu.memref_squeeze %dma_start3A_98 : memref<1x1x50x125xi32, #tpu.memory_space<hbm>> -> memref<50x125xi32, #tpu.memory_space<hbm>>
      tpu.enqueue_dma source(%dma_start3A_99 : memref<50x125xi32, #tpu.memory_space<hbm>>) target(%arg7 : memref<50x125xi32, #tpu.memory_space<vmem>>) target_semaphore(%run_scoped3A_91 : memref<!tpu.dma_semaphore, #tpu.memory_space<semaphore_mem>>)
      %dma_wait3A = arith.constant 0 : i32
      %dma_wait3A_100 = arith.constant 0 : i32
      %dma_wait3A_101 = tpu.memref_slice %arg3[%run_scoped3A_31, %arg1, %dma_wait3A, %dma_wait3A_100] : memref<3x16x50x125xi32, #tpu.memory_space<hbm>> -> memref<1x1x50x125xi32, #tpu.memory_space<hbm>>
      %dma_wait3A_102 = tpu.memref_squeeze %dma_wait3A_101 : memref<1x1x50x125xi32, #tpu.memory_space<hbm>> -> memref<50x125xi32, #tpu.memory_space<hbm>>
      %dma_wait3A_103 = arith.constant 0 : i32
      %dma_wait3A_104 = arith.constant 0 : i32
      %dma_wait3A_105 = tpu.memref_slice %arg3[%run_scoped3A_31, %arg1, %dma_wait3A_103, %dma_wait3A_104] : memref<3x16x50x125xi32, #tpu.memory_space<hbm>> -> memref<1x1x50x125xi32, #tpu.memory_space<hbm>>
      %dma_wait3A_106 = tpu.memref_squeeze %dma_wait3A_105 : memref<1x1x50x125xi32, #tpu.memory_space<hbm>> -> memref<50x125xi32, #tpu.memory_space<hbm>>
      tpu.wait_dma2 semaphore(%run_scoped3A_91 : memref<!tpu.dma_semaphore, #tpu.memory_space<semaphore_mem>>) src(%dma_wait3A_106 : memref<50x125xi32, #tpu.memory_space<hbm>>) dst(%arg7 : memref<50x125xi32, #tpu.memory_space<vmem>>)
      tpu.yield
    }) : () -> ()
    %run_scoped3A_32 = arith.constant 1 : i32
    "tpu.region"() ({
      %run_scoped3A_91 = tpu.sem_alloc : memref<!tpu.dma_semaphore, #tpu.memory_space<semaphore_mem>>
      %dma_start3A_92 = arith.constant 0 : i32
      %dma_start3A_93 = arith.constant 0 : i32
      %dma_start3A_94 = tpu.memref_slice %arg4[%run_scoped3A_32, %arg1, %dma_start3A_92, %dma_start3A_93] : memref<3x16x50x125xi32, #tpu.memory_space<hbm>> -> memref<1x1x50x125xi32, #tpu.memory_space<hbm>>
      %dma_start3A_95 = tpu.memref_squeeze %dma_start3A_94 : memref<1x1x50x125xi32, #tpu.memory_space<hbm>> -> memref<50x125xi32, #tpu.memory_space<hbm>>
      %dma_start3A_96 = arith.constant 0 : i32
      %dma_start3A_97 = arith.constant 0 : i32
      %dma_start3A_98 = tpu.memref_slice %arg4[%run_scoped3A_32, %arg1, %dma_start3A_96, %dma_start3A_97] : memref<3x16x50x125xi32, #tpu.memory_space<hbm>> -> memref<1x1x50x125xi32, #tpu.memory_space<hbm>>
      %dma_start3A_99 = tpu.memref_squeeze %dma_start3A_98 : memref<1x1x50x125xi32, #tpu.memory_space<hbm>> -> memref<50x125xi32, #tpu.memory_space<hbm>>
      tpu.enqueue_dma source(%dma_start3A_99 : memref<50x125xi32, #tpu.memory_space<hbm>>) target(%arg8 : memref<50x125xi32, #tpu.memory_space<vmem>>) target_semaphore(%run_scoped3A_91 : memref<!tpu.dma_semaphore, #tpu.memory_space<semaphore_mem>>)
      %dma_wait3A = arith.constant 0 : i32
      %dma_wait3A_100 = arith.constant 0 : i32
      %dma_wait3A_101 = tpu.memref_slice %arg4[%run_scoped3A_32, %arg1, %dma_wait3A, %dma_wait3A_100] : memref<3x16x50x125xi32, #tpu.memory_space<hbm>> -> memref<1x1x50x125xi32, #tpu.memory_space<hbm>>
      %dma_wait3A_102 = tpu.memref_squeeze %dma_wait3A_101 : memref<1x1x50x125xi32, #tpu.memory_space<hbm>> -> memref<50x125xi32, #tpu.memory_space<hbm>>
      %dma_wait3A_103 = arith.constant 0 : i32
      %dma_wait3A_104 = arith.constant 0 : i32
      %dma_wait3A_105 = tpu.memref_slice %arg4[%run_scoped3A_32, %arg1, %dma_wait3A_103, %dma_wait3A_104] : memref<3x16x50x125xi32, #tpu.memory_space<hbm>> -> memref<1x1x50x125xi32, #tpu.memory_space<hbm>>
      %dma_wait3A_106 = tpu.memref_squeeze %dma_wait3A_105 : memref<1x1x50x125xi32, #tpu.memory_space<hbm>> -> memref<50x125xi32, #tpu.memory_space<hbm>>
      tpu.wait_dma2 semaphore(%run_scoped3A_91 : memref<!tpu.dma_semaphore, #tpu.memory_space<semaphore_mem>>) src(%dma_wait3A_106 : memref<50x125xi32, #tpu.memory_space<hbm>>) dst(%arg8 : memref<50x125xi32, #tpu.memory_space<vmem>>)
      tpu.yield
    }) : () -> ()
    %barrier3A_33 = arith.constant 0 : index
    tpu.barrier barrier_id(%barrier3A_33)
    %dma_start3A_34 = arith.constant 1 : i32
    %dma_start3A_35 = arith.constant 0 : i32
    %dma_start3A_36 = arith.constant 0 : i32
    %dma_start3A_37 = tpu.memref_slice %arg7[%dma_start3A_35, %dma_start3A_36] : memref<50x125xi32, #tpu.memory_space<vmem>> -> memref<1x125xi32, #tpu.memory_space<vmem>>
    %dma_start3A_38 = tpu.memref_squeeze %dma_start3A_37 : memref<1x125xi32, #tpu.memory_space<vmem>> -> memref<125xi32, #tpu.memory_space<vmem>>
    %dma_start3A_39 = arith.constant 0 : i32
    %dma_start3A_40 = arith.constant 0 : i32
    %dma_start3A_41 = tpu.memref_slice %arg2[%dma_start3A_34, %arg0, %dma_start3A_39, %dma_start3A_40] : memref<3x2x10000x128xf32, #tpu.memory_space<hbm>> -> memref<1x1x10000x128xf32, #tpu.memory_space<hbm>>
    %dma_start3A_42 = tpu.memref_squeeze %dma_start3A_41 : memref<1x1x10000x128xf32, #tpu.memory_space<hbm>> -> memref<10000x128xf32, #tpu.memory_space<hbm>>
    %dma_start3A_43 = arith.constant 0 : i32
    %dma_start3A_44 = arith.constant 0 : i32
    %dma_start3A_45 = tpu.memref_slice %dma_start3A_42[%dma_start3A_43, %dma_start3A_44] : memref<10000x128xf32, #tpu.memory_space<hbm>> -> memref<10000x128xf32, #tpu.memory_space<hbm>>
    tpu.enqueue_indirect_dma source(%dma_start3A_45 : memref<10000x128xf32, #tpu.memory_space<hbm>>) target(%arg9 : memref<125x128xf32, #tpu.memory_space<vmem>>) offsets(%dma_start3A_38 : memref<125xi32, #tpu.memory_space<vmem>>) semaphore(%arg12 : memref<!tpu.dma_semaphore, #tpu.memory_space<semaphore_mem>>)
    %scan3A_46 = arith.constant 1 : i32
    %scan3A_47 = arith.constant 0 : i32
    %scan3A_48 = arith.constant 25 : i32
    %scan3A_49 = arith.addi %scan3A_47, %scan3A_48 : i32
    %scan3A_50 = arith.constant 1 : i32
    scf.for %scan3A_91 = %scan3A_47 to %scan3A_49 step %scan3A_50  : i32 {
      %mul3A_92 = arith.constant 1 : i32
      %mul3A_93 = arith.muli %scan3A_91, %mul3A_92 : i32
      %add3A = arith.constant 0 : i32
      %add3A_94 = arith.addi %add3A, %mul3A_93 : i32
      %mul3A_95 = arith.constant 2 : i32
      %mul3A_96 = arith.muli %mul3A_95, %add3A_94 : i32
      %mul3A_97 = arith.constant 2 : i32
      %mul3A_98 = arith.muli %mul3A_97, %add3A_94 : i32
      %add3A_99 = arith.constant 1 : i32
      %add3A_100 = arith.addi %mul3A_98, %add3A_99 : i32
      %dma_start3A_101 = arith.constant 0 : i32
      %dma_start3A_102 = tpu.memref_slice %arg7[%add3A_100, %dma_start3A_101] : memref<50x125xi32, #tpu.memory_space<vmem>> -> memref<1x125xi32, #tpu.memory_space<vmem>>
      %dma_start3A_103 = tpu.memref_squeeze %dma_start3A_102 : memref<1x125xi32, #tpu.memory_space<vmem>> -> memref<125xi32, #tpu.memory_space<vmem>>
      %dma_start3A_104 = arith.constant 0 : i32
      %dma_start3A_105 = arith.constant 0 : i32
      %dma_start3A_106 = tpu.memref_slice %arg2[%scan3A_46, %arg0, %dma_start3A_104, %dma_start3A_105] : memref<3x2x10000x128xf32, #tpu.memory_space<hbm>> -> memref<1x1x10000x128xf32, #tpu.memory_space<hbm>>
      %dma_start3A_107 = tpu.memref_squeeze %dma_start3A_106 : memref<1x1x10000x128xf32, #tpu.memory_space<hbm>> -> memref<10000x128xf32, #tpu.memory_space<hbm>>
      %dma_start3A_108 = arith.constant 0 : i32
      %dma_start3A_109 = arith.constant 0 : i32
      %dma_start3A_110 = tpu.memref_slice %dma_start3A_107[%dma_start3A_108, %dma_start3A_109] : memref<10000x128xf32, #tpu.memory_space<hbm>> -> memref<10000x128xf32, #tpu.memory_space<hbm>>
      tpu.enqueue_indirect_dma source(%dma_start3A_110 : memref<10000x128xf32, #tpu.memory_space<hbm>>) target(%arg10 : memref<125x128xf32, #tpu.memory_space<vmem>>) offsets(%dma_start3A_103 : memref<125xi32, #tpu.memory_space<vmem>>) semaphore(%arg13 : memref<!tpu.dma_semaphore, #tpu.memory_space<semaphore_mem>>)
      %dma_wait3A = arith.constant 0 : i32
      %dma_wait3A_111 = arith.constant 0 : i32
      %dma_wait3A_112 = tpu.memref_slice %arg7[%dma_wait3A, %dma_wait3A_111] : memref<50x125xi32, #tpu.memory_space<vmem>> -> memref<1x125xi32, #tpu.memory_space<vmem>>
      %dma_wait3A_113 = tpu.memref_squeeze %dma_wait3A_112 : memref<1x125xi32, #tpu.memory_space<vmem>> -> memref<125xi32, #tpu.memory_space<vmem>>
      %dma_wait3A_114 = arith.constant 0 : i32
      %dma_wait3A_115 = arith.constant 0 : i32
      %dma_wait3A_116 = tpu.memref_slice %arg2[%scan3A_46, %arg0, %dma_wait3A_114, %dma_wait3A_115] : memref<3x2x10000x128xf32, #tpu.memory_space<hbm>> -> memref<1x1x10000x128xf32, #tpu.memory_space<hbm>>
      %dma_wait3A_117 = tpu.memref_squeeze %dma_wait3A_116 : memref<1x1x10000x128xf32, #tpu.memory_space<hbm>> -> memref<10000x128xf32, #tpu.memory_space<hbm>>
      %dma_wait3A_118 = arith.constant 0 : i32
      %dma_wait3A_119 = arith.constant 0 : i32
      %dma_wait3A_120 = tpu.memref_slice %dma_wait3A_117[%dma_wait3A_118, %dma_wait3A_119] : memref<10000x128xf32, #tpu.memory_space<hbm>> -> memref<10000x128xf32, #tpu.memory_space<hbm>>
      tpu.wait_indirect_dma semaphore(%arg12 : memref<!tpu.dma_semaphore, #tpu.memory_space<semaphore_mem>>) src(%dma_wait3A_120 : memref<10000x128xf32, #tpu.memory_space<hbm>>) dst(%arg9 : memref<125x128xf32, #tpu.memory_space<vmem>>)
      "tpu.region"() ({
        %run_scoped3A_136 = tpu.sem_alloc : memref<!tpu.dma_semaphore, #tpu.memory_space<semaphore_mem>>
        %dma_start3A_137 = arith.constant 0 : i32
        %dma_start3A_138 = tpu.memref_slice %arg8[%mul3A_96, %dma_start3A_137] : memref<50x125xi32, #tpu.memory_space<vmem>> -> memref<1x125xi32, #tpu.memory_space<vmem>>
        %dma_start3A_139 = tpu.memref_squeeze %dma_start3A_138 : memref<1x125xi32, #tpu.memory_space<vmem>> -> memref<125xi32, #tpu.memory_space<vmem>>
        %dma_start3A_140 = arith.constant 0 : i32
        %dma_start3A_141 = arith.constant 0 : i32
        %dma_start3A_142 = tpu.memref_slice %arg11[%dma_start3A_140, %dma_start3A_141] : memref<10240x128xf32, #tpu.memory_space<vmem_shared>> -> memref<10240x128xf32, #tpu.memory_space<vmem_shared>>
        tpu.enqueue_indirect_dma source(%arg9 : memref<125x128xf32, #tpu.memory_space<vmem>>) target(%dma_start3A_142 : memref<10240x128xf32, #tpu.memory_space<vmem_shared>>) offsets(%dma_start3A_139 : memref<125xi32, #tpu.memory_space<vmem>>) semaphore(%run_scoped3A_136 : memref<!tpu.dma_semaphore, #tpu.memory_space<semaphore_mem>>) {add = true}
        %dma_wait3A_143 = arith.constant 0 : i32
        %dma_wait3A_144 = tpu.memref_slice %arg8[%mul3A_96, %dma_wait3A_143] : memref<50x125xi32, #tpu.memory_space<vmem>> -> memref<1x125xi32, #tpu.memory_space<vmem>>
        %dma_wait3A_145 = tpu.memref_squeeze %dma_wait3A_144 : memref<1x125xi32, #tpu.memory_space<vmem>> -> memref<125xi32, #tpu.memory_space<vmem>>
        %dma_wait3A_146 = arith.constant 0 : i32
        %dma_wait3A_147 = arith.constant 0 : i32
        %dma_wait3A_148 = tpu.memref_slice %arg11[%dma_wait3A_146, %dma_wait3A_147] : memref<10240x128xf32, #tpu.memory_space<vmem_shared>> -> memref<10240x128xf32, #tpu.memory_space<vmem_shared>>
        tpu.wait_indirect_dma semaphore(%run_scoped3A_136 : memref<!tpu.dma_semaphore, #tpu.memory_space<semaphore_mem>>) src(%arg9 : memref<125x128xf32, #tpu.memory_space<vmem>>) dst(%dma_wait3A_148 : memref<10240x128xf32, #tpu.memory_space<vmem_shared>>)
        tpu.yield
      }) : () -> ()
      %add3A_121 = arith.constant 1 : i32
      %add3A_122 = arith.addi %add3A_100, %add3A_121 : i32
      %lt3A = arith.constant 50 : i32
      %lt3A_123 = arith.cmpi slt, %add3A_122, %lt3A : i32
      %convert_element_type3A = arith.extui %lt3A_123 : i1 to i32
      %cond3A = arith.constant 0 : i32
      %cond3A_124 = arith.cmpi ne, %convert_element_type3A, %cond3A : i32
      scf.if %cond3A_124 {
        %add3A_136 = arith.constant 1 : i32
        %add3A_137 = arith.addi %add3A_100, %add3A_136 : i32
        %dma_start3A_138 = arith.constant 0 : i32
        %dma_start3A_139 = tpu.memref_slice %arg7[%add3A_137, %dma_start3A_138] : memref<50x125xi32, #tpu.memory_space<vmem>> -> memref<1x125xi32, #tpu.memory_space<vmem>>
        %dma_start3A_140 = tpu.memref_squeeze %dma_start3A_139 : memref<1x125xi32, #tpu.memory_space<vmem>> -> memref<125xi32, #tpu.memory_space<vmem>>
        %dma_start3A_141 = arith.constant 0 : i32
        %dma_start3A_142 = arith.constant 0 : i32
        %dma_start3A_143 = tpu.memref_slice %arg2[%scan3A_46, %arg0, %dma_start3A_141, %dma_start3A_142] : memref<3x2x10000x128xf32, #tpu.memory_space<hbm>> -> memref<1x1x10000x128xf32, #tpu.memory_space<hbm>>
        %dma_start3A_144 = tpu.memref_squeeze %dma_start3A_143 : memref<1x1x10000x128xf32, #tpu.memory_space<hbm>> -> memref<10000x128xf32, #tpu.memory_space<hbm>>
        %dma_start3A_145 = arith.constant 0 : i32
        %dma_start3A_146 = arith.constant 0 : i32
        %dma_start3A_147 = tpu.memref_slice %dma_start3A_144[%dma_start3A_145, %dma_start3A_146] : memref<10000x128xf32, #tpu.memory_space<hbm>> -> memref<10000x128xf32, #tpu.memory_space<hbm>>
        tpu.enqueue_indirect_dma source(%dma_start3A_147 : memref<10000x128xf32, #tpu.memory_space<hbm>>) target(%arg9 : memref<125x128xf32, #tpu.memory_space<vmem>>) offsets(%dma_start3A_140 : memref<125xi32, #tpu.memory_space<vmem>>) semaphore(%arg12 : memref<!tpu.dma_semaphore, #tpu.memory_space<semaphore_mem>>)
      } else {
      }
      %dma_wait3A_125 = arith.constant 0 : i32
      %dma_wait3A_126 = arith.constant 0 : i32
      %dma_wait3A_127 = tpu.memref_slice %arg7[%dma_wait3A_125, %dma_wait3A_126] : memref<50x125xi32, #tpu.memory_space<vmem>> -> memref<1x125xi32, #tpu.memory_space<vmem>>
      %dma_wait3A_128 = tpu.memref_squeeze %dma_wait3A_127 : memref<1x125xi32, #tpu.memory_space<vmem>> -> memref<125xi32, #tpu.memory_space<vmem>>
      %dma_wait3A_129 = arith.constant 0 : i32
      %dma_wait3A_130 = arith.constant 0 : i32
      %dma_wait3A_131 = tpu.memref_slice %arg2[%scan3A_46, %arg0, %dma_wait3A_129, %dma_wait3A_130] : memref<3x2x10000x128xf32, #tpu.memory_space<hbm>> -> memref<1x1x10000x128xf32, #tpu.memory_space<hbm>>
      %dma_wait3A_132 = tpu.memref_squeeze %dma_wait3A_131 : memref<1x1x10000x128xf32, #tpu.memory_space<hbm>> -> memref<10000x128xf32, #tpu.memory_space<hbm>>
      %dma_wait3A_133 = arith.constant 0 : i32
      %dma_wait3A_134 = arith.constant 0 : i32
      %dma_wait3A_135 = tpu.memref_slice %dma_wait3A_132[%dma_wait3A_133, %dma_wait3A_134] : memref<10000x128xf32, #tpu.memory_space<hbm>> -> memref<10000x128xf32, #tpu.memory_space<hbm>>
      tpu.wait_indirect_dma semaphore(%arg13 : memref<!tpu.dma_semaphore, #tpu.memory_space<semaphore_mem>>) src(%dma_wait3A_135 : memref<10000x128xf32, #tpu.memory_space<hbm>>) dst(%arg10 : memref<125x128xf32, #tpu.memory_space<vmem>>)
      "tpu.region"() ({
        %run_scoped3A_136 = tpu.sem_alloc : memref<!tpu.dma_semaphore, #tpu.memory_space<semaphore_mem>>
        %dma_start3A_137 = arith.constant 0 : i32
        %dma_start3A_138 = tpu.memref_slice %arg8[%add3A_100, %dma_start3A_137] : memref<50x125xi32, #tpu.memory_space<vmem>> -> memref<1x125xi32, #tpu.memory_space<vmem>>
        %dma_start3A_139 = tpu.memref_squeeze %dma_start3A_138 : memref<1x125xi32, #tpu.memory_space<vmem>> -> memref<125xi32, #tpu.memory_space<vmem>>
        %dma_start3A_140 = arith.constant 0 : i32
        %dma_start3A_141 = arith.constant 0 : i32
        %dma_start3A_142 = tpu.memref_slice %arg11[%dma_start3A_140, %dma_start3A_141] : memref<10240x128xf32, #tpu.memory_space<vmem_shared>> -> memref<10240x128xf32, #tpu.memory_space<vmem_shared>>
        tpu.enqueue_indirect_dma source(%arg10 : memref<125x128xf32, #tpu.memory_space<vmem>>) target(%dma_start3A_142 : memref<10240x128xf32, #tpu.memory_space<vmem_shared>>) offsets(%dma_start3A_139 : memref<125xi32, #tpu.memory_space<vmem>>) semaphore(%run_scoped3A_136 : memref<!tpu.dma_semaphore, #tpu.memory_space<semaphore_mem>>) {add = true}
        %dma_wait3A_143 = arith.constant 0 : i32
        %dma_wait3A_144 = tpu.memref_slice %arg8[%add3A_100, %dma_wait3A_143] : memref<50x125xi32, #tpu.memory_space<vmem>> -> memref<1x125xi32, #tpu.memory_space<vmem>>
        %dma_wait3A_145 = tpu.memref_squeeze %dma_wait3A_144 : memref<1x125xi32, #tpu.memory_space<vmem>> -> memref<125xi32, #tpu.memory_space<vmem>>
        %dma_wait3A_146 = arith.constant 0 : i32
        %dma_wait3A_147 = arith.constant 0 : i32
        %dma_wait3A_148 = tpu.memref_slice %arg11[%dma_wait3A_146, %dma_wait3A_147] : memref<10240x128xf32, #tpu.memory_space<vmem_shared>> -> memref<10240x128xf32, #tpu.memory_space<vmem_shared>>
        tpu.wait_indirect_dma semaphore(%run_scoped3A_136 : memref<!tpu.dma_semaphore, #tpu.memory_space<semaphore_mem>>) src(%arg10 : memref<125x128xf32, #tpu.memory_space<vmem>>) dst(%dma_wait3A_148 : memref<10240x128xf32, #tpu.memory_space<vmem_shared>>)
        tpu.yield
      }) : () -> ()
    }
    %scan3A_51 = arith.constant 25 : i32
    %barrier3A_52 = arith.constant 0 : index
    tpu.barrier barrier_id(%barrier3A_52)
    %mul3A_53 = arith.constant 640 : i32
    %mul3A_54 = arith.muli %arg1, %mul3A_53 : i32
    %mul3A_55 = arith.constant 640 : i32
    %mul3A_56 = arith.muli %arg1, %mul3A_55 : i32
    %run_scoped3A_57 = arith.constant 1 : i32
    "tpu.region"() ({
      %run_scoped3A_91 = tpu.sem_alloc : memref<!tpu.dma_semaphore, #tpu.memory_space<semaphore_mem>>
      %dma_start3A_92 = arith.constant 0 : i32
      %dma_start3A_93 = tpu.memref_slice %arg6[%run_scoped3A_57, %arg0, %mul3A_56, %dma_start3A_92] : memref<3x2x10240x128xf32, #tpu.memory_space<hbm>> -> memref<1x1x640x128xf32, #tpu.memory_space<hbm>>
      %dma_start3A_94 = tpu.memref_squeeze %dma_start3A_93 : memref<1x1x640x128xf32, #tpu.memory_space<hbm>> -> memref<640x128xf32, #tpu.memory_space<hbm>>
      %dma_start3A_95 = arith.constant 0 : i32
      %dma_start3A_96 = tpu.memref_slice %arg11[%mul3A_54, %dma_start3A_95] : memref<10240x128xf32, #tpu.memory_space<vmem_shared>> -> memref<640x128xf32, #tpu.memory_space<vmem_shared>>
      tpu.enqueue_dma source(%dma_start3A_96 : memref<640x128xf32, #tpu.memory_space<vmem_shared>>) target(%dma_start3A_94 : memref<640x128xf32, #tpu.memory_space<hbm>>) target_semaphore(%run_scoped3A_91 : memref<!tpu.dma_semaphore, #tpu.memory_space<semaphore_mem>>)
      %dma_wait3A = arith.constant 0 : i32
      %dma_wait3A_97 = tpu.memref_slice %arg6[%run_scoped3A_57, %arg0, %mul3A_56, %dma_wait3A] : memref<3x2x10240x128xf32, #tpu.memory_space<hbm>> -> memref<1x1x640x128xf32, #tpu.memory_space<hbm>>
      %dma_wait3A_98 = tpu.memref_squeeze %dma_wait3A_97 : memref<1x1x640x128xf32, #tpu.memory_space<hbm>> -> memref<640x128xf32, #tpu.memory_space<hbm>>
      %dma_wait3A_99 = arith.constant 0 : i32
      %dma_wait3A_100 = tpu.memref_slice %arg11[%mul3A_54, %dma_wait3A_99] : memref<10240x128xf32, #tpu.memory_space<vmem_shared>> -> memref<640x128xf32, #tpu.memory_space<vmem_shared>>
      tpu.wait_dma2 semaphore(%run_scoped3A_91 : memref<!tpu.dma_semaphore, #tpu.memory_space<semaphore_mem>>) src(%dma_wait3A_100 : memref<640x128xf32, #tpu.memory_space<vmem_shared>>) dst(%dma_wait3A_98 : memref<640x128xf32, #tpu.memory_space<hbm>>)
      tpu.yield
    }) : () -> ()
    %barrier3A_58 = arith.constant 0 : index
    tpu.barrier barrier_id(%barrier3A_58)
    %mul3A_59 = arith.constant 640 : i32
    %mul3A_60 = arith.muli %arg1, %mul3A_59 : i32
    %mul3A_61 = arith.constant 640 : i32
    %mul3A_62 = arith.muli %arg1, %mul3A_61 : i32
    "tpu.region"() ({
      %run_scoped3A_91 = tpu.sem_alloc : memref<!tpu.dma_semaphore, #tpu.memory_space<semaphore_mem>>
      %dma_start3A_92 = arith.constant 0 : i32
      %dma_start3A_93 = tpu.memref_slice %arg11[%mul3A_62, %dma_start3A_92] : memref<10240x128xf32, #tpu.memory_space<vmem_shared>> -> memref<640x128xf32, #tpu.memory_space<vmem_shared>>
      %dma_start3A_94 = arith.constant 0 : i32
      %dma_start3A_95 = tpu.memref_slice %arg5[%mul3A_60, %dma_start3A_94] : memref<10240x128xf32, #tpu.memory_space<hbm>> -> memref<640x128xf32, #tpu.memory_space<hbm>>
      tpu.enqueue_dma source(%dma_start3A_95 : memref<640x128xf32, #tpu.memory_space<hbm>>) target(%dma_start3A_93 : memref<640x128xf32, #tpu.memory_space<vmem_shared>>) target_semaphore(%run_scoped3A_91 : memref<!tpu.dma_semaphore, #tpu.memory_space<semaphore_mem>>)
      %dma_wait3A = arith.constant 0 : i32
      %dma_wait3A_96 = tpu.memref_slice %arg11[%mul3A_62, %dma_wait3A] : memref<10240x128xf32, #tpu.memory_space<vmem_shared>> -> memref<640x128xf32, #tpu.memory_space<vmem_shared>>
      %dma_wait3A_97 = arith.constant 0 : i32
      %dma_wait3A_98 = tpu.memref_slice %arg5[%mul3A_60, %dma_wait3A_97] : memref<10240x128xf32, #tpu.memory_space<hbm>> -> memref<640x128xf32, #tpu.memory_space<hbm>>
      tpu.wait_dma2 semaphore(%run_scoped3A_91 : memref<!tpu.dma_semaphore, #tpu.memory_space<semaphore_mem>>) src(%dma_wait3A_98 : memref<640x128xf32, #tpu.memory_space<hbm>>) dst(%dma_wait3A_96 : memref<640x128xf32, #tpu.memory_space<vmem_shared>>)
      tpu.yield
    }) : () -> ()
    %run_scoped3A_63 = arith.constant 2 : i32
    "tpu.region"() ({
      %run_scoped3A_91 = tpu.sem_alloc : memref<!tpu.dma_semaphore, #tpu.memory_space<semaphore_mem>>
      %dma_start3A_92 = arith.constant 0 : i32
      %dma_start3A_93 = arith.constant 0 : i32
      %dma_start3A_94 = tpu.memref_slice %arg3[%run_scoped3A_63, %arg1, %dma_start3A_92, %dma_start3A_93] : memref<3x16x50x125xi32, #tpu.memory_space<hbm>> -> memref<1x1x50x125xi32, #tpu.memory_space<hbm>>
      %dma_start3A_95 = tpu.memref_squeeze %dma_start3A_94 : memref<1x1x50x125xi32, #tpu.memory_space<hbm>> -> memref<50x125xi32, #tpu.memory_space<hbm>>
      %dma_start3A_96 = arith.constant 0 : i32
      %dma_start3A_97 = arith.constant 0 : i32
      %dma_start3A_98 = tpu.memref_slice %arg3[%run_scoped3A_63, %arg1, %dma_start3A_96, %dma_start3A_97] : memref<3x16x50x125xi32, #tpu.memory_space<hbm>> -> memref<1x1x50x125xi32, #tpu.memory_space<hbm>>
      %dma_start3A_99 = tpu.memref_squeeze %dma_start3A_98 : memref<1x1x50x125xi32, #tpu.memory_space<hbm>> -> memref<50x125xi32, #tpu.memory_space<hbm>>
      tpu.enqueue_dma source(%dma_start3A_99 : memref<50x125xi32, #tpu.memory_space<hbm>>) target(%arg7 : memref<50x125xi32, #tpu.memory_space<vmem>>) target_semaphore(%run_scoped3A_91 : memref<!tpu.dma_semaphore, #tpu.memory_space<semaphore_mem>>)
      %dma_wait3A = arith.constant 0 : i32
      %dma_wait3A_100 = arith.constant 0 : i32
      %dma_wait3A_101 = tpu.memref_slice %arg3[%run_scoped3A_63, %arg1, %dma_wait3A, %dma_wait3A_100] : memref<3x16x50x125xi32, #tpu.memory_space<hbm>> -> memref<1x1x50x125xi32, #tpu.memory_space<hbm>>
      %dma_wait3A_102 = tpu.memref_squeeze %dma_wait3A_101 : memref<1x1x50x125xi32, #tpu.memory_space<hbm>> -> memref<50x125xi32, #tpu.memory_space<hbm>>
      %dma_wait3A_103 = arith.constant 0 : i32
      %dma_wait3A_104 = arith.constant 0 : i32
      %dma_wait3A_105 = tpu.memref_slice %arg3[%run_scoped3A_63, %arg1, %dma_wait3A_103, %dma_wait3A_104] : memref<3x16x50x125xi32, #tpu.memory_space<hbm>> -> memref<1x1x50x125xi32, #tpu.memory_space<hbm>>
      %dma_wait3A_106 = tpu.memref_squeeze %dma_wait3A_105 : memref<1x1x50x125xi32, #tpu.memory_space<hbm>> -> memref<50x125xi32, #tpu.memory_space<hbm>>
      tpu.wait_dma2 semaphore(%run_scoped3A_91 : memref<!tpu.dma_semaphore, #tpu.memory_space<semaphore_mem>>) src(%dma_wait3A_106 : memref<50x125xi32, #tpu.memory_space<hbm>>) dst(%arg7 : memref<50x125xi32, #tpu.memory_space<vmem>>)
      tpu.yield
    }) : () -> ()
    %run_scoped3A_64 = arith.constant 2 : i32
    "tpu.region"() ({
      %run_scoped3A_91 = tpu.sem_alloc : memref<!tpu.dma_semaphore, #tpu.memory_space<semaphore_mem>>
      %dma_start3A_92 = arith.constant 0 : i32
      %dma_start3A_93 = arith.constant 0 : i32
      %dma_start3A_94 = tpu.memref_slice %arg4[%run_scoped3A_64, %arg1, %dma_start3A_92, %dma_start3A_93] : memref<3x16x50x125xi32, #tpu.memory_space<hbm>> -> memref<1x1x50x125xi32, #tpu.memory_space<hbm>>
      %dma_start3A_95 = tpu.memref_squeeze %dma_start3A_94 : memref<1x1x50x125xi32, #tpu.memory_space<hbm>> -> memref<50x125xi32, #tpu.memory_space<hbm>>
      %dma_start3A_96 = arith.constant 0 : i32
      %dma_start3A_97 = arith.constant 0 : i32
      %dma_start3A_98 = tpu.memref_slice %arg4[%run_scoped3A_64, %arg1, %dma_start3A_96, %dma_start3A_97] : memref<3x16x50x125xi32, #tpu.memory_space<hbm>> -> memref<1x1x50x125xi32, #tpu.memory_space<hbm>>
      %dma_start3A_99 = tpu.memref_squeeze %dma_start3A_98 : memref<1x1x50x125xi32, #tpu.memory_space<hbm>> -> memref<50x125xi32, #tpu.memory_space<hbm>>
      tpu.enqueue_dma source(%dma_start3A_99 : memref<50x125xi32, #tpu.memory_space<hbm>>) target(%arg8 : memref<50x125xi32, #tpu.memory_space<vmem>>) target_semaphore(%run_scoped3A_91 : memref<!tpu.dma_semaphore, #tpu.memory_space<semaphore_mem>>)
      %dma_wait3A = arith.constant 0 : i32
      %dma_wait3A_100 = arith.constant 0 : i32
      %dma_wait3A_101 = tpu.memref_slice %arg4[%run_scoped3A_64, %arg1, %dma_wait3A, %dma_wait3A_100] : memref<3x16x50x125xi32, #tpu.memory_space<hbm>> -> memref<1x1x50x125xi32, #tpu.memory_space<hbm>>
      %dma_wait3A_102 = tpu.memref_squeeze %dma_wait3A_101 : memref<1x1x50x125xi32, #tpu.memory_space<hbm>> -> memref<50x125xi32, #tpu.memory_space<hbm>>
      %dma_wait3A_103 = arith.constant 0 : i32
      %dma_wait3A_104 = arith.constant 0 : i32
      %dma_wait3A_105 = tpu.memref_slice %arg4[%run_scoped3A_64, %arg1, %dma_wait3A_103, %dma_wait3A_104] : memref<3x16x50x125xi32, #tpu.memory_space<hbm>> -> memref<1x1x50x125xi32, #tpu.memory_space<hbm>>
      %dma_wait3A_106 = tpu.memref_squeeze %dma_wait3A_105 : memref<1x1x50x125xi32, #tpu.memory_space<hbm>> -> memref<50x125xi32, #tpu.memory_space<hbm>>
      tpu.wait_dma2 semaphore(%run_scoped3A_91 : memref<!tpu.dma_semaphore, #tpu.memory_space<semaphore_mem>>) src(%dma_wait3A_106 : memref<50x125xi32, #tpu.memory_space<hbm>>) dst(%arg8 : memref<50x125xi32, #tpu.memory_space<vmem>>)
      tpu.yield
    }) : () -> ()
    %barrier3A_65 = arith.constant 0 : index
    tpu.barrier barrier_id(%barrier3A_65)
    %dma_start3A_66 = arith.constant 2 : i32
    %dma_start3A_67 = arith.constant 0 : i32
    %dma_start3A_68 = arith.constant 0 : i32
    %dma_start3A_69 = tpu.memref_slice %arg7[%dma_start3A_67, %dma_start3A_68] : memref<50x125xi32, #tpu.memory_space<vmem>> -> memref<1x125xi32, #tpu.memory_space<vmem>>
    %dma_start3A_70 = tpu.memref_squeeze %dma_start3A_69 : memref<1x125xi32, #tpu.memory_space<vmem>> -> memref<125xi32, #tpu.memory_space<vmem>>
    %dma_start3A_71 = arith.constant 0 : i32
    %dma_start3A_72 = arith.constant 0 : i32
    %dma_start3A_73 = tpu.memref_slice %arg2[%dma_start3A_66, %arg0, %dma_start3A_71, %dma_start3A_72] : memref<3x2x10000x128xf32, #tpu.memory_space<hbm>> -> memref<1x1x10000x128xf32, #tpu.memory_space<hbm>>
    %dma_start3A_74 = tpu.memref_squeeze %dma_start3A_73 : memref<1x1x10000x128xf32, #tpu.memory_space<hbm>> -> memref<10000x128xf32, #tpu.memory_space<hbm>>
    %dma_start3A_75 = arith.constant 0 : i32
    %dma_start3A_76 = arith.constant 0 : i32
    %dma_start3A_77 = tpu.memref_slice %dma_start3A_74[%dma_start3A_75, %dma_start3A_76] : memref<10000x128xf32, #tpu.memory_space<hbm>> -> memref<10000x128xf32, #tpu.memory_space<hbm>>
    tpu.enqueue_indirect_dma source(%dma_start3A_77 : memref<10000x128xf32, #tpu.memory_space<hbm>>) target(%arg9 : memref<125x128xf32, #tpu.memory_space<vmem>>) offsets(%dma_start3A_70 : memref<125xi32, #tpu.memory_space<vmem>>) semaphore(%arg12 : memref<!tpu.dma_semaphore, #tpu.memory_space<semaphore_mem>>)
    %scan3A_78 = arith.constant 2 : i32
    %scan3A_79 = arith.constant 0 : i32
    %scan3A_80 = arith.constant 25 : i32
    %scan3A_81 = arith.addi %scan3A_79, %scan3A_80 : i32
    %scan3A_82 = arith.constant 1 : i32
    scf.for %scan3A_91 = %scan3A_79 to %scan3A_81 step %scan3A_82  : i32 {
      %mul3A_92 = arith.constant 1 : i32
      %mul3A_93 = arith.muli %scan3A_91, %mul3A_92 : i32
      %add3A = arith.constant 0 : i32
      %add3A_94 = arith.addi %add3A, %mul3A_93 : i32
      %mul3A_95 = arith.constant 2 : i32
      %mul3A_96 = arith.muli %mul3A_95, %add3A_94 : i32
      %mul3A_97 = arith.constant 2 : i32
      %mul3A_98 = arith.muli %mul3A_97, %add3A_94 : i32
      %add3A_99 = arith.constant 1 : i32
      %add3A_100 = arith.addi %mul3A_98, %add3A_99 : i32
      %dma_start3A_101 = arith.constant 0 : i32
      %dma_start3A_102 = tpu.memref_slice %arg7[%add3A_100, %dma_start3A_101] : memref<50x125xi32, #tpu.memory_space<vmem>> -> memref<1x125xi32, #tpu.memory_space<vmem>>
      %dma_start3A_103 = tpu.memref_squeeze %dma_start3A_102 : memref<1x125xi32, #tpu.memory_space<vmem>> -> memref<125xi32, #tpu.memory_space<vmem>>
      %dma_start3A_104 = arith.constant 0 : i32
      %dma_start3A_105 = arith.constant 0 : i32
      %dma_start3A_106 = tpu.memref_slice %arg2[%scan3A_78, %arg0, %dma_start3A_104, %dma_start3A_105] : memref<3x2x10000x128xf32, #tpu.memory_space<hbm>> -> memref<1x1x10000x128xf32, #tpu.memory_space<hbm>>
      %dma_start3A_107 = tpu.memref_squeeze %dma_start3A_106 : memref<1x1x10000x128xf32, #tpu.memory_space<hbm>> -> memref<10000x128xf32, #tpu.memory_space<hbm>>
      %dma_start3A_108 = arith.constant 0 : i32
      %dma_start3A_109 = arith.constant 0 : i32
      %dma_start3A_110 = tpu.memref_slice %dma_start3A_107[%dma_start3A_108, %dma_start3A_109] : memref<10000x128xf32, #tpu.memory_space<hbm>> -> memref<10000x128xf32, #tpu.memory_space<hbm>>
      tpu.enqueue_indirect_dma source(%dma_start3A_110 : memref<10000x128xf32, #tpu.memory_space<hbm>>) target(%arg10 : memref<125x128xf32, #tpu.memory_space<vmem>>) offsets(%dma_start3A_103 : memref<125xi32, #tpu.memory_space<vmem>>) semaphore(%arg13 : memref<!tpu.dma_semaphore, #tpu.memory_space<semaphore_mem>>)
      %dma_wait3A = arith.constant 0 : i32
      %dma_wait3A_111 = arith.constant 0 : i32
      %dma_wait3A_112 = tpu.memref_slice %arg7[%dma_wait3A, %dma_wait3A_111] : memref<50x125xi32, #tpu.memory_space<vmem>> -> memref<1x125xi32, #tpu.memory_space<vmem>>
      %dma_wait3A_113 = tpu.memref_squeeze %dma_wait3A_112 : memref<1x125xi32, #tpu.memory_space<vmem>> -> memref<125xi32, #tpu.memory_space<vmem>>
      %dma_wait3A_114 = arith.constant 0 : i32
      %dma_wait3A_115 = arith.constant 0 : i32
      %dma_wait3A_116 = tpu.memref_slice %arg2[%scan3A_78, %arg0, %dma_wait3A_114, %dma_wait3A_115] : memref<3x2x10000x128xf32, #tpu.memory_space<hbm>> -> memref<1x1x10000x128xf32, #tpu.memory_space<hbm>>
      %dma_wait3A_117 = tpu.memref_squeeze %dma_wait3A_116 : memref<1x1x10000x128xf32, #tpu.memory_space<hbm>> -> memref<10000x128xf32, #tpu.memory_space<hbm>>
      %dma_wait3A_118 = arith.constant 0 : i32
      %dma_wait3A_119 = arith.constant 0 : i32
      %dma_wait3A_120 = tpu.memref_slice %dma_wait3A_117[%dma_wait3A_118, %dma_wait3A_119] : memref<10000x128xf32, #tpu.memory_space<hbm>> -> memref<10000x128xf32, #tpu.memory_space<hbm>>
      tpu.wait_indirect_dma semaphore(%arg12 : memref<!tpu.dma_semaphore, #tpu.memory_space<semaphore_mem>>) src(%dma_wait3A_120 : memref<10000x128xf32, #tpu.memory_space<hbm>>) dst(%arg9 : memref<125x128xf32, #tpu.memory_space<vmem>>)
      "tpu.region"() ({
        %run_scoped3A_136 = tpu.sem_alloc : memref<!tpu.dma_semaphore, #tpu.memory_space<semaphore_mem>>
        %dma_start3A_137 = arith.constant 0 : i32
        %dma_start3A_138 = tpu.memref_slice %arg8[%mul3A_96, %dma_start3A_137] : memref<50x125xi32, #tpu.memory_space<vmem>> -> memref<1x125xi32, #tpu.memory_space<vmem>>
        %dma_start3A_139 = tpu.memref_squeeze %dma_start3A_138 : memref<1x125xi32, #tpu.memory_space<vmem>> -> memref<125xi32, #tpu.memory_space<vmem>>
        %dma_start3A_140 = arith.constant 0 : i32
        %dma_start3A_141 = arith.constant 0 : i32
        %dma_start3A_142 = tpu.memref_slice %arg11[%dma_start3A_140, %dma_start3A_141] : memref<10240x128xf32, #tpu.memory_space<vmem_shared>> -> memref<10240x128xf32, #tpu.memory_space<vmem_shared>>
        tpu.enqueue_indirect_dma source(%arg9 : memref<125x128xf32, #tpu.memory_space<vmem>>) target(%dma_start3A_142 : memref<10240x128xf32, #tpu.memory_space<vmem_shared>>) offsets(%dma_start3A_139 : memref<125xi32, #tpu.memory_space<vmem>>) semaphore(%run_scoped3A_136 : memref<!tpu.dma_semaphore, #tpu.memory_space<semaphore_mem>>) {add = true}
        %dma_wait3A_143 = arith.constant 0 : i32
        %dma_wait3A_144 = tpu.memref_slice %arg8[%mul3A_96, %dma_wait3A_143] : memref<50x125xi32, #tpu.memory_space<vmem>> -> memref<1x125xi32, #tpu.memory_space<vmem>>
        %dma_wait3A_145 = tpu.memref_squeeze %dma_wait3A_144 : memref<1x125xi32, #tpu.memory_space<vmem>> -> memref<125xi32, #tpu.memory_space<vmem>>
        %dma_wait3A_146 = arith.constant 0 : i32
        %dma_wait3A_147 = arith.constant 0 : i32
        %dma_wait3A_148 = tpu.memref_slice %arg11[%dma_wait3A_146, %dma_wait3A_147] : memref<10240x128xf32, #tpu.memory_space<vmem_shared>> -> memref<10240x128xf32, #tpu.memory_space<vmem_shared>>
        tpu.wait_indirect_dma semaphore(%run_scoped3A_136 : memref<!tpu.dma_semaphore, #tpu.memory_space<semaphore_mem>>) src(%arg9 : memref<125x128xf32, #tpu.memory_space<vmem>>) dst(%dma_wait3A_148 : memref<10240x128xf32, #tpu.memory_space<vmem_shared>>)
        tpu.yield
      }) : () -> ()
      %add3A_121 = arith.constant 1 : i32
      %add3A_122 = arith.addi %add3A_100, %add3A_121 : i32
      %lt3A = arith.constant 50 : i32
      %lt3A_123 = arith.cmpi slt, %add3A_122, %lt3A : i32
      %convert_element_type3A = arith.extui %lt3A_123 : i1 to i32
      %cond3A = arith.constant 0 : i32
      %cond3A_124 = arith.cmpi ne, %convert_element_type3A, %cond3A : i32
      scf.if %cond3A_124 {
        %add3A_136 = arith.constant 1 : i32
        %add3A_137 = arith.addi %add3A_100, %add3A_136 : i32
        %dma_start3A_138 = arith.constant 0 : i32
        %dma_start3A_139 = tpu.memref_slice %arg7[%add3A_137, %dma_start3A_138] : memref<50x125xi32, #tpu.memory_space<vmem>> -> memref<1x125xi32, #tpu.memory_space<vmem>>
        %dma_start3A_140 = tpu.memref_squeeze %dma_start3A_139 : memref<1x125xi32, #tpu.memory_space<vmem>> -> memref<125xi32, #tpu.memory_space<vmem>>
        %dma_start3A_141 = arith.constant 0 : i32
        %dma_start3A_142 = arith.constant 0 : i32
        %dma_start3A_143 = tpu.memref_slice %arg2[%scan3A_78, %arg0, %dma_start3A_141, %dma_start3A_142] : memref<3x2x10000x128xf32, #tpu.memory_space<hbm>> -> memref<1x1x10000x128xf32, #tpu.memory_space<hbm>>
        %dma_start3A_144 = tpu.memref_squeeze %dma_start3A_143 : memref<1x1x10000x128xf32, #tpu.memory_space<hbm>> -> memref<10000x128xf32, #tpu.memory_space<hbm>>
        %dma_start3A_145 = arith.constant 0 : i32
        %dma_start3A_146 = arith.constant 0 : i32
        %dma_start3A_147 = tpu.memref_slice %dma_start3A_144[%dma_start3A_145, %dma_start3A_146] : memref<10000x128xf32, #tpu.memory_space<hbm>> -> memref<10000x128xf32, #tpu.memory_space<hbm>>
        tpu.enqueue_indirect_dma source(%dma_start3A_147 : memref<10000x128xf32, #tpu.memory_space<hbm>>) target(%arg9 : memref<125x128xf32, #tpu.memory_space<vmem>>) offsets(%dma_start3A_140 : memref<125xi32, #tpu.memory_space<vmem>>) semaphore(%arg12 : memref<!tpu.dma_semaphore, #tpu.memory_space<semaphore_mem>>)
      } else {
      }
      %dma_wait3A_125 = arith.constant 0 : i32
      %dma_wait3A_126 = arith.constant 0 : i32
      %dma_wait3A_127 = tpu.memref_slice %arg7[%dma_wait3A_125, %dma_wait3A_126] : memref<50x125xi32, #tpu.memory_space<vmem>> -> memref<1x125xi32, #tpu.memory_space<vmem>>
      %dma_wait3A_128 = tpu.memref_squeeze %dma_wait3A_127 : memref<1x125xi32, #tpu.memory_space<vmem>> -> memref<125xi32, #tpu.memory_space<vmem>>
      %dma_wait3A_129 = arith.constant 0 : i32
      %dma_wait3A_130 = arith.constant 0 : i32
      %dma_wait3A_131 = tpu.memref_slice %arg2[%scan3A_78, %arg0, %dma_wait3A_129, %dma_wait3A_130] : memref<3x2x10000x128xf32, #tpu.memory_space<hbm>> -> memref<1x1x10000x128xf32, #tpu.memory_space<hbm>>
      %dma_wait3A_132 = tpu.memref_squeeze %dma_wait3A_131 : memref<1x1x10000x128xf32, #tpu.memory_space<hbm>> -> memref<10000x128xf32, #tpu.memory_space<hbm>>
      %dma_wait3A_133 = arith.constant 0 : i32
      %dma_wait3A_134 = arith.constant 0 : i32
      %dma_wait3A_135 = tpu.memref_slice %dma_wait3A_132[%dma_wait3A_133, %dma_wait3A_134] : memref<10000x128xf32, #tpu.memory_space<hbm>> -> memref<10000x128xf32, #tpu.memory_space<hbm>>
      tpu.wait_indirect_dma semaphore(%arg13 : memref<!tpu.dma_semaphore, #tpu.memory_space<semaphore_mem>>) src(%dma_wait3A_135 : memref<10000x128xf32, #tpu.memory_space<hbm>>) dst(%arg10 : memref<125x128xf32, #tpu.memory_space<vmem>>)
      "tpu.region"() ({
        %run_scoped3A_136 = tpu.sem_alloc : memref<!tpu.dma_semaphore, #tpu.memory_space<semaphore_mem>>
        %dma_start3A_137 = arith.constant 0 : i32
        %dma_start3A_138 = tpu.memref_slice %arg8[%add3A_100, %dma_start3A_137] : memref<50x125xi32, #tpu.memory_space<vmem>> -> memref<1x125xi32, #tpu.memory_space<vmem>>
        %dma_start3A_139 = tpu.memref_squeeze %dma_start3A_138 : memref<1x125xi32, #tpu.memory_space<vmem>> -> memref<125xi32, #tpu.memory_space<vmem>>
        %dma_start3A_140 = arith.constant 0 : i32
        %dma_start3A_141 = arith.constant 0 : i32
        %dma_start3A_142 = tpu.memref_slice %arg11[%dma_start3A_140, %dma_start3A_141] : memref<10240x128xf32, #tpu.memory_space<vmem_shared>> -> memref<10240x128xf32, #tpu.memory_space<vmem_shared>>
        tpu.enqueue_indirect_dma source(%arg10 : memref<125x128xf32, #tpu.memory_space<vmem>>) target(%dma_start3A_142 : memref<10240x128xf32, #tpu.memory_space<vmem_shared>>) offsets(%dma_start3A_139 : memref<125xi32, #tpu.memory_space<vmem>>) semaphore(%run_scoped3A_136 : memref<!tpu.dma_semaphore, #tpu.memory_space<semaphore_mem>>) {add = true}
        %dma_wait3A_143 = arith.constant 0 : i32
        %dma_wait3A_144 = tpu.memref_slice %arg8[%add3A_100, %dma_wait3A_143] : memref<50x125xi32, #tpu.memory_space<vmem>> -> memref<1x125xi32, #tpu.memory_space<vmem>>
        %dma_wait3A_145 = tpu.memref_squeeze %dma_wait3A_144 : memref<1x125xi32, #tpu.memory_space<vmem>> -> memref<125xi32, #tpu.memory_space<vmem>>
        %dma_wait3A_146 = arith.constant 0 : i32
        %dma_wait3A_147 = arith.constant 0 : i32
        %dma_wait3A_148 = tpu.memref_slice %arg11[%dma_wait3A_146, %dma_wait3A_147] : memref<10240x128xf32, #tpu.memory_space<vmem_shared>> -> memref<10240x128xf32, #tpu.memory_space<vmem_shared>>
        tpu.wait_indirect_dma semaphore(%run_scoped3A_136 : memref<!tpu.dma_semaphore, #tpu.memory_space<semaphore_mem>>) src(%arg10 : memref<125x128xf32, #tpu.memory_space<vmem>>) dst(%dma_wait3A_148 : memref<10240x128xf32, #tpu.memory_space<vmem_shared>>)
        tpu.yield
      }) : () -> ()
    }
    %scan3A_83 = arith.constant 25 : i32
    %barrier3A_84 = arith.constant 0 : index
    tpu.barrier barrier_id(%barrier3A_84)
    %mul3A_85 = arith.constant 640 : i32
    %mul3A_86 = arith.muli %arg1, %mul3A_85 : i32
    %mul3A_87 = arith.constant 640 : i32
    %mul3A_88 = arith.muli %arg1, %mul3A_87 : i32
    %run_scoped3A_89 = arith.constant 2 : i32
    "tpu.region"() ({
      %run_scoped3A_91 = tpu.sem_alloc : memref<!tpu.dma_semaphore, #tpu.memory_space<semaphore_mem>>
      %dma_start3A_92 = arith.constant 0 : i32
      %dma_start3A_93 = tpu.memref_slice %arg6[%run_scoped3A_89, %arg0, %mul3A_88, %dma_start3A_92] : memref<3x2x10240x128xf32, #tpu.memory_space<hbm>> -> memref<1x1x640x128xf32, #tpu.memory_space<hbm>>
      %dma_start3A_94 = tpu.memref_squeeze %dma_start3A_93 : memref<1x1x640x128xf32, #tpu.memory_space<hbm>> -> memref<640x128xf32, #tpu.memory_space<hbm>>
      %dma_start3A_95 = arith.constant 0 : i32
      %dma_start3A_96 = tpu.memref_slice %arg11[%mul3A_86, %dma_start3A_95] : memref<10240x128xf32, #tpu.memory_space<vmem_shared>> -> memref<640x128xf32, #tpu.memory_space<vmem_shared>>
      tpu.enqueue_dma source(%dma_start3A_96 : memref<640x128xf32, #tpu.memory_space<vmem_shared>>) target(%dma_start3A_94 : memref<640x128xf32, #tpu.memory_space<hbm>>) target_semaphore(%run_scoped3A_91 : memref<!tpu.dma_semaphore, #tpu.memory_space<semaphore_mem>>)
      %dma_wait3A = arith.constant 0 : i32
      %dma_wait3A_97 = tpu.memref_slice %arg6[%run_scoped3A_89, %arg0, %mul3A_88, %dma_wait3A] : memref<3x2x10240x128xf32, #tpu.memory_space<hbm>> -> memref<1x1x640x128xf32, #tpu.memory_space<hbm>>
      %dma_wait3A_98 = tpu.memref_squeeze %dma_wait3A_97 : memref<1x1x640x128xf32, #tpu.memory_space<hbm>> -> memref<640x128xf32, #tpu.memory_space<hbm>>
      %dma_wait3A_99 = arith.constant 0 : i32
      %dma_wait3A_100 = tpu.memref_slice %arg11[%mul3A_86, %dma_wait3A_99] : memref<10240x128xf32, #tpu.memory_space<vmem_shared>> -> memref<640x128xf32, #tpu.memory_space<vmem_shared>>
      tpu.wait_dma2 semaphore(%run_scoped3A_91 : memref<!tpu.dma_semaphore, #tpu.memory_space<semaphore_mem>>) src(%dma_wait3A_100 : memref<640x128xf32, #tpu.memory_space<vmem_shared>>) dst(%dma_wait3A_98 : memref<640x128xf32, #tpu.memory_space<hbm>>)
      tpu.yield
    }) : () -> ()
    %barrier3A_90 = arith.constant 0 : index
    tpu.barrier barrier_id(%barrier3A_90)
    return
  }
}

#map = affine_map<(d0, d1) -> (0, 0, 0, 0)>
#map1 = affine_map<(d0, d1) -> (0, 0)>
#map2 = affine_map<(d0, d1) -> (0, 0, 0)>
module attributes {stable_mosaic.version = 14 : i64} {
  func.func @_deg_kernel(%arg0: i32, %arg1: i32, %arg2: memref<6x16x50x125xi32, #tpu.memory_space<hbm>>, %arg3: memref<125x128xf32, #tpu.memory_space<hbm>>, %arg4: memref<10240x128xf32, #tpu.memory_space<hbm>>, %arg5: memref<6x10240x128xf32, #tpu.memory_space<hbm>>, %arg6: memref<125x128xf32, #tpu.memory_space<vmem>>, %arg7: memref<50x125xi32, #tpu.memory_space<vmem>>, %arg8: memref<10240x128xf32, #tpu.memory_space<vmem_shared>>, %arg9: memref<!tpu.dma_semaphore, #tpu.memory_space<semaphore_mem>>) attributes {dimension_semantics = [#tpu.dimension_semantics<core_parallel>, #tpu.dimension_semantics<subcore_parallel>], iteration_bounds = array<i64: 2, 16>, scalar_prefetch = 0 : i64, scratch_operands = 4 : i64, tpu.core_type = #tpu.core_type<sc_vector_subcore>, window_params = [{transform_indices = #map}, {transform_indices = #map1}, {transform_indices = #map1}, {transform_indices = #map2}]} {
    "tpu.region"() ({
      %run_scoped3A = tpu.sem_alloc : memref<!tpu.dma_semaphore, #tpu.memory_space<semaphore_mem>>
      tpu.enqueue_dma source(%arg3 : memref<125x128xf32, #tpu.memory_space<hbm>>) target(%arg6 : memref<125x128xf32, #tpu.memory_space<vmem>>) target_semaphore(%run_scoped3A : memref<!tpu.dma_semaphore, #tpu.memory_space<semaphore_mem>>)
      tpu.wait_dma2 semaphore(%run_scoped3A : memref<!tpu.dma_semaphore, #tpu.memory_space<semaphore_mem>>) src(%arg3 : memref<125x128xf32, #tpu.memory_space<hbm>>) dst(%arg6 : memref<125x128xf32, #tpu.memory_space<vmem>>)
      tpu.yield
    }) : () -> ()
    %mul3A = arith.constant 3 : i32
    %mul3A_0 = arith.muli %mul3A, %arg0 : i32
    %add3A = arith.constant 0 : i32
    %add3A_1 = arith.addi %mul3A_0, %add3A : i32
    %mul3A_2 = arith.constant 640 : i32
    %mul3A_3 = arith.muli %arg1, %mul3A_2 : i32
    %mul3A_4 = arith.constant 640 : i32
    %mul3A_5 = arith.muli %arg1, %mul3A_4 : i32
    "tpu.region"() ({
      %run_scoped3A = tpu.sem_alloc : memref<!tpu.dma_semaphore, #tpu.memory_space<semaphore_mem>>
      %dma_start3A = arith.constant 0 : i32
      %dma_start3A_118 = tpu.memref_slice %arg8[%mul3A_5, %dma_start3A] : memref<10240x128xf32, #tpu.memory_space<vmem_shared>> -> memref<640x128xf32, #tpu.memory_space<vmem_shared>>
      %dma_start3A_119 = arith.constant 0 : i32
      %dma_start3A_120 = tpu.memref_slice %arg4[%mul3A_3, %dma_start3A_119] : memref<10240x128xf32, #tpu.memory_space<hbm>> -> memref<640x128xf32, #tpu.memory_space<hbm>>
      tpu.enqueue_dma source(%dma_start3A_120 : memref<640x128xf32, #tpu.memory_space<hbm>>) target(%dma_start3A_118 : memref<640x128xf32, #tpu.memory_space<vmem_shared>>) target_semaphore(%run_scoped3A : memref<!tpu.dma_semaphore, #tpu.memory_space<semaphore_mem>>)
      %dma_wait3A_121 = arith.constant 0 : i32
      %dma_wait3A_122 = tpu.memref_slice %arg8[%mul3A_5, %dma_wait3A_121] : memref<10240x128xf32, #tpu.memory_space<vmem_shared>> -> memref<640x128xf32, #tpu.memory_space<vmem_shared>>
      %dma_wait3A_123 = arith.constant 0 : i32
      %dma_wait3A_124 = tpu.memref_slice %arg4[%mul3A_3, %dma_wait3A_123] : memref<10240x128xf32, #tpu.memory_space<hbm>> -> memref<640x128xf32, #tpu.memory_space<hbm>>
      tpu.wait_dma2 semaphore(%run_scoped3A : memref<!tpu.dma_semaphore, #tpu.memory_space<semaphore_mem>>) src(%dma_wait3A_124 : memref<640x128xf32, #tpu.memory_space<hbm>>) dst(%dma_wait3A_122 : memref<640x128xf32, #tpu.memory_space<vmem_shared>>)
      tpu.yield
    }) : () -> ()
    "tpu.region"() ({
      %run_scoped3A = tpu.sem_alloc : memref<!tpu.dma_semaphore, #tpu.memory_space<semaphore_mem>>
      %dma_start3A = arith.constant 0 : i32
      %dma_start3A_118 = arith.constant 0 : i32
      %dma_start3A_119 = tpu.memref_slice %arg2[%add3A_1, %arg1, %dma_start3A, %dma_start3A_118] : memref<6x16x50x125xi32, #tpu.memory_space<hbm>> -> memref<1x1x50x125xi32, #tpu.memory_space<hbm>>
      %dma_start3A_120 = tpu.memref_squeeze %dma_start3A_119 : memref<1x1x50x125xi32, #tpu.memory_space<hbm>> -> memref<50x125xi32, #tpu.memory_space<hbm>>
      %dma_start3A_121 = arith.constant 0 : i32
      %dma_start3A_122 = arith.constant 0 : i32
      %dma_start3A_123 = tpu.memref_slice %arg2[%add3A_1, %arg1, %dma_start3A_121, %dma_start3A_122] : memref<6x16x50x125xi32, #tpu.memory_space<hbm>> -> memref<1x1x50x125xi32, #tpu.memory_space<hbm>>
      %dma_start3A_124 = tpu.memref_squeeze %dma_start3A_123 : memref<1x1x50x125xi32, #tpu.memory_space<hbm>> -> memref<50x125xi32, #tpu.memory_space<hbm>>
      tpu.enqueue_dma source(%dma_start3A_124 : memref<50x125xi32, #tpu.memory_space<hbm>>) target(%arg7 : memref<50x125xi32, #tpu.memory_space<vmem>>) target_semaphore(%run_scoped3A : memref<!tpu.dma_semaphore, #tpu.memory_space<semaphore_mem>>)
      %dma_wait3A_125 = arith.constant 0 : i32
      %dma_wait3A_126 = arith.constant 0 : i32
      %dma_wait3A_127 = tpu.memref_slice %arg2[%add3A_1, %arg1, %dma_wait3A_125, %dma_wait3A_126] : memref<6x16x50x125xi32, #tpu.memory_space<hbm>> -> memref<1x1x50x125xi32, #tpu.memory_space<hbm>>
      %dma_wait3A_128 = tpu.memref_squeeze %dma_wait3A_127 : memref<1x1x50x125xi32, #tpu.memory_space<hbm>> -> memref<50x125xi32, #tpu.memory_space<hbm>>
      %dma_wait3A_129 = arith.constant 0 : i32
      %dma_wait3A_130 = arith.constant 0 : i32
      %dma_wait3A_131 = tpu.memref_slice %arg2[%add3A_1, %arg1, %dma_wait3A_129, %dma_wait3A_130] : memref<6x16x50x125xi32, #tpu.memory_space<hbm>> -> memref<1x1x50x125xi32, #tpu.memory_space<hbm>>
      %dma_wait3A_132 = tpu.memref_squeeze %dma_wait3A_131 : memref<1x1x50x125xi32, #tpu.memory_space<hbm>> -> memref<50x125xi32, #tpu.memory_space<hbm>>
      tpu.wait_dma2 semaphore(%run_scoped3A : memref<!tpu.dma_semaphore, #tpu.memory_space<semaphore_mem>>) src(%dma_wait3A_132 : memref<50x125xi32, #tpu.memory_space<hbm>>) dst(%arg7 : memref<50x125xi32, #tpu.memory_space<vmem>>)
      tpu.yield
    }) : () -> ()
    %barrier3A = arith.constant 0 : index
    tpu.barrier barrier_id(%barrier3A)
    %scan3A = arith.constant 0 : i32
    %scan3A_6 = arith.constant 50 : i32
    %scan3A_7 = arith.addi %scan3A, %scan3A_6 : i32
    %scan3A_8 = arith.constant 1 : i32
    scf.for %scan3A_118 = %scan3A to %scan3A_7 step %scan3A_8  : i32 {
      %mul3A_119 = arith.constant 1 : i32
      %mul3A_120 = arith.muli %scan3A_118, %mul3A_119 : i32
      %add3A_121 = arith.constant 0 : i32
      %add3A_122 = arith.addi %add3A_121, %mul3A_120 : i32
      %dma_start3A = arith.constant 0 : i32
      %dma_start3A_123 = tpu.memref_slice %arg7[%add3A_122, %dma_start3A] : memref<50x125xi32, #tpu.memory_space<vmem>> -> memref<1x125xi32, #tpu.memory_space<vmem>>
      %dma_start3A_124 = tpu.memref_squeeze %dma_start3A_123 : memref<1x125xi32, #tpu.memory_space<vmem>> -> memref<125xi32, #tpu.memory_space<vmem>>
      %dma_start3A_125 = arith.constant 0 : i32
      %dma_start3A_126 = arith.constant 0 : i32
      %dma_start3A_127 = tpu.memref_slice %arg8[%dma_start3A_125, %dma_start3A_126] : memref<10240x128xf32, #tpu.memory_space<vmem_shared>> -> memref<10240x128xf32, #tpu.memory_space<vmem_shared>>
      tpu.enqueue_indirect_dma source(%arg6 : memref<125x128xf32, #tpu.memory_space<vmem>>) target(%dma_start3A_127 : memref<10240x128xf32, #tpu.memory_space<vmem_shared>>) offsets(%dma_start3A_124 : memref<125xi32, #tpu.memory_space<vmem>>) semaphore(%arg9 : memref<!tpu.dma_semaphore, #tpu.memory_space<semaphore_mem>>) {add = true}
      %ge3A = arith.constant 3 : i32
      %ge3A_128 = arith.cmpi sge, %add3A_122, %ge3A : i32
      %convert_element_type3A = arith.extui %ge3A_128 : i1 to i32
      %cond3A = arith.constant 0 : i32
      %cond3A_129 = arith.cmpi ne, %convert_element_type3A, %cond3A : i32
      scf.if %cond3A_129 {
        %dma_wait3A_130 = arith.constant 0 : i32
        %dma_wait3A_131 = arith.constant 0 : i32
        %dma_wait3A_132 = tpu.memref_slice %arg7[%dma_wait3A_130, %dma_wait3A_131] : memref<50x125xi32, #tpu.memory_space<vmem>> -> memref<1x125xi32, #tpu.memory_space<vmem>>
        %dma_wait3A_133 = tpu.memref_squeeze %dma_wait3A_132 : memref<1x125xi32, #tpu.memory_space<vmem>> -> memref<125xi32, #tpu.memory_space<vmem>>
        %dma_wait3A_134 = arith.constant 0 : i32
        %dma_wait3A_135 = arith.constant 0 : i32
        %dma_wait3A_136 = tpu.memref_slice %arg8[%dma_wait3A_134, %dma_wait3A_135] : memref<10240x128xf32, #tpu.memory_space<vmem_shared>> -> memref<10240x128xf32, #tpu.memory_space<vmem_shared>>
        tpu.wait_indirect_dma semaphore(%arg9 : memref<!tpu.dma_semaphore, #tpu.memory_space<semaphore_mem>>) src(%arg6 : memref<125x128xf32, #tpu.memory_space<vmem>>) dst(%dma_wait3A_136 : memref<10240x128xf32, #tpu.memory_space<vmem_shared>>)
      } else {
      }
    }
    %scan3A_9 = arith.constant 50 : i32
    %dma_wait3A = arith.constant 0 : i32
    %dma_wait3A_10 = arith.constant 0 : i32
    %dma_wait3A_11 = tpu.memref_slice %arg7[%dma_wait3A, %dma_wait3A_10] : memref<50x125xi32, #tpu.memory_space<vmem>> -> memref<1x125xi32, #tpu.memory_space<vmem>>
    %dma_wait3A_12 = tpu.memref_squeeze %dma_wait3A_11 : memref<1x125xi32, #tpu.memory_space<vmem>> -> memref<125xi32, #tpu.memory_space<vmem>>
    %dma_wait3A_13 = arith.constant 0 : i32
    %dma_wait3A_14 = arith.constant 0 : i32
    %dma_wait3A_15 = tpu.memref_slice %arg8[%dma_wait3A_13, %dma_wait3A_14] : memref<10240x128xf32, #tpu.memory_space<vmem_shared>> -> memref<10240x128xf32, #tpu.memory_space<vmem_shared>>
    tpu.wait_indirect_dma semaphore(%arg9 : memref<!tpu.dma_semaphore, #tpu.memory_space<semaphore_mem>>) src(%arg6 : memref<125x128xf32, #tpu.memory_space<vmem>>) dst(%dma_wait3A_15 : memref<10240x128xf32, #tpu.memory_space<vmem_shared>>)
    %dma_wait3A_16 = arith.constant 0 : i32
    %dma_wait3A_17 = arith.constant 0 : i32
    %dma_wait3A_18 = tpu.memref_slice %arg7[%dma_wait3A_16, %dma_wait3A_17] : memref<50x125xi32, #tpu.memory_space<vmem>> -> memref<1x125xi32, #tpu.memory_space<vmem>>
    %dma_wait3A_19 = tpu.memref_squeeze %dma_wait3A_18 : memref<1x125xi32, #tpu.memory_space<vmem>> -> memref<125xi32, #tpu.memory_space<vmem>>
    %dma_wait3A_20 = arith.constant 0 : i32
    %dma_wait3A_21 = arith.constant 0 : i32
    %dma_wait3A_22 = tpu.memref_slice %arg8[%dma_wait3A_20, %dma_wait3A_21] : memref<10240x128xf32, #tpu.memory_space<vmem_shared>> -> memref<10240x128xf32, #tpu.memory_space<vmem_shared>>
    tpu.wait_indirect_dma semaphore(%arg9 : memref<!tpu.dma_semaphore, #tpu.memory_space<semaphore_mem>>) src(%arg6 : memref<125x128xf32, #tpu.memory_space<vmem>>) dst(%dma_wait3A_22 : memref<10240x128xf32, #tpu.memory_space<vmem_shared>>)
    %dma_wait3A_23 = arith.constant 0 : i32
    %dma_wait3A_24 = arith.constant 0 : i32
    %dma_wait3A_25 = tpu.memref_slice %arg7[%dma_wait3A_23, %dma_wait3A_24] : memref<50x125xi32, #tpu.memory_space<vmem>> -> memref<1x125xi32, #tpu.memory_space<vmem>>
    %dma_wait3A_26 = tpu.memref_squeeze %dma_wait3A_25 : memref<1x125xi32, #tpu.memory_space<vmem>> -> memref<125xi32, #tpu.memory_space<vmem>>
    %dma_wait3A_27 = arith.constant 0 : i32
    %dma_wait3A_28 = arith.constant 0 : i32
    %dma_wait3A_29 = tpu.memref_slice %arg8[%dma_wait3A_27, %dma_wait3A_28] : memref<10240x128xf32, #tpu.memory_space<vmem_shared>> -> memref<10240x128xf32, #tpu.memory_space<vmem_shared>>
    tpu.wait_indirect_dma semaphore(%arg9 : memref<!tpu.dma_semaphore, #tpu.memory_space<semaphore_mem>>) src(%arg6 : memref<125x128xf32, #tpu.memory_space<vmem>>) dst(%dma_wait3A_29 : memref<10240x128xf32, #tpu.memory_space<vmem_shared>>)
    %barrier3A_30 = arith.constant 0 : index
    tpu.barrier barrier_id(%barrier3A_30)
    %mul3A_31 = arith.constant 640 : i32
    %mul3A_32 = arith.muli %arg1, %mul3A_31 : i32
    %mul3A_33 = arith.constant 640 : i32
    %mul3A_34 = arith.muli %arg1, %mul3A_33 : i32
    "tpu.region"() ({
      %run_scoped3A = tpu.sem_alloc : memref<!tpu.dma_semaphore, #tpu.memory_space<semaphore_mem>>
      %dma_start3A = arith.constant 0 : i32
      %dma_start3A_118 = tpu.memref_slice %arg5[%add3A_1, %mul3A_34, %dma_start3A] : memref<6x10240x128xf32, #tpu.memory_space<hbm>> -> memref<1x640x128xf32, #tpu.memory_space<hbm>>
      %dma_start3A_119 = tpu.memref_squeeze %dma_start3A_118 : memref<1x640x128xf32, #tpu.memory_space<hbm>> -> memref<640x128xf32, #tpu.memory_space<hbm>>
      %dma_start3A_120 = arith.constant 0 : i32
      %dma_start3A_121 = tpu.memref_slice %arg8[%mul3A_32, %dma_start3A_120] : memref<10240x128xf32, #tpu.memory_space<vmem_shared>> -> memref<640x128xf32, #tpu.memory_space<vmem_shared>>
      tpu.enqueue_dma source(%dma_start3A_121 : memref<640x128xf32, #tpu.memory_space<vmem_shared>>) target(%dma_start3A_119 : memref<640x128xf32, #tpu.memory_space<hbm>>) target_semaphore(%run_scoped3A : memref<!tpu.dma_semaphore, #tpu.memory_space<semaphore_mem>>)
      %dma_wait3A_122 = arith.constant 0 : i32
      %dma_wait3A_123 = tpu.memref_slice %arg5[%add3A_1, %mul3A_34, %dma_wait3A_122] : memref<6x10240x128xf32, #tpu.memory_space<hbm>> -> memref<1x640x128xf32, #tpu.memory_space<hbm>>
      %dma_wait3A_124 = tpu.memref_squeeze %dma_wait3A_123 : memref<1x640x128xf32, #tpu.memory_space<hbm>> -> memref<640x128xf32, #tpu.memory_space<hbm>>
      %dma_wait3A_125 = arith.constant 0 : i32
      %dma_wait3A_126 = tpu.memref_slice %arg8[%mul3A_32, %dma_wait3A_125] : memref<10240x128xf32, #tpu.memory_space<vmem_shared>> -> memref<640x128xf32, #tpu.memory_space<vmem_shared>>
      tpu.wait_dma2 semaphore(%run_scoped3A : memref<!tpu.dma_semaphore, #tpu.memory_space<semaphore_mem>>) src(%dma_wait3A_126 : memref<640x128xf32, #tpu.memory_space<vmem_shared>>) dst(%dma_wait3A_124 : memref<640x128xf32, #tpu.memory_space<hbm>>)
      tpu.yield
    }) : () -> ()
    %barrier3A_35 = arith.constant 0 : index
    tpu.barrier barrier_id(%barrier3A_35)
    %mul3A_36 = arith.constant 3 : i32
    %mul3A_37 = arith.muli %mul3A_36, %arg0 : i32
    %add3A_38 = arith.constant 1 : i32
    %add3A_39 = arith.addi %mul3A_37, %add3A_38 : i32
    %mul3A_40 = arith.constant 640 : i32
    %mul3A_41 = arith.muli %arg1, %mul3A_40 : i32
    %mul3A_42 = arith.constant 640 : i32
    %mul3A_43 = arith.muli %arg1, %mul3A_42 : i32
    "tpu.region"() ({
      %run_scoped3A = tpu.sem_alloc : memref<!tpu.dma_semaphore, #tpu.memory_space<semaphore_mem>>
      %dma_start3A = arith.constant 0 : i32
      %dma_start3A_118 = tpu.memref_slice %arg8[%mul3A_43, %dma_start3A] : memref<10240x128xf32, #tpu.memory_space<vmem_shared>> -> memref<640x128xf32, #tpu.memory_space<vmem_shared>>
      %dma_start3A_119 = arith.constant 0 : i32
      %dma_start3A_120 = tpu.memref_slice %arg4[%mul3A_41, %dma_start3A_119] : memref<10240x128xf32, #tpu.memory_space<hbm>> -> memref<640x128xf32, #tpu.memory_space<hbm>>
      tpu.enqueue_dma source(%dma_start3A_120 : memref<640x128xf32, #tpu.memory_space<hbm>>) target(%dma_start3A_118 : memref<640x128xf32, #tpu.memory_space<vmem_shared>>) target_semaphore(%run_scoped3A : memref<!tpu.dma_semaphore, #tpu.memory_space<semaphore_mem>>)
      %dma_wait3A_121 = arith.constant 0 : i32
      %dma_wait3A_122 = tpu.memref_slice %arg8[%mul3A_43, %dma_wait3A_121] : memref<10240x128xf32, #tpu.memory_space<vmem_shared>> -> memref<640x128xf32, #tpu.memory_space<vmem_shared>>
      %dma_wait3A_123 = arith.constant 0 : i32
      %dma_wait3A_124 = tpu.memref_slice %arg4[%mul3A_41, %dma_wait3A_123] : memref<10240x128xf32, #tpu.memory_space<hbm>> -> memref<640x128xf32, #tpu.memory_space<hbm>>
      tpu.wait_dma2 semaphore(%run_scoped3A : memref<!tpu.dma_semaphore, #tpu.memory_space<semaphore_mem>>) src(%dma_wait3A_124 : memref<640x128xf32, #tpu.memory_space<hbm>>) dst(%dma_wait3A_122 : memref<640x128xf32, #tpu.memory_space<vmem_shared>>)
      tpu.yield
    }) : () -> ()
    "tpu.region"() ({
      %run_scoped3A = tpu.sem_alloc : memref<!tpu.dma_semaphore, #tpu.memory_space<semaphore_mem>>
      %dma_start3A = arith.constant 0 : i32
      %dma_start3A_118 = arith.constant 0 : i32
      %dma_start3A_119 = tpu.memref_slice %arg2[%add3A_39, %arg1, %dma_start3A, %dma_start3A_118] : memref<6x16x50x125xi32, #tpu.memory_space<hbm>> -> memref<1x1x50x125xi32, #tpu.memory_space<hbm>>
      %dma_start3A_120 = tpu.memref_squeeze %dma_start3A_119 : memref<1x1x50x125xi32, #tpu.memory_space<hbm>> -> memref<50x125xi32, #tpu.memory_space<hbm>>
      %dma_start3A_121 = arith.constant 0 : i32
      %dma_start3A_122 = arith.constant 0 : i32
      %dma_start3A_123 = tpu.memref_slice %arg2[%add3A_39, %arg1, %dma_start3A_121, %dma_start3A_122] : memref<6x16x50x125xi32, #tpu.memory_space<hbm>> -> memref<1x1x50x125xi32, #tpu.memory_space<hbm>>
      %dma_start3A_124 = tpu.memref_squeeze %dma_start3A_123 : memref<1x1x50x125xi32, #tpu.memory_space<hbm>> -> memref<50x125xi32, #tpu.memory_space<hbm>>
      tpu.enqueue_dma source(%dma_start3A_124 : memref<50x125xi32, #tpu.memory_space<hbm>>) target(%arg7 : memref<50x125xi32, #tpu.memory_space<vmem>>) target_semaphore(%run_scoped3A : memref<!tpu.dma_semaphore, #tpu.memory_space<semaphore_mem>>)
      %dma_wait3A_125 = arith.constant 0 : i32
      %dma_wait3A_126 = arith.constant 0 : i32
      %dma_wait3A_127 = tpu.memref_slice %arg2[%add3A_39, %arg1, %dma_wait3A_125, %dma_wait3A_126] : memref<6x16x50x125xi32, #tpu.memory_space<hbm>> -> memref<1x1x50x125xi32, #tpu.memory_space<hbm>>
      %dma_wait3A_128 = tpu.memref_squeeze %dma_wait3A_127 : memref<1x1x50x125xi32, #tpu.memory_space<hbm>> -> memref<50x125xi32, #tpu.memory_space<hbm>>
      %dma_wait3A_129 = arith.constant 0 : i32
      %dma_wait3A_130 = arith.constant 0 : i32
      %dma_wait3A_131 = tpu.memref_slice %arg2[%add3A_39, %arg1, %dma_wait3A_129, %dma_wait3A_130] : memref<6x16x50x125xi32, #tpu.memory_space<hbm>> -> memref<1x1x50x125xi32, #tpu.memory_space<hbm>>
      %dma_wait3A_132 = tpu.memref_squeeze %dma_wait3A_131 : memref<1x1x50x125xi32, #tpu.memory_space<hbm>> -> memref<50x125xi32, #tpu.memory_space<hbm>>
      tpu.wait_dma2 semaphore(%run_scoped3A : memref<!tpu.dma_semaphore, #tpu.memory_space<semaphore_mem>>) src(%dma_wait3A_132 : memref<50x125xi32, #tpu.memory_space<hbm>>) dst(%arg7 : memref<50x125xi32, #tpu.memory_space<vmem>>)
      tpu.yield
    }) : () -> ()
    %barrier3A_44 = arith.constant 0 : index
    tpu.barrier barrier_id(%barrier3A_44)
    %scan3A_45 = arith.constant 0 : i32
    %scan3A_46 = arith.constant 50 : i32
    %scan3A_47 = arith.addi %scan3A_45, %scan3A_46 : i32
    %scan3A_48 = arith.constant 1 : i32
    scf.for %scan3A_118 = %scan3A_45 to %scan3A_47 step %scan3A_48  : i32 {
      %mul3A_119 = arith.constant 1 : i32
      %mul3A_120 = arith.muli %scan3A_118, %mul3A_119 : i32
      %add3A_121 = arith.constant 0 : i32
      %add3A_122 = arith.addi %add3A_121, %mul3A_120 : i32
      %dma_start3A = arith.constant 0 : i32
      %dma_start3A_123 = tpu.memref_slice %arg7[%add3A_122, %dma_start3A] : memref<50x125xi32, #tpu.memory_space<vmem>> -> memref<1x125xi32, #tpu.memory_space<vmem>>
      %dma_start3A_124 = tpu.memref_squeeze %dma_start3A_123 : memref<1x125xi32, #tpu.memory_space<vmem>> -> memref<125xi32, #tpu.memory_space<vmem>>
      %dma_start3A_125 = arith.constant 0 : i32
      %dma_start3A_126 = arith.constant 0 : i32
      %dma_start3A_127 = tpu.memref_slice %arg8[%dma_start3A_125, %dma_start3A_126] : memref<10240x128xf32, #tpu.memory_space<vmem_shared>> -> memref<10240x128xf32, #tpu.memory_space<vmem_shared>>
      tpu.enqueue_indirect_dma source(%arg6 : memref<125x128xf32, #tpu.memory_space<vmem>>) target(%dma_start3A_127 : memref<10240x128xf32, #tpu.memory_space<vmem_shared>>) offsets(%dma_start3A_124 : memref<125xi32, #tpu.memory_space<vmem>>) semaphore(%arg9 : memref<!tpu.dma_semaphore, #tpu.memory_space<semaphore_mem>>) {add = true}
      %ge3A = arith.constant 3 : i32
      %ge3A_128 = arith.cmpi sge, %add3A_122, %ge3A : i32
      %convert_element_type3A = arith.extui %ge3A_128 : i1 to i32
      %cond3A = arith.constant 0 : i32
      %cond3A_129 = arith.cmpi ne, %convert_element_type3A, %cond3A : i32
      scf.if %cond3A_129 {
        %dma_wait3A_130 = arith.constant 0 : i32
        %dma_wait3A_131 = arith.constant 0 : i32
        %dma_wait3A_132 = tpu.memref_slice %arg7[%dma_wait3A_130, %dma_wait3A_131] : memref<50x125xi32, #tpu.memory_space<vmem>> -> memref<1x125xi32, #tpu.memory_space<vmem>>
        %dma_wait3A_133 = tpu.memref_squeeze %dma_wait3A_132 : memref<1x125xi32, #tpu.memory_space<vmem>> -> memref<125xi32, #tpu.memory_space<vmem>>
        %dma_wait3A_134 = arith.constant 0 : i32
        %dma_wait3A_135 = arith.constant 0 : i32
        %dma_wait3A_136 = tpu.memref_slice %arg8[%dma_wait3A_134, %dma_wait3A_135] : memref<10240x128xf32, #tpu.memory_space<vmem_shared>> -> memref<10240x128xf32, #tpu.memory_space<vmem_shared>>
        tpu.wait_indirect_dma semaphore(%arg9 : memref<!tpu.dma_semaphore, #tpu.memory_space<semaphore_mem>>) src(%arg6 : memref<125x128xf32, #tpu.memory_space<vmem>>) dst(%dma_wait3A_136 : memref<10240x128xf32, #tpu.memory_space<vmem_shared>>)
      } else {
      }
    }
    %scan3A_49 = arith.constant 50 : i32
    %dma_wait3A_50 = arith.constant 0 : i32
    %dma_wait3A_51 = arith.constant 0 : i32
    %dma_wait3A_52 = tpu.memref_slice %arg7[%dma_wait3A_50, %dma_wait3A_51] : memref<50x125xi32, #tpu.memory_space<vmem>> -> memref<1x125xi32, #tpu.memory_space<vmem>>
    %dma_wait3A_53 = tpu.memref_squeeze %dma_wait3A_52 : memref<1x125xi32, #tpu.memory_space<vmem>> -> memref<125xi32, #tpu.memory_space<vmem>>
    %dma_wait3A_54 = arith.constant 0 : i32
    %dma_wait3A_55 = arith.constant 0 : i32
    %dma_wait3A_56 = tpu.memref_slice %arg8[%dma_wait3A_54, %dma_wait3A_55] : memref<10240x128xf32, #tpu.memory_space<vmem_shared>> -> memref<10240x128xf32, #tpu.memory_space<vmem_shared>>
    tpu.wait_indirect_dma semaphore(%arg9 : memref<!tpu.dma_semaphore, #tpu.memory_space<semaphore_mem>>) src(%arg6 : memref<125x128xf32, #tpu.memory_space<vmem>>) dst(%dma_wait3A_56 : memref<10240x128xf32, #tpu.memory_space<vmem_shared>>)
    %dma_wait3A_57 = arith.constant 0 : i32
    %dma_wait3A_58 = arith.constant 0 : i32
    %dma_wait3A_59 = tpu.memref_slice %arg7[%dma_wait3A_57, %dma_wait3A_58] : memref<50x125xi32, #tpu.memory_space<vmem>> -> memref<1x125xi32, #tpu.memory_space<vmem>>
    %dma_wait3A_60 = tpu.memref_squeeze %dma_wait3A_59 : memref<1x125xi32, #tpu.memory_space<vmem>> -> memref<125xi32, #tpu.memory_space<vmem>>
    %dma_wait3A_61 = arith.constant 0 : i32
    %dma_wait3A_62 = arith.constant 0 : i32
    %dma_wait3A_63 = tpu.memref_slice %arg8[%dma_wait3A_61, %dma_wait3A_62] : memref<10240x128xf32, #tpu.memory_space<vmem_shared>> -> memref<10240x128xf32, #tpu.memory_space<vmem_shared>>
    tpu.wait_indirect_dma semaphore(%arg9 : memref<!tpu.dma_semaphore, #tpu.memory_space<semaphore_mem>>) src(%arg6 : memref<125x128xf32, #tpu.memory_space<vmem>>) dst(%dma_wait3A_63 : memref<10240x128xf32, #tpu.memory_space<vmem_shared>>)
    %dma_wait3A_64 = arith.constant 0 : i32
    %dma_wait3A_65 = arith.constant 0 : i32
    %dma_wait3A_66 = tpu.memref_slice %arg7[%dma_wait3A_64, %dma_wait3A_65] : memref<50x125xi32, #tpu.memory_space<vmem>> -> memref<1x125xi32, #tpu.memory_space<vmem>>
    %dma_wait3A_67 = tpu.memref_squeeze %dma_wait3A_66 : memref<1x125xi32, #tpu.memory_space<vmem>> -> memref<125xi32, #tpu.memory_space<vmem>>
    %dma_wait3A_68 = arith.constant 0 : i32
    %dma_wait3A_69 = arith.constant 0 : i32
    %dma_wait3A_70 = tpu.memref_slice %arg8[%dma_wait3A_68, %dma_wait3A_69] : memref<10240x128xf32, #tpu.memory_space<vmem_shared>> -> memref<10240x128xf32, #tpu.memory_space<vmem_shared>>
    tpu.wait_indirect_dma semaphore(%arg9 : memref<!tpu.dma_semaphore, #tpu.memory_space<semaphore_mem>>) src(%arg6 : memref<125x128xf32, #tpu.memory_space<vmem>>) dst(%dma_wait3A_70 : memref<10240x128xf32, #tpu.memory_space<vmem_shared>>)
    %barrier3A_71 = arith.constant 0 : index
    tpu.barrier barrier_id(%barrier3A_71)
    %mul3A_72 = arith.constant 640 : i32
    %mul3A_73 = arith.muli %arg1, %mul3A_72 : i32
    %mul3A_74 = arith.constant 640 : i32
    %mul3A_75 = arith.muli %arg1, %mul3A_74 : i32
    "tpu.region"() ({
      %run_scoped3A = tpu.sem_alloc : memref<!tpu.dma_semaphore, #tpu.memory_space<semaphore_mem>>
      %dma_start3A = arith.constant 0 : i32
      %dma_start3A_118 = tpu.memref_slice %arg5[%add3A_39, %mul3A_75, %dma_start3A] : memref<6x10240x128xf32, #tpu.memory_space<hbm>> -> memref<1x640x128xf32, #tpu.memory_space<hbm>>
      %dma_start3A_119 = tpu.memref_squeeze %dma_start3A_118 : memref<1x640x128xf32, #tpu.memory_space<hbm>> -> memref<640x128xf32, #tpu.memory_space<hbm>>
      %dma_start3A_120 = arith.constant 0 : i32
      %dma_start3A_121 = tpu.memref_slice %arg8[%mul3A_73, %dma_start3A_120] : memref<10240x128xf32, #tpu.memory_space<vmem_shared>> -> memref<640x128xf32, #tpu.memory_space<vmem_shared>>
      tpu.enqueue_dma source(%dma_start3A_121 : memref<640x128xf32, #tpu.memory_space<vmem_shared>>) target(%dma_start3A_119 : memref<640x128xf32, #tpu.memory_space<hbm>>) target_semaphore(%run_scoped3A : memref<!tpu.dma_semaphore, #tpu.memory_space<semaphore_mem>>)
      %dma_wait3A_122 = arith.constant 0 : i32
      %dma_wait3A_123 = tpu.memref_slice %arg5[%add3A_39, %mul3A_75, %dma_wait3A_122] : memref<6x10240x128xf32, #tpu.memory_space<hbm>> -> memref<1x640x128xf32, #tpu.memory_space<hbm>>
      %dma_wait3A_124 = tpu.memref_squeeze %dma_wait3A_123 : memref<1x640x128xf32, #tpu.memory_space<hbm>> -> memref<640x128xf32, #tpu.memory_space<hbm>>
      %dma_wait3A_125 = arith.constant 0 : i32
      %dma_wait3A_126 = tpu.memref_slice %arg8[%mul3A_73, %dma_wait3A_125] : memref<10240x128xf32, #tpu.memory_space<vmem_shared>> -> memref<640x128xf32, #tpu.memory_space<vmem_shared>>
      tpu.wait_dma2 semaphore(%run_scoped3A : memref<!tpu.dma_semaphore, #tpu.memory_space<semaphore_mem>>) src(%dma_wait3A_126 : memref<640x128xf32, #tpu.memory_space<vmem_shared>>) dst(%dma_wait3A_124 : memref<640x128xf32, #tpu.memory_space<hbm>>)
      tpu.yield
    }) : () -> ()
    %barrier3A_76 = arith.constant 0 : index
    tpu.barrier barrier_id(%barrier3A_76)
    %mul3A_77 = arith.constant 3 : i32
    %mul3A_78 = arith.muli %mul3A_77, %arg0 : i32
    %add3A_79 = arith.constant 2 : i32
    %add3A_80 = arith.addi %mul3A_78, %add3A_79 : i32
    %mul3A_81 = arith.constant 640 : i32
    %mul3A_82 = arith.muli %arg1, %mul3A_81 : i32
    %mul3A_83 = arith.constant 640 : i32
    %mul3A_84 = arith.muli %arg1, %mul3A_83 : i32
    "tpu.region"() ({
      %run_scoped3A = tpu.sem_alloc : memref<!tpu.dma_semaphore, #tpu.memory_space<semaphore_mem>>
      %dma_start3A = arith.constant 0 : i32
      %dma_start3A_118 = tpu.memref_slice %arg8[%mul3A_84, %dma_start3A] : memref<10240x128xf32, #tpu.memory_space<vmem_shared>> -> memref<640x128xf32, #tpu.memory_space<vmem_shared>>
      %dma_start3A_119 = arith.constant 0 : i32
      %dma_start3A_120 = tpu.memref_slice %arg4[%mul3A_82, %dma_start3A_119] : memref<10240x128xf32, #tpu.memory_space<hbm>> -> memref<640x128xf32, #tpu.memory_space<hbm>>
      tpu.enqueue_dma source(%dma_start3A_120 : memref<640x128xf32, #tpu.memory_space<hbm>>) target(%dma_start3A_118 : memref<640x128xf32, #tpu.memory_space<vmem_shared>>) target_semaphore(%run_scoped3A : memref<!tpu.dma_semaphore, #tpu.memory_space<semaphore_mem>>)
      %dma_wait3A_121 = arith.constant 0 : i32
      %dma_wait3A_122 = tpu.memref_slice %arg8[%mul3A_84, %dma_wait3A_121] : memref<10240x128xf32, #tpu.memory_space<vmem_shared>> -> memref<640x128xf32, #tpu.memory_space<vmem_shared>>
      %dma_wait3A_123 = arith.constant 0 : i32
      %dma_wait3A_124 = tpu.memref_slice %arg4[%mul3A_82, %dma_wait3A_123] : memref<10240x128xf32, #tpu.memory_space<hbm>> -> memref<640x128xf32, #tpu.memory_space<hbm>>
      tpu.wait_dma2 semaphore(%run_scoped3A : memref<!tpu.dma_semaphore, #tpu.memory_space<semaphore_mem>>) src(%dma_wait3A_124 : memref<640x128xf32, #tpu.memory_space<hbm>>) dst(%dma_wait3A_122 : memref<640x128xf32, #tpu.memory_space<vmem_shared>>)
      tpu.yield
    }) : () -> ()
    "tpu.region"() ({
      %run_scoped3A = tpu.sem_alloc : memref<!tpu.dma_semaphore, #tpu.memory_space<semaphore_mem>>
      %dma_start3A = arith.constant 0 : i32
      %dma_start3A_118 = arith.constant 0 : i32
      %dma_start3A_119 = tpu.memref_slice %arg2[%add3A_80, %arg1, %dma_start3A, %dma_start3A_118] : memref<6x16x50x125xi32, #tpu.memory_space<hbm>> -> memref<1x1x50x125xi32, #tpu.memory_space<hbm>>
      %dma_start3A_120 = tpu.memref_squeeze %dma_start3A_119 : memref<1x1x50x125xi32, #tpu.memory_space<hbm>> -> memref<50x125xi32, #tpu.memory_space<hbm>>
      %dma_start3A_121 = arith.constant 0 : i32
      %dma_start3A_122 = arith.constant 0 : i32
      %dma_start3A_123 = tpu.memref_slice %arg2[%add3A_80, %arg1, %dma_start3A_121, %dma_start3A_122] : memref<6x16x50x125xi32, #tpu.memory_space<hbm>> -> memref<1x1x50x125xi32, #tpu.memory_space<hbm>>
      %dma_start3A_124 = tpu.memref_squeeze %dma_start3A_123 : memref<1x1x50x125xi32, #tpu.memory_space<hbm>> -> memref<50x125xi32, #tpu.memory_space<hbm>>
      tpu.enqueue_dma source(%dma_start3A_124 : memref<50x125xi32, #tpu.memory_space<hbm>>) target(%arg7 : memref<50x125xi32, #tpu.memory_space<vmem>>) target_semaphore(%run_scoped3A : memref<!tpu.dma_semaphore, #tpu.memory_space<semaphore_mem>>)
      %dma_wait3A_125 = arith.constant 0 : i32
      %dma_wait3A_126 = arith.constant 0 : i32
      %dma_wait3A_127 = tpu.memref_slice %arg2[%add3A_80, %arg1, %dma_wait3A_125, %dma_wait3A_126] : memref<6x16x50x125xi32, #tpu.memory_space<hbm>> -> memref<1x1x50x125xi32, #tpu.memory_space<hbm>>
      %dma_wait3A_128 = tpu.memref_squeeze %dma_wait3A_127 : memref<1x1x50x125xi32, #tpu.memory_space<hbm>> -> memref<50x125xi32, #tpu.memory_space<hbm>>
      %dma_wait3A_129 = arith.constant 0 : i32
      %dma_wait3A_130 = arith.constant 0 : i32
      %dma_wait3A_131 = tpu.memref_slice %arg2[%add3A_80, %arg1, %dma_wait3A_129, %dma_wait3A_130] : memref<6x16x50x125xi32, #tpu.memory_space<hbm>> -> memref<1x1x50x125xi32, #tpu.memory_space<hbm>>
      %dma_wait3A_132 = tpu.memref_squeeze %dma_wait3A_131 : memref<1x1x50x125xi32, #tpu.memory_space<hbm>> -> memref<50x125xi32, #tpu.memory_space<hbm>>
      tpu.wait_dma2 semaphore(%run_scoped3A : memref<!tpu.dma_semaphore, #tpu.memory_space<semaphore_mem>>) src(%dma_wait3A_132 : memref<50x125xi32, #tpu.memory_space<hbm>>) dst(%arg7 : memref<50x125xi32, #tpu.memory_space<vmem>>)
      tpu.yield
    }) : () -> ()
    %barrier3A_85 = arith.constant 0 : index
    tpu.barrier barrier_id(%barrier3A_85)
    %scan3A_86 = arith.constant 0 : i32
    %scan3A_87 = arith.constant 50 : i32
    %scan3A_88 = arith.addi %scan3A_86, %scan3A_87 : i32
    %scan3A_89 = arith.constant 1 : i32
    scf.for %scan3A_118 = %scan3A_86 to %scan3A_88 step %scan3A_89  : i32 {
      %mul3A_119 = arith.constant 1 : i32
      %mul3A_120 = arith.muli %scan3A_118, %mul3A_119 : i32
      %add3A_121 = arith.constant 0 : i32
      %add3A_122 = arith.addi %add3A_121, %mul3A_120 : i32
      %dma_start3A = arith.constant 0 : i32
      %dma_start3A_123 = tpu.memref_slice %arg7[%add3A_122, %dma_start3A] : memref<50x125xi32, #tpu.memory_space<vmem>> -> memref<1x125xi32, #tpu.memory_space<vmem>>
      %dma_start3A_124 = tpu.memref_squeeze %dma_start3A_123 : memref<1x125xi32, #tpu.memory_space<vmem>> -> memref<125xi32, #tpu.memory_space<vmem>>
      %dma_start3A_125 = arith.constant 0 : i32
      %dma_start3A_126 = arith.constant 0 : i32
      %dma_start3A_127 = tpu.memref_slice %arg8[%dma_start3A_125, %dma_start3A_126] : memref<10240x128xf32, #tpu.memory_space<vmem_shared>> -> memref<10240x128xf32, #tpu.memory_space<vmem_shared>>
      tpu.enqueue_indirect_dma source(%arg6 : memref<125x128xf32, #tpu.memory_space<vmem>>) target(%dma_start3A_127 : memref<10240x128xf32, #tpu.memory_space<vmem_shared>>) offsets(%dma_start3A_124 : memref<125xi32, #tpu.memory_space<vmem>>) semaphore(%arg9 : memref<!tpu.dma_semaphore, #tpu.memory_space<semaphore_mem>>) {add = true}
      %ge3A = arith.constant 3 : i32
      %ge3A_128 = arith.cmpi sge, %add3A_122, %ge3A : i32
      %convert_element_type3A = arith.extui %ge3A_128 : i1 to i32
      %cond3A = arith.constant 0 : i32
      %cond3A_129 = arith.cmpi ne, %convert_element_type3A, %cond3A : i32
      scf.if %cond3A_129 {
        %dma_wait3A_130 = arith.constant 0 : i32
        %dma_wait3A_131 = arith.constant 0 : i32
        %dma_wait3A_132 = tpu.memref_slice %arg7[%dma_wait3A_130, %dma_wait3A_131] : memref<50x125xi32, #tpu.memory_space<vmem>> -> memref<1x125xi32, #tpu.memory_space<vmem>>
        %dma_wait3A_133 = tpu.memref_squeeze %dma_wait3A_132 : memref<1x125xi32, #tpu.memory_space<vmem>> -> memref<125xi32, #tpu.memory_space<vmem>>
        %dma_wait3A_134 = arith.constant 0 : i32
        %dma_wait3A_135 = arith.constant 0 : i32
        %dma_wait3A_136 = tpu.memref_slice %arg8[%dma_wait3A_134, %dma_wait3A_135] : memref<10240x128xf32, #tpu.memory_space<vmem_shared>> -> memref<10240x128xf32, #tpu.memory_space<vmem_shared>>
        tpu.wait_indirect_dma semaphore(%arg9 : memref<!tpu.dma_semaphore, #tpu.memory_space<semaphore_mem>>) src(%arg6 : memref<125x128xf32, #tpu.memory_space<vmem>>) dst(%dma_wait3A_136 : memref<10240x128xf32, #tpu.memory_space<vmem_shared>>)
      } else {
      }
    }
    %scan3A_90 = arith.constant 50 : i32
    %dma_wait3A_91 = arith.constant 0 : i32
    %dma_wait3A_92 = arith.constant 0 : i32
    %dma_wait3A_93 = tpu.memref_slice %arg7[%dma_wait3A_91, %dma_wait3A_92] : memref<50x125xi32, #tpu.memory_space<vmem>> -> memref<1x125xi32, #tpu.memory_space<vmem>>
    %dma_wait3A_94 = tpu.memref_squeeze %dma_wait3A_93 : memref<1x125xi32, #tpu.memory_space<vmem>> -> memref<125xi32, #tpu.memory_space<vmem>>
    %dma_wait3A_95 = arith.constant 0 : i32
    %dma_wait3A_96 = arith.constant 0 : i32
    %dma_wait3A_97 = tpu.memref_slice %arg8[%dma_wait3A_95, %dma_wait3A_96] : memref<10240x128xf32, #tpu.memory_space<vmem_shared>> -> memref<10240x128xf32, #tpu.memory_space<vmem_shared>>
    tpu.wait_indirect_dma semaphore(%arg9 : memref<!tpu.dma_semaphore, #tpu.memory_space<semaphore_mem>>) src(%arg6 : memref<125x128xf32, #tpu.memory_space<vmem>>) dst(%dma_wait3A_97 : memref<10240x128xf32, #tpu.memory_space<vmem_shared>>)
    %dma_wait3A_98 = arith.constant 0 : i32
    %dma_wait3A_99 = arith.constant 0 : i32
    %dma_wait3A_100 = tpu.memref_slice %arg7[%dma_wait3A_98, %dma_wait3A_99] : memref<50x125xi32, #tpu.memory_space<vmem>> -> memref<1x125xi32, #tpu.memory_space<vmem>>
    %dma_wait3A_101 = tpu.memref_squeeze %dma_wait3A_100 : memref<1x125xi32, #tpu.memory_space<vmem>> -> memref<125xi32, #tpu.memory_space<vmem>>
    %dma_wait3A_102 = arith.constant 0 : i32
    %dma_wait3A_103 = arith.constant 0 : i32
    %dma_wait3A_104 = tpu.memref_slice %arg8[%dma_wait3A_102, %dma_wait3A_103] : memref<10240x128xf32, #tpu.memory_space<vmem_shared>> -> memref<10240x128xf32, #tpu.memory_space<vmem_shared>>
    tpu.wait_indirect_dma semaphore(%arg9 : memref<!tpu.dma_semaphore, #tpu.memory_space<semaphore_mem>>) src(%arg6 : memref<125x128xf32, #tpu.memory_space<vmem>>) dst(%dma_wait3A_104 : memref<10240x128xf32, #tpu.memory_space<vmem_shared>>)
    %dma_wait3A_105 = arith.constant 0 : i32
    %dma_wait3A_106 = arith.constant 0 : i32
    %dma_wait3A_107 = tpu.memref_slice %arg7[%dma_wait3A_105, %dma_wait3A_106] : memref<50x125xi32, #tpu.memory_space<vmem>> -> memref<1x125xi32, #tpu.memory_space<vmem>>
    %dma_wait3A_108 = tpu.memref_squeeze %dma_wait3A_107 : memref<1x125xi32, #tpu.memory_space<vmem>> -> memref<125xi32, #tpu.memory_space<vmem>>
    %dma_wait3A_109 = arith.constant 0 : i32
    %dma_wait3A_110 = arith.constant 0 : i32
    %dma_wait3A_111 = tpu.memref_slice %arg8[%dma_wait3A_109, %dma_wait3A_110] : memref<10240x128xf32, #tpu.memory_space<vmem_shared>> -> memref<10240x128xf32, #tpu.memory_space<vmem_shared>>
    tpu.wait_indirect_dma semaphore(%arg9 : memref<!tpu.dma_semaphore, #tpu.memory_space<semaphore_mem>>) src(%arg6 : memref<125x128xf32, #tpu.memory_space<vmem>>) dst(%dma_wait3A_111 : memref<10240x128xf32, #tpu.memory_space<vmem_shared>>)
    %barrier3A_112 = arith.constant 0 : index
    tpu.barrier barrier_id(%barrier3A_112)
    %mul3A_113 = arith.constant 640 : i32
    %mul3A_114 = arith.muli %arg1, %mul3A_113 : i32
    %mul3A_115 = arith.constant 640 : i32
    %mul3A_116 = arith.muli %arg1, %mul3A_115 : i32
    "tpu.region"() ({
      %run_scoped3A = tpu.sem_alloc : memref<!tpu.dma_semaphore, #tpu.memory_space<semaphore_mem>>
      %dma_start3A = arith.constant 0 : i32
      %dma_start3A_118 = tpu.memref_slice %arg5[%add3A_80, %mul3A_116, %dma_start3A] : memref<6x10240x128xf32, #tpu.memory_space<hbm>> -> memref<1x640x128xf32, #tpu.memory_space<hbm>>
      %dma_start3A_119 = tpu.memref_squeeze %dma_start3A_118 : memref<1x640x128xf32, #tpu.memory_space<hbm>> -> memref<640x128xf32, #tpu.memory_space<hbm>>
      %dma_start3A_120 = arith.constant 0 : i32
      %dma_start3A_121 = tpu.memref_slice %arg8[%mul3A_114, %dma_start3A_120] : memref<10240x128xf32, #tpu.memory_space<vmem_shared>> -> memref<640x128xf32, #tpu.memory_space<vmem_shared>>
      tpu.enqueue_dma source(%dma_start3A_121 : memref<640x128xf32, #tpu.memory_space<vmem_shared>>) target(%dma_start3A_119 : memref<640x128xf32, #tpu.memory_space<hbm>>) target_semaphore(%run_scoped3A : memref<!tpu.dma_semaphore, #tpu.memory_space<semaphore_mem>>)
      %dma_wait3A_122 = arith.constant 0 : i32
      %dma_wait3A_123 = tpu.memref_slice %arg5[%add3A_80, %mul3A_116, %dma_wait3A_122] : memref<6x10240x128xf32, #tpu.memory_space<hbm>> -> memref<1x640x128xf32, #tpu.memory_space<hbm>>
      %dma_wait3A_124 = tpu.memref_squeeze %dma_wait3A_123 : memref<1x640x128xf32, #tpu.memory_space<hbm>> -> memref<640x128xf32, #tpu.memory_space<hbm>>
      %dma_wait3A_125 = arith.constant 0 : i32
      %dma_wait3A_126 = tpu.memref_slice %arg8[%mul3A_114, %dma_wait3A_125] : memref<10240x128xf32, #tpu.memory_space<vmem_shared>> -> memref<640x128xf32, #tpu.memory_space<vmem_shared>>
      tpu.wait_dma2 semaphore(%run_scoped3A : memref<!tpu.dma_semaphore, #tpu.memory_space<semaphore_mem>>) src(%dma_wait3A_126 : memref<640x128xf32, #tpu.memory_space<vmem_shared>>) dst(%dma_wait3A_124 : memref<640x128xf32, #tpu.memory_space<hbm>>)
      tpu.yield
    }) : () -> ()
    %barrier3A_117 = arith.constant 0 : index
    tpu.barrier barrier_id(%barrier3A_117)
    return
  }
}

#map = affine_map<(d0, d1) -> (0, 0, 0, 0)>
#map1 = affine_map<(d0, d1) -> (0, 0)>
module attributes {stable_mosaic.version = 14 : i64} {
  func.func @_agg_kernel(%arg0: i32, %arg1: i32, %arg2: memref<3x2x10000x128xf32, #tpu.memory_space<hbm>>, %arg3: memref<3x16x50x125xi32, #tpu.memory_space<hbm>>, %arg4: memref<3x16x50x125xi32, #tpu.memory_space<hbm>>, %arg5: memref<10240x128xf32, #tpu.memory_space<hbm>>, %arg6: memref<3x2x10240x128xf32, #tpu.memory_space<hbm>>, %arg7: memref<50x125xi32, #tpu.memory_space<vmem>>, %arg8: memref<50x125xi32, #tpu.memory_space<vmem>>, %arg9: memref<125x128xf32, #tpu.memory_space<vmem>>, %arg10: memref<125x128xf32, #tpu.memory_space<vmem>>, %arg11: memref<10240x128xf32, #tpu.memory_space<vmem_shared>>, %arg12: memref<!tpu.dma_semaphore, #tpu.memory_space<semaphore_mem>>, %arg13: memref<!tpu.dma_semaphore, #tpu.memory_space<semaphore_mem>>, %arg14: memref<!tpu.dma_semaphore, #tpu.memory_space<semaphore_mem>>, %arg15: memref<!tpu.dma_semaphore, #tpu.memory_space<semaphore_mem>>) attributes {dimension_semantics = [#tpu.dimension_semantics<core_parallel>, #tpu.dimension_semantics<subcore_parallel>], iteration_bounds = array<i64: 2, 16>, scalar_prefetch = 0 : i64, scratch_operands = 9 : i64, tpu.core_type = #tpu.core_type<sc_vector_subcore>, window_params = [{transform_indices = #map}, {transform_indices = #map}, {transform_indices = #map}, {transform_indices = #map1}, {transform_indices = #map}]} {
    %mul3A = arith.constant 640 : i32
    %mul3A_0 = arith.muli %arg1, %mul3A : i32
    %mul3A_1 = arith.constant 640 : i32
    %mul3A_2 = arith.muli %arg1, %mul3A_1 : i32
    "tpu.region"() ({
      %run_scoped3A_91 = tpu.sem_alloc : memref<!tpu.dma_semaphore, #tpu.memory_space<semaphore_mem>>
      %dma_start3A_92 = arith.constant 0 : i32
      %dma_start3A_93 = tpu.memref_slice %arg11[%mul3A_2, %dma_start3A_92] : memref<10240x128xf32, #tpu.memory_space<vmem_shared>> -> memref<640x128xf32, #tpu.memory_space<vmem_shared>>
      %dma_start3A_94 = arith.constant 0 : i32
      %dma_start3A_95 = tpu.memref_slice %arg5[%mul3A_0, %dma_start3A_94] : memref<10240x128xf32, #tpu.memory_space<hbm>> -> memref<640x128xf32, #tpu.memory_space<hbm>>
      tpu.enqueue_dma source(%dma_start3A_95 : memref<640x128xf32, #tpu.memory_space<hbm>>) target(%dma_start3A_93 : memref<640x128xf32, #tpu.memory_space<vmem_shared>>) target_semaphore(%run_scoped3A_91 : memref<!tpu.dma_semaphore, #tpu.memory_space<semaphore_mem>>)
      %dma_wait3A = arith.constant 0 : i32
      %dma_wait3A_96 = tpu.memref_slice %arg11[%mul3A_2, %dma_wait3A] : memref<10240x128xf32, #tpu.memory_space<vmem_shared>> -> memref<640x128xf32, #tpu.memory_space<vmem_shared>>
      %dma_wait3A_97 = arith.constant 0 : i32
      %dma_wait3A_98 = tpu.memref_slice %arg5[%mul3A_0, %dma_wait3A_97] : memref<10240x128xf32, #tpu.memory_space<hbm>> -> memref<640x128xf32, #tpu.memory_space<hbm>>
      tpu.wait_dma2 semaphore(%run_scoped3A_91 : memref<!tpu.dma_semaphore, #tpu.memory_space<semaphore_mem>>) src(%dma_wait3A_98 : memref<640x128xf32, #tpu.memory_space<hbm>>) dst(%dma_wait3A_96 : memref<640x128xf32, #tpu.memory_space<vmem_shared>>)
      tpu.yield
    }) : () -> ()
    %run_scoped3A = arith.constant 0 : i32
    "tpu.region"() ({
      %run_scoped3A_91 = tpu.sem_alloc : memref<!tpu.dma_semaphore, #tpu.memory_space<semaphore_mem>>
      %dma_start3A_92 = arith.constant 0 : i32
      %dma_start3A_93 = arith.constant 0 : i32
      %dma_start3A_94 = tpu.memref_slice %arg3[%run_scoped3A, %arg1, %dma_start3A_92, %dma_start3A_93] : memref<3x16x50x125xi32, #tpu.memory_space<hbm>> -> memref<1x1x50x125xi32, #tpu.memory_space<hbm>>
      %dma_start3A_95 = tpu.memref_squeeze %dma_start3A_94 : memref<1x1x50x125xi32, #tpu.memory_space<hbm>> -> memref<50x125xi32, #tpu.memory_space<hbm>>
      %dma_start3A_96 = arith.constant 0 : i32
      %dma_start3A_97 = arith.constant 0 : i32
      %dma_start3A_98 = tpu.memref_slice %arg3[%run_scoped3A, %arg1, %dma_start3A_96, %dma_start3A_97] : memref<3x16x50x125xi32, #tpu.memory_space<hbm>> -> memref<1x1x50x125xi32, #tpu.memory_space<hbm>>
      %dma_start3A_99 = tpu.memref_squeeze %dma_start3A_98 : memref<1x1x50x125xi32, #tpu.memory_space<hbm>> -> memref<50x125xi32, #tpu.memory_space<hbm>>
      tpu.enqueue_dma source(%dma_start3A_99 : memref<50x125xi32, #tpu.memory_space<hbm>>) target(%arg7 : memref<50x125xi32, #tpu.memory_space<vmem>>) target_semaphore(%run_scoped3A_91 : memref<!tpu.dma_semaphore, #tpu.memory_space<semaphore_mem>>)
      %dma_wait3A = arith.constant 0 : i32
      %dma_wait3A_100 = arith.constant 0 : i32
      %dma_wait3A_101 = tpu.memref_slice %arg3[%run_scoped3A, %arg1, %dma_wait3A, %dma_wait3A_100] : memref<3x16x50x125xi32, #tpu.memory_space<hbm>> -> memref<1x1x50x125xi32, #tpu.memory_space<hbm>>
      %dma_wait3A_102 = tpu.memref_squeeze %dma_wait3A_101 : memref<1x1x50x125xi32, #tpu.memory_space<hbm>> -> memref<50x125xi32, #tpu.memory_space<hbm>>
      %dma_wait3A_103 = arith.constant 0 : i32
      %dma_wait3A_104 = arith.constant 0 : i32
      %dma_wait3A_105 = tpu.memref_slice %arg3[%run_scoped3A, %arg1, %dma_wait3A_103, %dma_wait3A_104] : memref<3x16x50x125xi32, #tpu.memory_space<hbm>> -> memref<1x1x50x125xi32, #tpu.memory_space<hbm>>
      %dma_wait3A_106 = tpu.memref_squeeze %dma_wait3A_105 : memref<1x1x50x125xi32, #tpu.memory_space<hbm>> -> memref<50x125xi32, #tpu.memory_space<hbm>>
      tpu.wait_dma2 semaphore(%run_scoped3A_91 : memref<!tpu.dma_semaphore, #tpu.memory_space<semaphore_mem>>) src(%dma_wait3A_106 : memref<50x125xi32, #tpu.memory_space<hbm>>) dst(%arg7 : memref<50x125xi32, #tpu.memory_space<vmem>>)
      tpu.yield
    }) : () -> ()
    %run_scoped3A_3 = arith.constant 0 : i32
    "tpu.region"() ({
      %run_scoped3A_91 = tpu.sem_alloc : memref<!tpu.dma_semaphore, #tpu.memory_space<semaphore_mem>>
      %dma_start3A_92 = arith.constant 0 : i32
      %dma_start3A_93 = arith.constant 0 : i32
      %dma_start3A_94 = tpu.memref_slice %arg4[%run_scoped3A_3, %arg1, %dma_start3A_92, %dma_start3A_93] : memref<3x16x50x125xi32, #tpu.memory_space<hbm>> -> memref<1x1x50x125xi32, #tpu.memory_space<hbm>>
      %dma_start3A_95 = tpu.memref_squeeze %dma_start3A_94 : memref<1x1x50x125xi32, #tpu.memory_space<hbm>> -> memref<50x125xi32, #tpu.memory_space<hbm>>
      %dma_start3A_96 = arith.constant 0 : i32
      %dma_start3A_97 = arith.constant 0 : i32
      %dma_start3A_98 = tpu.memref_slice %arg4[%run_scoped3A_3, %arg1, %dma_start3A_96, %dma_start3A_97] : memref<3x16x50x125xi32, #tpu.memory_space<hbm>> -> memref<1x1x50x125xi32, #tpu.memory_space<hbm>>
      %dma_start3A_99 = tpu.memref_squeeze %dma_start3A_98 : memref<1x1x50x125xi32, #tpu.memory_space<hbm>> -> memref<50x125xi32, #tpu.memory_space<hbm>>
      tpu.enqueue_dma source(%dma_start3A_99 : memref<50x125xi32, #tpu.memory_space<hbm>>) target(%arg8 : memref<50x125xi32, #tpu.memory_space<vmem>>) target_semaphore(%run_scoped3A_91 : memref<!tpu.dma_semaphore, #tpu.memory_space<semaphore_mem>>)
      %dma_wait3A = arith.constant 0 : i32
      %dma_wait3A_100 = arith.constant 0 : i32
      %dma_wait3A_101 = tpu.memref_slice %arg4[%run_scoped3A_3, %arg1, %dma_wait3A, %dma_wait3A_100] : memref<3x16x50x125xi32, #tpu.memory_space<hbm>> -> memref<1x1x50x125xi32, #tpu.memory_space<hbm>>
      %dma_wait3A_102 = tpu.memref_squeeze %dma_wait3A_101 : memref<1x1x50x125xi32, #tpu.memory_space<hbm>> -> memref<50x125xi32, #tpu.memory_space<hbm>>
      %dma_wait3A_103 = arith.constant 0 : i32
      %dma_wait3A_104 = arith.constant 0 : i32
      %dma_wait3A_105 = tpu.memref_slice %arg4[%run_scoped3A_3, %arg1, %dma_wait3A_103, %dma_wait3A_104] : memref<3x16x50x125xi32, #tpu.memory_space<hbm>> -> memref<1x1x50x125xi32, #tpu.memory_space<hbm>>
      %dma_wait3A_106 = tpu.memref_squeeze %dma_wait3A_105 : memref<1x1x50x125xi32, #tpu.memory_space<hbm>> -> memref<50x125xi32, #tpu.memory_space<hbm>>
      tpu.wait_dma2 semaphore(%run_scoped3A_91 : memref<!tpu.dma_semaphore, #tpu.memory_space<semaphore_mem>>) src(%dma_wait3A_106 : memref<50x125xi32, #tpu.memory_space<hbm>>) dst(%arg8 : memref<50x125xi32, #tpu.memory_space<vmem>>)
      tpu.yield
    }) : () -> ()
    %barrier3A = arith.constant 0 : index
    tpu.barrier barrier_id(%barrier3A)
    %dma_start3A = arith.constant 0 : i32
    %dma_start3A_4 = arith.constant 0 : i32
    %dma_start3A_5 = arith.constant 0 : i32
    %dma_start3A_6 = tpu.memref_slice %arg7[%dma_start3A_4, %dma_start3A_5] : memref<50x125xi32, #tpu.memory_space<vmem>> -> memref<1x125xi32, #tpu.memory_space<vmem>>
    %dma_start3A_7 = tpu.memref_squeeze %dma_start3A_6 : memref<1x125xi32, #tpu.memory_space<vmem>> -> memref<125xi32, #tpu.memory_space<vmem>>
    %dma_start3A_8 = arith.constant 0 : i32
    %dma_start3A_9 = arith.constant 0 : i32
    %dma_start3A_10 = tpu.memref_slice %arg2[%dma_start3A, %arg0, %dma_start3A_8, %dma_start3A_9] : memref<3x2x10000x128xf32, #tpu.memory_space<hbm>> -> memref<1x1x10000x128xf32, #tpu.memory_space<hbm>>
    %dma_start3A_11 = tpu.memref_squeeze %dma_start3A_10 : memref<1x1x10000x128xf32, #tpu.memory_space<hbm>> -> memref<10000x128xf32, #tpu.memory_space<hbm>>
    %dma_start3A_12 = arith.constant 0 : i32
    %dma_start3A_13 = arith.constant 0 : i32
    %dma_start3A_14 = tpu.memref_slice %dma_start3A_11[%dma_start3A_12, %dma_start3A_13] : memref<10000x128xf32, #tpu.memory_space<hbm>> -> memref<10000x128xf32, #tpu.memory_space<hbm>>
    tpu.enqueue_indirect_dma source(%dma_start3A_14 : memref<10000x128xf32, #tpu.memory_space<hbm>>) target(%arg9 : memref<125x128xf32, #tpu.memory_space<vmem>>) offsets(%dma_start3A_7 : memref<125xi32, #tpu.memory_space<vmem>>) semaphore(%arg12 : memref<!tpu.dma_semaphore, #tpu.memory_space<semaphore_mem>>)
    %scan3A = arith.constant 0 : i32
    %scan3A_15 = arith.constant 0 : i32
    %scan3A_16 = arith.constant 25 : i32
    %scan3A_17 = arith.addi %scan3A_15, %scan3A_16 : i32
    %scan3A_18 = arith.constant 1 : i32
    scf.for %scan3A_91 = %scan3A_15 to %scan3A_17 step %scan3A_18  : i32 {
      %mul3A_92 = arith.constant 1 : i32
      %mul3A_93 = arith.muli %scan3A_91, %mul3A_92 : i32
      %add3A = arith.constant 0 : i32
      %add3A_94 = arith.addi %add3A, %mul3A_93 : i32
      %mul3A_95 = arith.constant 2 : i32
      %mul3A_96 = arith.muli %mul3A_95, %add3A_94 : i32
      %mul3A_97 = arith.constant 2 : i32
      %mul3A_98 = arith.muli %mul3A_97, %add3A_94 : i32
      %add3A_99 = arith.constant 1 : i32
      %add3A_100 = arith.addi %mul3A_98, %add3A_99 : i32
      %dma_start3A_101 = arith.constant 0 : i32
      %dma_start3A_102 = tpu.memref_slice %arg7[%add3A_100, %dma_start3A_101] : memref<50x125xi32, #tpu.memory_space<vmem>> -> memref<1x125xi32, #tpu.memory_space<vmem>>
      %dma_start3A_103 = tpu.memref_squeeze %dma_start3A_102 : memref<1x125xi32, #tpu.memory_space<vmem>> -> memref<125xi32, #tpu.memory_space<vmem>>
      %dma_start3A_104 = arith.constant 0 : i32
      %dma_start3A_105 = arith.constant 0 : i32
      %dma_start3A_106 = tpu.memref_slice %arg2[%scan3A, %arg0, %dma_start3A_104, %dma_start3A_105] : memref<3x2x10000x128xf32, #tpu.memory_space<hbm>> -> memref<1x1x10000x128xf32, #tpu.memory_space<hbm>>
      %dma_start3A_107 = tpu.memref_squeeze %dma_start3A_106 : memref<1x1x10000x128xf32, #tpu.memory_space<hbm>> -> memref<10000x128xf32, #tpu.memory_space<hbm>>
      %dma_start3A_108 = arith.constant 0 : i32
      %dma_start3A_109 = arith.constant 0 : i32
      %dma_start3A_110 = tpu.memref_slice %dma_start3A_107[%dma_start3A_108, %dma_start3A_109] : memref<10000x128xf32, #tpu.memory_space<hbm>> -> memref<10000x128xf32, #tpu.memory_space<hbm>>
      tpu.enqueue_indirect_dma source(%dma_start3A_110 : memref<10000x128xf32, #tpu.memory_space<hbm>>) target(%arg10 : memref<125x128xf32, #tpu.memory_space<vmem>>) offsets(%dma_start3A_103 : memref<125xi32, #tpu.memory_space<vmem>>) semaphore(%arg13 : memref<!tpu.dma_semaphore, #tpu.memory_space<semaphore_mem>>)
      %dma_wait3A = arith.constant 0 : i32
      %dma_wait3A_111 = arith.constant 0 : i32
      %dma_wait3A_112 = tpu.memref_slice %arg7[%dma_wait3A, %dma_wait3A_111] : memref<50x125xi32, #tpu.memory_space<vmem>> -> memref<1x125xi32, #tpu.memory_space<vmem>>
      %dma_wait3A_113 = tpu.memref_squeeze %dma_wait3A_112 : memref<1x125xi32, #tpu.memory_space<vmem>> -> memref<125xi32, #tpu.memory_space<vmem>>
      %dma_wait3A_114 = arith.constant 0 : i32
      %dma_wait3A_115 = arith.constant 0 : i32
      %dma_wait3A_116 = tpu.memref_slice %arg2[%scan3A, %arg0, %dma_wait3A_114, %dma_wait3A_115] : memref<3x2x10000x128xf32, #tpu.memory_space<hbm>> -> memref<1x1x10000x128xf32, #tpu.memory_space<hbm>>
      %dma_wait3A_117 = tpu.memref_squeeze %dma_wait3A_116 : memref<1x1x10000x128xf32, #tpu.memory_space<hbm>> -> memref<10000x128xf32, #tpu.memory_space<hbm>>
      %dma_wait3A_118 = arith.constant 0 : i32
      %dma_wait3A_119 = arith.constant 0 : i32
      %dma_wait3A_120 = tpu.memref_slice %dma_wait3A_117[%dma_wait3A_118, %dma_wait3A_119] : memref<10000x128xf32, #tpu.memory_space<hbm>> -> memref<10000x128xf32, #tpu.memory_space<hbm>>
      tpu.wait_indirect_dma semaphore(%arg12 : memref<!tpu.dma_semaphore, #tpu.memory_space<semaphore_mem>>) src(%dma_wait3A_120 : memref<10000x128xf32, #tpu.memory_space<hbm>>) dst(%arg9 : memref<125x128xf32, #tpu.memory_space<vmem>>)
      "tpu.region"() ({
        %run_scoped3A_136 = tpu.sem_alloc : memref<!tpu.dma_semaphore, #tpu.memory_space<semaphore_mem>>
        %dma_start3A_137 = arith.constant 0 : i32
        %dma_start3A_138 = tpu.memref_slice %arg8[%mul3A_96, %dma_start3A_137] : memref<50x125xi32, #tpu.memory_space<vmem>> -> memref<1x125xi32, #tpu.memory_space<vmem>>
        %dma_start3A_139 = tpu.memref_squeeze %dma_start3A_138 : memref<1x125xi32, #tpu.memory_space<vmem>> -> memref<125xi32, #tpu.memory_space<vmem>>
        %dma_start3A_140 = arith.constant 0 : i32
        %dma_start3A_141 = arith.constant 0 : i32
        %dma_start3A_142 = tpu.memref_slice %arg11[%dma_start3A_140, %dma_start3A_141] : memref<10240x128xf32, #tpu.memory_space<vmem_shared>> -> memref<10240x128xf32, #tpu.memory_space<vmem_shared>>
        tpu.enqueue_indirect_dma source(%arg9 : memref<125x128xf32, #tpu.memory_space<vmem>>) target(%dma_start3A_142 : memref<10240x128xf32, #tpu.memory_space<vmem_shared>>) offsets(%dma_start3A_139 : memref<125xi32, #tpu.memory_space<vmem>>) semaphore(%run_scoped3A_136 : memref<!tpu.dma_semaphore, #tpu.memory_space<semaphore_mem>>) {add = true}
        %dma_wait3A_143 = arith.constant 0 : i32
        %dma_wait3A_144 = tpu.memref_slice %arg8[%mul3A_96, %dma_wait3A_143] : memref<50x125xi32, #tpu.memory_space<vmem>> -> memref<1x125xi32, #tpu.memory_space<vmem>>
        %dma_wait3A_145 = tpu.memref_squeeze %dma_wait3A_144 : memref<1x125xi32, #tpu.memory_space<vmem>> -> memref<125xi32, #tpu.memory_space<vmem>>
        %dma_wait3A_146 = arith.constant 0 : i32
        %dma_wait3A_147 = arith.constant 0 : i32
        %dma_wait3A_148 = tpu.memref_slice %arg11[%dma_wait3A_146, %dma_wait3A_147] : memref<10240x128xf32, #tpu.memory_space<vmem_shared>> -> memref<10240x128xf32, #tpu.memory_space<vmem_shared>>
        tpu.wait_indirect_dma semaphore(%run_scoped3A_136 : memref<!tpu.dma_semaphore, #tpu.memory_space<semaphore_mem>>) src(%arg9 : memref<125x128xf32, #tpu.memory_space<vmem>>) dst(%dma_wait3A_148 : memref<10240x128xf32, #tpu.memory_space<vmem_shared>>)
        tpu.yield
      }) : () -> ()
      %add3A_121 = arith.constant 1 : i32
      %add3A_122 = arith.addi %add3A_100, %add3A_121 : i32
      %lt3A = arith.constant 50 : i32
      %lt3A_123 = arith.cmpi slt, %add3A_122, %lt3A : i32
      %convert_element_type3A = arith.extui %lt3A_123 : i1 to i32
      %cond3A = arith.constant 0 : i32
      %cond3A_124 = arith.cmpi ne, %convert_element_type3A, %cond3A : i32
      scf.if %cond3A_124 {
        %add3A_136 = arith.constant 1 : i32
        %add3A_137 = arith.addi %add3A_100, %add3A_136 : i32
        %dma_start3A_138 = arith.constant 0 : i32
        %dma_start3A_139 = tpu.memref_slice %arg7[%add3A_137, %dma_start3A_138] : memref<50x125xi32, #tpu.memory_space<vmem>> -> memref<1x125xi32, #tpu.memory_space<vmem>>
        %dma_start3A_140 = tpu.memref_squeeze %dma_start3A_139 : memref<1x125xi32, #tpu.memory_space<vmem>> -> memref<125xi32, #tpu.memory_space<vmem>>
        %dma_start3A_141 = arith.constant 0 : i32
        %dma_start3A_142 = arith.constant 0 : i32
        %dma_start3A_143 = tpu.memref_slice %arg2[%scan3A, %arg0, %dma_start3A_141, %dma_start3A_142] : memref<3x2x10000x128xf32, #tpu.memory_space<hbm>> -> memref<1x1x10000x128xf32, #tpu.memory_space<hbm>>
        %dma_start3A_144 = tpu.memref_squeeze %dma_start3A_143 : memref<1x1x10000x128xf32, #tpu.memory_space<hbm>> -> memref<10000x128xf32, #tpu.memory_space<hbm>>
        %dma_start3A_145 = arith.constant 0 : i32
        %dma_start3A_146 = arith.constant 0 : i32
        %dma_start3A_147 = tpu.memref_slice %dma_start3A_144[%dma_start3A_145, %dma_start3A_146] : memref<10000x128xf32, #tpu.memory_space<hbm>> -> memref<10000x128xf32, #tpu.memory_space<hbm>>
        tpu.enqueue_indirect_dma source(%dma_start3A_147 : memref<10000x128xf32, #tpu.memory_space<hbm>>) target(%arg9 : memref<125x128xf32, #tpu.memory_space<vmem>>) offsets(%dma_start3A_140 : memref<125xi32, #tpu.memory_space<vmem>>) semaphore(%arg12 : memref<!tpu.dma_semaphore, #tpu.memory_space<semaphore_mem>>)
      } else {
      }
      %dma_wait3A_125 = arith.constant 0 : i32
      %dma_wait3A_126 = arith.constant 0 : i32
      %dma_wait3A_127 = tpu.memref_slice %arg7[%dma_wait3A_125, %dma_wait3A_126] : memref<50x125xi32, #tpu.memory_space<vmem>> -> memref<1x125xi32, #tpu.memory_space<vmem>>
      %dma_wait3A_128 = tpu.memref_squeeze %dma_wait3A_127 : memref<1x125xi32, #tpu.memory_space<vmem>> -> memref<125xi32, #tpu.memory_space<vmem>>
      %dma_wait3A_129 = arith.constant 0 : i32
      %dma_wait3A_130 = arith.constant 0 : i32
      %dma_wait3A_131 = tpu.memref_slice %arg2[%scan3A, %arg0, %dma_wait3A_129, %dma_wait3A_130] : memref<3x2x10000x128xf32, #tpu.memory_space<hbm>> -> memref<1x1x10000x128xf32, #tpu.memory_space<hbm>>
      %dma_wait3A_132 = tpu.memref_squeeze %dma_wait3A_131 : memref<1x1x10000x128xf32, #tpu.memory_space<hbm>> -> memref<10000x128xf32, #tpu.memory_space<hbm>>
      %dma_wait3A_133 = arith.constant 0 : i32
      %dma_wait3A_134 = arith.constant 0 : i32
      %dma_wait3A_135 = tpu.memref_slice %dma_wait3A_132[%dma_wait3A_133, %dma_wait3A_134] : memref<10000x128xf32, #tpu.memory_space<hbm>> -> memref<10000x128xf32, #tpu.memory_space<hbm>>
      tpu.wait_indirect_dma semaphore(%arg13 : memref<!tpu.dma_semaphore, #tpu.memory_space<semaphore_mem>>) src(%dma_wait3A_135 : memref<10000x128xf32, #tpu.memory_space<hbm>>) dst(%arg10 : memref<125x128xf32, #tpu.memory_space<vmem>>)
      "tpu.region"() ({
        %run_scoped3A_136 = tpu.sem_alloc : memref<!tpu.dma_semaphore, #tpu.memory_space<semaphore_mem>>
        %dma_start3A_137 = arith.constant 0 : i32
        %dma_start3A_138 = tpu.memref_slice %arg8[%add3A_100, %dma_start3A_137] : memref<50x125xi32, #tpu.memory_space<vmem>> -> memref<1x125xi32, #tpu.memory_space<vmem>>
        %dma_start3A_139 = tpu.memref_squeeze %dma_start3A_138 : memref<1x125xi32, #tpu.memory_space<vmem>> -> memref<125xi32, #tpu.memory_space<vmem>>
        %dma_start3A_140 = arith.constant 0 : i32
        %dma_start3A_141 = arith.constant 0 : i32
        %dma_start3A_142 = tpu.memref_slice %arg11[%dma_start3A_140, %dma_start3A_141] : memref<10240x128xf32, #tpu.memory_space<vmem_shared>> -> memref<10240x128xf32, #tpu.memory_space<vmem_shared>>
        tpu.enqueue_indirect_dma source(%arg10 : memref<125x128xf32, #tpu.memory_space<vmem>>) target(%dma_start3A_142 : memref<10240x128xf32, #tpu.memory_space<vmem_shared>>) offsets(%dma_start3A_139 : memref<125xi32, #tpu.memory_space<vmem>>) semaphore(%run_scoped3A_136 : memref<!tpu.dma_semaphore, #tpu.memory_space<semaphore_mem>>) {add = true}
        %dma_wait3A_143 = arith.constant 0 : i32
        %dma_wait3A_144 = tpu.memref_slice %arg8[%add3A_100, %dma_wait3A_143] : memref<50x125xi32, #tpu.memory_space<vmem>> -> memref<1x125xi32, #tpu.memory_space<vmem>>
        %dma_wait3A_145 = tpu.memref_squeeze %dma_wait3A_144 : memref<1x125xi32, #tpu.memory_space<vmem>> -> memref<125xi32, #tpu.memory_space<vmem>>
        %dma_wait3A_146 = arith.constant 0 : i32
        %dma_wait3A_147 = arith.constant 0 : i32
        %dma_wait3A_148 = tpu.memref_slice %arg11[%dma_wait3A_146, %dma_wait3A_147] : memref<10240x128xf32, #tpu.memory_space<vmem_shared>> -> memref<10240x128xf32, #tpu.memory_space<vmem_shared>>
        tpu.wait_indirect_dma semaphore(%run_scoped3A_136 : memref<!tpu.dma_semaphore, #tpu.memory_space<semaphore_mem>>) src(%arg10 : memref<125x128xf32, #tpu.memory_space<vmem>>) dst(%dma_wait3A_148 : memref<10240x128xf32, #tpu.memory_space<vmem_shared>>)
        tpu.yield
      }) : () -> ()
    }
    %scan3A_19 = arith.constant 25 : i32
    %barrier3A_20 = arith.constant 0 : index
    tpu.barrier barrier_id(%barrier3A_20)
    %mul3A_21 = arith.constant 640 : i32
    %mul3A_22 = arith.muli %arg1, %mul3A_21 : i32
    %mul3A_23 = arith.constant 640 : i32
    %mul3A_24 = arith.muli %arg1, %mul3A_23 : i32
    %run_scoped3A_25 = arith.constant 0 : i32
    "tpu.region"() ({
      %run_scoped3A_91 = tpu.sem_alloc : memref<!tpu.dma_semaphore, #tpu.memory_space<semaphore_mem>>
      %dma_start3A_92 = arith.constant 0 : i32
      %dma_start3A_93 = tpu.memref_slice %arg6[%run_scoped3A_25, %arg0, %mul3A_24, %dma_start3A_92] : memref<3x2x10240x128xf32, #tpu.memory_space<hbm>> -> memref<1x1x640x128xf32, #tpu.memory_space<hbm>>
      %dma_start3A_94 = tpu.memref_squeeze %dma_start3A_93 : memref<1x1x640x128xf32, #tpu.memory_space<hbm>> -> memref<640x128xf32, #tpu.memory_space<hbm>>
      %dma_start3A_95 = arith.constant 0 : i32
      %dma_start3A_96 = tpu.memref_slice %arg11[%mul3A_22, %dma_start3A_95] : memref<10240x128xf32, #tpu.memory_space<vmem_shared>> -> memref<640x128xf32, #tpu.memory_space<vmem_shared>>
      tpu.enqueue_dma source(%dma_start3A_96 : memref<640x128xf32, #tpu.memory_space<vmem_shared>>) target(%dma_start3A_94 : memref<640x128xf32, #tpu.memory_space<hbm>>) target_semaphore(%run_scoped3A_91 : memref<!tpu.dma_semaphore, #tpu.memory_space<semaphore_mem>>)
      %dma_wait3A = arith.constant 0 : i32
      %dma_wait3A_97 = tpu.memref_slice %arg6[%run_scoped3A_25, %arg0, %mul3A_24, %dma_wait3A] : memref<3x2x10240x128xf32, #tpu.memory_space<hbm>> -> memref<1x1x640x128xf32, #tpu.memory_space<hbm>>
      %dma_wait3A_98 = tpu.memref_squeeze %dma_wait3A_97 : memref<1x1x640x128xf32, #tpu.memory_space<hbm>> -> memref<640x128xf32, #tpu.memory_space<hbm>>
      %dma_wait3A_99 = arith.constant 0 : i32
      %dma_wait3A_100 = tpu.memref_slice %arg11[%mul3A_22, %dma_wait3A_99] : memref<10240x128xf32, #tpu.memory_space<vmem_shared>> -> memref<640x128xf32, #tpu.memory_space<vmem_shared>>
      tpu.wait_dma2 semaphore(%run_scoped3A_91 : memref<!tpu.dma_semaphore, #tpu.memory_space<semaphore_mem>>) src(%dma_wait3A_100 : memref<640x128xf32, #tpu.memory_space<vmem_shared>>) dst(%dma_wait3A_98 : memref<640x128xf32, #tpu.memory_space<hbm>>)
      tpu.yield
    }) : () -> ()
    %barrier3A_26 = arith.constant 0 : index
    tpu.barrier barrier_id(%barrier3A_26)
    %mul3A_27 = arith.constant 640 : i32
    %mul3A_28 = arith.muli %arg1, %mul3A_27 : i32
    %mul3A_29 = arith.constant 640 : i32
    %mul3A_30 = arith.muli %arg1, %mul3A_29 : i32
    "tpu.region"() ({
      %run_scoped3A_91 = tpu.sem_alloc : memref<!tpu.dma_semaphore, #tpu.memory_space<semaphore_mem>>
      %dma_start3A_92 = arith.constant 0 : i32
      %dma_start3A_93 = tpu.memref_slice %arg11[%mul3A_30, %dma_start3A_92] : memref<10240x128xf32, #tpu.memory_space<vmem_shared>> -> memref<640x128xf32, #tpu.memory_space<vmem_shared>>
      %dma_start3A_94 = arith.constant 0 : i32
      %dma_start3A_95 = tpu.memref_slice %arg5[%mul3A_28, %dma_start3A_94] : memref<10240x128xf32, #tpu.memory_space<hbm>> -> memref<640x128xf32, #tpu.memory_space<hbm>>
      tpu.enqueue_dma source(%dma_start3A_95 : memref<640x128xf32, #tpu.memory_space<hbm>>) target(%dma_start3A_93 : memref<640x128xf32, #tpu.memory_space<vmem_shared>>) target_semaphore(%run_scoped3A_91 : memref<!tpu.dma_semaphore, #tpu.memory_space<semaphore_mem>>)
      %dma_wait3A = arith.constant 0 : i32
      %dma_wait3A_96 = tpu.memref_slice %arg11[%mul3A_30, %dma_wait3A] : memref<10240x128xf32, #tpu.memory_space<vmem_shared>> -> memref<640x128xf32, #tpu.memory_space<vmem_shared>>
      %dma_wait3A_97 = arith.constant 0 : i32
      %dma_wait3A_98 = tpu.memref_slice %arg5[%mul3A_28, %dma_wait3A_97] : memref<10240x128xf32, #tpu.memory_space<hbm>> -> memref<640x128xf32, #tpu.memory_space<hbm>>
      tpu.wait_dma2 semaphore(%run_scoped3A_91 : memref<!tpu.dma_semaphore, #tpu.memory_space<semaphore_mem>>) src(%dma_wait3A_98 : memref<640x128xf32, #tpu.memory_space<hbm>>) dst(%dma_wait3A_96 : memref<640x128xf32, #tpu.memory_space<vmem_shared>>)
      tpu.yield
    }) : () -> ()
    %run_scoped3A_31 = arith.constant 1 : i32
    "tpu.region"() ({
      %run_scoped3A_91 = tpu.sem_alloc : memref<!tpu.dma_semaphore, #tpu.memory_space<semaphore_mem>>
      %dma_start3A_92 = arith.constant 0 : i32
      %dma_start3A_93 = arith.constant 0 : i32
      %dma_start3A_94 = tpu.memref_slice %arg3[%run_scoped3A_31, %arg1, %dma_start3A_92, %dma_start3A_93] : memref<3x16x50x125xi32, #tpu.memory_space<hbm>> -> memref<1x1x50x125xi32, #tpu.memory_space<hbm>>
      %dma_start3A_95 = tpu.memref_squeeze %dma_start3A_94 : memref<1x1x50x125xi32, #tpu.memory_space<hbm>> -> memref<50x125xi32, #tpu.memory_space<hbm>>
      %dma_start3A_96 = arith.constant 0 : i32
      %dma_start3A_97 = arith.constant 0 : i32
      %dma_start3A_98 = tpu.memref_slice %arg3[%run_scoped3A_31, %arg1, %dma_start3A_96, %dma_start3A_97] : memref<3x16x50x125xi32, #tpu.memory_space<hbm>> -> memref<1x1x50x125xi32, #tpu.memory_space<hbm>>
      %dma_start3A_99 = tpu.memref_squeeze %dma_start3A_98 : memref<1x1x50x125xi32, #tpu.memory_space<hbm>> -> memref<50x125xi32, #tpu.memory_space<hbm>>
      tpu.enqueue_dma source(%dma_start3A_99 : memref<50x125xi32, #tpu.memory_space<hbm>>) target(%arg7 : memref<50x125xi32, #tpu.memory_space<vmem>>) target_semaphore(%run_scoped3A_91 : memref<!tpu.dma_semaphore, #tpu.memory_space<semaphore_mem>>)
      %dma_wait3A = arith.constant 0 : i32
      %dma_wait3A_100 = arith.constant 0 : i32
      %dma_wait3A_101 = tpu.memref_slice %arg3[%run_scoped3A_31, %arg1, %dma_wait3A, %dma_wait3A_100] : memref<3x16x50x125xi32, #tpu.memory_space<hbm>> -> memref<1x1x50x125xi32, #tpu.memory_space<hbm>>
      %dma_wait3A_102 = tpu.memref_squeeze %dma_wait3A_101 : memref<1x1x50x125xi32, #tpu.memory_space<hbm>> -> memref<50x125xi32, #tpu.memory_space<hbm>>
      %dma_wait3A_103 = arith.constant 0 : i32
      %dma_wait3A_104 = arith.constant 0 : i32
      %dma_wait3A_105 = tpu.memref_slice %arg3[%run_scoped3A_31, %arg1, %dma_wait3A_103, %dma_wait3A_104] : memref<3x16x50x125xi32, #tpu.memory_space<hbm>> -> memref<1x1x50x125xi32, #tpu.memory_space<hbm>>
      %dma_wait3A_106 = tpu.memref_squeeze %dma_wait3A_105 : memref<1x1x50x125xi32, #tpu.memory_space<hbm>> -> memref<50x125xi32, #tpu.memory_space<hbm>>
      tpu.wait_dma2 semaphore(%run_scoped3A_91 : memref<!tpu.dma_semaphore, #tpu.memory_space<semaphore_mem>>) src(%dma_wait3A_106 : memref<50x125xi32, #tpu.memory_space<hbm>>) dst(%arg7 : memref<50x125xi32, #tpu.memory_space<vmem>>)
      tpu.yield
    }) : () -> ()
    %run_scoped3A_32 = arith.constant 1 : i32
    "tpu.region"() ({
      %run_scoped3A_91 = tpu.sem_alloc : memref<!tpu.dma_semaphore, #tpu.memory_space<semaphore_mem>>
      %dma_start3A_92 = arith.constant 0 : i32
      %dma_start3A_93 = arith.constant 0 : i32
      %dma_start3A_94 = tpu.memref_slice %arg4[%run_scoped3A_32, %arg1, %dma_start3A_92, %dma_start3A_93] : memref<3x16x50x125xi32, #tpu.memory_space<hbm>> -> memref<1x1x50x125xi32, #tpu.memory_space<hbm>>
      %dma_start3A_95 = tpu.memref_squeeze %dma_start3A_94 : memref<1x1x50x125xi32, #tpu.memory_space<hbm>> -> memref<50x125xi32, #tpu.memory_space<hbm>>
      %dma_start3A_96 = arith.constant 0 : i32
      %dma_start3A_97 = arith.constant 0 : i32
      %dma_start3A_98 = tpu.memref_slice %arg4[%run_scoped3A_32, %arg1, %dma_start3A_96, %dma_start3A_97] : memref<3x16x50x125xi32, #tpu.memory_space<hbm>> -> memref<1x1x50x125xi32, #tpu.memory_space<hbm>>
      %dma_start3A_99 = tpu.memref_squeeze %dma_start3A_98 : memref<1x1x50x125xi32, #tpu.memory_space<hbm>> -> memref<50x125xi32, #tpu.memory_space<hbm>>
      tpu.enqueue_dma source(%dma_start3A_99 : memref<50x125xi32, #tpu.memory_space<hbm>>) target(%arg8 : memref<50x125xi32, #tpu.memory_space<vmem>>) target_semaphore(%run_scoped3A_91 : memref<!tpu.dma_semaphore, #tpu.memory_space<semaphore_mem>>)
      %dma_wait3A = arith.constant 0 : i32
      %dma_wait3A_100 = arith.constant 0 : i32
      %dma_wait3A_101 = tpu.memref_slice %arg4[%run_scoped3A_32, %arg1, %dma_wait3A, %dma_wait3A_100] : memref<3x16x50x125xi32, #tpu.memory_space<hbm>> -> memref<1x1x50x125xi32, #tpu.memory_space<hbm>>
      %dma_wait3A_102 = tpu.memref_squeeze %dma_wait3A_101 : memref<1x1x50x125xi32, #tpu.memory_space<hbm>> -> memref<50x125xi32, #tpu.memory_space<hbm>>
      %dma_wait3A_103 = arith.constant 0 : i32
      %dma_wait3A_104 = arith.constant 0 : i32
      %dma_wait3A_105 = tpu.memref_slice %arg4[%run_scoped3A_32, %arg1, %dma_wait3A_103, %dma_wait3A_104] : memref<3x16x50x125xi32, #tpu.memory_space<hbm>> -> memref<1x1x50x125xi32, #tpu.memory_space<hbm>>
      %dma_wait3A_106 = tpu.memref_squeeze %dma_wait3A_105 : memref<1x1x50x125xi32, #tpu.memory_space<hbm>> -> memref<50x125xi32, #tpu.memory_space<hbm>>
      tpu.wait_dma2 semaphore(%run_scoped3A_91 : memref<!tpu.dma_semaphore, #tpu.memory_space<semaphore_mem>>) src(%dma_wait3A_106 : memref<50x125xi32, #tpu.memory_space<hbm>>) dst(%arg8 : memref<50x125xi32, #tpu.memory_space<vmem>>)
      tpu.yield
    }) : () -> ()
    %barrier3A_33 = arith.constant 0 : index
    tpu.barrier barrier_id(%barrier3A_33)
    %dma_start3A_34 = arith.constant 1 : i32
    %dma_start3A_35 = arith.constant 0 : i32
    %dma_start3A_36 = arith.constant 0 : i32
    %dma_start3A_37 = tpu.memref_slice %arg7[%dma_start3A_35, %dma_start3A_36] : memref<50x125xi32, #tpu.memory_space<vmem>> -> memref<1x125xi32, #tpu.memory_space<vmem>>
    %dma_start3A_38 = tpu.memref_squeeze %dma_start3A_37 : memref<1x125xi32, #tpu.memory_space<vmem>> -> memref<125xi32, #tpu.memory_space<vmem>>
    %dma_start3A_39 = arith.constant 0 : i32
    %dma_start3A_40 = arith.constant 0 : i32
    %dma_start3A_41 = tpu.memref_slice %arg2[%dma_start3A_34, %arg0, %dma_start3A_39, %dma_start3A_40] : memref<3x2x10000x128xf32, #tpu.memory_space<hbm>> -> memref<1x1x10000x128xf32, #tpu.memory_space<hbm>>
    %dma_start3A_42 = tpu.memref_squeeze %dma_start3A_41 : memref<1x1x10000x128xf32, #tpu.memory_space<hbm>> -> memref<10000x128xf32, #tpu.memory_space<hbm>>
    %dma_start3A_43 = arith.constant 0 : i32
    %dma_start3A_44 = arith.constant 0 : i32
    %dma_start3A_45 = tpu.memref_slice %dma_start3A_42[%dma_start3A_43, %dma_start3A_44] : memref<10000x128xf32, #tpu.memory_space<hbm>> -> memref<10000x128xf32, #tpu.memory_space<hbm>>
    tpu.enqueue_indirect_dma source(%dma_start3A_45 : memref<10000x128xf32, #tpu.memory_space<hbm>>) target(%arg9 : memref<125x128xf32, #tpu.memory_space<vmem>>) offsets(%dma_start3A_38 : memref<125xi32, #tpu.memory_space<vmem>>) semaphore(%arg12 : memref<!tpu.dma_semaphore, #tpu.memory_space<semaphore_mem>>)
    %scan3A_46 = arith.constant 1 : i32
    %scan3A_47 = arith.constant 0 : i32
    %scan3A_48 = arith.constant 25 : i32
    %scan3A_49 = arith.addi %scan3A_47, %scan3A_48 : i32
    %scan3A_50 = arith.constant 1 : i32
    scf.for %scan3A_91 = %scan3A_47 to %scan3A_49 step %scan3A_50  : i32 {
      %mul3A_92 = arith.constant 1 : i32
      %mul3A_93 = arith.muli %scan3A_91, %mul3A_92 : i32
      %add3A = arith.constant 0 : i32
      %add3A_94 = arith.addi %add3A, %mul3A_93 : i32
      %mul3A_95 = arith.constant 2 : i32
      %mul3A_96 = arith.muli %mul3A_95, %add3A_94 : i32
      %mul3A_97 = arith.constant 2 : i32
      %mul3A_98 = arith.muli %mul3A_97, %add3A_94 : i32
      %add3A_99 = arith.constant 1 : i32
      %add3A_100 = arith.addi %mul3A_98, %add3A_99 : i32
      %dma_start3A_101 = arith.constant 0 : i32
      %dma_start3A_102 = tpu.memref_slice %arg7[%add3A_100, %dma_start3A_101] : memref<50x125xi32, #tpu.memory_space<vmem>> -> memref<1x125xi32, #tpu.memory_space<vmem>>
      %dma_start3A_103 = tpu.memref_squeeze %dma_start3A_102 : memref<1x125xi32, #tpu.memory_space<vmem>> -> memref<125xi32, #tpu.memory_space<vmem>>
      %dma_start3A_104 = arith.constant 0 : i32
      %dma_start3A_105 = arith.constant 0 : i32
      %dma_start3A_106 = tpu.memref_slice %arg2[%scan3A_46, %arg0, %dma_start3A_104, %dma_start3A_105] : memref<3x2x10000x128xf32, #tpu.memory_space<hbm>> -> memref<1x1x10000x128xf32, #tpu.memory_space<hbm>>
      %dma_start3A_107 = tpu.memref_squeeze %dma_start3A_106 : memref<1x1x10000x128xf32, #tpu.memory_space<hbm>> -> memref<10000x128xf32, #tpu.memory_space<hbm>>
      %dma_start3A_108 = arith.constant 0 : i32
      %dma_start3A_109 = arith.constant 0 : i32
      %dma_start3A_110 = tpu.memref_slice %dma_start3A_107[%dma_start3A_108, %dma_start3A_109] : memref<10000x128xf32, #tpu.memory_space<hbm>> -> memref<10000x128xf32, #tpu.memory_space<hbm>>
      tpu.enqueue_indirect_dma source(%dma_start3A_110 : memref<10000x128xf32, #tpu.memory_space<hbm>>) target(%arg10 : memref<125x128xf32, #tpu.memory_space<vmem>>) offsets(%dma_start3A_103 : memref<125xi32, #tpu.memory_space<vmem>>) semaphore(%arg13 : memref<!tpu.dma_semaphore, #tpu.memory_space<semaphore_mem>>)
      %dma_wait3A = arith.constant 0 : i32
      %dma_wait3A_111 = arith.constant 0 : i32
      %dma_wait3A_112 = tpu.memref_slice %arg7[%dma_wait3A, %dma_wait3A_111] : memref<50x125xi32, #tpu.memory_space<vmem>> -> memref<1x125xi32, #tpu.memory_space<vmem>>
      %dma_wait3A_113 = tpu.memref_squeeze %dma_wait3A_112 : memref<1x125xi32, #tpu.memory_space<vmem>> -> memref<125xi32, #tpu.memory_space<vmem>>
      %dma_wait3A_114 = arith.constant 0 : i32
      %dma_wait3A_115 = arith.constant 0 : i32
      %dma_wait3A_116 = tpu.memref_slice %arg2[%scan3A_46, %arg0, %dma_wait3A_114, %dma_wait3A_115] : memref<3x2x10000x128xf32, #tpu.memory_space<hbm>> -> memref<1x1x10000x128xf32, #tpu.memory_space<hbm>>
      %dma_wait3A_117 = tpu.memref_squeeze %dma_wait3A_116 : memref<1x1x10000x128xf32, #tpu.memory_space<hbm>> -> memref<10000x128xf32, #tpu.memory_space<hbm>>
      %dma_wait3A_118 = arith.constant 0 : i32
      %dma_wait3A_119 = arith.constant 0 : i32
      %dma_wait3A_120 = tpu.memref_slice %dma_wait3A_117[%dma_wait3A_118, %dma_wait3A_119] : memref<10000x128xf32, #tpu.memory_space<hbm>> -> memref<10000x128xf32, #tpu.memory_space<hbm>>
      tpu.wait_indirect_dma semaphore(%arg12 : memref<!tpu.dma_semaphore, #tpu.memory_space<semaphore_mem>>) src(%dma_wait3A_120 : memref<10000x128xf32, #tpu.memory_space<hbm>>) dst(%arg9 : memref<125x128xf32, #tpu.memory_space<vmem>>)
      "tpu.region"() ({
        %run_scoped3A_136 = tpu.sem_alloc : memref<!tpu.dma_semaphore, #tpu.memory_space<semaphore_mem>>
        %dma_start3A_137 = arith.constant 0 : i32
        %dma_start3A_138 = tpu.memref_slice %arg8[%mul3A_96, %dma_start3A_137] : memref<50x125xi32, #tpu.memory_space<vmem>> -> memref<1x125xi32, #tpu.memory_space<vmem>>
        %dma_start3A_139 = tpu.memref_squeeze %dma_start3A_138 : memref<1x125xi32, #tpu.memory_space<vmem>> -> memref<125xi32, #tpu.memory_space<vmem>>
        %dma_start3A_140 = arith.constant 0 : i32
        %dma_start3A_141 = arith.constant 0 : i32
        %dma_start3A_142 = tpu.memref_slice %arg11[%dma_start3A_140, %dma_start3A_141] : memref<10240x128xf32, #tpu.memory_space<vmem_shared>> -> memref<10240x128xf32, #tpu.memory_space<vmem_shared>>
        tpu.enqueue_indirect_dma source(%arg9 : memref<125x128xf32, #tpu.memory_space<vmem>>) target(%dma_start3A_142 : memref<10240x128xf32, #tpu.memory_space<vmem_shared>>) offsets(%dma_start3A_139 : memref<125xi32, #tpu.memory_space<vmem>>) semaphore(%run_scoped3A_136 : memref<!tpu.dma_semaphore, #tpu.memory_space<semaphore_mem>>) {add = true}
        %dma_wait3A_143 = arith.constant 0 : i32
        %dma_wait3A_144 = tpu.memref_slice %arg8[%mul3A_96, %dma_wait3A_143] : memref<50x125xi32, #tpu.memory_space<vmem>> -> memref<1x125xi32, #tpu.memory_space<vmem>>
        %dma_wait3A_145 = tpu.memref_squeeze %dma_wait3A_144 : memref<1x125xi32, #tpu.memory_space<vmem>> -> memref<125xi32, #tpu.memory_space<vmem>>
        %dma_wait3A_146 = arith.constant 0 : i32
        %dma_wait3A_147 = arith.constant 0 : i32
        %dma_wait3A_148 = tpu.memref_slice %arg11[%dma_wait3A_146, %dma_wait3A_147] : memref<10240x128xf32, #tpu.memory_space<vmem_shared>> -> memref<10240x128xf32, #tpu.memory_space<vmem_shared>>
        tpu.wait_indirect_dma semaphore(%run_scoped3A_136 : memref<!tpu.dma_semaphore, #tpu.memory_space<semaphore_mem>>) src(%arg9 : memref<125x128xf32, #tpu.memory_space<vmem>>) dst(%dma_wait3A_148 : memref<10240x128xf32, #tpu.memory_space<vmem_shared>>)
        tpu.yield
      }) : () -> ()
      %add3A_121 = arith.constant 1 : i32
      %add3A_122 = arith.addi %add3A_100, %add3A_121 : i32
      %lt3A = arith.constant 50 : i32
      %lt3A_123 = arith.cmpi slt, %add3A_122, %lt3A : i32
      %convert_element_type3A = arith.extui %lt3A_123 : i1 to i32
      %cond3A = arith.constant 0 : i32
      %cond3A_124 = arith.cmpi ne, %convert_element_type3A, %cond3A : i32
      scf.if %cond3A_124 {
        %add3A_136 = arith.constant 1 : i32
        %add3A_137 = arith.addi %add3A_100, %add3A_136 : i32
        %dma_start3A_138 = arith.constant 0 : i32
        %dma_start3A_139 = tpu.memref_slice %arg7[%add3A_137, %dma_start3A_138] : memref<50x125xi32, #tpu.memory_space<vmem>> -> memref<1x125xi32, #tpu.memory_space<vmem>>
        %dma_start3A_140 = tpu.memref_squeeze %dma_start3A_139 : memref<1x125xi32, #tpu.memory_space<vmem>> -> memref<125xi32, #tpu.memory_space<vmem>>
        %dma_start3A_141 = arith.constant 0 : i32
        %dma_start3A_142 = arith.constant 0 : i32
        %dma_start3A_143 = tpu.memref_slice %arg2[%scan3A_46, %arg0, %dma_start3A_141, %dma_start3A_142] : memref<3x2x10000x128xf32, #tpu.memory_space<hbm>> -> memref<1x1x10000x128xf32, #tpu.memory_space<hbm>>
        %dma_start3A_144 = tpu.memref_squeeze %dma_start3A_143 : memref<1x1x10000x128xf32, #tpu.memory_space<hbm>> -> memref<10000x128xf32, #tpu.memory_space<hbm>>
        %dma_start3A_145 = arith.constant 0 : i32
        %dma_start3A_146 = arith.constant 0 : i32
        %dma_start3A_147 = tpu.memref_slice %dma_start3A_144[%dma_start3A_145, %dma_start3A_146] : memref<10000x128xf32, #tpu.memory_space<hbm>> -> memref<10000x128xf32, #tpu.memory_space<hbm>>
        tpu.enqueue_indirect_dma source(%dma_start3A_147 : memref<10000x128xf32, #tpu.memory_space<hbm>>) target(%arg9 : memref<125x128xf32, #tpu.memory_space<vmem>>) offsets(%dma_start3A_140 : memref<125xi32, #tpu.memory_space<vmem>>) semaphore(%arg12 : memref<!tpu.dma_semaphore, #tpu.memory_space<semaphore_mem>>)
      } else {
      }
      %dma_wait3A_125 = arith.constant 0 : i32
      %dma_wait3A_126 = arith.constant 0 : i32
      %dma_wait3A_127 = tpu.memref_slice %arg7[%dma_wait3A_125, %dma_wait3A_126] : memref<50x125xi32, #tpu.memory_space<vmem>> -> memref<1x125xi32, #tpu.memory_space<vmem>>
      %dma_wait3A_128 = tpu.memref_squeeze %dma_wait3A_127 : memref<1x125xi32, #tpu.memory_space<vmem>> -> memref<125xi32, #tpu.memory_space<vmem>>
      %dma_wait3A_129 = arith.constant 0 : i32
      %dma_wait3A_130 = arith.constant 0 : i32
      %dma_wait3A_131 = tpu.memref_slice %arg2[%scan3A_46, %arg0, %dma_wait3A_129, %dma_wait3A_130] : memref<3x2x10000x128xf32, #tpu.memory_space<hbm>> -> memref<1x1x10000x128xf32, #tpu.memory_space<hbm>>
      %dma_wait3A_132 = tpu.memref_squeeze %dma_wait3A_131 : memref<1x1x10000x128xf32, #tpu.memory_space<hbm>> -> memref<10000x128xf32, #tpu.memory_space<hbm>>
      %dma_wait3A_133 = arith.constant 0 : i32
      %dma_wait3A_134 = arith.constant 0 : i32
      %dma_wait3A_135 = tpu.memref_slice %dma_wait3A_132[%dma_wait3A_133, %dma_wait3A_134] : memref<10000x128xf32, #tpu.memory_space<hbm>> -> memref<10000x128xf32, #tpu.memory_space<hbm>>
      tpu.wait_indirect_dma semaphore(%arg13 : memref<!tpu.dma_semaphore, #tpu.memory_space<semaphore_mem>>) src(%dma_wait3A_135 : memref<10000x128xf32, #tpu.memory_space<hbm>>) dst(%arg10 : memref<125x128xf32, #tpu.memory_space<vmem>>)
      "tpu.region"() ({
        %run_scoped3A_136 = tpu.sem_alloc : memref<!tpu.dma_semaphore, #tpu.memory_space<semaphore_mem>>
        %dma_start3A_137 = arith.constant 0 : i32
        %dma_start3A_138 = tpu.memref_slice %arg8[%add3A_100, %dma_start3A_137] : memref<50x125xi32, #tpu.memory_space<vmem>> -> memref<1x125xi32, #tpu.memory_space<vmem>>
        %dma_start3A_139 = tpu.memref_squeeze %dma_start3A_138 : memref<1x125xi32, #tpu.memory_space<vmem>> -> memref<125xi32, #tpu.memory_space<vmem>>
        %dma_start3A_140 = arith.constant 0 : i32
        %dma_start3A_141 = arith.constant 0 : i32
        %dma_start3A_142 = tpu.memref_slice %arg11[%dma_start3A_140, %dma_start3A_141] : memref<10240x128xf32, #tpu.memory_space<vmem_shared>> -> memref<10240x128xf32, #tpu.memory_space<vmem_shared>>
        tpu.enqueue_indirect_dma source(%arg10 : memref<125x128xf32, #tpu.memory_space<vmem>>) target(%dma_start3A_142 : memref<10240x128xf32, #tpu.memory_space<vmem_shared>>) offsets(%dma_start3A_139 : memref<125xi32, #tpu.memory_space<vmem>>) semaphore(%run_scoped3A_136 : memref<!tpu.dma_semaphore, #tpu.memory_space<semaphore_mem>>) {add = true}
        %dma_wait3A_143 = arith.constant 0 : i32
        %dma_wait3A_144 = tpu.memref_slice %arg8[%add3A_100, %dma_wait3A_143] : memref<50x125xi32, #tpu.memory_space<vmem>> -> memref<1x125xi32, #tpu.memory_space<vmem>>
        %dma_wait3A_145 = tpu.memref_squeeze %dma_wait3A_144 : memref<1x125xi32, #tpu.memory_space<vmem>> -> memref<125xi32, #tpu.memory_space<vmem>>
        %dma_wait3A_146 = arith.constant 0 : i32
        %dma_wait3A_147 = arith.constant 0 : i32
        %dma_wait3A_148 = tpu.memref_slice %arg11[%dma_wait3A_146, %dma_wait3A_147] : memref<10240x128xf32, #tpu.memory_space<vmem_shared>> -> memref<10240x128xf32, #tpu.memory_space<vmem_shared>>
        tpu.wait_indirect_dma semaphore(%run_scoped3A_136 : memref<!tpu.dma_semaphore, #tpu.memory_space<semaphore_mem>>) src(%arg10 : memref<125x128xf32, #tpu.memory_space<vmem>>) dst(%dma_wait3A_148 : memref<10240x128xf32, #tpu.memory_space<vmem_shared>>)
        tpu.yield
      }) : () -> ()
    }
    %scan3A_51 = arith.constant 25 : i32
    %barrier3A_52 = arith.constant 0 : index
    tpu.barrier barrier_id(%barrier3A_52)
    %mul3A_53 = arith.constant 640 : i32
    %mul3A_54 = arith.muli %arg1, %mul3A_53 : i32
    %mul3A_55 = arith.constant 640 : i32
    %mul3A_56 = arith.muli %arg1, %mul3A_55 : i32
    %run_scoped3A_57 = arith.constant 1 : i32
    "tpu.region"() ({
      %run_scoped3A_91 = tpu.sem_alloc : memref<!tpu.dma_semaphore, #tpu.memory_space<semaphore_mem>>
      %dma_start3A_92 = arith.constant 0 : i32
      %dma_start3A_93 = tpu.memref_slice %arg6[%run_scoped3A_57, %arg0, %mul3A_56, %dma_start3A_92] : memref<3x2x10240x128xf32, #tpu.memory_space<hbm>> -> memref<1x1x640x128xf32, #tpu.memory_space<hbm>>
      %dma_start3A_94 = tpu.memref_squeeze %dma_start3A_93 : memref<1x1x640x128xf32, #tpu.memory_space<hbm>> -> memref<640x128xf32, #tpu.memory_space<hbm>>
      %dma_start3A_95 = arith.constant 0 : i32
      %dma_start3A_96 = tpu.memref_slice %arg11[%mul3A_54, %dma_start3A_95] : memref<10240x128xf32, #tpu.memory_space<vmem_shared>> -> memref<640x128xf32, #tpu.memory_space<vmem_shared>>
      tpu.enqueue_dma source(%dma_start3A_96 : memref<640x128xf32, #tpu.memory_space<vmem_shared>>) target(%dma_start3A_94 : memref<640x128xf32, #tpu.memory_space<hbm>>) target_semaphore(%run_scoped3A_91 : memref<!tpu.dma_semaphore, #tpu.memory_space<semaphore_mem>>)
      %dma_wait3A = arith.constant 0 : i32
      %dma_wait3A_97 = tpu.memref_slice %arg6[%run_scoped3A_57, %arg0, %mul3A_56, %dma_wait3A] : memref<3x2x10240x128xf32, #tpu.memory_space<hbm>> -> memref<1x1x640x128xf32, #tpu.memory_space<hbm>>
      %dma_wait3A_98 = tpu.memref_squeeze %dma_wait3A_97 : memref<1x1x640x128xf32, #tpu.memory_space<hbm>> -> memref<640x128xf32, #tpu.memory_space<hbm>>
      %dma_wait3A_99 = arith.constant 0 : i32
      %dma_wait3A_100 = tpu.memref_slice %arg11[%mul3A_54, %dma_wait3A_99] : memref<10240x128xf32, #tpu.memory_space<vmem_shared>> -> memref<640x128xf32, #tpu.memory_space<vmem_shared>>
      tpu.wait_dma2 semaphore(%run_scoped3A_91 : memref<!tpu.dma_semaphore, #tpu.memory_space<semaphore_mem>>) src(%dma_wait3A_100 : memref<640x128xf32, #tpu.memory_space<vmem_shared>>) dst(%dma_wait3A_98 : memref<640x128xf32, #tpu.memory_space<hbm>>)
      tpu.yield
    }) : () -> ()
    %barrier3A_58 = arith.constant 0 : index
    tpu.barrier barrier_id(%barrier3A_58)
    %mul3A_59 = arith.constant 640 : i32
    %mul3A_60 = arith.muli %arg1, %mul3A_59 : i32
    %mul3A_61 = arith.constant 640 : i32
    %mul3A_62 = arith.muli %arg1, %mul3A_61 : i32
    "tpu.region"() ({
      %run_scoped3A_91 = tpu.sem_alloc : memref<!tpu.dma_semaphore, #tpu.memory_space<semaphore_mem>>
      %dma_start3A_92 = arith.constant 0 : i32
      %dma_start3A_93 = tpu.memref_slice %arg11[%mul3A_62, %dma_start3A_92] : memref<10240x128xf32, #tpu.memory_space<vmem_shared>> -> memref<640x128xf32, #tpu.memory_space<vmem_shared>>
      %dma_start3A_94 = arith.constant 0 : i32
      %dma_start3A_95 = tpu.memref_slice %arg5[%mul3A_60, %dma_start3A_94] : memref<10240x128xf32, #tpu.memory_space<hbm>> -> memref<640x128xf32, #tpu.memory_space<hbm>>
      tpu.enqueue_dma source(%dma_start3A_95 : memref<640x128xf32, #tpu.memory_space<hbm>>) target(%dma_start3A_93 : memref<640x128xf32, #tpu.memory_space<vmem_shared>>) target_semaphore(%run_scoped3A_91 : memref<!tpu.dma_semaphore, #tpu.memory_space<semaphore_mem>>)
      %dma_wait3A = arith.constant 0 : i32
      %dma_wait3A_96 = tpu.memref_slice %arg11[%mul3A_62, %dma_wait3A] : memref<10240x128xf32, #tpu.memory_space<vmem_shared>> -> memref<640x128xf32, #tpu.memory_space<vmem_shared>>
      %dma_wait3A_97 = arith.constant 0 : i32
      %dma_wait3A_98 = tpu.memref_slice %arg5[%mul3A_60, %dma_wait3A_97] : memref<10240x128xf32, #tpu.memory_space<hbm>> -> memref<640x128xf32, #tpu.memory_space<hbm>>
      tpu.wait_dma2 semaphore(%run_scoped3A_91 : memref<!tpu.dma_semaphore, #tpu.memory_space<semaphore_mem>>) src(%dma_wait3A_98 : memref<640x128xf32, #tpu.memory_space<hbm>>) dst(%dma_wait3A_96 : memref<640x128xf32, #tpu.memory_space<vmem_shared>>)
      tpu.yield
    }) : () -> ()
    %run_scoped3A_63 = arith.constant 2 : i32
    "tpu.region"() ({
      %run_scoped3A_91 = tpu.sem_alloc : memref<!tpu.dma_semaphore, #tpu.memory_space<semaphore_mem>>
      %dma_start3A_92 = arith.constant 0 : i32
      %dma_start3A_93 = arith.constant 0 : i32
      %dma_start3A_94 = tpu.memref_slice %arg3[%run_scoped3A_63, %arg1, %dma_start3A_92, %dma_start3A_93] : memref<3x16x50x125xi32, #tpu.memory_space<hbm>> -> memref<1x1x50x125xi32, #tpu.memory_space<hbm>>
      %dma_start3A_95 = tpu.memref_squeeze %dma_start3A_94 : memref<1x1x50x125xi32, #tpu.memory_space<hbm>> -> memref<50x125xi32, #tpu.memory_space<hbm>>
      %dma_start3A_96 = arith.constant 0 : i32
      %dma_start3A_97 = arith.constant 0 : i32
      %dma_start3A_98 = tpu.memref_slice %arg3[%run_scoped3A_63, %arg1, %dma_start3A_96, %dma_start3A_97] : memref<3x16x50x125xi32, #tpu.memory_space<hbm>> -> memref<1x1x50x125xi32, #tpu.memory_space<hbm>>
      %dma_start3A_99 = tpu.memref_squeeze %dma_start3A_98 : memref<1x1x50x125xi32, #tpu.memory_space<hbm>> -> memref<50x125xi32, #tpu.memory_space<hbm>>
      tpu.enqueue_dma source(%dma_start3A_99 : memref<50x125xi32, #tpu.memory_space<hbm>>) target(%arg7 : memref<50x125xi32, #tpu.memory_space<vmem>>) target_semaphore(%run_scoped3A_91 : memref<!tpu.dma_semaphore, #tpu.memory_space<semaphore_mem>>)
      %dma_wait3A = arith.constant 0 : i32
      %dma_wait3A_100 = arith.constant 0 : i32
      %dma_wait3A_101 = tpu.memref_slice %arg3[%run_scoped3A_63, %arg1, %dma_wait3A, %dma_wait3A_100] : memref<3x16x50x125xi32, #tpu.memory_space<hbm>> -> memref<1x1x50x125xi32, #tpu.memory_space<hbm>>
      %dma_wait3A_102 = tpu.memref_squeeze %dma_wait3A_101 : memref<1x1x50x125xi32, #tpu.memory_space<hbm>> -> memref<50x125xi32, #tpu.memory_space<hbm>>
      %dma_wait3A_103 = arith.constant 0 : i32
      %dma_wait3A_104 = arith.constant 0 : i32
      %dma_wait3A_105 = tpu.memref_slice %arg3[%run_scoped3A_63, %arg1, %dma_wait3A_103, %dma_wait3A_104] : memref<3x16x50x125xi32, #tpu.memory_space<hbm>> -> memref<1x1x50x125xi32, #tpu.memory_space<hbm>>
      %dma_wait3A_106 = tpu.memref_squeeze %dma_wait3A_105 : memref<1x1x50x125xi32, #tpu.memory_space<hbm>> -> memref<50x125xi32, #tpu.memory_space<hbm>>
      tpu.wait_dma2 semaphore(%run_scoped3A_91 : memref<!tpu.dma_semaphore, #tpu.memory_space<semaphore_mem>>) src(%dma_wait3A_106 : memref<50x125xi32, #tpu.memory_space<hbm>>) dst(%arg7 : memref<50x125xi32, #tpu.memory_space<vmem>>)
      tpu.yield
    }) : () -> ()
    %run_scoped3A_64 = arith.constant 2 : i32
    "tpu.region"() ({
      %run_scoped3A_91 = tpu.sem_alloc : memref<!tpu.dma_semaphore, #tpu.memory_space<semaphore_mem>>
      %dma_start3A_92 = arith.constant 0 : i32
      %dma_start3A_93 = arith.constant 0 : i32
      %dma_start3A_94 = tpu.memref_slice %arg4[%run_scoped3A_64, %arg1, %dma_start3A_92, %dma_start3A_93] : memref<3x16x50x125xi32, #tpu.memory_space<hbm>> -> memref<1x1x50x125xi32, #tpu.memory_space<hbm>>
      %dma_start3A_95 = tpu.memref_squeeze %dma_start3A_94 : memref<1x1x50x125xi32, #tpu.memory_space<hbm>> -> memref<50x125xi32, #tpu.memory_space<hbm>>
      %dma_start3A_96 = arith.constant 0 : i32
      %dma_start3A_97 = arith.constant 0 : i32
      %dma_start3A_98 = tpu.memref_slice %arg4[%run_scoped3A_64, %arg1, %dma_start3A_96, %dma_start3A_97] : memref<3x16x50x125xi32, #tpu.memory_space<hbm>> -> memref<1x1x50x125xi32, #tpu.memory_space<hbm>>
      %dma_start3A_99 = tpu.memref_squeeze %dma_start3A_98 : memref<1x1x50x125xi32, #tpu.memory_space<hbm>> -> memref<50x125xi32, #tpu.memory_space<hbm>>
      tpu.enqueue_dma source(%dma_start3A_99 : memref<50x125xi32, #tpu.memory_space<hbm>>) target(%arg8 : memref<50x125xi32, #tpu.memory_space<vmem>>) target_semaphore(%run_scoped3A_91 : memref<!tpu.dma_semaphore, #tpu.memory_space<semaphore_mem>>)
      %dma_wait3A = arith.constant 0 : i32
      %dma_wait3A_100 = arith.constant 0 : i32
      %dma_wait3A_101 = tpu.memref_slice %arg4[%run_scoped3A_64, %arg1, %dma_wait3A, %dma_wait3A_100] : memref<3x16x50x125xi32, #tpu.memory_space<hbm>> -> memref<1x1x50x125xi32, #tpu.memory_space<hbm>>
      %dma_wait3A_102 = tpu.memref_squeeze %dma_wait3A_101 : memref<1x1x50x125xi32, #tpu.memory_space<hbm>> -> memref<50x125xi32, #tpu.memory_space<hbm>>
      %dma_wait3A_103 = arith.constant 0 : i32
      %dma_wait3A_104 = arith.constant 0 : i32
      %dma_wait3A_105 = tpu.memref_slice %arg4[%run_scoped3A_64, %arg1, %dma_wait3A_103, %dma_wait3A_104] : memref<3x16x50x125xi32, #tpu.memory_space<hbm>> -> memref<1x1x50x125xi32, #tpu.memory_space<hbm>>
      %dma_wait3A_106 = tpu.memref_squeeze %dma_wait3A_105 : memref<1x1x50x125xi32, #tpu.memory_space<hbm>> -> memref<50x125xi32, #tpu.memory_space<hbm>>
      tpu.wait_dma2 semaphore(%run_scoped3A_91 : memref<!tpu.dma_semaphore, #tpu.memory_space<semaphore_mem>>) src(%dma_wait3A_106 : memref<50x125xi32, #tpu.memory_space<hbm>>) dst(%arg8 : memref<50x125xi32, #tpu.memory_space<vmem>>)
      tpu.yield
    }) : () -> ()
    %barrier3A_65 = arith.constant 0 : index
    tpu.barrier barrier_id(%barrier3A_65)
    %dma_start3A_66 = arith.constant 2 : i32
    %dma_start3A_67 = arith.constant 0 : i32
    %dma_start3A_68 = arith.constant 0 : i32
    %dma_start3A_69 = tpu.memref_slice %arg7[%dma_start3A_67, %dma_start3A_68] : memref<50x125xi32, #tpu.memory_space<vmem>> -> memref<1x125xi32, #tpu.memory_space<vmem>>
    %dma_start3A_70 = tpu.memref_squeeze %dma_start3A_69 : memref<1x125xi32, #tpu.memory_space<vmem>> -> memref<125xi32, #tpu.memory_space<vmem>>
    %dma_start3A_71 = arith.constant 0 : i32
    %dma_start3A_72 = arith.constant 0 : i32
    %dma_start3A_73 = tpu.memref_slice %arg2[%dma_start3A_66, %arg0, %dma_start3A_71, %dma_start3A_72] : memref<3x2x10000x128xf32, #tpu.memory_space<hbm>> -> memref<1x1x10000x128xf32, #tpu.memory_space<hbm>>
    %dma_start3A_74 = tpu.memref_squeeze %dma_start3A_73 : memref<1x1x10000x128xf32, #tpu.memory_space<hbm>> -> memref<10000x128xf32, #tpu.memory_space<hbm>>
    %dma_start3A_75 = arith.constant 0 : i32
    %dma_start3A_76 = arith.constant 0 : i32
    %dma_start3A_77 = tpu.memref_slice %dma_start3A_74[%dma_start3A_75, %dma_start3A_76] : memref<10000x128xf32, #tpu.memory_space<hbm>> -> memref<10000x128xf32, #tpu.memory_space<hbm>>
    tpu.enqueue_indirect_dma source(%dma_start3A_77 : memref<10000x128xf32, #tpu.memory_space<hbm>>) target(%arg9 : memref<125x128xf32, #tpu.memory_space<vmem>>) offsets(%dma_start3A_70 : memref<125xi32, #tpu.memory_space<vmem>>) semaphore(%arg12 : memref<!tpu.dma_semaphore, #tpu.memory_space<semaphore_mem>>)
    %scan3A_78 = arith.constant 2 : i32
    %scan3A_79 = arith.constant 0 : i32
    %scan3A_80 = arith.constant 25 : i32
    %scan3A_81 = arith.addi %scan3A_79, %scan3A_80 : i32
    %scan3A_82 = arith.constant 1 : i32
    scf.for %scan3A_91 = %scan3A_79 to %scan3A_81 step %scan3A_82  : i32 {
      %mul3A_92 = arith.constant 1 : i32
      %mul3A_93 = arith.muli %scan3A_91, %mul3A_92 : i32
      %add3A = arith.constant 0 : i32
      %add3A_94 = arith.addi %add3A, %mul3A_93 : i32
      %mul3A_95 = arith.constant 2 : i32
      %mul3A_96 = arith.muli %mul3A_95, %add3A_94 : i32
      %mul3A_97 = arith.constant 2 : i32
      %mul3A_98 = arith.muli %mul3A_97, %add3A_94 : i32
      %add3A_99 = arith.constant 1 : i32
      %add3A_100 = arith.addi %mul3A_98, %add3A_99 : i32
      %dma_start3A_101 = arith.constant 0 : i32
      %dma_start3A_102 = tpu.memref_slice %arg7[%add3A_100, %dma_start3A_101] : memref<50x125xi32, #tpu.memory_space<vmem>> -> memref<1x125xi32, #tpu.memory_space<vmem>>
      %dma_start3A_103 = tpu.memref_squeeze %dma_start3A_102 : memref<1x125xi32, #tpu.memory_space<vmem>> -> memref<125xi32, #tpu.memory_space<vmem>>
      %dma_start3A_104 = arith.constant 0 : i32
      %dma_start3A_105 = arith.constant 0 : i32
      %dma_start3A_106 = tpu.memref_slice %arg2[%scan3A_78, %arg0, %dma_start3A_104, %dma_start3A_105] : memref<3x2x10000x128xf32, #tpu.memory_space<hbm>> -> memref<1x1x10000x128xf32, #tpu.memory_space<hbm>>
      %dma_start3A_107 = tpu.memref_squeeze %dma_start3A_106 : memref<1x1x10000x128xf32, #tpu.memory_space<hbm>> -> memref<10000x128xf32, #tpu.memory_space<hbm>>
      %dma_start3A_108 = arith.constant 0 : i32
      %dma_start3A_109 = arith.constant 0 : i32
      %dma_start3A_110 = tpu.memref_slice %dma_start3A_107[%dma_start3A_108, %dma_start3A_109] : memref<10000x128xf32, #tpu.memory_space<hbm>> -> memref<10000x128xf32, #tpu.memory_space<hbm>>
      tpu.enqueue_indirect_dma source(%dma_start3A_110 : memref<10000x128xf32, #tpu.memory_space<hbm>>) target(%arg10 : memref<125x128xf32, #tpu.memory_space<vmem>>) offsets(%dma_start3A_103 : memref<125xi32, #tpu.memory_space<vmem>>) semaphore(%arg13 : memref<!tpu.dma_semaphore, #tpu.memory_space<semaphore_mem>>)
      %dma_wait3A = arith.constant 0 : i32
      %dma_wait3A_111 = arith.constant 0 : i32
      %dma_wait3A_112 = tpu.memref_slice %arg7[%dma_wait3A, %dma_wait3A_111] : memref<50x125xi32, #tpu.memory_space<vmem>> -> memref<1x125xi32, #tpu.memory_space<vmem>>
      %dma_wait3A_113 = tpu.memref_squeeze %dma_wait3A_112 : memref<1x125xi32, #tpu.memory_space<vmem>> -> memref<125xi32, #tpu.memory_space<vmem>>
      %dma_wait3A_114 = arith.constant 0 : i32
      %dma_wait3A_115 = arith.constant 0 : i32
      %dma_wait3A_116 = tpu.memref_slice %arg2[%scan3A_78, %arg0, %dma_wait3A_114, %dma_wait3A_115] : memref<3x2x10000x128xf32, #tpu.memory_space<hbm>> -> memref<1x1x10000x128xf32, #tpu.memory_space<hbm>>
      %dma_wait3A_117 = tpu.memref_squeeze %dma_wait3A_116 : memref<1x1x10000x128xf32, #tpu.memory_space<hbm>> -> memref<10000x128xf32, #tpu.memory_space<hbm>>
      %dma_wait3A_118 = arith.constant 0 : i32
      %dma_wait3A_119 = arith.constant 0 : i32
      %dma_wait3A_120 = tpu.memref_slice %dma_wait3A_117[%dma_wait3A_118, %dma_wait3A_119] : memref<10000x128xf32, #tpu.memory_space<hbm>> -> memref<10000x128xf32, #tpu.memory_space<hbm>>
      tpu.wait_indirect_dma semaphore(%arg12 : memref<!tpu.dma_semaphore, #tpu.memory_space<semaphore_mem>>) src(%dma_wait3A_120 : memref<10000x128xf32, #tpu.memory_space<hbm>>) dst(%arg9 : memref<125x128xf32, #tpu.memory_space<vmem>>)
      "tpu.region"() ({
        %run_scoped3A_136 = tpu.sem_alloc : memref<!tpu.dma_semaphore, #tpu.memory_space<semaphore_mem>>
        %dma_start3A_137 = arith.constant 0 : i32
        %dma_start3A_138 = tpu.memref_slice %arg8[%mul3A_96, %dma_start3A_137] : memref<50x125xi32, #tpu.memory_space<vmem>> -> memref<1x125xi32, #tpu.memory_space<vmem>>
        %dma_start3A_139 = tpu.memref_squeeze %dma_start3A_138 : memref<1x125xi32, #tpu.memory_space<vmem>> -> memref<125xi32, #tpu.memory_space<vmem>>
        %dma_start3A_140 = arith.constant 0 : i32
        %dma_start3A_141 = arith.constant 0 : i32
        %dma_start3A_142 = tpu.memref_slice %arg11[%dma_start3A_140, %dma_start3A_141] : memref<10240x128xf32, #tpu.memory_space<vmem_shared>> -> memref<10240x128xf32, #tpu.memory_space<vmem_shared>>
        tpu.enqueue_indirect_dma source(%arg9 : memref<125x128xf32, #tpu.memory_space<vmem>>) target(%dma_start3A_142 : memref<10240x128xf32, #tpu.memory_space<vmem_shared>>) offsets(%dma_start3A_139 : memref<125xi32, #tpu.memory_space<vmem>>) semaphore(%run_scoped3A_136 : memref<!tpu.dma_semaphore, #tpu.memory_space<semaphore_mem>>) {add = true}
        %dma_wait3A_143 = arith.constant 0 : i32
        %dma_wait3A_144 = tpu.memref_slice %arg8[%mul3A_96, %dma_wait3A_143] : memref<50x125xi32, #tpu.memory_space<vmem>> -> memref<1x125xi32, #tpu.memory_space<vmem>>
        %dma_wait3A_145 = tpu.memref_squeeze %dma_wait3A_144 : memref<1x125xi32, #tpu.memory_space<vmem>> -> memref<125xi32, #tpu.memory_space<vmem>>
        %dma_wait3A_146 = arith.constant 0 : i32
        %dma_wait3A_147 = arith.constant 0 : i32
        %dma_wait3A_148 = tpu.memref_slice %arg11[%dma_wait3A_146, %dma_wait3A_147] : memref<10240x128xf32, #tpu.memory_space<vmem_shared>> -> memref<10240x128xf32, #tpu.memory_space<vmem_shared>>
        tpu.wait_indirect_dma semaphore(%run_scoped3A_136 : memref<!tpu.dma_semaphore, #tpu.memory_space<semaphore_mem>>) src(%arg9 : memref<125x128xf32, #tpu.memory_space<vmem>>) dst(%dma_wait3A_148 : memref<10240x128xf32, #tpu.memory_space<vmem_shared>>)
        tpu.yield
      }) : () -> ()
      %add3A_121 = arith.constant 1 : i32
      %add3A_122 = arith.addi %add3A_100, %add3A_121 : i32
      %lt3A = arith.constant 50 : i32
      %lt3A_123 = arith.cmpi slt, %add3A_122, %lt3A : i32
      %convert_element_type3A = arith.extui %lt3A_123 : i1 to i32
      %cond3A = arith.constant 0 : i32
      %cond3A_124 = arith.cmpi ne, %convert_element_type3A, %cond3A : i32
      scf.if %cond3A_124 {
        %add3A_136 = arith.constant 1 : i32
        %add3A_137 = arith.addi %add3A_100, %add3A_136 : i32
        %dma_start3A_138 = arith.constant 0 : i32
        %dma_start3A_139 = tpu.memref_slice %arg7[%add3A_137, %dma_start3A_138] : memref<50x125xi32, #tpu.memory_space<vmem>> -> memref<1x125xi32, #tpu.memory_space<vmem>>
        %dma_start3A_140 = tpu.memref_squeeze %dma_start3A_139 : memref<1x125xi32, #tpu.memory_space<vmem>> -> memref<125xi32, #tpu.memory_space<vmem>>
        %dma_start3A_141 = arith.constant 0 : i32
        %dma_start3A_142 = arith.constant 0 : i32
        %dma_start3A_143 = tpu.memref_slice %arg2[%scan3A_78, %arg0, %dma_start3A_141, %dma_start3A_142] : memref<3x2x10000x128xf32, #tpu.memory_space<hbm>> -> memref<1x1x10000x128xf32, #tpu.memory_space<hbm>>
        %dma_start3A_144 = tpu.memref_squeeze %dma_start3A_143 : memref<1x1x10000x128xf32, #tpu.memory_space<hbm>> -> memref<10000x128xf32, #tpu.memory_space<hbm>>
        %dma_start3A_145 = arith.constant 0 : i32
        %dma_start3A_146 = arith.constant 0 : i32
        %dma_start3A_147 = tpu.memref_slice %dma_start3A_144[%dma_start3A_145, %dma_start3A_146] : memref<10000x128xf32, #tpu.memory_space<hbm>> -> memref<10000x128xf32, #tpu.memory_space<hbm>>
        tpu.enqueue_indirect_dma source(%dma_start3A_147 : memref<10000x128xf32, #tpu.memory_space<hbm>>) target(%arg9 : memref<125x128xf32, #tpu.memory_space<vmem>>) offsets(%dma_start3A_140 : memref<125xi32, #tpu.memory_space<vmem>>) semaphore(%arg12 : memref<!tpu.dma_semaphore, #tpu.memory_space<semaphore_mem>>)
      } else {
      }
      %dma_wait3A_125 = arith.constant 0 : i32
      %dma_wait3A_126 = arith.constant 0 : i32
      %dma_wait3A_127 = tpu.memref_slice %arg7[%dma_wait3A_125, %dma_wait3A_126] : memref<50x125xi32, #tpu.memory_space<vmem>> -> memref<1x125xi32, #tpu.memory_space<vmem>>
      %dma_wait3A_128 = tpu.memref_squeeze %dma_wait3A_127 : memref<1x125xi32, #tpu.memory_space<vmem>> -> memref<125xi32, #tpu.memory_space<vmem>>
      %dma_wait3A_129 = arith.constant 0 : i32
      %dma_wait3A_130 = arith.constant 0 : i32
      %dma_wait3A_131 = tpu.memref_slice %arg2[%scan3A_78, %arg0, %dma_wait3A_129, %dma_wait3A_130] : memref<3x2x10000x128xf32, #tpu.memory_space<hbm>> -> memref<1x1x10000x128xf32, #tpu.memory_space<hbm>>
      %dma_wait3A_132 = tpu.memref_squeeze %dma_wait3A_131 : memref<1x1x10000x128xf32, #tpu.memory_space<hbm>> -> memref<10000x128xf32, #tpu.memory_space<hbm>>
      %dma_wait3A_133 = arith.constant 0 : i32
      %dma_wait3A_134 = arith.constant 0 : i32
      %dma_wait3A_135 = tpu.memref_slice %dma_wait3A_132[%dma_wait3A_133, %dma_wait3A_134] : memref<10000x128xf32, #tpu.memory_space<hbm>> -> memref<10000x128xf32, #tpu.memory_space<hbm>>
      tpu.wait_indirect_dma semaphore(%arg13 : memref<!tpu.dma_semaphore, #tpu.memory_space<semaphore_mem>>) src(%dma_wait3A_135 : memref<10000x128xf32, #tpu.memory_space<hbm>>) dst(%arg10 : memref<125x128xf32, #tpu.memory_space<vmem>>)
      "tpu.region"() ({
        %run_scoped3A_136 = tpu.sem_alloc : memref<!tpu.dma_semaphore, #tpu.memory_space<semaphore_mem>>
        %dma_start3A_137 = arith.constant 0 : i32
        %dma_start3A_138 = tpu.memref_slice %arg8[%add3A_100, %dma_start3A_137] : memref<50x125xi32, #tpu.memory_space<vmem>> -> memref<1x125xi32, #tpu.memory_space<vmem>>
        %dma_start3A_139 = tpu.memref_squeeze %dma_start3A_138 : memref<1x125xi32, #tpu.memory_space<vmem>> -> memref<125xi32, #tpu.memory_space<vmem>>
        %dma_start3A_140 = arith.constant 0 : i32
        %dma_start3A_141 = arith.constant 0 : i32
        %dma_start3A_142 = tpu.memref_slice %arg11[%dma_start3A_140, %dma_start3A_141] : memref<10240x128xf32, #tpu.memory_space<vmem_shared>> -> memref<10240x128xf32, #tpu.memory_space<vmem_shared>>
        tpu.enqueue_indirect_dma source(%arg10 : memref<125x128xf32, #tpu.memory_space<vmem>>) target(%dma_start3A_142 : memref<10240x128xf32, #tpu.memory_space<vmem_shared>>) offsets(%dma_start3A_139 : memref<125xi32, #tpu.memory_space<vmem>>) semaphore(%run_scoped3A_136 : memref<!tpu.dma_semaphore, #tpu.memory_space<semaphore_mem>>) {add = true}
        %dma_wait3A_143 = arith.constant 0 : i32
        %dma_wait3A_144 = tpu.memref_slice %arg8[%add3A_100, %dma_wait3A_143] : memref<50x125xi32, #tpu.memory_space<vmem>> -> memref<1x125xi32, #tpu.memory_space<vmem>>
        %dma_wait3A_145 = tpu.memref_squeeze %dma_wait3A_144 : memref<1x125xi32, #tpu.memory_space<vmem>> -> memref<125xi32, #tpu.memory_space<vmem>>
        %dma_wait3A_146 = arith.constant 0 : i32
        %dma_wait3A_147 = arith.constant 0 : i32
        %dma_wait3A_148 = tpu.memref_slice %arg11[%dma_wait3A_146, %dma_wait3A_147] : memref<10240x128xf32, #tpu.memory_space<vmem_shared>> -> memref<10240x128xf32, #tpu.memory_space<vmem_shared>>
        tpu.wait_indirect_dma semaphore(%run_scoped3A_136 : memref<!tpu.dma_semaphore, #tpu.memory_space<semaphore_mem>>) src(%arg10 : memref<125x128xf32, #tpu.memory_space<vmem>>) dst(%dma_wait3A_148 : memref<10240x128xf32, #tpu.memory_space<vmem_shared>>)
        tpu.yield
      }) : () -> ()
    }
    %scan3A_83 = arith.constant 25 : i32
    %barrier3A_84 = arith.constant 0 : index
    tpu.barrier barrier_id(%barrier3A_84)
    %mul3A_85 = arith.constant 640 : i32
    %mul3A_86 = arith.muli %arg1, %mul3A_85 : i32
    %mul3A_87 = arith.constant 640 : i32
    %mul3A_88 = arith.muli %arg1, %mul3A_87 : i32
    %run_scoped3A_89 = arith.constant 2 : i32
    "tpu.region"() ({
      %run_scoped3A_91 = tpu.sem_alloc : memref<!tpu.dma_semaphore, #tpu.memory_space<semaphore_mem>>
      %dma_start3A_92 = arith.constant 0 : i32
      %dma_start3A_93 = tpu.memref_slice %arg6[%run_scoped3A_89, %arg0, %mul3A_88, %dma_start3A_92] : memref<3x2x10240x128xf32, #tpu.memory_space<hbm>> -> memref<1x1x640x128xf32, #tpu.memory_space<hbm>>
      %dma_start3A_94 = tpu.memref_squeeze %dma_start3A_93 : memref<1x1x640x128xf32, #tpu.memory_space<hbm>> -> memref<640x128xf32, #tpu.memory_space<hbm>>
      %dma_start3A_95 = arith.constant 0 : i32
      %dma_start3A_96 = tpu.memref_slice %arg11[%mul3A_86, %dma_start3A_95] : memref<10240x128xf32, #tpu.memory_space<vmem_shared>> -> memref<640x128xf32, #tpu.memory_space<vmem_shared>>
      tpu.enqueue_dma source(%dma_start3A_96 : memref<640x128xf32, #tpu.memory_space<vmem_shared>>) target(%dma_start3A_94 : memref<640x128xf32, #tpu.memory_space<hbm>>) target_semaphore(%run_scoped3A_91 : memref<!tpu.dma_semaphore, #tpu.memory_space<semaphore_mem>>)
      %dma_wait3A = arith.constant 0 : i32
      %dma_wait3A_97 = tpu.memref_slice %arg6[%run_scoped3A_89, %arg0, %mul3A_88, %dma_wait3A] : memref<3x2x10240x128xf32, #tpu.memory_space<hbm>> -> memref<1x1x640x128xf32, #tpu.memory_space<hbm>>
      %dma_wait3A_98 = tpu.memref_squeeze %dma_wait3A_97 : memref<1x1x640x128xf32, #tpu.memory_space<hbm>> -> memref<640x128xf32, #tpu.memory_space<hbm>>
      %dma_wait3A_99 = arith.constant 0 : i32
      %dma_wait3A_100 = tpu.memref_slice %arg11[%mul3A_86, %dma_wait3A_99] : memref<10240x128xf32, #tpu.memory_space<vmem_shared>> -> memref<640x128xf32, #tpu.memory_space<vmem_shared>>
      tpu.wait_dma2 semaphore(%run_scoped3A_91 : memref<!tpu.dma_semaphore, #tpu.memory_space<semaphore_mem>>) src(%dma_wait3A_100 : memref<640x128xf32, #tpu.memory_space<vmem_shared>>) dst(%dma_wait3A_98 : memref<640x128xf32, #tpu.memory_space<hbm>>)
      tpu.yield
    }) : () -> ()
    %barrier3A_90 = arith.constant 0 : index
    tpu.barrier barrier_id(%barrier3A_90)
    return
  }
}

module attributes {stable_mosaic.version = 14 : i64} {
  func.func @_prep_body(%arg0: i32, %arg1: memref<2048x256xf32, #tpu.memory_space<vmem>>, %arg2: memref<6x2048x128xf32, #tpu.memory_space<vmem>>, %arg3: memref<3x2x2048x128xf32, #tpu.memory_space<vmem>>, %arg4: memref<1x8x2048xf32, #tpu.memory_space<vmem>>) attributes {dimension_semantics = [#tpu.dimension_semantics<arbitrary>], iteration_bounds = array<i64: 5>, scalar_prefetch = 0 : i64, scratch_operands = 0 : i64, tpu.core_type = #tpu.core_type<tc>, window_params = [{transform_indices = @transform_0, window_bounds = array<i64: 2048, 256>}, {transform_indices = @transform_1, window_bounds = array<i64: 6, 2048, 128>}, {transform_indices = @transform_2, window_bounds = array<i64: 3, 2, 2048, 128>}, {transform_indices = @transform_3, window_bounds = array<i64: 1, 8, 2048>}]} {
    %get3A = arith.constant 0 : index
    %get3A_0 = arith.constant 0 : index
    %get3A_1 = arith.constant 0 : index
    %get3A_2 = vector.load %arg2[%get3A, %get3A_0, %get3A_1] : memref<6x2048x128xf32, #tpu.memory_space<vmem>>, vector<6x2048x128xf32>
    %slice3A = vector.extract_strided_slice %get3A_2 {offsets = [0, 0, 0], sizes = [6, 2048, 1], strides = [1, 1, 1]} : vector<6x2048x128xf32> to vector<6x2048x1xf32>
    %squeeze3A = vector.shape_cast %slice3A : vector<6x2048x1xf32> to vector<6x2048xf32>
    %max3A = arith.constant 1.000000e+00 : f32
    %max3A_3 = vector.broadcast %max3A : f32 to vector<6x2048xf32>
    %max3A_4 = arith.maximumf %squeeze3A, %max3A_3 : vector<6x2048xf32>
    %rsqrt3A = math.rsqrt %max3A_4 : vector<6x2048xf32>
    %broadcast_in_dim3A = arith.constant 0.000000e+00 : f32
    %broadcast_in_dim3A_5 = vector.broadcast %broadcast_in_dim3A : f32 to vector<2x2048xf32>
    %concatenate3A = tpu.concatenate %rsqrt3A, %broadcast_in_dim3A_5 in 0 : vector<6x2048xf32>, vector<2x2048xf32> -> vector<8x2048xf32>
    %broadcast_in_dim3A_6 = vector.shape_cast %concatenate3A : vector<8x2048xf32> to vector<1x8x2048xf32>
    %swap3A = arith.constant 0 : index
    %swap3A_7 = arith.constant 0 : index
    %swap3A_8 = arith.constant 0 : index
    %swap3A_9 = vector.load %arg4[%swap3A, %swap3A_7, %swap3A_8] : memref<1x8x2048xf32, #tpu.memory_space<vmem>>, vector<1x8x2048xf32>
    tpu.vector_store %arg4[%swap3A, %swap3A_7, %swap3A_8], %broadcast_in_dim3A_6 {strides = array<i32>} : memref<1x8x2048xf32, #tpu.memory_space<vmem>>, vector<1x8x2048xf32>,
    %get3A_10 = arith.constant 0 : index
    %get3A_11 = arith.constant 0 : index
    %get3A_12 = vector.load %arg1[%get3A_10, %get3A_11] : memref<2048x256xf32, #tpu.memory_space<vmem>>, vector<2048x256xf32>
    %slice3A_13 = vector.extract_strided_slice %rsqrt3A {offsets = [0, 0], sizes = [1, 2048], strides = [1, 1]} : vector<6x2048xf32> to vector<1x2048xf32>
    %squeeze3A_14 = vector.shape_cast %slice3A_13 : vector<1x2048xf32> to vector<2048xf32>
    %broadcast_in_dim3A_15 = vector.shape_cast %squeeze3A_14 : vector<2048xf32> to vector<2048x1xf32>
    %mul3A = vector.broadcast %broadcast_in_dim3A_15 : vector<2048x1xf32> to vector<2048x256xf32>
    %mul3A_16 = arith.mulf %get3A_12, %mul3A : vector<2048x256xf32>
    %slice3A_17 = vector.extract_strided_slice %mul3A_16 {offsets = [0, 0], sizes = [2048, 128], strides = [1, 1]} : vector<2048x256xf32> to vector<2048x128xf32>
    %slice3A_18 = vector.extract_strided_slice %mul3A_16 {offsets = [0, 128], sizes = [2048, 128], strides = [1, 1]} : vector<2048x256xf32> to vector<2048x128xf32>
    %stack3A = vector.shape_cast %slice3A_17 : vector<2048x128xf32> to vector<1x2048x128xf32>
    %stack3A_19 = vector.shape_cast %slice3A_18 : vector<2048x128xf32> to vector<1x2048x128xf32>
    %stack3A_20 = tpu.concatenate %stack3A, %stack3A_19 in 0 : vector<1x2048x128xf32>, vector<1x2048x128xf32> -> vector<2x2048x128xf32>
    %slice3A_21 = vector.extract_strided_slice %rsqrt3A {offsets = [2, 0], sizes = [1, 2048], strides = [1, 1]} : vector<6x2048xf32> to vector<1x2048xf32>
    %squeeze3A_22 = vector.shape_cast %slice3A_21 : vector<1x2048xf32> to vector<2048xf32>
    %broadcast_in_dim3A_23 = vector.shape_cast %squeeze3A_22 : vector<2048xf32> to vector<2048x1xf32>
    %mul3A_24 = vector.broadcast %broadcast_in_dim3A_23 : vector<2048x1xf32> to vector<2048x256xf32>
    %mul3A_25 = arith.mulf %get3A_12, %mul3A_24 : vector<2048x256xf32>
    %slice3A_26 = vector.extract_strided_slice %mul3A_25 {offsets = [0, 0], sizes = [2048, 128], strides = [1, 1]} : vector<2048x256xf32> to vector<2048x128xf32>
    %slice3A_27 = vector.extract_strided_slice %mul3A_25 {offsets = [0, 128], sizes = [2048, 128], strides = [1, 1]} : vector<2048x256xf32> to vector<2048x128xf32>
    %stack3A_28 = vector.shape_cast %slice3A_26 : vector<2048x128xf32> to vector<1x2048x128xf32>
    %stack3A_29 = vector.shape_cast %slice3A_27 : vector<2048x128xf32> to vector<1x2048x128xf32>
    %stack3A_30 = tpu.concatenate %stack3A_28, %stack3A_29 in 0 : vector<1x2048x128xf32>, vector<1x2048x128xf32> -> vector<2x2048x128xf32>
    %slice3A_31 = vector.extract_strided_slice %rsqrt3A {offsets = [4, 0], sizes = [1, 2048], strides = [1, 1]} : vector<6x2048xf32> to vector<1x2048xf32>
    %squeeze3A_32 = vector.shape_cast %slice3A_31 : vector<1x2048xf32> to vector<2048xf32>
    %broadcast_in_dim3A_33 = vector.shape_cast %squeeze3A_32 : vector<2048xf32> to vector<2048x1xf32>
    %mul3A_34 = vector.broadcast %broadcast_in_dim3A_33 : vector<2048x1xf32> to vector<2048x256xf32>
    %mul3A_35 = arith.mulf %get3A_12, %mul3A_34 : vector<2048x256xf32>
    %slice3A_36 = vector.extract_strided_slice %mul3A_35 {offsets = [0, 0], sizes = [2048, 128], strides = [1, 1]} : vector<2048x256xf32> to vector<2048x128xf32>
    %slice3A_37 = vector.extract_strided_slice %mul3A_35 {offsets = [0, 128], sizes = [2048, 128], strides = [1, 1]} : vector<2048x256xf32> to vector<2048x128xf32>
    %stack3A_38 = vector.shape_cast %slice3A_36 : vector<2048x128xf32> to vector<1x2048x128xf32>
    %stack3A_39 = vector.shape_cast %slice3A_37 : vector<2048x128xf32> to vector<1x2048x128xf32>
    %stack3A_40 = tpu.concatenate %stack3A_38, %stack3A_39 in 0 : vector<1x2048x128xf32>, vector<1x2048x128xf32> -> vector<2x2048x128xf32>
    %stack3A_41 = vector.shape_cast %stack3A_20 : vector<2x2048x128xf32> to vector<1x2x2048x128xf32>
    %stack3A_42 = vector.shape_cast %stack3A_30 : vector<2x2048x128xf32> to vector<1x2x2048x128xf32>
    %stack3A_43 = vector.shape_cast %stack3A_40 : vector<2x2048x128xf32> to vector<1x2x2048x128xf32>
    %stack3A_44 = tpu.concatenate %stack3A_41, %stack3A_42, %stack3A_43 in 0 : vector<1x2x2048x128xf32>, vector<1x2x2048x128xf32>, vector<1x2x2048x128xf32> -> vector<3x2x2048x128xf32>
    %swap3A_45 = arith.constant 0 : index
    %swap3A_46 = arith.constant 0 : index
    %swap3A_47 = arith.constant 0 : index
    %swap3A_48 = arith.constant 0 : index
    %swap3A_49 = vector.load %arg3[%swap3A_45, %swap3A_46, %swap3A_47, %swap3A_48] : memref<3x2x2048x128xf32, #tpu.memory_space<vmem>>, vector<3x2x2048x128xf32>
    tpu.vector_store %arg3[%swap3A_45, %swap3A_46, %swap3A_47, %swap3A_48], %stack3A_44 {strides = array<i32>} : memref<3x2x2048x128xf32, #tpu.memory_space<vmem>>, vector<3x2x2048x128xf32>,
    return
  }
  func.func @transform_0(%arg0: i32) -> (i32, i32) {
    %c0_i32 = arith.constant 0 : i32
    %c0_i32_0 = arith.constant 0 : i32
    return %arg0, %c0_i32 : i32, i32
  }
  func.func @transform_1(%arg0: i32) -> (i32, i32, i32) {
    %c0_i32 = arith.constant 0 : i32
    %c0_i32_0 = arith.constant 0 : i32
    %c0_i32_1 = arith.constant 0 : i32
    return %c0_i32, %arg0, %c0_i32_0 : i32, i32, i32
  }
  func.func @transform_2(%arg0: i32) -> (i32, i32, i32, i32) {
    %c0_i32 = arith.constant 0 : i32
    %c0_i32_0 = arith.constant 0 : i32
    %c0_i32_1 = arith.constant 0 : i32
    %c0_i32_2 = arith.constant 0 : i32
    return %c0_i32, %c0_i32_0, %arg0, %c0_i32_1 : i32, i32, i32, i32
  }
  func.func @transform_3(%arg0: i32) -> (i32, i32, i32) {
    %c0_i32 = arith.constant 0 : i32
    %c0_i32_0 = arith.constant 0 : i32
    %c0_i32_1 = arith.constant 0 : i32
    return %arg0, %c0_i32, %c0_i32_0 : i32, i32, i32
  }
}

module attributes {stable_mosaic.version = 14 : i64} {
  func.func @_dense1_body(%arg0: i32, %arg1: memref<3x2x2048x128xf32, #tpu.memory_space<vmem>>, %arg2: memref<1x8x2048xf32, #tpu.memory_space<vmem>>, %arg3: memref<3x256x256xf32, #tpu.memory_space<vmem>>, %arg4: memref<8x256xf32, #tpu.memory_space<vmem>>, %arg5: memref<3x2x2048x128xf32, #tpu.memory_space<vmem>>) attributes {dimension_semantics = [#tpu.dimension_semantics<arbitrary>], iteration_bounds = array<i64: 5>, scalar_prefetch = 0 : i64, scratch_operands = 0 : i64, tpu.core_type = #tpu.core_type<tc>, window_params = [{transform_indices = @transform_0, window_bounds = array<i64: 3, 2, 2048, 128>}, {transform_indices = @transform_1, window_bounds = array<i64: 1, 8, 2048>}, {pipeline_mode = #tpu.pipeline_mode<synchronous>, transform_indices = @transform_2, window_bounds = array<i64: 3, 256, 256>}, {pipeline_mode = #tpu.pipeline_mode<synchronous>, transform_indices = @transform_3, window_bounds = array<i64: 8, 256>}, {transform_indices = @transform_4, window_bounds = array<i64: 3, 2, 2048, 128>}]} {
    %get3A = arith.constant 0 : index
    %get3A_0 = arith.constant 0 : index
    %get3A_1 = arith.constant 0 : index
    %get3A_2 = vector.load %arg2[%get3A, %get3A_0, %get3A_1] : memref<1x8x2048xf32, #tpu.memory_space<vmem>>, vector<1x8x2048xf32>
    %squeeze3A = vector.shape_cast %get3A_2 : vector<1x8x2048xf32> to vector<8x2048xf32>
    %get3A_3 = arith.constant 0 : index
    %get3A_4 = arith.constant 0 : index
    %get3A_5 = arith.constant 0 : index
    %get3A_6 = arith.constant 0 : index
    %get3A_7 = vector.load %arg1[%get3A_3, %get3A_4, %get3A_5, %get3A_6] : memref<3x2x2048x128xf32, #tpu.memory_space<vmem>>, vector<3x2x2048x128xf32>
    %broadcast_in_dim3A = arith.constant 0.000000e+00 : f32
    %broadcast_in_dim3A_8 = vector.broadcast %broadcast_in_dim3A : f32 to vector<2048x256xf32>
    %slice3A = vector.extract_strided_slice %get3A_7 {offsets = [0, 0, 0, 0], sizes = [1, 1, 2048, 128], strides = [1, 1, 1, 1]} : vector<3x2x2048x128xf32> to vector<1x1x2048x128xf32>
    %squeeze3A_9 = vector.shape_cast %slice3A : vector<1x1x2048x128xf32> to vector<2048x128xf32>
    %slice3A_10 = vector.extract_strided_slice %get3A_7 {offsets = [0, 1, 0, 0], sizes = [1, 1, 2048, 128], strides = [1, 1, 1, 1]} : vector<3x2x2048x128xf32> to vector<1x1x2048x128xf32>
    %squeeze3A_11 = vector.shape_cast %slice3A_10 : vector<1x1x2048x128xf32> to vector<2048x128xf32>
    %concatenate3A = tpu.concatenate %squeeze3A_9, %squeeze3A_11 in 1 : vector<2048x128xf32>, vector<2048x128xf32> -> vector<2048x256xf32>
    %slice3A_12 = vector.extract_strided_slice %squeeze3A {offsets = [1, 0], sizes = [1, 2048], strides = [1, 1]} : vector<8x2048xf32> to vector<1x2048xf32>
    %squeeze3A_13 = vector.shape_cast %slice3A_12 : vector<1x2048xf32> to vector<2048xf32>
    %broadcast_in_dim3A_14 = vector.shape_cast %squeeze3A_13 : vector<2048xf32> to vector<2048x1xf32>
    %mul3A = vector.broadcast %broadcast_in_dim3A_14 : vector<2048x1xf32> to vector<2048x256xf32>
    %mul3A_15 = arith.mulf %concatenate3A, %mul3A : vector<2048x256xf32>
    %get3A_16 = arith.constant 0 : index
    %get3A_17 = arith.constant 0 : index
    %get3A_18 = arith.constant 0 : index
    %get3A_19 = vector.load %arg3[%get3A_16, %get3A_17, %get3A_18] : memref<3x256x256xf32, #tpu.memory_space<vmem>>, vector<3x256x256xf32>
    %slice3A_20 = vector.extract_strided_slice %get3A_19 {offsets = [0, 0, 0], sizes = [1, 256, 256], strides = [1, 1, 1]} : vector<3x256x256xf32> to vector<1x256x256xf32>
    %squeeze3A_21 = vector.shape_cast %slice3A_20 : vector<1x256x256xf32> to vector<256x256xf32>
    %dot_general3A = arith.constant dense<0.000000e+00> : vector<2048x256xf32>
    %dot_general3A_22 = tpu.matmul %mul3A_15, %squeeze3A_21, %dot_general3A {dimension_numbers = #tpu.dot_dimension_numbers<[1], [0], [0], [1], [0, 0, 1, 1], [], []>, transpose_lhs_hint = false} : vector<2048x256xf32>, vector<256x256xf32>, vector<2048x256xf32> -> vector<2048x256xf32>
    %add3A = arith.addf %broadcast_in_dim3A_8, %dot_general3A_22 : vector<2048x256xf32>
    %slice3A_23 = vector.extract_strided_slice %get3A_7 {offsets = [1, 0, 0, 0], sizes = [1, 1, 2048, 128], strides = [1, 1, 1, 1]} : vector<3x2x2048x128xf32> to vector<1x1x2048x128xf32>
    %squeeze3A_24 = vector.shape_cast %slice3A_23 : vector<1x1x2048x128xf32> to vector<2048x128xf32>
    %slice3A_25 = vector.extract_strided_slice %get3A_7 {offsets = [1, 1, 0, 0], sizes = [1, 1, 2048, 128], strides = [1, 1, 1, 1]} : vector<3x2x2048x128xf32> to vector<1x1x2048x128xf32>
    %squeeze3A_26 = vector.shape_cast %slice3A_25 : vector<1x1x2048x128xf32> to vector<2048x128xf32>
    %concatenate3A_27 = tpu.concatenate %squeeze3A_24, %squeeze3A_26 in 1 : vector<2048x128xf32>, vector<2048x128xf32> -> vector<2048x256xf32>
    %slice3A_28 = vector.extract_strided_slice %squeeze3A {offsets = [3, 0], sizes = [1, 2048], strides = [1, 1]} : vector<8x2048xf32> to vector<1x2048xf32>
    %squeeze3A_29 = vector.shape_cast %slice3A_28 : vector<1x2048xf32> to vector<2048xf32>
    %broadcast_in_dim3A_30 = vector.shape_cast %squeeze3A_29 : vector<2048xf32> to vector<2048x1xf32>
    %mul3A_31 = vector.broadcast %broadcast_in_dim3A_30 : vector<2048x1xf32> to vector<2048x256xf32>
    %mul3A_32 = arith.mulf %concatenate3A_27, %mul3A_31 : vector<2048x256xf32>
    %get3A_33 = arith.constant 0 : index
    %get3A_34 = arith.constant 0 : index
    %get3A_35 = arith.constant 0 : index
    %get3A_36 = vector.load %arg3[%get3A_33, %get3A_34, %get3A_35] : memref<3x256x256xf32, #tpu.memory_space<vmem>>, vector<3x256x256xf32>
    %slice3A_37 = vector.extract_strided_slice %get3A_36 {offsets = [1, 0, 0], sizes = [1, 256, 256], strides = [1, 1, 1]} : vector<3x256x256xf32> to vector<1x256x256xf32>
    %squeeze3A_38 = vector.shape_cast %slice3A_37 : vector<1x256x256xf32> to vector<256x256xf32>
    %dot_general3A_39 = arith.constant dense<0.000000e+00> : vector<2048x256xf32>
    %dot_general3A_40 = tpu.matmul %mul3A_32, %squeeze3A_38, %dot_general3A_39 {dimension_numbers = #tpu.dot_dimension_numbers<[1], [0], [0], [1], [0, 0, 1, 1], [], []>, transpose_lhs_hint = false} : vector<2048x256xf32>, vector<256x256xf32>, vector<2048x256xf32> -> vector<2048x256xf32>
    %add3A_41 = arith.addf %add3A, %dot_general3A_40 : vector<2048x256xf32>
    %slice3A_42 = vector.extract_strided_slice %get3A_7 {offsets = [2, 0, 0, 0], sizes = [1, 1, 2048, 128], strides = [1, 1, 1, 1]} : vector<3x2x2048x128xf32> to vector<1x1x2048x128xf32>
    %squeeze3A_43 = vector.shape_cast %slice3A_42 : vector<1x1x2048x128xf32> to vector<2048x128xf32>
    %slice3A_44 = vector.extract_strided_slice %get3A_7 {offsets = [2, 1, 0, 0], sizes = [1, 1, 2048, 128], strides = [1, 1, 1, 1]} : vector<3x2x2048x128xf32> to vector<1x1x2048x128xf32>
    %squeeze3A_45 = vector.shape_cast %slice3A_44 : vector<1x1x2048x128xf32> to vector<2048x128xf32>
    %concatenate3A_46 = tpu.concatenate %squeeze3A_43, %squeeze3A_45 in 1 : vector<2048x128xf32>, vector<2048x128xf32> -> vector<2048x256xf32>
    %slice3A_47 = vector.extract_strided_slice %squeeze3A {offsets = [5, 0], sizes = [1, 2048], strides = [1, 1]} : vector<8x2048xf32> to vector<1x2048xf32>
    %squeeze3A_48 = vector.shape_cast %slice3A_47 : vector<1x2048xf32> to vector<2048xf32>
    %broadcast_in_dim3A_49 = vector.shape_cast %squeeze3A_48 : vector<2048xf32> to vector<2048x1xf32>
    %mul3A_50 = vector.broadcast %broadcast_in_dim3A_49 : vector<2048x1xf32> to vector<2048x256xf32>
    %mul3A_51 = arith.mulf %concatenate3A_46, %mul3A_50 : vector<2048x256xf32>
    %get3A_52 = arith.constant 0 : index
    %get3A_53 = arith.constant 0 : index
    %get3A_54 = arith.constant 0 : index
    %get3A_55 = vector.load %arg3[%get3A_52, %get3A_53, %get3A_54] : memref<3x256x256xf32, #tpu.memory_space<vmem>>, vector<3x256x256xf32>
    %slice3A_56 = vector.extract_strided_slice %get3A_55 {offsets = [2, 0, 0], sizes = [1, 256, 256], strides = [1, 1, 1]} : vector<3x256x256xf32> to vector<1x256x256xf32>
    %squeeze3A_57 = vector.shape_cast %slice3A_56 : vector<1x256x256xf32> to vector<256x256xf32>
    %dot_general3A_58 = arith.constant dense<0.000000e+00> : vector<2048x256xf32>
    %dot_general3A_59 = tpu.matmul %mul3A_51, %squeeze3A_57, %dot_general3A_58 {dimension_numbers = #tpu.dot_dimension_numbers<[1], [0], [0], [1], [0, 0, 1, 1], [], []>, transpose_lhs_hint = false} : vector<2048x256xf32>, vector<256x256xf32>, vector<2048x256xf32> -> vector<2048x256xf32>
    %add3A_60 = arith.addf %add3A_41, %dot_general3A_59 : vector<2048x256xf32>
    %get3A_61 = arith.constant 0 : index
    %get3A_62 = arith.constant 0 : index
    %get3A_63 = vector.load %arg4[%get3A_61, %get3A_62] : memref<8x256xf32, #tpu.memory_space<vmem>>, vector<8x256xf32>
    %reduce_sum3A = arith.constant dense<0.000000e+00> : vector<256xf32>
    %reduce_sum3A_64 = vector.multi_reduction <add>, %get3A_63, %reduce_sum3A [0] : vector<8x256xf32> to vector<256xf32>
    %broadcast_in_dim3A_65 = vector.shape_cast %reduce_sum3A_64 : vector<256xf32> to vector<1x256xf32>
    %add3A_66 = vector.broadcast %broadcast_in_dim3A_65 : vector<1x256xf32> to vector<2048x256xf32>
    %add3A_67 = arith.addf %add3A_60, %add3A_66 : vector<2048x256xf32>
    %max3A = arith.constant 0.000000e+00 : f32
    %max3A_68 = vector.broadcast %max3A : f32 to vector<2048x256xf32>
    %max3A_69 = arith.maximumf %add3A_67, %max3A_68 : vector<2048x256xf32>
    %slice3A_70 = vector.extract_strided_slice %squeeze3A {offsets = [0, 0], sizes = [1, 2048], strides = [1, 1]} : vector<8x2048xf32> to vector<1x2048xf32>
    %squeeze3A_71 = vector.shape_cast %slice3A_70 : vector<1x2048xf32> to vector<2048xf32>
    %broadcast_in_dim3A_72 = vector.shape_cast %squeeze3A_71 : vector<2048xf32> to vector<2048x1xf32>
    %mul3A_73 = vector.broadcast %broadcast_in_dim3A_72 : vector<2048x1xf32> to vector<2048x256xf32>
    %mul3A_74 = arith.mulf %max3A_69, %mul3A_73 : vector<2048x256xf32>
    %slice3A_75 = vector.extract_strided_slice %mul3A_74 {offsets = [0, 0], sizes = [2048, 128], strides = [1, 1]} : vector<2048x256xf32> to vector<2048x128xf32>
    %slice3A_76 = vector.extract_strided_slice %mul3A_74 {offsets = [0, 128], sizes = [2048, 128], strides = [1, 1]} : vector<2048x256xf32> to vector<2048x128xf32>
    %stack3A = vector.shape_cast %slice3A_75 : vector<2048x128xf32> to vector<1x2048x128xf32>
    %stack3A_77 = vector.shape_cast %slice3A_76 : vector<2048x128xf32> to vector<1x2048x128xf32>
    %stack3A_78 = tpu.concatenate %stack3A, %stack3A_77 in 0 : vector<1x2048x128xf32>, vector<1x2048x128xf32> -> vector<2x2048x128xf32>
    %slice3A_79 = vector.extract_strided_slice %squeeze3A {offsets = [2, 0], sizes = [1, 2048], strides = [1, 1]} : vector<8x2048xf32> to vector<1x2048xf32>
    %squeeze3A_80 = vector.shape_cast %slice3A_79 : vector<1x2048xf32> to vector<2048xf32>
    %broadcast_in_dim3A_81 = vector.shape_cast %squeeze3A_80 : vector<2048xf32> to vector<2048x1xf32>
    %mul3A_82 = vector.broadcast %broadcast_in_dim3A_81 : vector<2048x1xf32> to vector<2048x256xf32>
    %mul3A_83 = arith.mulf %max3A_69, %mul3A_82 : vector<2048x256xf32>
    %slice3A_84 = vector.extract_strided_slice %mul3A_83 {offsets = [0, 0], sizes = [2048, 128], strides = [1, 1]} : vector<2048x256xf32> to vector<2048x128xf32>
    %slice3A_85 = vector.extract_strided_slice %mul3A_83 {offsets = [0, 128], sizes = [2048, 128], strides = [1, 1]} : vector<2048x256xf32> to vector<2048x128xf32>
    %stack3A_86 = vector.shape_cast %slice3A_84 : vector<2048x128xf32> to vector<1x2048x128xf32>
    %stack3A_87 = vector.shape_cast %slice3A_85 : vector<2048x128xf32> to vector<1x2048x128xf32>
    %stack3A_88 = tpu.concatenate %stack3A_86, %stack3A_87 in 0 : vector<1x2048x128xf32>, vector<1x2048x128xf32> -> vector<2x2048x128xf32>
    %slice3A_89 = vector.extract_strided_slice %squeeze3A {offsets = [4, 0], sizes = [1, 2048], strides = [1, 1]} : vector<8x2048xf32> to vector<1x2048xf32>
    %squeeze3A_90 = vector.shape_cast %slice3A_89 : vector<1x2048xf32> to vector<2048xf32>
    %broadcast_in_dim3A_91 = vector.shape_cast %squeeze3A_90 : vector<2048xf32> to vector<2048x1xf32>
    %mul3A_92 = vector.broadcast %broadcast_in_dim3A_91 : vector<2048x1xf32> to vector<2048x256xf32>
    %mul3A_93 = arith.mulf %max3A_69, %mul3A_92 : vector<2048x256xf32>
    %slice3A_94 = vector.extract_strided_slice %mul3A_93 {offsets = [0, 0], sizes = [2048, 128], strides = [1, 1]} : vector<2048x256xf32> to vector<2048x128xf32>
    %slice3A_95 = vector.extract_strided_slice %mul3A_93 {offsets = [0, 128], sizes = [2048, 128], strides = [1, 1]} : vector<2048x256xf32> to vector<2048x128xf32>
    %stack3A_96 = vector.shape_cast %slice3A_94 : vector<2048x128xf32> to vector<1x2048x128xf32>
    %stack3A_97 = vector.shape_cast %slice3A_95 : vector<2048x128xf32> to vector<1x2048x128xf32>
    %stack3A_98 = tpu.concatenate %stack3A_96, %stack3A_97 in 0 : vector<1x2048x128xf32>, vector<1x2048x128xf32> -> vector<2x2048x128xf32>
    %stack3A_99 = vector.shape_cast %stack3A_78 : vector<2x2048x128xf32> to vector<1x2x2048x128xf32>
    %stack3A_100 = vector.shape_cast %stack3A_88 : vector<2x2048x128xf32> to vector<1x2x2048x128xf32>
    %stack3A_101 = vector.shape_cast %stack3A_98 : vector<2x2048x128xf32> to vector<1x2x2048x128xf32>
    %stack3A_102 = tpu.concatenate %stack3A_99, %stack3A_100, %stack3A_101 in 0 : vector<1x2x2048x128xf32>, vector<1x2x2048x128xf32>, vector<1x2x2048x128xf32> -> vector<3x2x2048x128xf32>
    %swap3A = arith.constant 0 : index
    %swap3A_103 = arith.constant 0 : index
    %swap3A_104 = arith.constant 0 : index
    %swap3A_105 = arith.constant 0 : index
    %swap3A_106 = vector.load %arg5[%swap3A, %swap3A_103, %swap3A_104, %swap3A_105] : memref<3x2x2048x128xf32, #tpu.memory_space<vmem>>, vector<3x2x2048x128xf32>
    tpu.vector_store %arg5[%swap3A, %swap3A_103, %swap3A_104, %swap3A_105], %stack3A_102 {strides = array<i32>} : memref<3x2x2048x128xf32, #tpu.memory_space<vmem>>, vector<3x2x2048x128xf32>,
    return
  }
  func.func @transform_0(%arg0: i32) -> (i32, i32, i32, i32) {
    %c0_i32 = arith.constant 0 : i32
    %c0_i32_0 = arith.constant 0 : i32
    %c0_i32_1 = arith.constant 0 : i32
    %c0_i32_2 = arith.constant 0 : i32
    return %c0_i32, %c0_i32_0, %arg0, %c0_i32_1 : i32, i32, i32, i32
  }
  func.func @transform_1(%arg0: i32) -> (i32, i32, i32) {
    %c0_i32 = arith.constant 0 : i32
    %c0_i32_0 = arith.constant 0 : i32
    %c0_i32_1 = arith.constant 0 : i32
    return %arg0, %c0_i32, %c0_i32_0 : i32, i32, i32
  }
  func.func @transform_2(%arg0: i32) -> (i32, i32, i32) {
    %c0_i32 = arith.constant 0 : i32
    %c0_i32_0 = arith.constant 0 : i32
    %c0_i32_1 = arith.constant 0 : i32
    %c0_i32_2 = arith.constant 0 : i32
    return %c0_i32, %c0_i32_0, %c0_i32_1 : i32, i32, i32
  }
  func.func @transform_3(%arg0: i32) -> (i32, i32) {
    %c0_i32 = arith.constant 0 : i32
    %c0_i32_0 = arith.constant 0 : i32
    %c0_i32_1 = arith.constant 0 : i32
    return %c0_i32, %c0_i32_0 : i32, i32
  }
  func.func @transform_4(%arg0: i32) -> (i32, i32, i32, i32) {
    %c0_i32 = arith.constant 0 : i32
    %c0_i32_0 = arith.constant 0 : i32
    %c0_i32_1 = arith.constant 0 : i32
    %c0_i32_2 = arith.constant 0 : i32
    return %c0_i32, %c0_i32_0, %arg0, %c0_i32_1 : i32, i32, i32, i32
  }
}

module attributes {stable_mosaic.version = 14 : i64} {
  func.func @_dense2_body(%arg0: i32, %arg1: memref<3x2x2048x128xf32, #tpu.memory_space<vmem>>, %arg2: memref<1x8x2048xf32, #tpu.memory_space<vmem>>, %arg3: memref<3x256x256xf32, #tpu.memory_space<vmem>>, %arg4: memref<8x256xf32, #tpu.memory_space<vmem>>, %arg5: memref<256x16xf32, #tpu.memory_space<vmem>>, %arg6: memref<8x16xf32, #tpu.memory_space<vmem>>, %arg7: memref<1x16xf32, #tpu.memory_space<vmem>>, %arg8: memref<8x256xf32, #tpu.memory_space<vmem>>) attributes {dimension_semantics = [#tpu.dimension_semantics<arbitrary>], iteration_bounds = array<i64: 5>, scalar_prefetch = 0 : i64, scratch_operands = 1 : i64, tpu.core_type = #tpu.core_type<tc>, window_params = [{transform_indices = @transform_0, window_bounds = array<i64: 3, 2, 2048, 128>}, {transform_indices = @transform_1, window_bounds = array<i64: 1, 8, 2048>}, {pipeline_mode = #tpu.pipeline_mode<synchronous>, transform_indices = @transform_2, window_bounds = array<i64: 3, 256, 256>}, {pipeline_mode = #tpu.pipeline_mode<synchronous>, transform_indices = @transform_3, window_bounds = array<i64: 8, 256>}, {pipeline_mode = #tpu.pipeline_mode<synchronous>, transform_indices = @transform_4, window_bounds = array<i64: 256, 16>}, {pipeline_mode = #tpu.pipeline_mode<synchronous>, transform_indices = @transform_5, window_bounds = array<i64: 8, 16>}, {pipeline_mode = #tpu.pipeline_mode<synchronous>, transform_indices = @transform_6, window_bounds = array<i64: 1, 16>}]} {
    %get3A = arith.constant 0 : index
    %get3A_0 = arith.constant 0 : index
    %get3A_1 = arith.constant 0 : index
    %get3A_2 = vector.load %arg2[%get3A, %get3A_0, %get3A_1] : memref<1x8x2048xf32, #tpu.memory_space<vmem>>, vector<1x8x2048xf32>
    %squeeze3A = vector.shape_cast %get3A_2 : vector<1x8x2048xf32> to vector<8x2048xf32>
    %get3A_3 = arith.constant 0 : index
    %get3A_4 = arith.constant 0 : index
    %get3A_5 = arith.constant 0 : index
    %get3A_6 = arith.constant 0 : index
    %get3A_7 = vector.load %arg1[%get3A_3, %get3A_4, %get3A_5, %get3A_6] : memref<3x2x2048x128xf32, #tpu.memory_space<vmem>>, vector<3x2x2048x128xf32>
    %broadcast_in_dim3A = arith.constant 0.000000e+00 : f32
    %broadcast_in_dim3A_8 = vector.broadcast %broadcast_in_dim3A : f32 to vector<2048x256xf32>
    %slice3A = vector.extract_strided_slice %get3A_7 {offsets = [0, 0, 0, 0], sizes = [1, 1, 2048, 128], strides = [1, 1, 1, 1]} : vector<3x2x2048x128xf32> to vector<1x1x2048x128xf32>
    %squeeze3A_9 = vector.shape_cast %slice3A : vector<1x1x2048x128xf32> to vector<2048x128xf32>
    %slice3A_10 = vector.extract_strided_slice %get3A_7 {offsets = [0, 1, 0, 0], sizes = [1, 1, 2048, 128], strides = [1, 1, 1, 1]} : vector<3x2x2048x128xf32> to vector<1x1x2048x128xf32>
    %squeeze3A_11 = vector.shape_cast %slice3A_10 : vector<1x1x2048x128xf32> to vector<2048x128xf32>
    %concatenate3A = tpu.concatenate %squeeze3A_9, %squeeze3A_11 in 1 : vector<2048x128xf32>, vector<2048x128xf32> -> vector<2048x256xf32>
    %slice3A_12 = vector.extract_strided_slice %squeeze3A {offsets = [1, 0], sizes = [1, 2048], strides = [1, 1]} : vector<8x2048xf32> to vector<1x2048xf32>
    %squeeze3A_13 = vector.shape_cast %slice3A_12 : vector<1x2048xf32> to vector<2048xf32>
    %broadcast_in_dim3A_14 = vector.shape_cast %squeeze3A_13 : vector<2048xf32> to vector<2048x1xf32>
    %mul3A = vector.broadcast %broadcast_in_dim3A_14 : vector<2048x1xf32> to vector<2048x256xf32>
    %mul3A_15 = arith.mulf %concatenate3A, %mul3A : vector<2048x256xf32>
    %get3A_16 = arith.constant 0 : index
    %get3A_17 = arith.constant 0 : index
    %get3A_18 = arith.constant 0 : index
    %get3A_19 = vector.load %arg3[%get3A_16, %get3A_17, %get3A_18] : memref<3x256x256xf32, #tpu.memory_space<vmem>>, vector<3x256x256xf32>
    %slice3A_20 = vector.extract_strided_slice %get3A_19 {offsets = [0, 0, 0], sizes = [1, 256, 256], strides = [1, 1, 1]} : vector<3x256x256xf32> to vector<1x256x256xf32>
    %squeeze3A_21 = vector.shape_cast %slice3A_20 : vector<1x256x256xf32> to vector<256x256xf32>
    %dot_general3A = arith.constant dense<0.000000e+00> : vector<2048x256xf32>
    %dot_general3A_22 = tpu.matmul %mul3A_15, %squeeze3A_21, %dot_general3A {dimension_numbers = #tpu.dot_dimension_numbers<[1], [0], [0], [1], [0, 0, 1, 1], [], []>, transpose_lhs_hint = false} : vector<2048x256xf32>, vector<256x256xf32>, vector<2048x256xf32> -> vector<2048x256xf32>
    %add3A = arith.addf %broadcast_in_dim3A_8, %dot_general3A_22 : vector<2048x256xf32>
    %slice3A_23 = vector.extract_strided_slice %get3A_7 {offsets = [1, 0, 0, 0], sizes = [1, 1, 2048, 128], strides = [1, 1, 1, 1]} : vector<3x2x2048x128xf32> to vector<1x1x2048x128xf32>
    %squeeze3A_24 = vector.shape_cast %slice3A_23 : vector<1x1x2048x128xf32> to vector<2048x128xf32>
    %slice3A_25 = vector.extract_strided_slice %get3A_7 {offsets = [1, 1, 0, 0], sizes = [1, 1, 2048, 128], strides = [1, 1, 1, 1]} : vector<3x2x2048x128xf32> to vector<1x1x2048x128xf32>
    %squeeze3A_26 = vector.shape_cast %slice3A_25 : vector<1x1x2048x128xf32> to vector<2048x128xf32>
    %concatenate3A_27 = tpu.concatenate %squeeze3A_24, %squeeze3A_26 in 1 : vector<2048x128xf32>, vector<2048x128xf32> -> vector<2048x256xf32>
    %slice3A_28 = vector.extract_strided_slice %squeeze3A {offsets = [3, 0], sizes = [1, 2048], strides = [1, 1]} : vector<8x2048xf32> to vector<1x2048xf32>
    %squeeze3A_29 = vector.shape_cast %slice3A_28 : vector<1x2048xf32> to vector<2048xf32>
    %broadcast_in_dim3A_30 = vector.shape_cast %squeeze3A_29 : vector<2048xf32> to vector<2048x1xf32>
    %mul3A_31 = vector.broadcast %broadcast_in_dim3A_30 : vector<2048x1xf32> to vector<2048x256xf32>
    %mul3A_32 = arith.mulf %concatenate3A_27, %mul3A_31 : vector<2048x256xf32>
    %get3A_33 = arith.constant 0 : index
    %get3A_34 = arith.constant 0 : index
    %get3A_35 = arith.constant 0 : index
    %get3A_36 = vector.load %arg3[%get3A_33, %get3A_34, %get3A_35] : memref<3x256x256xf32, #tpu.memory_space<vmem>>, vector<3x256x256xf32>
    %slice3A_37 = vector.extract_strided_slice %get3A_36 {offsets = [1, 0, 0], sizes = [1, 256, 256], strides = [1, 1, 1]} : vector<3x256x256xf32> to vector<1x256x256xf32>
    %squeeze3A_38 = vector.shape_cast %slice3A_37 : vector<1x256x256xf32> to vector<256x256xf32>
    %dot_general3A_39 = arith.constant dense<0.000000e+00> : vector<2048x256xf32>
    %dot_general3A_40 = tpu.matmul %mul3A_32, %squeeze3A_38, %dot_general3A_39 {dimension_numbers = #tpu.dot_dimension_numbers<[1], [0], [0], [1], [0, 0, 1, 1], [], []>, transpose_lhs_hint = false} : vector<2048x256xf32>, vector<256x256xf32>, vector<2048x256xf32> -> vector<2048x256xf32>
    %add3A_41 = arith.addf %add3A, %dot_general3A_40 : vector<2048x256xf32>
    %slice3A_42 = vector.extract_strided_slice %get3A_7 {offsets = [2, 0, 0, 0], sizes = [1, 1, 2048, 128], strides = [1, 1, 1, 1]} : vector<3x2x2048x128xf32> to vector<1x1x2048x128xf32>
    %squeeze3A_43 = vector.shape_cast %slice3A_42 : vector<1x1x2048x128xf32> to vector<2048x128xf32>
    %slice3A_44 = vector.extract_strided_slice %get3A_7 {offsets = [2, 1, 0, 0], sizes = [1, 1, 2048, 128], strides = [1, 1, 1, 1]} : vector<3x2x2048x128xf32> to vector<1x1x2048x128xf32>
    %squeeze3A_45 = vector.shape_cast %slice3A_44 : vector<1x1x2048x128xf32> to vector<2048x128xf32>
    %concatenate3A_46 = tpu.concatenate %squeeze3A_43, %squeeze3A_45 in 1 : vector<2048x128xf32>, vector<2048x128xf32> -> vector<2048x256xf32>
    %slice3A_47 = vector.extract_strided_slice %squeeze3A {offsets = [5, 0], sizes = [1, 2048], strides = [1, 1]} : vector<8x2048xf32> to vector<1x2048xf32>
    %squeeze3A_48 = vector.shape_cast %slice3A_47 : vector<1x2048xf32> to vector<2048xf32>
    %broadcast_in_dim3A_49 = vector.shape_cast %squeeze3A_48 : vector<2048xf32> to vector<2048x1xf32>
    %mul3A_50 = vector.broadcast %broadcast_in_dim3A_49 : vector<2048x1xf32> to vector<2048x256xf32>
    %mul3A_51 = arith.mulf %concatenate3A_46, %mul3A_50 : vector<2048x256xf32>
    %get3A_52 = arith.constant 0 : index
    %get3A_53 = arith.constant 0 : index
    %get3A_54 = arith.constant 0 : index
    %get3A_55 = vector.load %arg3[%get3A_52, %get3A_53, %get3A_54] : memref<3x256x256xf32, #tpu.memory_space<vmem>>, vector<3x256x256xf32>
    %slice3A_56 = vector.extract_strided_slice %get3A_55 {offsets = [2, 0, 0], sizes = [1, 256, 256], strides = [1, 1, 1]} : vector<3x256x256xf32> to vector<1x256x256xf32>
    %squeeze3A_57 = vector.shape_cast %slice3A_56 : vector<1x256x256xf32> to vector<256x256xf32>
    %dot_general3A_58 = arith.constant dense<0.000000e+00> : vector<2048x256xf32>
    %dot_general3A_59 = tpu.matmul %mul3A_51, %squeeze3A_57, %dot_general3A_58 {dimension_numbers = #tpu.dot_dimension_numbers<[1], [0], [0], [1], [0, 0, 1, 1], [], []>, transpose_lhs_hint = false} : vector<2048x256xf32>, vector<256x256xf32>, vector<2048x256xf32> -> vector<2048x256xf32>
    %add3A_60 = arith.addf %add3A_41, %dot_general3A_59 : vector<2048x256xf32>
    %get3A_61 = arith.constant 0 : index
    %get3A_62 = arith.constant 0 : index
    %get3A_63 = vector.load %arg4[%get3A_61, %get3A_62] : memref<8x256xf32, #tpu.memory_space<vmem>>, vector<8x256xf32>
    %reduce_sum3A = arith.constant dense<0.000000e+00> : vector<256xf32>
    %reduce_sum3A_64 = vector.multi_reduction <add>, %get3A_63, %reduce_sum3A [0] : vector<8x256xf32> to vector<256xf32>
    %broadcast_in_dim3A_65 = vector.shape_cast %reduce_sum3A_64 : vector<256xf32> to vector<1x256xf32>
    %add3A_66 = vector.broadcast %broadcast_in_dim3A_65 : vector<1x256xf32> to vector<2048x256xf32>
    %add3A_67 = arith.addf %add3A_60, %add3A_66 : vector<2048x256xf32>
    %max3A = arith.constant 0.000000e+00 : f32
    %max3A_68 = vector.broadcast %max3A : f32 to vector<2048x256xf32>
    %max3A_69 = arith.maximumf %add3A_67, %max3A_68 : vector<2048x256xf32>
    %mul3A_70 = arith.constant 2048 : i32
    %mul3A_71 = arith.muli %arg0, %mul3A_70 : i32
    %iota3A = tpu.iota {dimensions = array<i32: 0>} : vector<2048x1xi32>
    %add3A_72 = vector.broadcast %mul3A_71 : i32 to vector<2048x1xi32>
    %add3A_73 = arith.addi %add3A_72, %iota3A : vector<2048x1xi32>
    %lt3A = arith.constant 10000 : i32
    %lt3A_74 = vector.broadcast %lt3A : i32 to vector<2048x1xi32>
    %lt3A_75 = arith.cmpi slt, %add3A_73, %lt3A_74 : vector<2048x1xi32>
    %jit3A = arith.constant 0.000000e+00 : f32
    %broadcast_in_dim3A_76 = vector.shape_cast %lt3A_75 : vector<2048x1xi1> to vector<2048x1xi1>
    %broadcast_in_dim3A_77 = vector.broadcast %broadcast_in_dim3A_76 : vector<2048x1xi1> to vector<2048x256xi1>
    %broadcast_in_dim3A_78 = vector.broadcast %jit3A : f32 to vector<2048x256xf32>
    %select_n3A = arith.select %broadcast_in_dim3A_77, %max3A_69, %broadcast_in_dim3A_78 : vector<2048x256xi1>, vector<2048x256xf32>
    %broadcast_in_dim3A_79 = arith.constant 1.000000e+00 : f32
    %broadcast_in_dim3A_80 = vector.broadcast %broadcast_in_dim3A_79 : f32 to vector<8x2048xf32>
    %dot_general3A_81 = arith.constant dense<0.000000e+00> : vector<8x256xf32>
    %dot_general3A_82 = tpu.matmul %broadcast_in_dim3A_80, %select_n3A, %dot_general3A_81 {dimension_numbers = #tpu.dot_dimension_numbers<[1], [0], [0], [1], [0, 0, 1, 1], [], []>, transpose_lhs_hint = false} : vector<8x2048xf32>, vector<2048x256xf32>, vector<8x256xf32> -> vector<8x256xf32>
    %eq3A = arith.constant 0 : i32
    %eq3A_83 = arith.cmpi eq, %arg0, %eq3A : i32
    %convert_element_type3A = arith.extui %eq3A_83 : i1 to i32
    %cond3A = arith.constant 0 : i32
    %cond3A_84 = arith.cmpi ne, %convert_element_type3A, %cond3A : i32
    scf.if %cond3A_84 {
      %broadcast_in_dim3A_109 = arith.constant 0.000000e+00 : f32
      %broadcast_in_dim3A_110 = vector.broadcast %broadcast_in_dim3A_109 : f32 to vector<8x256xf32>
      %swap3A_111 = arith.constant 0 : index
      %swap3A_112 = arith.constant 0 : index
      %swap3A_113 = vector.load %arg8[%swap3A_111, %swap3A_112] : memref<8x256xf32, #tpu.memory_space<vmem>>, vector<8x256xf32>
      tpu.vector_store %arg8[%swap3A_111, %swap3A_112], %broadcast_in_dim3A_110 {strides = array<i32>} : memref<8x256xf32, #tpu.memory_space<vmem>>, vector<8x256xf32>,
    } else {
    }
    %get3A_85 = arith.constant 0 : index
    %get3A_86 = arith.constant 0 : index
    %get3A_87 = vector.load %arg8[%get3A_85, %get3A_86] : memref<8x256xf32, #tpu.memory_space<vmem>>, vector<8x256xf32>
    %add3A_88 = arith.addf %get3A_87, %dot_general3A_82 : vector<8x256xf32>
    %swap3A = arith.constant 0 : index
    %swap3A_89 = arith.constant 0 : index
    %swap3A_90 = vector.load %arg8[%swap3A, %swap3A_89] : memref<8x256xf32, #tpu.memory_space<vmem>>, vector<8x256xf32>
    tpu.vector_store %arg8[%swap3A, %swap3A_89], %add3A_88 {strides = array<i32>} : memref<8x256xf32, #tpu.memory_space<vmem>>, vector<8x256xf32>,
    %get3A_91 = arith.constant 0 : index
    %get3A_92 = arith.constant 0 : index
    %get3A_93 = vector.load %arg8[%get3A_91, %get3A_92] : memref<8x256xf32, #tpu.memory_space<vmem>>, vector<1x256xf32>
    %mul3A_94 = arith.constant 9.99999974E-5 : f32
    %mul3A_95 = vector.broadcast %mul3A_94 : f32 to vector<1x256xf32>
    %mul3A_96 = arith.mulf %get3A_93, %mul3A_95 : vector<1x256xf32>
    %get3A_97 = arith.constant 0 : index
    %get3A_98 = arith.constant 0 : index
    %get3A_99 = vector.load %arg5[%get3A_97, %get3A_98] : memref<256x16xf32, #tpu.memory_space<vmem>>, vector<256x16xf32>
    %dot_general3A_100 = arith.constant dense<0.000000e+00> : vector<1x16xf32>
    %dot_general3A_101 = tpu.matmul %mul3A_96, %get3A_99, %dot_general3A_100 {dimension_numbers = #tpu.dot_dimension_numbers<[1], [0], [0], [1], [0, 0, 1, 1], [], []>, transpose_lhs_hint = false} : vector<1x256xf32>, vector<256x16xf32>, vector<1x16xf32> -> vector<1x16xf32>
    %get3A_102 = arith.constant 0 : index
    %get3A_103 = arith.constant 0 : index
    %get3A_104 = vector.load %arg6[%get3A_102, %get3A_103] : memref<8x16xf32, #tpu.memory_space<vmem>>, vector<1x16xf32>
    %add3A_105 = arith.addf %dot_general3A_101, %get3A_104 : vector<1x16xf32>
    %swap3A_106 = arith.constant 0 : index
    %swap3A_107 = arith.constant 0 : index
    %swap3A_108 = vector.load %arg7[%swap3A_106, %swap3A_107] : memref<1x16xf32, #tpu.memory_space<vmem>>, vector<1x16xf32>
    tpu.vector_store %arg7[%swap3A_106, %swap3A_107], %add3A_105 {strides = array<i32>} : memref<1x16xf32, #tpu.memory_space<vmem>>, vector<1x16xf32>,
    return
  }
  func.func @transform_0(%arg0: i32) -> (i32, i32, i32, i32) {
    %c0_i32 = arith.constant 0 : i32
    %c0_i32_0 = arith.constant 0 : i32
    %c0_i32_1 = arith.constant 0 : i32
    %c0_i32_2 = arith.constant 0 : i32
    return %c0_i32, %c0_i32_0, %arg0, %c0_i32_1 : i32, i32, i32, i32
  }
  func.func @transform_1(%arg0: i32) -> (i32, i32, i32) {
    %c0_i32 = arith.constant 0 : i32
    %c0_i32_0 = arith.constant 0 : i32
    %c0_i32_1 = arith.constant 0 : i32
    return %arg0, %c0_i32, %c0_i32_0 : i32, i32, i32
  }
  func.func @transform_2(%arg0: i32) -> (i32, i32, i32) {
    %c0_i32 = arith.constant 0 : i32
    %c0_i32_0 = arith.constant 0 : i32
    %c0_i32_1 = arith.constant 0 : i32
    %c0_i32_2 = arith.constant 0 : i32
    return %c0_i32, %c0_i32_0, %c0_i32_1 : i32, i32, i32
  }
  func.func @transform_3(%arg0: i32) -> (i32, i32) {
    %c0_i32 = arith.constant 0 : i32
    %c0_i32_0 = arith.constant 0 : i32
    %c0_i32_1 = arith.constant 0 : i32
    return %c0_i32, %c0_i32_0 : i32, i32
  }
  func.func @transform_4(%arg0: i32) -> (i32, i32) {
    %c0_i32 = arith.constant 0 : i32
    %c0_i32_0 = arith.constant 0 : i32
    %c0_i32_1 = arith.constant 0 : i32
    return %c0_i32, %c0_i32_0 : i32, i32
  }
  func.func @transform_5(%arg0: i32) -> (i32, i32) {
    %c0_i32 = arith.constant 0 : i32
    %c0_i32_0 = arith.constant 0 : i32
    %c0_i32_1 = arith.constant 0 : i32
    return %c0_i32, %c0_i32_0 : i32, i32
  }
  func.func @transform_6(%arg0: i32) -> (i32, i32) {
    %c0_i32 = arith.constant 0 : i32
    %c0_i32_0 = arith.constant 0 : i32
    %c0_i32_1 = arith.constant 0 : i32
    return %c0_i32, %c0_i32_0 : i32, i32
  }
}

</mosaic_0001>

<sc_bundles>
// kernel: kernel.11.cloned.1.call-start
scs
__scs_entry_jumppad:
0x0: {  	(pc) =	sbr.rel $0x88, $3  }
0x1: {  	(tag) =	ssettag $0x0;
	lr =	simm.s32 $0x1  }
0x2: {  	[smem:$0x3F8F] =	sst lr;
	_ =	strace $0xD0000000  }
0x3: {  	_ = 	snop  }
0x4: {  	_ = 	snop  }
0x5: {  	_ = 	snop  }
0x6: {  	_ = 	snop  }
0x7: {  	_ = 	snop  }
__scs_overlays_trampoline_lowered:
0x8: {  	[smem:$0x3F9E] =	sst s0  }
0x9: {  	[smem:$0x3F9F] =	sst s1  }
0xa: {  	[smem:$0x3FA0] =	sst s2  }
0xb: {  	[smem:$0x3FA1] =	sst s3  }
0xc: {  	[smem:$0x3FA2] =	sst s4  }
0xd: {  	[smem:$0x3FA3] =	sst s5  }
0xe: {  	[smem:$0x3FA4] =	sst s6  }
0xf: {  	[smem:$0x3FA5] =	sst s7  }
0x10: {  	[smem:$0x3FA6] =	sst s8  }
0x11: {  	[smem:$0x3FA7] =	sst s9;
	s0 =	simm.s32 @!p0 $0x0  }
0x12: {  	s1 =	sld [smem:$0x3F8D];
	s0 =	simm.s32 @p0 $0x1  }
0x13: {  	[smem:$0x3FA8] =	sst s0;
	s0 =	simm.s32 @!p1 $0x0  }
0x14: {  	s2 =	sld [smem:$0x3F8C];
	s0 =	simm.s32 @p1 $0x1  }
0x15: {  	[smem:$0x3FA9] =	sst s0;
	s0 =	simm.s32 @!p2 $0x0  }
0x16: {  	s3 =	sld [smem:$0x3FDB];
	s0 =	simm.s32 @p2 $0x1  }
0x17: {  	s4 =	simm.s32 $0x1BF5;
	[smem:$0x3FAB] =	sst s0  }
0x18: {  	s0 =	sld [smem:$0x3F8E];
	_ =	swait.ge [sflag:s4], $0x0  }
0x19: {  	s7 =	sld [smem:$0x3F8F]  }
0x1a: {  	s8 =	sadd.s32 $0xFFFFE003, lr  }
0x1b: {  	s9 =	sadd.s32 $0xFFFFFEF7, lr;
	s5 =	simm.s32 $0xFFFFFFFF;
	p2 =	slt.u32 s8, $0xFFFFF086  }
0x1c: {  	p1 =	slt.u32 s9, $0xF7A;
	s5 =	simm.s32 @!p2 $0x0  }
0x1d: {  	s5 =	simm.s32 @p1 $0x1;
	p0 =	seq.s32 s7, s2  }
0x1e: {  	s7 =	smul.u32 @!p0 $0xF7A, s2;
	p2 =	seq.s32 @!p0 s5, $0x0  }
0x1f: {  	s9 =	smul.u32 $0xF7A, s1;
	s8 =	simm.s32 @!p0 $0x1BF5;
	p2 =	por !p2, p0  }
0x20: {  	[sflag:s8] =	ssyncset.s32 @!p0 $0xFFFFF086;
	s6 =	sadd.s32 @!p0 s3, s7;
	s7 =	simm.s32 @!p0 $0x108  }
0x21: {  	s3 =	sadd.s32 s3, s9;
	s6 =	sadd.s32 @!p0 $0x88, s6;
	s7 =	simm.s32 @p2 $0x1082  }
0x22: {  	[simem:s7], [sflag:s8] =	dma.local @!p0 [hbm:s6], $0xF7A  }
0x23: {  	s9 =	sor.u32 $0xD0000000, s2;
	s6 =	simm.s32 $0x108;
	_ =	swait.ge @!p0 [sflag:s8], $0x0  }
0x24: {  	s3 =	sadd.s32 $0x88, s3;
	s6 =	simm.s32 @!p1 $0x1082;
	[sflag:s4] =	ssyncset.s32 $0xFFFFF086  }
0x25: {  	[simem:s6], [sflag:s4] =	dma.local [hbm:s3], $0xF7A  }
0x26: {  	[smem:$0x3F8F] =	sst s1;
	(tag) =	ssettag s2;
	_ =	strace s9  }
0x27: {  	s1 =	sld [smem:$0x3F9F]  }
0x28: {  	s2 =	sld [smem:$0x3FA0]  }
0x29: {  	s4 =	sld [smem:$0x3FA2]  }
0x2a: {  	p0 =	seq.s32 s5, $0x0;
	s5 =	sld [smem:$0x3FA3]  }
0x2b: {  	s6 =	sld [smem:$0x3FA4]  }
0x2c: {  	s7 =	sld [smem:$0x3FA5]  }
0x2d: {  	s3 =	simm.s32 $0x108;
	s8 =	sld [smem:$0x3FA6]  }
0x2e: {  	s3 =	simm.s32 @!p0 $0x1082;
	s9 =	sld [smem:$0x3FA7]  }
0x2f: {  	lr =	sadd.s32 s0, s3;
	s0 =	sld [smem:$0x3F9E]  }
0x30: {  	s3 =	sld [smem:$0x3FA1]  }
0x31: {  	[smem:$0x3FAA] =	sst s10  }
0x32: {  	s10 =	sld [smem:$0x3FA8];
	_ =	sdelay $0x3  }
0x33: {  	p0 =	seq.s32 s10, $0x1;
	s10 =	sld [smem:$0x3FAA];
	_ =	sdelay $0x3  }
0x34: {  	[smem:$0x3FAA] =	sst s10  }
0x35: {  	s10 =	sld [smem:$0x3FA9];
	_ =	sdelay $0x3  }
0x36: {  	p1 =	seq.s32 s10, $0x1;
	s10 =	sld [smem:$0x3FAA];
	_ =	sdelay $0x3  }
0x37: {  	[smem:$0x3FAA] =	sst s10  }
0x38: {  	s10 =	sld [smem:$0x3FAB]  }
0x39: {  	_ = 	snop;
	(pc) =	sbr.ind lr, $3  }
0x3a: {  	_ = 	snop  }
0x3b: {  	_ = 	snop  }
0x3c: {  	p2 =	seq.s32 s10, $0x1;
	s10 =	sld [smem:$0x3FAA]  }
0x3d: {  	_ =	shalt  }
0x3e: {  	_ =	shalt  }
0x3f: {  	_ =	shalt  }
0x40: {  	_ =	shalt  }
0x41: {  	_ =	shalt  }
0x42: {  	_ =	shalt  }
0x43: {  	_ =	shalt  }
0x44: {  	_ =	shalt  }
0x45: {  	_ =	shalt  }
0x46: {  	_ =	shalt  }
0x47: {  	_ =	shalt  }
0x48: {  	_ =	shalt  }
0x49: {  	_ =	shalt  }
0x4a: {  	_ =	shalt  }
0x4b: {  	_ =	shalt  }
0x4c: {  	_ =	shalt  }
0x4d: {  	_ =	shalt  }
0x4e: {  	_ =	shalt  }
0x4f: {  	_ =	shalt  }
0x50: {  	_ =	shalt  }
0x51: {  	_ =	shalt  }
0x52: {  	_ =	shalt  }
0x53: {  	_ =	shalt  }
0x54: {  	_ =	shalt  }
0x55: {  	_ =	shalt  }
0x56: {  	_ =	shalt  }
0x57: {  	_ =	shalt  }
0x58: {  	_ =	shalt  }
0x59: {  	_ =	shalt  }
0x5a: {  	_ =	shalt  }
0x5b: {  	_ =	shalt  }
0x5c: {  	_ =	shalt  }
0x5d: {  	_ =	shalt  }
0x5e: {  	_ =	shalt  }
0x5f: {  	_ =	shalt  }
0x60: {  	_ =	shalt  }
0x61: {  	_ =	shalt  }
0x62: {  	_ =	shalt  }
0x63: {  	_ =	shalt  }
0x64: {  	_ =	shalt  }
0x65: {  	_ =	shalt  }
0x66: {  	_ =	shalt  }
0x67: {  	_ =	shalt  }
0x68: {  	_ =	shalt  }
0x69: {  	_ =	shalt  }
0x6a: {  	_ =	shalt  }
0x6b: {  	_ =	shalt  }
0x6c: {  	_ =	shalt  }
0x6d: {  	_ =	shalt  }
0x6e: {  	_ =	shalt  }
0x6f: {  	_ =	shalt  }
0x70: {  	_ =	shalt  }
0x71: {  	_ =	shalt  }
0x72: {  	_ =	shalt  }
0x73: {  	_ =	shalt  }
0x74: {  	_ =	shalt  }
0x75: {  	_ =	shalt  }
0x76: {  	_ =	shalt  }
0x77: {  	_ =	shalt  }
0x78: {  	_ =	shalt  }
0x79: {  	_ =	shalt  }
0x7a: {  	_ =	shalt  }
0x7b: {  	_ =	shalt  }
0x7c: {  	_ =	shalt  }
0x7d: {  	_ =	shalt  }
0x7e: {  	_ =	shalt  }
0x7f: {  	_ =	shalt  }
0x80: {  	_ =	shalt  }
0x81: {  	_ =	shalt  }
0x82: {  	_ =	shalt  }
0x83: {  	_ =	shalt  }
0x84: {  	_ =	shalt  }
0x85: {  	_ =	shalt  }
0x86: {  	_ =	shalt  }
0x87: {  	_ =	shalt  }
.Lfunc_end0:
.L_simem_size_0:
called_computation.1_lowered:
.L_overlay_start_0:
0x88: {  	s2 =	sld [smem:$0x3FD9]  }
0x89: {  	s3 =	sld [smem:$0x3FFE];
	_ =	sdelay $0x1  }
0x8a: {  	s1 =	srdreg.scid  }
0x8b: {  	s0 =	sand.u32 $0x1, s1  }
0x8c: {  	s16 =	sshll.u32 s0, $0xA;
	s2 =	sadd.s32 s3, s2  }
0x8d: {  	s2 =	sadd.s32 s2, s16  }
0x8e: {  	[smem:$0x3FB6] =	sst s2  }
0x8f: {  	_ = 	snop  }
0x90: {  	(tm) =	ssettm $0x1  }
0x91: {  	s17 =	sld [smem:$0x3FFB];
	_ =	sdelay $0x3  }
0x92: {  	_ =	strace s17  }
0x93: {  	s2 =	sld [smem:$0x3FFC];
	_ =	sdelay $0x3  }
0x94: {  	_ =	strace s2  }
0x95: {  	s2 =	sld [smem:$0x3FFD];
	_ =	sdelay $0x3  }
0x96: {  	_ =	strace s2  }
0x97: {  	_ =	strace $0x8FFFFFFF  }
0x98: {  	s18 =	sld [smem:$0x3FDB];
	_ =	sdelay $0x1  }
0x99: {  	s19 =	simm.s32 $_scs_section_size  }
0x9a: {  	s4 =	simm.s32 $_size__tile_overlayer_lowered;
	s5 =	simm.s32 $_tile_overlayer_lowered  }
0x9b: {  	s22 =	simm.s32 $0x1BFF;
	s21 =	sshll.u32 s5, $0x1;
	s2 =	sadd.s32 s19, s18  }
0x9c: {  	s6 =	simm.s32 $0x0;
	s20 =	sshll.u32 s4, $0x1;
	s4 =	sadd.s32 s21, s2  }
0x9d: {  	[timem:s6], [sflag:s22] =	dma.local [hbm:s4], s20  }
0x9e: {  	_ =	swait.ge [sflag:s22], s20  }
0x9f: {  	s3 =	ssub.s32 $0x0, s20;
	[sflag:s22] =	ssyncset.done $0x0  }
0xa0: {  	[sflag:s22] =	ssyncadd.s32 s3;
	_ =	sdelay $0x1  }
0xa1: {  	s23 =	simm.s32 $0x1B8B  }
0xa2: {  	_ =	swait.ge [sflag:s23], $0x1  }
0xa3: {  	[sflag:s23] =	ssyncset.done $0x0  }
0xa4: {  	s25 =	simm.s32 $0x1B8E;
	s24 =	sld [smem:$0x3FFE];
	[sflag:s23] =	ssyncadd.s32 $0xFFFFFFFF  }
0xa5: {  	s26 =	simm.s32 $execute0_lowered;
	[smem:$0x3FD2] =	sst s25  }
0xa6: {  	s4 =	sshll.u32 s26, $0x1;
	_ =	strace $0x80000049;
	[dreg:$0x1] =	wrdreg $0xFFFFFFFF  }
0xa7: {  	s28 =	simm.s32 $_size_execute0_lowered;
	s2 =	sadd.s32 s2, s4;
	[dreg:$0x0] =	wrdreg $0x0  }
0xa8: {  	s4 =	sshll.u32 s28, $0x1;
	[dreg:$0x2] =	wrdreg s2  }
0xa9: {  	[dreg:$0x3] =	wrdreg s4  }
0xaa: {  	[dreg:$0x4] =	wrdreg $0xC0  }
0xab: {  	_ =	task [dreg:s6], $0x5FFFF  }
0xac: {  	[dreg:$0x1] =	wrdreg $0xFFFFFFFF  }
0xad: {  	[dreg:$0x0] =	wrdreg $0x60  }
0xae: {  	[dreg:$0x2] =	wrdreg s24  }
0xaf: {  	[dreg:$0x3] =	wrdreg $0xB8000  }
0xb0: {  	[dreg:$0x4] =	wrdreg $0x9  }
0xb1: {  	_ =	task.clear_ibuf [dreg:s6], $0x5FFFF;
	_ =	strace $0x90000049  }
0xb2: {  	s29 =	simm.s32 $0x9;
	_ =	strace $0x8000004B  }
0xb3: {  	_ =	swait.ge [sflag:s29], $0x1  }
0xb4: {  	[sflag:s29] =	ssyncadd.s32 $0xFFFFFFFF  }
0xb5: {  	_ =	strace $0x9000004B  }
0xb6: {  	_ =	sfence  }
0xb7: {  	s30 =	sld [smem:$0x0];
	_ =	sdelay $0x2  }
0xb8: {  	s31 =	sshll.u32 s1, $0xD;
	s1 =	sshrl.u32 s1, $0x2  }
0xb9: {  	s3 =	sand.u32 $0x4000, s31;
	s1 =	sadd.s32 s1, s30  }
0xba: {  	s0 =	sor.u32 s3, s0;
	s1 =	sshll.u32 s1, $0x11  }
0xbb: {  	s0 =	sor.u32 s1, s0  }
0xbc: {  	s0 =	sadd.s32 $0x8F2B, s0  }
0xbd: {  	[sflag:s0] =	ssyncadd.remote.s32 $0x1  }
0xbe: {  	_ =	sfence.sel $0xFFFF  }
0xbf: {  	[dreg:$0x0] =	wrdreg $0xFFFFFFFF;
	(pc) =	sbr.abs _section_cstart, $3  }
0xc0: {  	[dreg:$0x1] =	wrdreg $0xFFFFFFFF  }
0xc1: {  	_ =	task.clear_ibuf [dreg:s6], $0x2FFFF;
	_ =	strace $0x9FFFFFFF  }
0xc2: {  	(tm) =	ssettm $0x7FFFFFFF  }
0xc3: {  	_ =	shalt  }
tec
execute0_lowered:
.L_overlay_start_1:
0x0: {  	(tag) =	ssettag $0x1  }
0x1: {  	s0 =	rddreg [dreg:$0x0]  }
0x2: {  	s1 =	rddreg [dreg:$0x1];
	s2 =	srdreg.scid;
	s3 =	simm.s32 $0x0  }
0x3: {  	s10 =	stileid.u32;
	s20 =	simm.s32 $0x3;
	s28 =	simm.s32 $0x1880  }
0x4: {  	s29 =	simm.s32 $0x3400;
	s30 =	simm.s32 $0x3480;
	s5 =	smul.u32 $0x14000, s10  }
0x5: {  	s31 =	simm.s32 $0x0;
	s2 =	sand.u32 $0x1, s2;
	s21 =	smul.u32 $0x50000, s10  }
0x6: {  	[smem:$0x7FF] =	sst s3;
	s15 =	sadd.s32 $0x131A00, s0;
	s9 =	smul.u32 $0x1C00, s10  }
0x7: {  	s16 =	sadd.s32 $0x13C200, s0;
	s23 =	sshll.u32 s10, $0x6;
	s4 =	smul.u32 $0x138800, s2  }
0x8: {  	_ =	strace $0x8000004A;
	s6 =	smul.u32 $0x140000, s2;
	s2 =	ssub.s32 $0x2, s2  }
0x9: {  	s7 =	sshrl.u32 s5, $0x3;
	s8 =	sshrl.u32 s2, $0x1;
	s13 =	sshrl.u32 s9, $0x3  }
0xa: {  	s4 =	sshrl.u32 s4, $0x3;
	s5 =	sadd.s32 s5, s6;
	s7 =	sadd.s32 s7, s0  }
0xb: {  	s6 =	sshrl.u32 s21, $0x2;
	s2 =	ssub.s32 s2, s8;
	s24 =	sadd.s32 s15, s13  }
0xc: {  	s25 =	sadd.s32 s16, s13;
	s12 =	sadd.s32 $0x3800, s13;
	s17 =	sadd.s32 $0x7000, s13  }
0xd: {  	s21 =	simm.s32 $0x1C00;
	s4 =	sadd.s32 s4, s0;
	s5 =	sshrl.u32 s5, $0x3  }
0xe: {  	s22 =	sadd.s32 s6, s1;
	s6 =	sor.u32 $0x1C03, s23;
	[dreg:$0x4] =	wrdreg s24  }
0xf: {  	[dreg:$0x5] =	wrdreg s25;
	s11 =	sadd.s32 s15, s12;
	s12 =	sadd.s32 s16, s12  }
0x10: {  	s15 =	sadd.s32 s15, s17;
	s16 =	sadd.s32 s16, s17;
	s19 =	smax.u32 s2, $0x1  }
0x11: {  	s23 =	simm.s32 $0x3800;
	s24 =	simm.s32 $0x7800;
	s25 =	simm.s32 $0x1  }
0x12: {  	s0 =	sadd.s32 s5, s0;
	s5 =	sadd.s32 $0x19200, s7;
	s9 =	sadd.s32 $0x146A00, s4  }
0x13: {  	[dreg:$0x3] =	wrdreg s22;
	s13 =	sadd.s32 $0x194C00, s4;
	s17 =	sadd.s32 $0x1E2E00, s4  }
0x14: {  	s22 =	simm.s32 $0x7D;
	s26 =	sadd.s32 $0x41200, s0;
	s14 =	sadd.s32 $0x91200, s0  }
0x15: {  	s18 =	sadd.s32 $0xE1200, s0;
	[dreg:$0x6] =	wrdreg s26;
	s26 =	simm.s32 $0x2  }
.LBB2_1:
0x16: {  	s0 =	rddreg [dreg:$0x3]  }
0x17: {  	s0 =	sshrl.u32 s0, $0x3  }
0x18: {  	[spmem:s0], [sflag:s6] =	dma.local [hbm:s5], $0x2800  }
0x19: {  	_ =	swait.ge [sflag:s20], $0x2800  }
0x1a: {  	[sflag:s20] =	ssyncset.done $0x0  }
0x1b: {  	s2 =	rddreg [dreg:$0x4];
	[sflag:s20] =	ssyncadd.s32 $0xFFFFD800  }
0x1c: {  	[tilespmem:s3], [sflag:$0x3] =	stream.linear.gather [hbm4b:s2+s3], $0x1900, $0x38;
	[tilespmem:$0x1F800] =	vst v63  }
0x1d: {  	_ =	swait.ge [sflag:s20], $0x1900  }
0x1e: {  	[sflag:s20] =	ssyncset.done $0x0  }
0x1f: {  	s10 =	rddreg [dreg:$0x5];
	[sflag:s20] =	ssyncadd.s32 $0xFFFFE700  }
0x20: {  	[tilespmem:s21], [sflag:$0x3] =	stream.linear.gather [hbm4b:s10+s3], $0x1900, $0x38;
	[tilespmem:$0x1F800] =	vst v63  }
0x21: {  	_ =	swait.ge [sflag:s20], $0x1900  }
0x22: {  	[sflag:s20] =	ssyncset.done $0x0  }
0x23: {  	[sflag:s20] =	ssyncadd.s32 $0xFFFFE700  }
0x24: {  	[bflag:$0x0] =	sbarrier.arrive $0xFFFF  }
0x25: {  	[tilespmem:s23], [sflag:$0x1] =	stream.indirect.gather [hbm4b:s9+s22], $0x80, s3, s22, $0xb8;
	[tilespmem:$0x1F800] =	vst v63  }
0x26: {  	s4 =	simm.s32 $0x80  }
0x27: {  	[tilespmem:s24], [sflag:$0x2] =	stream.indirect.gather [hbm4b:s9+s22], $0x80, s4, s22, $0xb8;
	[tilespmem:$0x1F800] =	vst v63  }
0x28: {  	_ =	swait.ge [sflag:s25], $0x3E80  }
0x29: {  	[sflag:s25] =	ssyncset.done $0x0  }
0x2a: {  	s7 =	simm.s32 $0x1C00;
	[sflag:s25] =	ssyncadd.s32 $0xFFFFC180  }
0x2b: {  	[spmem:s1] =	stream.indirect.scatter.add.f32 [tilespmem:s23], [sflag:$0x3], $0x80, s7, s22, $0xb8;
	[tilespmem:$0x1F800] =	vst v63  }
0x2c: {  	_ =	swait.ge [sflag:s20], $0x3E80  }
0x2d: {  	[sflag:s20] =	ssyncset.done $0x0  }
0x2e: {  	s8 =	simm.s32 $0x100;
	[sflag:s20] =	ssyncadd.s32 $0xFFFFC180  }
0x2f: {  	[tilespmem:s23], [sflag:$0x1] =	stream.indirect.gather [hbm4b:s9+s22], $0x80, s8, s22, $0xb8;
	[tilespmem:$0x1F800] =	vst v63  }
0x30: {  	_ =	swait.ge [sflag:s26], $0x3E80  }
0x31: {  	[sflag:s26] =	ssyncset.done $0x0  }
0x32: {  	s10 =	simm.s32 $0x1C80;
	[sflag:s26] =	ssyncadd.s32 $0xFFFFC180  }
0x33: {  	[spmem:s1] =	stream.indirect.scatter.add.f32 [tilespmem:s24], [sflag:$0x3], $0x80, s10, s22, $0xb8;
	[tilespmem:$0x1F800] =	vst v63  }
0x34: {  	_ =	swait.ge [sflag:s20], $0x3E80  }
0x35: {  	s2 =	simm.s32 $0x100;
	s4 =	simm.s32 $0x800;
	[sflag:s20] =	ssyncset.done $0x0  }
.LBB2_2:
0x36: {  	s7 =	sadd.s32 $0x80, s2  }
0x37: {  	[sflag:s20] =	ssyncadd.s32 $0xFFFFC180;
	s8 =	smov.u32 s4;
	s10 =	sadd.s32 $0x400, s4  }
0x38: {  	[tilespmem:s24], [sflag:$0x2] =	stream.indirect.gather [hbm4b:s9+s22], $0x80, s7, s22, $0xb8;
	[tilespmem:$0x1F800] =	vst v63  }
0x39: {  	p0 =	sne.s32 s4, $0x5C00;
	_ =	swait.ge [sflag:s25], $0x3E80  }
0x3a: {  	[sflag:s25] =	ssyncset.done $0x0  }
0x3b: {  	s4 =	sadd.s32 $0x1C00, s2;
	[sflag:s25] =	ssyncadd.s32 $0xFFFFC180  }
0x3c: {  	[spmem:s1] =	stream.indirect.scatter.add.f32 [tilespmem:s23], [sflag:$0x3], $0x80, s4, s22, $0xb8;
	[tilespmem:$0x1F800] =	vst v63  }
0x3d: {  	_ =	swait.ge [sflag:s20], $0x3E80  }
0x3e: {  	[sflag:s20] =	ssyncset.done $0x0  }
0x3f: {  	s4 =	sadd.s32 $0x100, s2;
	[sflag:s20] =	ssyncadd.s32 $0xFFFFC180  }
0x40: {  	[tilespmem:s23], [sflag:$0x1] =	stream.indirect.gather [hbm4b:s9+s22], $0x80, s4, s22, $0xb8;
	[tilespmem:$0x1F800] =	vst v63  }
0x41: {  	_ =	swait.ge [sflag:s26], $0x3E80  }
.Ltmp0:
0x42: {  	[sflag:s26] =	ssyncset.done $0x0;
	(pc) =	sbr.rel @p0 .LBB2_2-.Ltmp0, $4  }
0x43: {  	s2 =	sadd.s32 $0x1C80, s2;
	[sflag:s26] =	ssyncadd.s32 $0xFFFFC180  }
0x44: {  	[spmem:s1] =	stream.indirect.scatter.add.f32 [tilespmem:s24], [sflag:$0x3], $0x80, s2, s22, $0xb8;
	[tilespmem:$0x1F800] =	vst v63  }
0x45: {  	_ =	swait.ge [sflag:s20], $0x3E80  }
0x46: {  	s4 =	smov.u32 s10;
	s2 =	sshra.s32 s8, $0x2;
	[sflag:s20] =	ssyncset.done $0x0  }
0x47: {  	s4 =	sadd.s32 $0x80, s2;
	[sflag:s20] =	ssyncadd.s32 $0xFFFFC180  }
0x48: {  	[tilespmem:s24], [sflag:$0x2] =	stream.indirect.gather [hbm4b:s9+s22], $0x80, s4, s22, $0xb8;
	[tilespmem:$0x1F800] =	vst v63  }
0x49: {  	_ =	swait.ge [sflag:s25], $0x3E80  }
0x4a: {  	[sflag:s25] =	ssyncset.done $0x0  }
0x4b: {  	s8 =	sadd.s32 $0x1C00, s2;
	[sflag:s25] =	ssyncadd.s32 $0xFFFFC180  }
0x4c: {  	[spmem:s1] =	stream.indirect.scatter.add.f32 [tilespmem:s23], [sflag:$0x3], $0x80, s8, s22, $0xb8;
	[tilespmem:$0x1F800] =	vst v63  }
0x4d: {  	_ =	swait.ge [sflag:s20], $0x3E80  }
0x4e: {  	[sflag:s20] =	ssyncset.done $0x0  }
0x4f: {  	s10 =	sadd.s32 $0x100, s2;
	[sflag:s20] =	ssyncadd.s32 $0xFFFFC180  }
0x50: {  	[tilespmem:s23], [sflag:$0x1] =	stream.indirect.gather [hbm4b:s9+s22], $0x80, s10, s22, $0xb8;
	[tilespmem:$0x1F800] =	vst v63  }
0x51: {  	_ =	swait.ge [sflag:s26], $0x3E80  }
0x52: {  	[sflag:s26] =	ssyncset.done $0x0  }
0x53: {  	s7 =	sadd.s32 $0x1C80, s2;
	[sflag:s26] =	ssyncadd.s32 $0xFFFFC180  }
0x54: {  	[spmem:s1] =	stream.indirect.scatter.add.f32 [tilespmem:s24], [sflag:$0x3], $0x80, s7, s22, $0xb8;
	[tilespmem:$0x1F800] =	vst v63  }
0x55: {  	_ =	swait.ge [sflag:s20], $0x3E80  }
0x56: {  	[sflag:s20] =	ssyncset.done $0x0  }
0x57: {  	[sflag:s20] =	ssyncadd.s32 $0xFFFFC180  }
0x58: {  	[tilespmem:s24], [sflag:$0x2] =	stream.indirect.gather [hbm4b:s9+s22], $0x80, s28, s22, $0xb8;
	[tilespmem:$0x1F800] =	vst v63  }
0x59: {  	_ =	swait.ge [sflag:s25], $0x3E80  }
0x5a: {  	[sflag:s25] =	ssyncset.done $0x0  }
0x5b: {  	[sflag:s25] =	ssyncadd.s32 $0xFFFFC180  }
0x5c: {  	[spmem:s1] =	stream.indirect.scatter.add.f32 [tilespmem:s23], [sflag:$0x3], $0x80, s29, s22, $0xb8;
	[tilespmem:$0x1F800] =	vst v63  }
0x5d: {  	_ =	swait.ge [sflag:s20], $0x3E80  }
0x5e: {  	[sflag:s20] =	ssyncset.done $0x0  }
0x5f: {  	[sflag:s20] =	ssyncadd.s32 $0xFFFFC180  }
0x60: {  	_ =	swait.ge [sflag:s26], $0x3E80  }
0x61: {  	[sflag:s26] =	ssyncset.done $0x0  }
0x62: {  	[sflag:s26] =	ssyncadd.s32 $0xFFFFC180  }
0x63: {  	[spmem:s1] =	stream.indirect.scatter.add.f32 [tilespmem:s24], [sflag:$0x3], $0x80, s30, s22, $0xb8;
	[tilespmem:$0x1F800] =	vst v63  }
0x64: {  	_ =	swait.ge [sflag:s20], $0x3E80  }
0x65: {  	[sflag:s20] =	ssyncset.done $0x0  }
0x66: {  	[sflag:s20] =	ssyncadd.s32 $0xFFFFC180  }
0x67: {  	[bflag:$0x0] =	sbarrier.arrive $0xFFFF  }
0x68: {  	s8 =	rddreg [dreg:$0x6]  }
0x69: {  	[hbm:s8], [sflag:s6] =	dma.local [spmem:s0], $0x2800  }
0x6a: {  	_ =	swait.ge [sflag:s20], $0x2800  }
0x6b: {  	[sflag:s20] =	ssyncset.done $0x0  }
0x6c: {  	[sflag:s20] =	ssyncadd.s32 $0xFFFFD800  }
0x6d: {  	[bflag:$0x0] =	sbarrier.arrive $0xFFFF  }
0x6e: {  	[spmem:s0], [sflag:s6] =	dma.local [hbm:s5], $0x2800  }
0x6f: {  	_ =	swait.ge [sflag:s20], $0x2800  }
0x70: {  	[sflag:s20] =	ssyncset.done $0x0  }
0x71: {  	s10 =	simm.s32 $0x0;
	[sflag:s20] =	ssyncadd.s32 $0xFFFFD800  }
0x72: {  	[tilespmem:s10], [sflag:$0x3] =	stream.linear.gather [hbm4b:s11+s10], $0x1900, $0x38;
	[tilespmem:$0x1F800] =	vst v63  }
0x73: {  	_ =	swait.ge [sflag:s20], $0x1900  }
0x74: {  	[sflag:s20] =	ssyncset.done $0x0  }
0x75: {  	[sflag:s20] =	ssyncadd.s32 $0xFFFFE700  }
0x76: {  	[tilespmem:s21], [sflag:$0x3] =	stream.linear.gather [hbm4b:s12+s10], $0x1900, $0x38;
	[tilespmem:$0x1F800] =	vst v63  }
0x77: {  	_ =	swait.ge [sflag:s20], $0x1900  }
0x78: {  	[sflag:s20] =	ssyncset.done $0x0  }
0x79: {  	[sflag:s20] =	ssyncadd.s32 $0xFFFFE700  }
0x7a: {  	[bflag:$0x0] =	sbarrier.arrive $0xFFFF  }
0x7b: {  	[tilespmem:s23], [sflag:$0x1] =	stream.indirect.gather [hbm4b:s13+s22], $0x80, s10, s22, $0xb8;
	[tilespmem:$0x1F800] =	vst v63  }
0x7c: {  	s4 =	simm.s32 $0x80  }
0x7d: {  	[tilespmem:s24], [sflag:$0x2] =	stream.indirect.gather [hbm4b:s13+s22], $0x80, s4, s22, $0xb8;
	[tilespmem:$0x1F800] =	vst v63  }
0x7e: {  	_ =	swait.ge [sflag:s25], $0x3E80  }
0x7f: {  	[sflag:s25] =	ssyncset.done $0x0  }
0x80: {  	s7 =	simm.s32 $0x1C00;
	[sflag:s25] =	ssyncadd.s32 $0xFFFFC180  }
0x81: {  	[spmem:s1] =	stream.indirect.scatter.add.f32 [tilespmem:s23], [sflag:$0x3], $0x80, s7, s22, $0xb8;
	[tilespmem:$0x1F800] =	vst v63  }
0x82: {  	_ =	swait.ge [sflag:s20], $0x3E80  }
0x83: {  	[sflag:s20] =	ssyncset.done $0x0  }
0x84: {  	s8 =	simm.s32 $0x100;
	[sflag:s20] =	ssyncadd.s32 $0xFFFFC180  }
0x85: {  	[tilespmem:s23], [sflag:$0x1] =	stream.indirect.gather [hbm4b:s13+s22], $0x80, s8, s22, $0xb8;
	[tilespmem:$0x1F800] =	vst v63  }
0x86: {  	_ =	swait.ge [sflag:s26], $0x3E80  }
0x87: {  	[sflag:s26] =	ssyncset.done $0x0  }
0x88: {  	s10 =	simm.s32 $0x1C80;
	[sflag:s26] =	ssyncadd.s32 $0xFFFFC180  }
0x89: {  	[spmem:s1] =	stream.indirect.scatter.add.f32 [tilespmem:s24], [sflag:$0x3], $0x80, s10, s22, $0xb8;
	[tilespmem:$0x1F800] =	vst v63  }
0x8a: {  	_ =	swait.ge [sflag:s20], $0x3E80  }
0x8b: {  	s2 =	simm.s32 $0x100;
	s4 =	simm.s32 $0x800;
	[sflag:s20] =	ssyncset.done $0x0  }
.LBB2_4:
0x8c: {  	s7 =	sadd.s32 $0x80, s2  }
0x8d: {  	[sflag:s20] =	ssyncadd.s32 $0xFFFFC180;
	s8 =	smov.u32 s4;
	s10 =	sadd.s32 $0x400, s4  }
0x8e: {  	[tilespmem:s24], [sflag:$0x2] =	stream.indirect.gather [hbm4b:s13+s22], $0x80, s7, s22, $0xb8;
	[tilespmem:$0x1F800] =	vst v63  }
0x8f: {  	p0 =	sne.s32 s4, $0x5C00;
	_ =	swait.ge [sflag:s25], $0x3E80  }
0x90: {  	[sflag:s25] =	ssyncset.done $0x0  }
0x91: {  	s4 =	sadd.s32 $0x1C00, s2;
	[sflag:s25] =	ssyncadd.s32 $0xFFFFC180  }
0x92: {  	[spmem:s1] =	stream.indirect.scatter.add.f32 [tilespmem:s23], [sflag:$0x3], $0x80, s4, s22, $0xb8;
	[tilespmem:$0x1F800] =	vst v63  }
0x93: {  	_ =	swait.ge [sflag:s20], $0x3E80  }
0x94: {  	[sflag:s20] =	ssyncset.done $0x0  }
0x95: {  	s4 =	sadd.s32 $0x100, s2;
	[sflag:s20] =	ssyncadd.s32 $0xFFFFC180  }
0x96: {  	[tilespmem:s23], [sflag:$0x1] =	stream.indirect.gather [hbm4b:s13+s22], $0x80, s4, s22, $0xb8;
	[tilespmem:$0x1F800] =	vst v63  }
0x97: {  	_ =	swait.ge [sflag:s26], $0x3E80  }
.Ltmp1:
0x98: {  	[sflag:s26] =	ssyncset.done $0x0;
	(pc) =	sbr.rel @p0 .LBB2_4-.Ltmp1, $4  }
0x99: {  	s2 =	sadd.s32 $0x1C80, s2;
	[sflag:s26] =	ssyncadd.s32 $0xFFFFC180  }
0x9a: {  	[spmem:s1] =	stream.indirect.scatter.add.f32 [tilespmem:s24], [sflag:$0x3], $0x80, s2, s22, $0xb8;
	[tilespmem:$0x1F800] =	vst v63  }
0x9b: {  	_ =	swait.ge [sflag:s20], $0x3E80  }
0x9c: {  	s4 =	smov.u32 s10;
	s2 =	sshra.s32 s8, $0x2;
	[sflag:s20] =	ssyncset.done $0x0  }
0x9d: {  	s4 =	sadd.s32 $0x80, s2;
	[sflag:s20] =	ssyncadd.s32 $0xFFFFC180  }
0x9e: {  	[tilespmem:s24], [sflag:$0x2] =	stream.indirect.gather [hbm4b:s13+s22], $0x80, s4, s22, $0xb8;
	[tilespmem:$0x1F800] =	vst v63  }
0x9f: {  	_ =	swait.ge [sflag:s25], $0x3E80  }
0xa0: {  	[sflag:s25] =	ssyncset.done $0x0  }
0xa1: {  	s10 =	sadd.s32 $0x1C00, s2;
	[sflag:s25] =	ssyncadd.s32 $0xFFFFC180  }
0xa2: {  	[spmem:s1] =	stream.indirect.scatter.add.f32 [tilespmem:s23], [sflag:$0x3], $0x80, s10, s22, $0xb8;
	[tilespmem:$0x1F800] =	vst v63  }
0xa3: {  	_ =	swait.ge [sflag:s20], $0x3E80  }
0xa4: {  	[sflag:s20] =	ssyncset.done $0x0  }
0xa5: {  	s7 =	sadd.s32 $0x100, s2;
	[sflag:s20] =	ssyncadd.s32 $0xFFFFC180  }
0xa6: {  	[tilespmem:s23], [sflag:$0x1] =	stream.indirect.gather [hbm4b:s13+s22], $0x80, s7, s22, $0xb8;
	[tilespmem:$0x1F800] =	vst v63  }
0xa7: {  	_ =	swait.ge [sflag:s26], $0x3E80  }
0xa8: {  	[sflag:s26] =	ssyncset.done $0x0  }
0xa9: {  	s8 =	sadd.s32 $0x1C80, s2;
	[sflag:s26] =	ssyncadd.s32 $0xFFFFC180  }
0xaa: {  	[spmem:s1] =	stream.indirect.scatter.add.f32 [tilespmem:s24], [sflag:$0x3], $0x80, s8, s22, $0xb8;
	[tilespmem:$0x1F800] =	vst v63  }
0xab: {  	_ =	swait.ge [sflag:s20], $0x3E80  }
0xac: {  	[sflag:s20] =	ssyncset.done $0x0  }
0xad: {  	[sflag:s20] =	ssyncadd.s32 $0xFFFFC180  }
0xae: {  	[tilespmem:s24], [sflag:$0x2] =	stream.indirect.gather [hbm4b:s13+s22], $0x80, s28, s22, $0xb8;
	[tilespmem:$0x1F800] =	vst v63  }
0xaf: {  	_ =	swait.ge [sflag:s25], $0x3E80  }
0xb0: {  	[sflag:s25] =	ssyncset.done $0x0  }
0xb1: {  	[sflag:s25] =	ssyncadd.s32 $0xFFFFC180  }
0xb2: {  	[spmem:s1] =	stream.indirect.scatter.add.f32 [tilespmem:s23], [sflag:$0x3], $0x80, s29, s22, $0xb8;
	[tilespmem:$0x1F800] =	vst v63  }
0xb3: {  	_ =	swait.ge [sflag:s20], $0x3E80  }
0xb4: {  	[sflag:s20] =	ssyncset.done $0x0  }
0xb5: {  	[sflag:s20] =	ssyncadd.s32 $0xFFFFC180  }
0xb6: {  	_ =	swait.ge [sflag:s26], $0x3E80  }
0xb7: {  	[sflag:s26] =	ssyncset.done $0x0  }
0xb8: {  	[sflag:s26] =	ssyncadd.s32 $0xFFFFC180  }
0xb9: {  	[spmem:s1] =	stream.indirect.scatter.add.f32 [tilespmem:s24], [sflag:$0x3], $0x80, s30, s22, $0xb8;
	[tilespmem:$0x1F800] =	vst v63  }
0xba: {  	_ =	swait.ge [sflag:s20], $0x3E80  }
0xbb: {  	[sflag:s20] =	ssyncset.done $0x0  }
0xbc: {  	[sflag:s20] =	ssyncadd.s32 $0xFFFFC180  }
0xbd: {  	[bflag:$0x0] =	sbarrier.arrive $0xFFFF  }
0xbe: {  	[hbm:s14], [sflag:s6] =	dma.local [spmem:s0], $0x2800  }
0xbf: {  	_ =	swait.ge [sflag:s20], $0x2800  }
0xc0: {  	[sflag:s20] =	ssyncset.done $0x0  }
0xc1: {  	[sflag:s20] =	ssyncadd.s32 $0xFFFFD800  }
0xc2: {  	[bflag:$0x0] =	sbarrier.arrive $0xFFFF  }
0xc3: {  	[spmem:s0], [sflag:s6] =	dma.local [hbm:s5], $0x2800  }
0xc4: {  	_ =	swait.ge [sflag:s20], $0x2800  }
0xc5: {  	[sflag:s20] =	ssyncset.done $0x0  }
0xc6: {  	s10 =	simm.s32 $0x0;
	[sflag:s20] =	ssyncadd.s32 $0xFFFFD800  }
0xc7: {  	[tilespmem:s10], [sflag:$0x3] =	stream.linear.gather [hbm4b:s15+s10], $0x1900, $0x38;
	[tilespmem:$0x1F800] =	vst v63  }
0xc8: {  	_ =	swait.ge [sflag:s20], $0x1900  }
0xc9: {  	[sflag:s20] =	ssyncset.done $0x0  }
0xca: {  	[sflag:s20] =	ssyncadd.s32 $0xFFFFE700  }
0xcb: {  	[tilespmem:s21], [sflag:$0x3] =	stream.linear.gather [hbm4b:s16+s10], $0x1900, $0x38;
	[tilespmem:$0x1F800] =	vst v63  }
0xcc: {  	_ =	swait.ge [sflag:s20], $0x1900  }
0xcd: {  	[sflag:s20] =	ssyncset.done $0x0  }
0xce: {  	[sflag:s20] =	ssyncadd.s32 $0xFFFFE700  }
0xcf: {  	[bflag:$0x0] =	sbarrier.arrive $0xFFFF  }
0xd0: {  	[tilespmem:s23], [sflag:$0x1] =	stream.indirect.gather [hbm4b:s17+s22], $0x80, s10, s22, $0xb8;
	[tilespmem:$0x1F800] =	vst v63  }
0xd1: {  	s4 =	simm.s32 $0x80  }
0xd2: {  	[tilespmem:s24], [sflag:$0x2] =	stream.indirect.gather [hbm4b:s17+s22], $0x80, s4, s22, $0xb8;
	[tilespmem:$0x1F800] =	vst v63  }
0xd3: {  	_ =	swait.ge [sflag:s25], $0x3E80  }
0xd4: {  	[sflag:s25] =	ssyncset.done $0x0  }
0xd5: {  	s7 =	simm.s32 $0x1C00;
	[sflag:s25] =	ssyncadd.s32 $0xFFFFC180  }
0xd6: {  	[spmem:s1] =	stream.indirect.scatter.add.f32 [tilespmem:s23], [sflag:$0x3], $0x80, s7, s22, $0xb8;
	[tilespmem:$0x1F800] =	vst v63  }
0xd7: {  	_ =	swait.ge [sflag:s20], $0x3E80  }
0xd8: {  	[sflag:s20] =	ssyncset.done $0x0  }
0xd9: {  	s8 =	simm.s32 $0x100;
	[sflag:s20] =	ssyncadd.s32 $0xFFFFC180  }
0xda: {  	[tilespmem:s23], [sflag:$0x1] =	stream.indirect.gather [hbm4b:s17+s22], $0x80, s8, s22, $0xb8;
	[tilespmem:$0x1F800] =	vst v63  }
0xdb: {  	_ =	swait.ge [sflag:s26], $0x3E80  }
0xdc: {  	[sflag:s26] =	ssyncset.done $0x0  }
0xdd: {  	s10 =	simm.s32 $0x1C80;
	[sflag:s26] =	ssyncadd.s32 $0xFFFFC180  }
0xde: {  	[spmem:s1] =	stream.indirect.scatter.add.f32 [tilespmem:s24], [sflag:$0x3], $0x80, s10, s22, $0xb8;
	[tilespmem:$0x1F800] =	vst v63  }
0xdf: {  	_ =	swait.ge [sflag:s20], $0x3E80  }
0xe0: {  	s2 =	simm.s32 $0x100;
	s4 =	simm.s32 $0x800;
	[sflag:s20] =	ssyncset.done $0x0  }
.LBB2_6:
0xe1: {  	s7 =	sadd.s32 $0x80, s2  }
0xe2: {  	[sflag:s20] =	ssyncadd.s32 $0xFFFFC180;
	s8 =	smov.u32 s4;
	s10 =	sadd.s32 $0x400, s4  }
0xe3: {  	[tilespmem:s24], [sflag:$0x2] =	stream.indirect.gather [hbm4b:s17+s22], $0x80, s7, s22, $0xb8;
	[tilespmem:$0x1F800] =	vst v63  }
0xe4: {  	p0 =	sne.s32 s4, $0x5C00;
	_ =	swait.ge [sflag:s25], $0x3E80  }
0xe5: {  	[sflag:s25] =	ssyncset.done $0x0  }
0xe6: {  	s4 =	sadd.s32 $0x1C00, s2;
	[sflag:s25] =	ssyncadd.s32 $0xFFFFC180  }
0xe7: {  	[spmem:s1] =	stream.indirect.scatter.add.f32 [tilespmem:s23], [sflag:$0x3], $0x80, s4, s22, $0xb8;
	[tilespmem:$0x1F800] =	vst v63  }
0xe8: {  	_ =	swait.ge [sflag:s20], $0x3E80  }
0xe9: {  	[sflag:s20] =	ssyncset.done $0x0  }
0xea: {  	s4 =	sadd.s32 $0x100, s2;
	[sflag:s20] =	ssyncadd.s32 $0xFFFFC180  }
0xeb: {  	[tilespmem:s23], [sflag:$0x1] =	stream.indirect.gather [hbm4b:s17+s22], $0x80, s4, s22, $0xb8;
	[tilespmem:$0x1F800] =	vst v63  }
0xec: {  	_ =	swait.ge [sflag:s26], $0x3E80  }
.Ltmp2:
0xed: {  	[sflag:s26] =	ssyncset.done $0x0;
	(pc) =	sbr.rel @p0 .LBB2_6-.Ltmp2, $4  }
0xee: {  	s2 =	sadd.s32 $0x1C80, s2;
	[sflag:s26] =	ssyncadd.s32 $0xFFFFC180  }
0xef: {  	[spmem:s1] =	stream.indirect.scatter.add.f32 [tilespmem:s24], [sflag:$0x3], $0x80, s2, s22, $0xb8;
	[tilespmem:$0x1F800] =	vst v63  }
0xf0: {  	_ =	swait.ge [sflag:s20], $0x3E80  }
0xf1: {  	s4 =	smov.u32 s10;
	s2 =	sshra.s32 s8, $0x2;
	[sflag:s20] =	ssyncset.done $0x0  }
0xf2: {  	s4 =	sadd.s32 $0x80, s2;
	[sflag:s20] =	ssyncadd.s32 $0xFFFFC180  }
0xf3: {  	[tilespmem:s24], [sflag:$0x2] =	stream.indirect.gather [hbm4b:s17+s22], $0x80, s4, s22, $0xb8;
	[tilespmem:$0x1F800] =	vst v63  }
0xf4: {  	_ =	swait.ge [sflag:s25], $0x3E80  }
0xf5: {  	[sflag:s25] =	ssyncset.done $0x0  }
0xf6: {  	s7 =	sadd.s32 $0x1C00, s2;
	[sflag:s25] =	ssyncadd.s32 $0xFFFFC180  }
0xf7: {  	[spmem:s1] =	stream.indirect.scatter.add.f32 [tilespmem:s23], [sflag:$0x3], $0x80, s7, s22, $0xb8;
	[tilespmem:$0x1F800] =	vst v63  }
0xf8: {  	_ =	swait.ge [sflag:s20], $0x3E80  }
0xf9: {  	[sflag:s20] =	ssyncset.done $0x0  }
0xfa: {  	s8 =	sadd.s32 $0x100, s2;
	[sflag:s20] =	ssyncadd.s32 $0xFFFFC180  }
0xfb: {  	[tilespmem:s23], [sflag:$0x1] =	stream.indirect.gather [hbm4b:s17+s22], $0x80, s8, s22, $0xb8;
	[tilespmem:$0x1F800] =	vst v63  }
0xfc: {  	_ =	swait.ge [sflag:s26], $0x3E80  }
0xfd: {  	[sflag:s26] =	ssyncset.done $0x0  }
0xfe: {  	s10 =	sadd.s32 $0x1C80, s2;
	[sflag:s26] =	ssyncadd.s32 $0xFFFFC180  }
0xff: {  	[spmem:s1] =	stream.indirect.scatter.add.f32 [tilespmem:s24], [sflag:$0x3], $0x80, s10, s22, $0xb8;
	[tilespmem:$0x1F800] =	vst v63  }
0x100: {  	_ =	swait.ge [sflag:s20], $0x3E80  }
0x101: {  	[sflag:s20] =	ssyncset.done $0x0  }
0x102: {  	[sflag:s20] =	ssyncadd.s32 $0xFFFFC180  }
0x103: {  	[tilespmem:s24], [sflag:$0x2] =	stream.indirect.gather [hbm4b:s17+s22], $0x80, s28, s22, $0xb8;
	[tilespmem:$0x1F800] =	vst v63  }
0x104: {  	_ =	swait.ge [sflag:s25], $0x3E80  }
0x105: {  	[sflag:s25] =	ssyncset.done $0x0  }
0x106: {  	[sflag:s25] =	ssyncadd.s32 $0xFFFFC180  }
0x107: {  	[spmem:s1] =	stream.indirect.scatter.add.f32 [tilespmem:s23], [sflag:$0x3], $0x80, s29, s22, $0xb8;
	[tilespmem:$0x1F800] =	vst v63  }
0x108: {  	_ =	swait.ge [sflag:s20], $0x3E80  }
0x109: {  	[sflag:s20] =	ssyncset.done $0x0  }
0x10a: {  	[sflag:s20] =	ssyncadd.s32 $0xFFFFC180  }
0x10b: {  	_ =	swait.ge [sflag:s26], $0x3E80  }
0x10c: {  	[sflag:s26] =	ssyncset.done $0x0  }
0x10d: {  	[sflag:s26] =	ssyncadd.s32 $0xFFFFC180  }
0x10e: {  	[spmem:s1] =	stream.indirect.scatter.add.f32 [tilespmem:s24], [sflag:$0x3], $0x80, s30, s22, $0xb8;
	[tilespmem:$0x1F800] =	vst v63  }
0x10f: {  	_ =	swait.ge [sflag:s20], $0x3E80  }
0x110: {  	[sflag:s20] =	ssyncset.done $0x0  }
0x111: {  	s31 =	sadd.s32 $0x1, s31;
	[sflag:s20] =	ssyncadd.s32 $0xFFFFC180  }
0x112: {  	p0 =	sne.s32 s31, s19;
	[bflag:$0x0] =	sbarrier.arrive $0xFFFF  }
0x113: {  	[hbm:s18], [sflag:s6] =	dma.local [spmem:s0], $0x2800  }
.Ltmp3:
0x114: {  	_ =	swait.ge [sflag:s20], $0x2800;
	(pc) =	sbr.rel @p0 .LBB2_1-.Ltmp3, $3  }
0x115: {  	[sflag:s20] =	ssyncset.done $0x0  }
0x116: {  	[sflag:s20] =	ssyncadd.s32 $0xFFFFD800  }
0x117: {  	[bflag:$0x0] =	sbarrier.arrive $0xFFFF;
	_ =	sdelay $0x1  }
0x118: {  	_ =	sfence.sel $0x180000  }
0x119: {  	[bflag:$0x0] =	sbarrier.arrive $0xFFFF  }
0x11a: {  	_ =	strace $0x9000004A  }
0x11b: {  	s0 =	stileid.u32;
	[bflag:$0x2] =	sbarrier.arrive $0xFFFF  }
0x11c: {  	p0 =	sne.s32 s0, $0x0;
	s0 =	rddreg [dreg:$0x2]  }
0x11d: {  	s0 =	sadd.s32 @!p0 $0x100000, s0  }
0x11e: {  	[sflag:s0] =	ssyncadd.tile.s32 @!p0 $0x1;
	_ =	shalt  }
.Lfunc_end2:
_tile_overlayer_lowered:
.L_overlay_start_2:
0x11f: {  	(tag) =	ssettag $0x2  }
0x120: {  	s0 =	rddreg [dreg:$0x0];
	s2 =	stileid.u32  }
0x121: {  	s1 =	rddreg [dreg:$0x1];
	p0 =	sne.s32 s2, $0x0  }
0x122: {  	s3 =	rddreg [dreg:$0x2];
	[bflag:$0x3] =	sbarrier.arrive $0xFFFF;
	s2 =	simm.s32 @!p0 $0x1C03  }
0x123: {  	[timem:s3], [sflag:s2] =	dma.local @!p0 [hbm:s0], s1  }
0x124: {  	s0 =	simm.s32 @!p0 $0x3  }
0x125: {  	_ =	swait.ge @!p0 [sflag:s0], s1  }
0x126: {  	s1 =	ssub.s32 @!p0 $0x0, s1;
	[sflag:s0] =	ssyncset.done @!p0 $0x0  }
0x127: {  	[sflag:s0] =	ssyncadd.s32 @!p0 s1  }
0x128: {  	[bflag:$0x3] =	sbarrier.arrive $0xFFFF  }
0x129: {  	_ =	shalt  }

// kernel: kernel.14.cloned.1.call-start
scs
__scs_entry_jumppad:
0x0: {  	(pc) =	sbr.rel $0x88, $3  }
0x1: {  	(tag) =	ssettag $0x0;
	lr =	simm.s32 $0x1  }
0x2: {  	[smem:$0x3F8F] =	sst lr;
	_ =	strace $0xD0000000  }
0x3: {  	_ = 	snop  }
0x4: {  	_ = 	snop  }
0x5: {  	_ = 	snop  }
0x6: {  	_ = 	snop  }
0x7: {  	_ = 	snop  }
__scs_overlays_trampoline_lowered:
0x8: {  	[smem:$0x3F9E] =	sst s0  }
0x9: {  	[smem:$0x3F9F] =	sst s1  }
0xa: {  	[smem:$0x3FA0] =	sst s2  }
0xb: {  	[smem:$0x3FA1] =	sst s3  }
0xc: {  	[smem:$0x3FA2] =	sst s4  }
0xd: {  	[smem:$0x3FA3] =	sst s5  }
0xe: {  	[smem:$0x3FA4] =	sst s6  }
0xf: {  	[smem:$0x3FA5] =	sst s7  }
0x10: {  	[smem:$0x3FA6] =	sst s8  }
0x11: {  	[smem:$0x3FA7] =	sst s9;
	s0 =	simm.s32 @!p0 $0x0  }
0x12: {  	s1 =	sld [smem:$0x3F8D];
	s0 =	simm.s32 @p0 $0x1  }
0x13: {  	[smem:$0x3FA8] =	sst s0;
	s0 =	simm.s32 @!p1 $0x0  }
0x14: {  	s2 =	sld [smem:$0x3F8C];
	s0 =	simm.s32 @p1 $0x1  }
0x15: {  	[smem:$0x3FA9] =	sst s0;
	s0 =	simm.s32 @!p2 $0x0  }
0x16: {  	s3 =	sld [smem:$0x3FDB];
	s0 =	simm.s32 @p2 $0x1  }
0x17: {  	s4 =	simm.s32 $0x1BF5;
	[smem:$0x3FAB] =	sst s0  }
0x18: {  	s0 =	sld [smem:$0x3F8E];
	_ =	swait.ge [sflag:s4], $0x0  }
0x19: {  	s7 =	sld [smem:$0x3F8F]  }
0x1a: {  	s8 =	sadd.s32 $0xFFFFE003, lr  }
0x1b: {  	s9 =	sadd.s32 $0xFFFFFEF7, lr;
	s5 =	simm.s32 $0xFFFFFFFF;
	p2 =	slt.u32 s8, $0xFFFFF086  }
0x1c: {  	p1 =	slt.u32 s9, $0xF7A;
	s5 =	simm.s32 @!p2 $0x0  }
0x1d: {  	s5 =	simm.s32 @p1 $0x1;
	p0 =	seq.s32 s7, s2  }
0x1e: {  	s7 =	smul.u32 @!p0 $0xF7A, s2;
	p2 =	seq.s32 @!p0 s5, $0x0  }
0x1f: {  	s9 =	smul.u32 $0xF7A, s1;
	s8 =	simm.s32 @!p0 $0x1BF5;
	p2 =	por !p2, p0  }
0x20: {  	[sflag:s8] =	ssyncset.s32 @!p0 $0xFFFFF086;
	s6 =	sadd.s32 @!p0 s3, s7;
	s7 =	simm.s32 @!p0 $0x108  }
0x21: {  	s3 =	sadd.s32 s3, s9;
	s6 =	sadd.s32 @!p0 $0x88, s6;
	s7 =	simm.s32 @p2 $0x1082  }
0x22: {  	[simem:s7], [sflag:s8] =	dma.local @!p0 [hbm:s6], $0xF7A  }
0x23: {  	s9 =	sor.u32 $0xD0000000, s2;
	s6 =	simm.s32 $0x108;
	_ =	swait.ge @!p0 [sflag:s8], $0x0  }
0x24: {  	s3 =	sadd.s32 $0x88, s3;
	s6 =	simm.s32 @!p1 $0x1082;
	[sflag:s4] =	ssyncset.s32 $0xFFFFF086  }
0x25: {  	[simem:s6], [sflag:s4] =	dma.local [hbm:s3], $0xF7A  }
0x26: {  	[smem:$0x3F8F] =	sst s1;
	(tag) =	ssettag s2;
	_ =	strace s9  }
0x27: {  	s1 =	sld [smem:$0x3F9F]  }
0x28: {  	s2 =	sld [smem:$0x3FA0]  }
0x29: {  	s4 =	sld [smem:$0x3FA2]  }
0x2a: {  	p0 =	seq.s32 s5, $0x0;
	s5 =	sld [smem:$0x3FA3]  }
0x2b: {  	s6 =	sld [smem:$0x3FA4]  }
0x2c: {  	s7 =	sld [smem:$0x3FA5]  }
0x2d: {  	s3 =	simm.s32 $0x108;
	s8 =	sld [smem:$0x3FA6]  }
0x2e: {  	s3 =	simm.s32 @!p0 $0x1082;
	s9 =	sld [smem:$0x3FA7]  }
0x2f: {  	lr =	sadd.s32 s0, s3;
	s0 =	sld [smem:$0x3F9E]  }
0x30: {  	s3 =	sld [smem:$0x3FA1]  }
0x31: {  	[smem:$0x3FAA] =	sst s10  }
0x32: {  	s10 =	sld [smem:$0x3FA8];
	_ =	sdelay $0x3  }
0x33: {  	p0 =	seq.s32 s10, $0x1;
	s10 =	sld [smem:$0x3FAA];
	_ =	sdelay $0x3  }
0x34: {  	[smem:$0x3FAA] =	sst s10  }
0x35: {  	s10 =	sld [smem:$0x3FA9];
	_ =	sdelay $0x3  }
0x36: {  	p1 =	seq.s32 s10, $0x1;
	s10 =	sld [smem:$0x3FAA];
	_ =	sdelay $0x3  }
0x37: {  	[smem:$0x3FAA] =	sst s10  }
0x38: {  	s10 =	sld [smem:$0x3FAB]  }
0x39: {  	_ = 	snop;
	(pc) =	sbr.ind lr, $3  }
0x3a: {  	_ = 	snop  }
0x3b: {  	_ = 	snop  }
0x3c: {  	p2 =	seq.s32 s10, $0x1;
	s10 =	sld [smem:$0x3FAA]  }
0x3d: {  	_ =	shalt  }
0x3e: {  	_ =	shalt  }
0x3f: {  	_ =	shalt  }
0x40: {  	_ =	shalt  }
0x41: {  	_ =	shalt  }
0x42: {  	_ =	shalt  }
0x43: {  	_ =	shalt  }
0x44: {  	_ =	shalt  }
0x45: {  	_ =	shalt  }
0x46: {  	_ =	shalt  }
0x47: {  	_ =	shalt  }
0x48: {  	_ =	shalt  }
0x49: {  	_ =	shalt  }
0x4a: {  	_ =	shalt  }
0x4b: {  	_ =	shalt  }
0x4c: {  	_ =	shalt  }
0x4d: {  	_ =	shalt  }
0x4e: {  	_ =	shalt  }
0x4f: {  	_ =	shalt  }
0x50: {  	_ =	shalt  }
0x51: {  	_ =	shalt  }
0x52: {  	_ =	shalt  }
0x53: {  	_ =	shalt  }
0x54: {  	_ =	shalt  }
0x55: {  	_ =	shalt  }
0x56: {  	_ =	shalt  }
0x57: {  	_ =	shalt  }
0x58: {  	_ =	shalt  }
0x59: {  	_ =	shalt  }
0x5a: {  	_ =	shalt  }
0x5b: {  	_ =	shalt  }
0x5c: {  	_ =	shalt  }
0x5d: {  	_ =	shalt  }
0x5e: {  	_ =	shalt  }
0x5f: {  	_ =	shalt  }
0x60: {  	_ =	shalt  }
0x61: {  	_ =	shalt  }
0x62: {  	_ =	shalt  }
0x63: {  	_ =	shalt  }
0x64: {  	_ =	shalt  }
0x65: {  	_ =	shalt  }
0x66: {  	_ =	shalt  }
0x67: {  	_ =	shalt  }
0x68: {  	_ =	shalt  }
0x69: {  	_ =	shalt  }
0x6a: {  	_ =	shalt  }
0x6b: {  	_ =	shalt  }
0x6c: {  	_ =	shalt  }
0x6d: {  	_ =	shalt  }
0x6e: {  	_ =	shalt  }
0x6f: {  	_ =	shalt  }
0x70: {  	_ =	shalt  }
0x71: {  	_ =	shalt  }
0x72: {  	_ =	shalt  }
0x73: {  	_ =	shalt  }
0x74: {  	_ =	shalt  }
0x75: {  	_ =	shalt  }
0x76: {  	_ =	shalt  }
0x77: {  	_ =	shalt  }
0x78: {  	_ =	shalt  }
0x79: {  	_ =	shalt  }
0x7a: {  	_ =	shalt  }
0x7b: {  	_ =	shalt  }
0x7c: {  	_ =	shalt  }
0x7d: {  	_ =	shalt  }
0x7e: {  	_ =	shalt  }
0x7f: {  	_ =	shalt  }
0x80: {  	_ =	shalt  }
0x81: {  	_ =	shalt  }
0x82: {  	_ =	shalt  }
0x83: {  	_ =	shalt  }
0x84: {  	_ =	shalt  }
0x85: {  	_ =	shalt  }
0x86: {  	_ =	shalt  }
0x87: {  	_ =	shalt  }
.Lfunc_end0:
.L_simem_size_0:
called_computation.2_lowered:
.L_overlay_start_0:
0x88: {  	s2 =	sld [smem:$0x3FD9]  }
0x89: {  	s3 =	sld [smem:$0x3FFE];
	_ =	sdelay $0x1  }
0x8a: {  	s1 =	srdreg.scid  }
0x8b: {  	s0 =	sand.u32 $0x1, s1  }
0x8c: {  	s16 =	sshll.u32 s0, $0xA;
	s2 =	sadd.s32 s3, s2  }
0x8d: {  	s2 =	sadd.s32 s2, s16  }
0x8e: {  	[smem:$0x3FB6] =	sst s2  }
0x8f: {  	_ = 	snop  }
0x90: {  	(tm) =	ssettm $0x1  }
0x91: {  	s17 =	sld [smem:$0x3FFB];
	_ =	sdelay $0x3  }
0x92: {  	_ =	strace s17  }
0x93: {  	s2 =	sld [smem:$0x3FFC];
	_ =	sdelay $0x3  }
0x94: {  	_ =	strace s2  }
0x95: {  	s2 =	sld [smem:$0x3FFD];
	_ =	sdelay $0x3  }
0x96: {  	_ =	strace s2  }
0x97: {  	_ =	strace $0x8FFFFFFF  }
0x98: {  	s18 =	sld [smem:$0x3FDB];
	_ =	sdelay $0x1  }
0x99: {  	s19 =	simm.s32 $_scs_section_size  }
0x9a: {  	s4 =	simm.s32 $_size__tile_overlayer_lowered;
	s5 =	simm.s32 $_tile_overlayer_lowered  }
0x9b: {  	s22 =	simm.s32 $0x1BFF;
	s21 =	sshll.u32 s5, $0x1;
	s2 =	sadd.s32 s19, s18  }
0x9c: {  	s6 =	simm.s32 $0x0;
	s20 =	sshll.u32 s4, $0x1;
	s4 =	sadd.s32 s21, s2  }
0x9d: {  	[timem:s6], [sflag:s22] =	dma.local [hbm:s4], s20  }
0x9e: {  	_ =	swait.ge [sflag:s22], s20  }
0x9f: {  	s3 =	ssub.s32 $0x0, s20;
	[sflag:s22] =	ssyncset.done $0x0  }
0xa0: {  	[sflag:s22] =	ssyncadd.s32 s3;
	_ =	sdelay $0x1  }
0xa1: {  	s23 =	simm.s32 $0x1B8B  }
0xa2: {  	_ =	swait.ge [sflag:s23], $0x1  }
0xa3: {  	[sflag:s23] =	ssyncset.done $0x0  }
0xa4: {  	s25 =	simm.s32 $0x1B8E;
	s24 =	sld [smem:$0x3FFE];
	[sflag:s23] =	ssyncadd.s32 $0xFFFFFFFF  }
0xa5: {  	s26 =	simm.s32 $execute0_lowered;
	[smem:$0x3FD2] =	sst s25  }
0xa6: {  	s4 =	sshll.u32 s26, $0x1;
	_ =	strace $0x8000004C;
	[dreg:$0x1] =	wrdreg $0xFFFFFFFF  }
0xa7: {  	s28 =	simm.s32 $_size_execute0_lowered;
	s2 =	sadd.s32 s2, s4;
	[dreg:$0x0] =	wrdreg $0x0  }
0xa8: {  	s4 =	sshll.u32 s28, $0x1;
	[dreg:$0x2] =	wrdreg s2  }
0xa9: {  	[dreg:$0x3] =	wrdreg s4  }
0xaa: {  	[dreg:$0x4] =	wrdreg $0xC0  }
0xab: {  	_ =	task [dreg:s6], $0x5FFFF  }
0xac: {  	[dreg:$0x1] =	wrdreg $0xFFFFFFFF  }
0xad: {  	[dreg:$0x0] =	wrdreg $0x60  }
0xae: {  	[dreg:$0x2] =	wrdreg s24  }
0xaf: {  	[dreg:$0x3] =	wrdreg $0xB8000  }
0xb0: {  	[dreg:$0x4] =	wrdreg $0x9  }
0xb1: {  	_ =	task.clear_ibuf [dreg:s6], $0x5FFFF;
	_ =	strace $0x9000004C  }
0xb2: {  	s29 =	simm.s32 $0x9;
	_ =	strace $0x8000004E  }
0xb3: {  	_ =	swait.ge [sflag:s29], $0x1  }
0xb4: {  	[sflag:s29] =	ssyncadd.s32 $0xFFFFFFFF  }
0xb5: {  	_ =	strace $0x9000004E  }
0xb6: {  	_ =	sfence  }
0xb7: {  	s30 =	sld [smem:$0x0];
	_ =	sdelay $0x2  }
0xb8: {  	s31 =	sshll.u32 s1, $0xD;
	s1 =	sshrl.u32 s1, $0x2  }
0xb9: {  	s3 =	sand.u32 $0x4000, s31;
	s1 =	sadd.s32 s1, s30  }
0xba: {  	s0 =	sor.u32 s3, s0;
	s1 =	sshll.u32 s1, $0x11  }
0xbb: {  	s0 =	sor.u32 s1, s0  }
0xbc: {  	s0 =	sadd.s32 $0x8F2B, s0  }
0xbd: {  	[sflag:s0] =	ssyncadd.remote.s32 $0x1  }
0xbe: {  	_ =	sfence.sel $0xFFFF  }
0xbf: {  	[dreg:$0x0] =	wrdreg $0xFFFFFFFF;
	(pc) =	sbr.abs _section_cstart, $3  }
0xc0: {  	[dreg:$0x1] =	wrdreg $0xFFFFFFFF  }
0xc1: {  	_ =	task.clear_ibuf [dreg:s6], $0x2FFFF;
	_ =	strace $0x9FFFFFFF  }
0xc2: {  	(tm) =	ssettm $0x7FFFFFFF  }
0xc3: {  	_ =	shalt  }
tec
execute0_lowered:
.L_overlay_start_1:
0x0: {  	(tag) =	ssettag $0x1  }
0x1: {  	s0 =	rddreg [dreg:$0x0]  }
0x2: {  	s1 =	rddreg [dreg:$0x1];
	s2 =	srdreg.scid;
	s3 =	simm.s32 $0x0  }
0x3: {  	s10 =	stileid.u32;
	s20 =	simm.s32 $0x3;
	s28 =	simm.s32 $0x1880  }
0x4: {  	s29 =	simm.s32 $0x3400;
	s30 =	simm.s32 $0x3480;
	s5 =	smul.u32 $0x14000, s10  }
0x5: {  	s31 =	simm.s32 $0x0;
	s2 =	sand.u32 $0x1, s2;
	s21 =	smul.u32 $0x50000, s10  }
0x6: {  	[smem:$0x7FF] =	sst s3;
	s15 =	sadd.s32 $0x131A00, s0;
	s9 =	smul.u32 $0x1C00, s10  }
0x7: {  	s16 =	sadd.s32 $0x13C200, s0;
	s23 =	sshll.u32 s10, $0x6;
	s4 =	smul.u32 $0x138800, s2  }
0x8: {  	_ =	strace $0x8000004D;
	s6 =	smul.u32 $0x140000, s2;
	s2 =	ssub.s32 $0x2, s2  }
0x9: {  	s7 =	sshrl.u32 s5, $0x3;
	s8 =	sshrl.u32 s2, $0x1;
	s13 =	sshrl.u32 s9, $0x3  }
0xa: {  	s4 =	sshrl.u32 s4, $0x3;
	s5 =	sadd.s32 s5, s6;
	s7 =	sadd.s32 s7, s0  }
0xb: {  	s6 =	sshrl.u32 s21, $0x2;
	s2 =	ssub.s32 s2, s8;
	s24 =	sadd.s32 s15, s13  }
0xc: {  	s25 =	sadd.s32 s16, s13;
	s12 =	sadd.s32 $0x3800, s13;
	s17 =	sadd.s32 $0x7000, s13  }
0xd: {  	s21 =	simm.s32 $0x1C00;
	s4 =	sadd.s32 s4, s0;
	s5 =	sshrl.u32 s5, $0x3  }
0xe: {  	s22 =	sadd.s32 s6, s1;
	s6 =	sor.u32 $0x1C03, s23;
	[dreg:$0x4] =	wrdreg s24  }
0xf: {  	[dreg:$0x5] =	wrdreg s25;
	s11 =	sadd.s32 s15, s12;
	s12 =	sadd.s32 s16, s12  }
0x10: {  	s15 =	sadd.s32 s15, s17;
	s16 =	sadd.s32 s16, s17;
	s19 =	smax.u32 s2, $0x1  }
0x11: {  	s23 =	simm.s32 $0x3800;
	s24 =	simm.s32 $0x7800;
	s25 =	simm.s32 $0x1  }
0x12: {  	s0 =	sadd.s32 s5, s0;
	s5 =	sadd.s32 $0x19200, s7;
	s9 =	sadd.s32 $0x146A00, s4  }
0x13: {  	[dreg:$0x3] =	wrdreg s22;
	s13 =	sadd.s32 $0x194C00, s4;
	s17 =	sadd.s32 $0x1E2E00, s4  }
0x14: {  	s22 =	simm.s32 $0x7D;
	s26 =	sadd.s32 $0x41200, s0;
	s14 =	sadd.s32 $0x91200, s0  }
0x15: {  	s18 =	sadd.s32 $0xE1200, s0;
	[dreg:$0x6] =	wrdreg s26;
	s26 =	simm.s32 $0x2  }
.LBB2_1:
0x16: {  	s0 =	rddreg [dreg:$0x3]  }
0x17: {  	s0 =	sshrl.u32 s0, $0x3  }
0x18: {  	[spmem:s0], [sflag:s6] =	dma.local [hbm:s5], $0x2800  }
0x19: {  	_ =	swait.ge [sflag:s20], $0x2800  }
0x1a: {  	[sflag:s20] =	ssyncset.done $0x0  }
0x1b: {  	s2 =	rddreg [dreg:$0x4];
	[sflag:s20] =	ssyncadd.s32 $0xFFFFD800  }
0x1c: {  	[tilespmem:s3], [sflag:$0x3] =	stream.linear.gather [hbm4b:s2+s3], $0x1900, $0x38;
	[tilespmem:$0x1F800] =	vst v63  }
0x1d: {  	_ =	swait.ge [sflag:s20], $0x1900  }
0x1e: {  	[sflag:s20] =	ssyncset.done $0x0  }
0x1f: {  	s10 =	rddreg [dreg:$0x5];
	[sflag:s20] =	ssyncadd.s32 $0xFFFFE700  }
0x20: {  	[tilespmem:s21], [sflag:$0x3] =	stream.linear.gather [hbm4b:s10+s3], $0x1900, $0x38;
	[tilespmem:$0x1F800] =	vst v63  }
0x21: {  	_ =	swait.ge [sflag:s20], $0x1900  }
0x22: {  	[sflag:s20] =	ssyncset.done $0x0  }
0x23: {  	[sflag:s20] =	ssyncadd.s32 $0xFFFFE700  }
0x24: {  	[bflag:$0x0] =	sbarrier.arrive $0xFFFF  }
0x25: {  	[tilespmem:s23], [sflag:$0x1] =	stream.indirect.gather [hbm4b:s9+s22], $0x80, s3, s22, $0xb8;
	[tilespmem:$0x1F800] =	vst v63  }
0x26: {  	s4 =	simm.s32 $0x80  }
0x27: {  	[tilespmem:s24], [sflag:$0x2] =	stream.indirect.gather [hbm4b:s9+s22], $0x80, s4, s22, $0xb8;
	[tilespmem:$0x1F800] =	vst v63  }
0x28: {  	_ =	swait.ge [sflag:s25], $0x3E80  }
0x29: {  	[sflag:s25] =	ssyncset.done $0x0  }
0x2a: {  	s7 =	simm.s32 $0x1C00;
	[sflag:s25] =	ssyncadd.s32 $0xFFFFC180  }
0x2b: {  	[spmem:s1] =	stream.indirect.scatter.add.f32 [tilespmem:s23], [sflag:$0x3], $0x80, s7, s22, $0xb8;
	[tilespmem:$0x1F800] =	vst v63  }
0x2c: {  	_ =	swait.ge [sflag:s20], $0x3E80  }
0x2d: {  	[sflag:s20] =	ssyncset.done $0x0  }
0x2e: {  	s8 =	simm.s32 $0x100;
	[sflag:s20] =	ssyncadd.s32 $0xFFFFC180  }
0x2f: {  	[tilespmem:s23], [sflag:$0x1] =	stream.indirect.gather [hbm4b:s9+s22], $0x80, s8, s22, $0xb8;
	[tilespmem:$0x1F800] =	vst v63  }
0x30: {  	_ =	swait.ge [sflag:s26], $0x3E80  }
0x31: {  	[sflag:s26] =	ssyncset.done $0x0  }
0x32: {  	s10 =	simm.s32 $0x1C80;
	[sflag:s26] =	ssyncadd.s32 $0xFFFFC180  }
0x33: {  	[spmem:s1] =	stream.indirect.scatter.add.f32 [tilespmem:s24], [sflag:$0x3], $0x80, s10, s22, $0xb8;
	[tilespmem:$0x1F800] =	vst v63  }
0x34: {  	_ =	swait.ge [sflag:s20], $0x3E80  }
0x35: {  	s2 =	simm.s32 $0x100;
	s4 =	simm.s32 $0x800;
	[sflag:s20] =	ssyncset.done $0x0  }
.LBB2_2:
0x36: {  	s7 =	sadd.s32 $0x80, s2  }
0x37: {  	[sflag:s20] =	ssyncadd.s32 $0xFFFFC180;
	s8 =	smov.u32 s4;
	s10 =	sadd.s32 $0x400, s4  }
0x38: {  	[tilespmem:s24], [sflag:$0x2] =	stream.indirect.gather [hbm4b:s9+s22], $0x80, s7, s22, $0xb8;
	[tilespmem:$0x1F800] =	vst v63  }
0x39: {  	p0 =	sne.s32 s4, $0x5C00;
	_ =	swait.ge [sflag:s25], $0x3E80  }
0x3a: {  	[sflag:s25] =	ssyncset.done $0x0  }
0x3b: {  	s4 =	sadd.s32 $0x1C00, s2;
	[sflag:s25] =	ssyncadd.s32 $0xFFFFC180  }
0x3c: {  	[spmem:s1] =	stream.indirect.scatter.add.f32 [tilespmem:s23], [sflag:$0x3], $0x80, s4, s22, $0xb8;
	[tilespmem:$0x1F800] =	vst v63  }
0x3d: {  	_ =	swait.ge [sflag:s20], $0x3E80  }
0x3e: {  	[sflag:s20] =	ssyncset.done $0x0  }
0x3f: {  	s4 =	sadd.s32 $0x100, s2;
	[sflag:s20] =	ssyncadd.s32 $0xFFFFC180  }
0x40: {  	[tilespmem:s23], [sflag:$0x1] =	stream.indirect.gather [hbm4b:s9+s22], $0x80, s4, s22, $0xb8;
	[tilespmem:$0x1F800] =	vst v63  }
0x41: {  	_ =	swait.ge [sflag:s26], $0x3E80  }
.Ltmp0:
0x42: {  	[sflag:s26] =	ssyncset.done $0x0;
	(pc) =	sbr.rel @p0 .LBB2_2-.Ltmp0, $4  }
0x43: {  	s2 =	sadd.s32 $0x1C80, s2;
	[sflag:s26] =	ssyncadd.s32 $0xFFFFC180  }
0x44: {  	[spmem:s1] =	stream.indirect.scatter.add.f32 [tilespmem:s24], [sflag:$0x3], $0x80, s2, s22, $0xb8;
	[tilespmem:$0x1F800] =	vst v63  }
0x45: {  	_ =	swait.ge [sflag:s20], $0x3E80  }
0x46: {  	s4 =	smov.u32 s10;
	s2 =	sshra.s32 s8, $0x2;
	[sflag:s20] =	ssyncset.done $0x0  }
0x47: {  	s4 =	sadd.s32 $0x80, s2;
	[sflag:s20] =	ssyncadd.s32 $0xFFFFC180  }
0x48: {  	[tilespmem:s24], [sflag:$0x2] =	stream.indirect.gather [hbm4b:s9+s22], $0x80, s4, s22, $0xb8;
	[tilespmem:$0x1F800] =	vst v63  }
0x49: {  	_ =	swait.ge [sflag:s25], $0x3E80  }
0x4a: {  	[sflag:s25] =	ssyncset.done $0x0  }
0x4b: {  	s8 =	sadd.s32 $0x1C00, s2;
	[sflag:s25] =	ssyncadd.s32 $0xFFFFC180  }
0x4c: {  	[spmem:s1] =	stream.indirect.scatter.add.f32 [tilespmem:s23], [sflag:$0x3], $0x80, s8, s22, $0xb8;
	[tilespmem:$0x1F800] =	vst v63  }
0x4d: {  	_ =	swait.ge [sflag:s20], $0x3E80  }
0x4e: {  	[sflag:s20] =	ssyncset.done $0x0  }
0x4f: {  	s10 =	sadd.s32 $0x100, s2;
	[sflag:s20] =	ssyncadd.s32 $0xFFFFC180  }
0x50: {  	[tilespmem:s23], [sflag:$0x1] =	stream.indirect.gather [hbm4b:s9+s22], $0x80, s10, s22, $0xb8;
	[tilespmem:$0x1F800] =	vst v63  }
0x51: {  	_ =	swait.ge [sflag:s26], $0x3E80  }
0x52: {  	[sflag:s26] =	ssyncset.done $0x0  }
0x53: {  	s7 =	sadd.s32 $0x1C80, s2;
	[sflag:s26] =	ssyncadd.s32 $0xFFFFC180  }
0x54: {  	[spmem:s1] =	stream.indirect.scatter.add.f32 [tilespmem:s24], [sflag:$0x3], $0x80, s7, s22, $0xb8;
	[tilespmem:$0x1F800] =	vst v63  }
0x55: {  	_ =	swait.ge [sflag:s20], $0x3E80  }
0x56: {  	[sflag:s20] =	ssyncset.done $0x0  }
0x57: {  	[sflag:s20] =	ssyncadd.s32 $0xFFFFC180  }
0x58: {  	[tilespmem:s24], [sflag:$0x2] =	stream.indirect.gather [hbm4b:s9+s22], $0x80, s28, s22, $0xb8;
	[tilespmem:$0x1F800] =	vst v63  }
0x59: {  	_ =	swait.ge [sflag:s25], $0x3E80  }
0x5a: {  	[sflag:s25] =	ssyncset.done $0x0  }
0x5b: {  	[sflag:s25] =	ssyncadd.s32 $0xFFFFC180  }
0x5c: {  	[spmem:s1] =	stream.indirect.scatter.add.f32 [tilespmem:s23], [sflag:$0x3], $0x80, s29, s22, $0xb8;
	[tilespmem:$0x1F800] =	vst v63  }
0x5d: {  	_ =	swait.ge [sflag:s20], $0x3E80  }
0x5e: {  	[sflag:s20] =	ssyncset.done $0x0  }
0x5f: {  	[sflag:s20] =	ssyncadd.s32 $0xFFFFC180  }
0x60: {  	_ =	swait.ge [sflag:s26], $0x3E80  }
0x61: {  	[sflag:s26] =	ssyncset.done $0x0  }
0x62: {  	[sflag:s26] =	ssyncadd.s32 $0xFFFFC180  }
0x63: {  	[spmem:s1] =	stream.indirect.scatter.add.f32 [tilespmem:s24], [sflag:$0x3], $0x80, s30, s22, $0xb8;
	[tilespmem:$0x1F800] =	vst v63  }
0x64: {  	_ =	swait.ge [sflag:s20], $0x3E80  }
0x65: {  	[sflag:s20] =	ssyncset.done $0x0  }
0x66: {  	[sflag:s20] =	ssyncadd.s32 $0xFFFFC180  }
0x67: {  	[bflag:$0x0] =	sbarrier.arrive $0xFFFF  }
0x68: {  	s8 =	rddreg [dreg:$0x6]  }
0x69: {  	[hbm:s8], [sflag:s6] =	dma.local [spmem:s0], $0x2800  }
0x6a: {  	_ =	swait.ge [sflag:s20], $0x2800  }
0x6b: {  	[sflag:s20] =	ssyncset.done $0x0  }
0x6c: {  	[sflag:s20] =	ssyncadd.s32 $0xFFFFD800  }
0x6d: {  	[bflag:$0x0] =	sbarrier.arrive $0xFFFF  }
0x6e: {  	[spmem:s0], [sflag:s6] =	dma.local [hbm:s5], $0x2800  }
0x6f: {  	_ =	swait.ge [sflag:s20], $0x2800  }
0x70: {  	[sflag:s20] =	ssyncset.done $0x0  }
0x71: {  	s10 =	simm.s32 $0x0;
	[sflag:s20] =	ssyncadd.s32 $0xFFFFD800  }
0x72: {  	[tilespmem:s10], [sflag:$0x3] =	stream.linear.gather [hbm4b:s11+s10], $0x1900, $0x38;
	[tilespmem:$0x1F800] =	vst v63  }
0x73: {  	_ =	swait.ge [sflag:s20], $0x1900  }
0x74: {  	[sflag:s20] =	ssyncset.done $0x0  }
0x75: {  	[sflag:s20] =	ssyncadd.s32 $0xFFFFE700  }
0x76: {  	[tilespmem:s21], [sflag:$0x3] =	stream.linear.gather [hbm4b:s12+s10], $0x1900, $0x38;
	[tilespmem:$0x1F800] =	vst v63  }
0x77: {  	_ =	swait.ge [sflag:s20], $0x1900  }
0x78: {  	[sflag:s20] =	ssyncset.done $0x0  }
0x79: {  	[sflag:s20] =	ssyncadd.s32 $0xFFFFE700  }
0x7a: {  	[bflag:$0x0] =	sbarrier.arrive $0xFFFF  }
0x7b: {  	[tilespmem:s23], [sflag:$0x1] =	stream.indirect.gather [hbm4b:s13+s22], $0x80, s10, s22, $0xb8;
	[tilespmem:$0x1F800] =	vst v63  }
0x7c: {  	s4 =	simm.s32 $0x80  }
0x7d: {  	[tilespmem:s24], [sflag:$0x2] =	stream.indirect.gather [hbm4b:s13+s22], $0x80, s4, s22, $0xb8;
	[tilespmem:$0x1F800] =	vst v63  }
0x7e: {  	_ =	swait.ge [sflag:s25], $0x3E80  }
0x7f: {  	[sflag:s25] =	ssyncset.done $0x0  }
0x80: {  	s7 =	simm.s32 $0x1C00;
	[sflag:s25] =	ssyncadd.s32 $0xFFFFC180  }
0x81: {  	[spmem:s1] =	stream.indirect.scatter.add.f32 [tilespmem:s23], [sflag:$0x3], $0x80, s7, s22, $0xb8;
	[tilespmem:$0x1F800] =	vst v63  }
0x82: {  	_ =	swait.ge [sflag:s20], $0x3E80  }
0x83: {  	[sflag:s20] =	ssyncset.done $0x0  }
0x84: {  	s8 =	simm.s32 $0x100;
	[sflag:s20] =	ssyncadd.s32 $0xFFFFC180  }
0x85: {  	[tilespmem:s23], [sflag:$0x1] =	stream.indirect.gather [hbm4b:s13+s22], $0x80, s8, s22, $0xb8;
	[tilespmem:$0x1F800] =	vst v63  }
0x86: {  	_ =	swait.ge [sflag:s26], $0x3E80  }
0x87: {  	[sflag:s26] =	ssyncset.done $0x0  }
0x88: {  	s10 =	simm.s32 $0x1C80;
	[sflag:s26] =	ssyncadd.s32 $0xFFFFC180  }
0x89: {  	[spmem:s1] =	stream.indirect.scatter.add.f32 [tilespmem:s24], [sflag:$0x3], $0x80, s10, s22, $0xb8;
	[tilespmem:$0x1F800] =	vst v63  }
0x8a: {  	_ =	swait.ge [sflag:s20], $0x3E80  }
0x8b: {  	s2 =	simm.s32 $0x100;
	s4 =	simm.s32 $0x800;
	[sflag:s20] =	ssyncset.done $0x0  }
.LBB2_4:
0x8c: {  	s7 =	sadd.s32 $0x80, s2  }
0x8d: {  	[sflag:s20] =	ssyncadd.s32 $0xFFFFC180;
	s8 =	smov.u32 s4;
	s10 =	sadd.s32 $0x400, s4  }
0x8e: {  	[tilespmem:s24], [sflag:$0x2] =	stream.indirect.gather [hbm4b:s13+s22], $0x80, s7, s22, $0xb8;
	[tilespmem:$0x1F800] =	vst v63  }
0x8f: {  	p0 =	sne.s32 s4, $0x5C00;
	_ =	swait.ge [sflag:s25], $0x3E80  }
0x90: {  	[sflag:s25] =	ssyncset.done $0x0  }
0x91: {  	s4 =	sadd.s32 $0x1C00, s2;
	[sflag:s25] =	ssyncadd.s32 $0xFFFFC180  }
0x92: {  	[spmem:s1] =	stream.indirect.scatter.add.f32 [tilespmem:s23], [sflag:$0x3], $0x80, s4, s22, $0xb8;
	[tilespmem:$0x1F800] =	vst v63  }
0x93: {  	_ =	swait.ge [sflag:s20], $0x3E80  }
0x94: {  	[sflag:s20] =	ssyncset.done $0x0  }
0x95: {  	s4 =	sadd.s32 $0x100, s2;
	[sflag:s20] =	ssyncadd.s32 $0xFFFFC180  }
0x96: {  	[tilespmem:s23], [sflag:$0x1] =	stream.indirect.gather [hbm4b:s13+s22], $0x80, s4, s22, $0xb8;
	[tilespmem:$0x1F800] =	vst v63  }
0x97: {  	_ =	swait.ge [sflag:s26], $0x3E80  }
.Ltmp1:
0x98: {  	[sflag:s26] =	ssyncset.done $0x0;
	(pc) =	sbr.rel @p0 .LBB2_4-.Ltmp1, $4  }
0x99: {  	s2 =	sadd.s32 $0x1C80, s2;
	[sflag:s26] =	ssyncadd.s32 $0xFFFFC180  }
0x9a: {  	[spmem:s1] =	stream.indirect.scatter.add.f32 [tilespmem:s24], [sflag:$0x3], $0x80, s2, s22, $0xb8;
	[tilespmem:$0x1F800] =	vst v63  }
0x9b: {  	_ =	swait.ge [sflag:s20], $0x3E80  }
0x9c: {  	s4 =	smov.u32 s10;
	s2 =	sshra.s32 s8, $0x2;
	[sflag:s20] =	ssyncset.done $0x0  }
0x9d: {  	s4 =	sadd.s32 $0x80, s2;
	[sflag:s20] =	ssyncadd.s32 $0xFFFFC180  }
0x9e: {  	[tilespmem:s24], [sflag:$0x2] =	stream.indirect.gather [hbm4b:s13+s22], $0x80, s4, s22, $0xb8;
	[tilespmem:$0x1F800] =	vst v63  }
0x9f: {  	_ =	swait.ge [sflag:s25], $0x3E80  }
0xa0: {  	[sflag:s25] =	ssyncset.done $0x0  }
0xa1: {  	s10 =	sadd.s32 $0x1C00, s2;
	[sflag:s25] =	ssyncadd.s32 $0xFFFFC180  }
0xa2: {  	[spmem:s1] =	stream.indirect.scatter.add.f32 [tilespmem:s23], [sflag:$0x3], $0x80, s10, s22, $0xb8;
	[tilespmem:$0x1F800] =	vst v63  }
0xa3: {  	_ =	swait.ge [sflag:s20], $0x3E80  }
0xa4: {  	[sflag:s20] =	ssyncset.done $0x0  }
0xa5: {  	s7 =	sadd.s32 $0x100, s2;
	[sflag:s20] =	ssyncadd.s32 $0xFFFFC180  }
0xa6: {  	[tilespmem:s23], [sflag:$0x1] =	stream.indirect.gather [hbm4b:s13+s22], $0x80, s7, s22, $0xb8;
	[tilespmem:$0x1F800] =	vst v63  }
0xa7: {  	_ =	swait.ge [sflag:s26], $0x3E80  }
0xa8: {  	[sflag:s26] =	ssyncset.done $0x0  }
0xa9: {  	s8 =	sadd.s32 $0x1C80, s2;
	[sflag:s26] =	ssyncadd.s32 $0xFFFFC180  }
0xaa: {  	[spmem:s1] =	stream.indirect.scatter.add.f32 [tilespmem:s24], [sflag:$0x3], $0x80, s8, s22, $0xb8;
	[tilespmem:$0x1F800] =	vst v63  }
0xab: {  	_ =	swait.ge [sflag:s20], $0x3E80  }
0xac: {  	[sflag:s20] =	ssyncset.done $0x0  }
0xad: {  	[sflag:s20] =	ssyncadd.s32 $0xFFFFC180  }
0xae: {  	[tilespmem:s24], [sflag:$0x2] =	stream.indirect.gather [hbm4b:s13+s22], $0x80, s28, s22, $0xb8;
	[tilespmem:$0x1F800] =	vst v63  }
0xaf: {  	_ =	swait.ge [sflag:s25], $0x3E80  }
0xb0: {  	[sflag:s25] =	ssyncset.done $0x0  }
0xb1: {  	[sflag:s25] =	ssyncadd.s32 $0xFFFFC180  }
0xb2: {  	[spmem:s1] =	stream.indirect.scatter.add.f32 [tilespmem:s23], [sflag:$0x3], $0x80, s29, s22, $0xb8;
	[tilespmem:$0x1F800] =	vst v63  }
0xb3: {  	_ =	swait.ge [sflag:s20], $0x3E80  }
0xb4: {  	[sflag:s20] =	ssyncset.done $0x0  }
0xb5: {  	[sflag:s20] =	ssyncadd.s32 $0xFFFFC180  }
0xb6: {  	_ =	swait.ge [sflag:s26], $0x3E80  }
0xb7: {  	[sflag:s26] =	ssyncset.done $0x0  }
0xb8: {  	[sflag:s26] =	ssyncadd.s32 $0xFFFFC180  }
0xb9: {  	[spmem:s1] =	stream.indirect.scatter.add.f32 [tilespmem:s24], [sflag:$0x3], $0x80, s30, s22, $0xb8;
	[tilespmem:$0x1F800] =	vst v63  }
0xba: {  	_ =	swait.ge [sflag:s20], $0x3E80  }
0xbb: {  	[sflag:s20] =	ssyncset.done $0x0  }
0xbc: {  	[sflag:s20] =	ssyncadd.s32 $0xFFFFC180  }
0xbd: {  	[bflag:$0x0] =	sbarrier.arrive $0xFFFF  }
0xbe: {  	[hbm:s14], [sflag:s6] =	dma.local [spmem:s0], $0x2800  }
0xbf: {  	_ =	swait.ge [sflag:s20], $0x2800  }
0xc0: {  	[sflag:s20] =	ssyncset.done $0x0  }
0xc1: {  	[sflag:s20] =	ssyncadd.s32 $0xFFFFD800  }
0xc2: {  	[bflag:$0x0] =	sbarrier.arrive $0xFFFF  }
0xc3: {  	[spmem:s0], [sflag:s6] =	dma.local [hbm:s5], $0x2800  }
0xc4: {  	_ =	swait.ge [sflag:s20], $0x2800  }
0xc5: {  	[sflag:s20] =	ssyncset.done $0x0  }
0xc6: {  	s10 =	simm.s32 $0x0;
	[sflag:s20] =	ssyncadd.s32 $0xFFFFD800  }
0xc7: {  	[tilespmem:s10], [sflag:$0x3] =	stream.linear.gather [hbm4b:s15+s10], $0x1900, $0x38;
	[tilespmem:$0x1F800] =	vst v63  }
0xc8: {  	_ =	swait.ge [sflag:s20], $0x1900  }
0xc9: {  	[sflag:s20] =	ssyncset.done $0x0  }
0xca: {  	[sflag:s20] =	ssyncadd.s32 $0xFFFFE700  }
0xcb: {  	[tilespmem:s21], [sflag:$0x3] =	stream.linear.gather [hbm4b:s16+s10], $0x1900, $0x38;
	[tilespmem:$0x1F800] =	vst v63  }
0xcc: {  	_ =	swait.ge [sflag:s20], $0x1900  }
0xcd: {  	[sflag:s20] =	ssyncset.done $0x0  }
0xce: {  	[sflag:s20] =	ssyncadd.s32 $0xFFFFE700  }
0xcf: {  	[bflag:$0x0] =	sbarrier.arrive $0xFFFF  }
0xd0: {  	[tilespmem:s23], [sflag:$0x1] =	stream.indirect.gather [hbm4b:s17+s22], $0x80, s10, s22, $0xb8;
	[tilespmem:$0x1F800] =	vst v63  }
0xd1: {  	s4 =	simm.s32 $0x80  }
0xd2: {  	[tilespmem:s24], [sflag:$0x2] =	stream.indirect.gather [hbm4b:s17+s22], $0x80, s4, s22, $0xb8;
	[tilespmem:$0x1F800] =	vst v63  }
0xd3: {  	_ =	swait.ge [sflag:s25], $0x3E80  }
0xd4: {  	[sflag:s25] =	ssyncset.done $0x0  }
0xd5: {  	s7 =	simm.s32 $0x1C00;
	[sflag:s25] =	ssyncadd.s32 $0xFFFFC180  }
0xd6: {  	[spmem:s1] =	stream.indirect.scatter.add.f32 [tilespmem:s23], [sflag:$0x3], $0x80, s7, s22, $0xb8;
	[tilespmem:$0x1F800] =	vst v63  }
0xd7: {  	_ =	swait.ge [sflag:s20], $0x3E80  }
0xd8: {  	[sflag:s20] =	ssyncset.done $0x0  }
0xd9: {  	s8 =	simm.s32 $0x100;
	[sflag:s20] =	ssyncadd.s32 $0xFFFFC180  }
0xda: {  	[tilespmem:s23], [sflag:$0x1] =	stream.indirect.gather [hbm4b:s17+s22], $0x80, s8, s22, $0xb8;
	[tilespmem:$0x1F800] =	vst v63  }
0xdb: {  	_ =	swait.ge [sflag:s26], $0x3E80  }
0xdc: {  	[sflag:s26] =	ssyncset.done $0x0  }
0xdd: {  	s10 =	simm.s32 $0x1C80;
	[sflag:s26] =	ssyncadd.s32 $0xFFFFC180  }
0xde: {  	[spmem:s1] =	stream.indirect.scatter.add.f32 [tilespmem:s24], [sflag:$0x3], $0x80, s10, s22, $0xb8;
	[tilespmem:$0x1F800] =	vst v63  }
0xdf: {  	_ =	swait.ge [sflag:s20], $0x3E80  }
0xe0: {  	s2 =	simm.s32 $0x100;
	s4 =	simm.s32 $0x800;
	[sflag:s20] =	ssyncset.done $0x0  }
.LBB2_6:
0xe1: {  	s7 =	sadd.s32 $0x80, s2  }
0xe2: {  	[sflag:s20] =	ssyncadd.s32 $0xFFFFC180;
	s8 =	smov.u32 s4;
	s10 =	sadd.s32 $0x400, s4  }
0xe3: {  	[tilespmem:s24], [sflag:$0x2] =	stream.indirect.gather [hbm4b:s17+s22], $0x80, s7, s22, $0xb8;
	[tilespmem:$0x1F800] =	vst v63  }
0xe4: {  	p0 =	sne.s32 s4, $0x5C00;
	_ =	swait.ge [sflag:s25], $0x3E80  }
0xe5: {  	[sflag:s25] =	ssyncset.done $0x0  }
0xe6: {  	s4 =	sadd.s32 $0x1C00, s2;
	[sflag:s25] =	ssyncadd.s32 $0xFFFFC180  }
0xe7: {  	[spmem:s1] =	stream.indirect.scatter.add.f32 [tilespmem:s23], [sflag:$0x3], $0x80, s4, s22, $0xb8;
	[tilespmem:$0x1F800] =	vst v63  }
0xe8: {  	_ =	swait.ge [sflag:s20], $0x3E80  }
0xe9: {  	[sflag:s20] =	ssyncset.done $0x0  }
0xea: {  	s4 =	sadd.s32 $0x100, s2;
	[sflag:s20] =	ssyncadd.s32 $0xFFFFC180  }
0xeb: {  	[tilespmem:s23], [sflag:$0x1] =	stream.indirect.gather [hbm4b:s17+s22], $0x80, s4, s22, $0xb8;
	[tilespmem:$0x1F800] =	vst v63  }
0xec: {  	_ =	swait.ge [sflag:s26], $0x3E80  }
.Ltmp2:
0xed: {  	[sflag:s26] =	ssyncset.done $0x0;
	(pc) =	sbr.rel @p0 .LBB2_6-.Ltmp2, $4  }
0xee: {  	s2 =	sadd.s32 $0x1C80, s2;
	[sflag:s26] =	ssyncadd.s32 $0xFFFFC180  }
0xef: {  	[spmem:s1] =	stream.indirect.scatter.add.f32 [tilespmem:s24], [sflag:$0x3], $0x80, s2, s22, $0xb8;
	[tilespmem:$0x1F800] =	vst v63  }
0xf0: {  	_ =	swait.ge [sflag:s20], $0x3E80  }
0xf1: {  	s4 =	smov.u32 s10;
	s2 =	sshra.s32 s8, $0x2;
	[sflag:s20] =	ssyncset.done $0x0  }
0xf2: {  	s4 =	sadd.s32 $0x80, s2;
	[sflag:s20] =	ssyncadd.s32 $0xFFFFC180  }
0xf3: {  	[tilespmem:s24], [sflag:$0x2] =	stream.indirect.gather [hbm4b:s17+s22], $0x80, s4, s22, $0xb8;
	[tilespmem:$0x1F800] =	vst v63  }
0xf4: {  	_ =	swait.ge [sflag:s25], $0x3E80  }
0xf5: {  	[sflag:s25] =	ssyncset.done $0x0  }
0xf6: {  	s7 =	sadd.s32 $0x1C00, s2;
	[sflag:s25] =	ssyncadd.s32 $0xFFFFC180  }
0xf7: {  	[spmem:s1] =	stream.indirect.scatter.add.f32 [tilespmem:s23], [sflag:$0x3], $0x80, s7, s22, $0xb8;
	[tilespmem:$0x1F800] =	vst v63  }
0xf8: {  	_ =	swait.ge [sflag:s20], $0x3E80  }
0xf9: {  	[sflag:s20] =	ssyncset.done $0x0  }
0xfa: {  	s8 =	sadd.s32 $0x100, s2;
	[sflag:s20] =	ssyncadd.s32 $0xFFFFC180  }
0xfb: {  	[tilespmem:s23], [sflag:$0x1] =	stream.indirect.gather [hbm4b:s17+s22], $0x80, s8, s22, $0xb8;
	[tilespmem:$0x1F800] =	vst v63  }
0xfc: {  	_ =	swait.ge [sflag:s26], $0x3E80  }
0xfd: {  	[sflag:s26] =	ssyncset.done $0x0  }
0xfe: {  	s10 =	sadd.s32 $0x1C80, s2;
	[sflag:s26] =	ssyncadd.s32 $0xFFFFC180  }
0xff: {  	[spmem:s1] =	stream.indirect.scatter.add.f32 [tilespmem:s24], [sflag:$0x3], $0x80, s10, s22, $0xb8;
	[tilespmem:$0x1F800] =	vst v63  }
0x100: {  	_ =	swait.ge [sflag:s20], $0x3E80  }
0x101: {  	[sflag:s20] =	ssyncset.done $0x0  }
0x102: {  	[sflag:s20] =	ssyncadd.s32 $0xFFFFC180  }
0x103: {  	[tilespmem:s24], [sflag:$0x2] =	stream.indirect.gather [hbm4b:s17+s22], $0x80, s28, s22, $0xb8;
	[tilespmem:$0x1F800] =	vst v63  }
0x104: {  	_ =	swait.ge [sflag:s25], $0x3E80  }
0x105: {  	[sflag:s25] =	ssyncset.done $0x0  }
0x106: {  	[sflag:s25] =	ssyncadd.s32 $0xFFFFC180  }
0x107: {  	[spmem:s1] =	stream.indirect.scatter.add.f32 [tilespmem:s23], [sflag:$0x3], $0x80, s29, s22, $0xb8;
	[tilespmem:$0x1F800] =	vst v63  }
0x108: {  	_ =	swait.ge [sflag:s20], $0x3E80  }
0x109: {  	[sflag:s20] =	ssyncset.done $0x0  }
0x10a: {  	[sflag:s20] =	ssyncadd.s32 $0xFFFFC180  }
0x10b: {  	_ =	swait.ge [sflag:s26], $0x3E80  }
0x10c: {  	[sflag:s26] =	ssyncset.done $0x0  }
0x10d: {  	[sflag:s26] =	ssyncadd.s32 $0xFFFFC180  }
0x10e: {  	[spmem:s1] =	stream.indirect.scatter.add.f32 [tilespmem:s24], [sflag:$0x3], $0x80, s30, s22, $0xb8;
	[tilespmem:$0x1F800] =	vst v63  }
0x10f: {  	_ =	swait.ge [sflag:s20], $0x3E80  }
0x110: {  	[sflag:s20] =	ssyncset.done $0x0  }
0x111: {  	s31 =	sadd.s32 $0x1, s31;
	[sflag:s20] =	ssyncadd.s32 $0xFFFFC180  }
0x112: {  	p0 =	sne.s32 s31, s19;
	[bflag:$0x0] =	sbarrier.arrive $0xFFFF  }
0x113: {  	[hbm:s18], [sflag:s6] =	dma.local [spmem:s0], $0x2800  }
.Ltmp3:
0x114: {  	_ =	swait.ge [sflag:s20], $0x2800;
	(pc) =	sbr.rel @p0 .LBB2_1-.Ltmp3, $3  }
0x115: {  	[sflag:s20] =	ssyncset.done $0x0  }
0x116: {  	[sflag:s20] =	ssyncadd.s32 $0xFFFFD800  }
0x117: {  	[bflag:$0x0] =	sbarrier.arrive $0xFFFF;
	_ =	sdelay $0x1  }
0x118: {  	_ =	sfence.sel $0x180000  }
0x119: {  	[bflag:$0x0] =	sbarrier.arrive $0xFFFF  }
0x11a: {  	_ =	strace $0x9000004D  }
0x11b: {  	s0 =	stileid.u32;
	[bflag:$0x2] =	sbarrier.arrive $0xFFFF  }
0x11c: {  	p0 =	sne.s32 s0, $0x0;
	s0 =	rddreg [dreg:$0x2]  }
0x11d: {  	s0 =	sadd.s32 @!p0 $0x100000, s0  }
0x11e: {  	[sflag:s0] =	ssyncadd.tile.s32 @!p0 $0x1;
	_ =	shalt  }
.Lfunc_end2:
_tile_overlayer_lowered:
.L_overlay_start_2:
0x11f: {  	(tag) =	ssettag $0x2  }
0x120: {  	s0 =	rddreg [dreg:$0x0];
	s2 =	stileid.u32  }
0x121: {  	s1 =	rddreg [dreg:$0x1];
	p0 =	sne.s32 s2, $0x0  }
0x122: {  	s3 =	rddreg [dreg:$0x2];
	[bflag:$0x3] =	sbarrier.arrive $0xFFFF;
	s2 =	simm.s32 @!p0 $0x1C03  }
0x123: {  	[timem:s3], [sflag:s2] =	dma.local @!p0 [hbm:s0], s1  }
0x124: {  	s0 =	simm.s32 @!p0 $0x3  }
0x125: {  	_ =	swait.ge @!p0 [sflag:s0], s1  }
0x126: {  	s1 =	ssub.s32 @!p0 $0x0, s1;
	[sflag:s0] =	ssyncset.done @!p0 $0x0  }
0x127: {  	[sflag:s0] =	ssyncadd.s32 @!p0 s1  }
0x128: {  	[bflag:$0x3] =	sbarrier.arrive $0xFFFF  }
0x129: {  	_ =	shalt  }

// kernel: kernel.8.cloned.1.call-start
scs
__scs_entry_jumppad:
0x0: {  	(pc) =	sbr.rel $0x88, $3  }
0x1: {  	(tag) =	ssettag $0x0;
	lr =	simm.s32 $0x1  }
0x2: {  	[smem:$0x3F8F] =	sst lr;
	_ =	strace $0xD0000000  }
0x3: {  	_ = 	snop  }
0x4: {  	_ = 	snop  }
0x5: {  	_ = 	snop  }
0x6: {  	_ = 	snop  }
0x7: {  	_ = 	snop  }
__scs_overlays_trampoline_lowered:
0x8: {  	[smem:$0x3F9E] =	sst s0  }
0x9: {  	[smem:$0x3F9F] =	sst s1  }
0xa: {  	[smem:$0x3FA0] =	sst s2  }
0xb: {  	[smem:$0x3FA1] =	sst s3  }
0xc: {  	[smem:$0x3FA2] =	sst s4  }
0xd: {  	[smem:$0x3FA3] =	sst s5  }
0xe: {  	[smem:$0x3FA4] =	sst s6  }
0xf: {  	[smem:$0x3FA5] =	sst s7  }
0x10: {  	[smem:$0x3FA6] =	sst s8  }
0x11: {  	[smem:$0x3FA7] =	sst s9;
	s0 =	simm.s32 @!p0 $0x0  }
0x12: {  	s1 =	sld [smem:$0x3F8D];
	s0 =	simm.s32 @p0 $0x1  }
0x13: {  	[smem:$0x3FA8] =	sst s0;
	s0 =	simm.s32 @!p1 $0x0  }
0x14: {  	s2 =	sld [smem:$0x3F8C];
	s0 =	simm.s32 @p1 $0x1  }
0x15: {  	[smem:$0x3FA9] =	sst s0;
	s0 =	simm.s32 @!p2 $0x0  }
0x16: {  	s3 =	sld [smem:$0x3FDB];
	s0 =	simm.s32 @p2 $0x1  }
0x17: {  	s4 =	simm.s32 $0x1BF5;
	[smem:$0x3FAB] =	sst s0  }
0x18: {  	s0 =	sld [smem:$0x3F8E];
	_ =	swait.ge [sflag:s4], $0x0  }
0x19: {  	s7 =	sld [smem:$0x3F8F]  }
0x1a: {  	s8 =	sadd.s32 $0xFFFFE003, lr  }
0x1b: {  	s9 =	sadd.s32 $0xFFFFFEF7, lr;
	s5 =	simm.s32 $0xFFFFFFFF;
	p2 =	slt.u32 s8, $0xFFFFF086  }
0x1c: {  	p1 =	slt.u32 s9, $0xF7A;
	s5 =	simm.s32 @!p2 $0x0  }
0x1d: {  	s5 =	simm.s32 @p1 $0x1;
	p0 =	seq.s32 s7, s2  }
0x1e: {  	s7 =	smul.u32 @!p0 $0xF7A, s2;
	p2 =	seq.s32 @!p0 s5, $0x0  }
0x1f: {  	s9 =	smul.u32 $0xF7A, s1;
	s8 =	simm.s32 @!p0 $0x1BF5;
	p2 =	por !p2, p0  }
0x20: {  	[sflag:s8] =	ssyncset.s32 @!p0 $0xFFFFF086;
	s6 =	sadd.s32 @!p0 s3, s7;
	s7 =	simm.s32 @!p0 $0x108  }
0x21: {  	s3 =	sadd.s32 s3, s9;
	s6 =	sadd.s32 @!p0 $0x88, s6;
	s7 =	simm.s32 @p2 $0x1082  }
0x22: {  	[simem:s7], [sflag:s8] =	dma.local @!p0 [hbm:s6], $0xF7A  }
0x23: {  	s9 =	sor.u32 $0xD0000000, s2;
	s6 =	simm.s32 $0x108;
	_ =	swait.ge @!p0 [sflag:s8], $0x0  }
0x24: {  	s3 =	sadd.s32 $0x88, s3;
	s6 =	simm.s32 @!p1 $0x1082;
	[sflag:s4] =	ssyncset.s32 $0xFFFFF086  }
0x25: {  	[simem:s6], [sflag:s4] =	dma.local [hbm:s3], $0xF7A  }
0x26: {  	[smem:$0x3F8F] =	sst s1;
	(tag) =	ssettag s2;
	_ =	strace s9  }
0x27: {  	s1 =	sld [smem:$0x3F9F]  }
0x28: {  	s2 =	sld [smem:$0x3FA0]  }
0x29: {  	s4 =	sld [smem:$0x3FA2]  }
0x2a: {  	p0 =	seq.s32 s5, $0x0;
	s5 =	sld [smem:$0x3FA3]  }
0x2b: {  	s6 =	sld [smem:$0x3FA4]  }
0x2c: {  	s7 =	sld [smem:$0x3FA5]  }
0x2d: {  	s3 =	simm.s32 $0x108;
	s8 =	sld [smem:$0x3FA6]  }
0x2e: {  	s3 =	simm.s32 @!p0 $0x1082;
	s9 =	sld [smem:$0x3FA7]  }
0x2f: {  	lr =	sadd.s32 s0, s3;
	s0 =	sld [smem:$0x3F9E]  }
0x30: {  	s3 =	sld [smem:$0x3FA1]  }
0x31: {  	[smem:$0x3FAA] =	sst s10  }
0x32: {  	s10 =	sld [smem:$0x3FA8];
	_ =	sdelay $0x3  }
0x33: {  	p0 =	seq.s32 s10, $0x1;
	s10 =	sld [smem:$0x3FAA];
	_ =	sdelay $0x3  }
0x34: {  	[smem:$0x3FAA] =	sst s10  }
0x35: {  	s10 =	sld [smem:$0x3FA9];
	_ =	sdelay $0x3  }
0x36: {  	p1 =	seq.s32 s10, $0x1;
	s10 =	sld [smem:$0x3FAA];
	_ =	sdelay $0x3  }
0x37: {  	[smem:$0x3FAA] =	sst s10  }
0x38: {  	s10 =	sld [smem:$0x3FAB]  }
0x39: {  	_ = 	snop;
	(pc) =	sbr.ind lr, $3  }
0x3a: {  	_ = 	snop  }
0x3b: {  	_ = 	snop  }
0x3c: {  	p2 =	seq.s32 s10, $0x1;
	s10 =	sld [smem:$0x3FAA]  }
0x3d: {  	_ =	shalt  }
0x3e: {  	_ =	shalt  }
0x3f: {  	_ =	shalt  }
0x40: {  	_ =	shalt  }
0x41: {  	_ =	shalt  }
0x42: {  	_ =	shalt  }
0x43: {  	_ =	shalt  }
0x44: {  	_ =	shalt  }
0x45: {  	_ =	shalt  }
0x46: {  	_ =	shalt  }
0x47: {  	_ =	shalt  }
0x48: {  	_ =	shalt  }
0x49: {  	_ =	shalt  }
0x4a: {  	_ =	shalt  }
0x4b: {  	_ =	shalt  }
0x4c: {  	_ =	shalt  }
0x4d: {  	_ =	shalt  }
0x4e: {  	_ =	shalt  }
0x4f: {  	_ =	shalt  }
0x50: {  	_ =	shalt  }
0x51: {  	_ =	shalt  }
0x52: {  	_ =	shalt  }
0x53: {  	_ =	shalt  }
0x54: {  	_ =	shalt  }
0x55: {  	_ =	shalt  }
0x56: {  	_ =	shalt  }
0x57: {  	_ =	shalt  }
0x58: {  	_ =	shalt  }
0x59: {  	_ =	shalt  }
0x5a: {  	_ =	shalt  }
0x5b: {  	_ =	shalt  }
0x5c: {  	_ =	shalt  }
0x5d: {  	_ =	shalt  }
0x5e: {  	_ =	shalt  }
0x5f: {  	_ =	shalt  }
0x60: {  	_ =	shalt  }
0x61: {  	_ =	shalt  }
0x62: {  	_ =	shalt  }
0x63: {  	_ =	shalt  }
0x64: {  	_ =	shalt  }
0x65: {  	_ =	shalt  }
0x66: {  	_ =	shalt  }
0x67: {  	_ =	shalt  }
0x68: {  	_ =	shalt  }
0x69: {  	_ =	shalt  }
0x6a: {  	_ =	shalt  }
0x6b: {  	_ =	shalt  }
0x6c: {  	_ =	shalt  }
0x6d: {  	_ =	shalt  }
0x6e: {  	_ =	shalt  }
0x6f: {  	_ =	shalt  }
0x70: {  	_ =	shalt  }
0x71: {  	_ =	shalt  }
0x72: {  	_ =	shalt  }
0x73: {  	_ =	shalt  }
0x74: {  	_ =	shalt  }
0x75: {  	_ =	shalt  }
0x76: {  	_ =	shalt  }
0x77: {  	_ =	shalt  }
0x78: {  	_ =	shalt  }
0x79: {  	_ =	shalt  }
0x7a: {  	_ =	shalt  }
0x7b: {  	_ =	shalt  }
0x7c: {  	_ =	shalt  }
0x7d: {  	_ =	shalt  }
0x7e: {  	_ =	shalt  }
0x7f: {  	_ =	shalt  }
0x80: {  	_ =	shalt  }
0x81: {  	_ =	shalt  }
0x82: {  	_ =	shalt  }
0x83: {  	_ =	shalt  }
0x84: {  	_ =	shalt  }
0x85: {  	_ =	shalt  }
0x86: {  	_ =	shalt  }
0x87: {  	_ =	shalt  }
.Lfunc_end0:
.L_simem_size_0:
called_computation_lowered:
.L_overlay_start_0:
0x88: {  	s2 =	sld [smem:$0x3FD9]  }
0x89: {  	s3 =	sld [smem:$0x3FFE];
	_ =	sdelay $0x1  }
0x8a: {  	s1 =	srdreg.scid  }
0x8b: {  	s0 =	sand.u32 $0x1, s1  }
0x8c: {  	s16 =	sshll.u32 s0, $0xA;
	s2 =	sadd.s32 s3, s2  }
0x8d: {  	s2 =	sadd.s32 s2, s16  }
0x8e: {  	[smem:$0x3FB6] =	sst s2  }
0x8f: {  	_ = 	snop  }
0x90: {  	(tm) =	ssettm $0x1  }
0x91: {  	s17 =	sld [smem:$0x3FFB];
	_ =	sdelay $0x3  }
0x92: {  	_ =	strace s17  }
0x93: {  	s2 =	sld [smem:$0x3FFC];
	_ =	sdelay $0x3  }
0x94: {  	_ =	strace s2  }
0x95: {  	s2 =	sld [smem:$0x3FFD];
	_ =	sdelay $0x3  }
0x96: {  	_ =	strace s2  }
0x97: {  	_ =	strace $0x8FFFFFFF  }
0x98: {  	s18 =	sld [smem:$0x3FDB];
	_ =	sdelay $0x1  }
0x99: {  	s19 =	simm.s32 $_scs_section_size  }
0x9a: {  	s4 =	simm.s32 $_size__tile_overlayer_lowered;
	s5 =	simm.s32 $_tile_overlayer_lowered  }
0x9b: {  	s22 =	simm.s32 $0x1BFF;
	s21 =	sshll.u32 s5, $0x1;
	s2 =	sadd.s32 s19, s18  }
0x9c: {  	s6 =	simm.s32 $0x0;
	s20 =	sshll.u32 s4, $0x1;
	s4 =	sadd.s32 s21, s2  }
0x9d: {  	[timem:s6], [sflag:s22] =	dma.local [hbm:s4], s20  }
0x9e: {  	_ =	swait.ge [sflag:s22], s20  }
0x9f: {  	s3 =	ssub.s32 $0x0, s20;
	[sflag:s22] =	ssyncset.done $0x0  }
0xa0: {  	[sflag:s22] =	ssyncadd.s32 s3;
	_ =	sdelay $0x1  }
0xa1: {  	s23 =	simm.s32 $0x1B8B  }
0xa2: {  	_ =	swait.ge [sflag:s23], $0x1  }
0xa3: {  	[sflag:s23] =	ssyncset.done $0x0  }
0xa4: {  	s25 =	simm.s32 $0x1B8E;
	s24 =	sld [smem:$0x3FFE];
	[sflag:s23] =	ssyncadd.s32 $0xFFFFFFFF  }
0xa5: {  	s26 =	simm.s32 $execute0_lowered;
	[smem:$0x3FD2] =	sst s25  }
0xa6: {  	s4 =	sshll.u32 s26, $0x1;
	_ =	strace $0x80000046;
	[dreg:$0x1] =	wrdreg $0xFFFFFFFF  }
0xa7: {  	s28 =	simm.s32 $_size_execute0_lowered;
	s2 =	sadd.s32 s2, s4;
	[dreg:$0x0] =	wrdreg $0x0  }
0xa8: {  	s4 =	sshll.u32 s28, $0x1;
	[dreg:$0x2] =	wrdreg s2  }
0xa9: {  	[dreg:$0x3] =	wrdreg s4  }
0xaa: {  	[dreg:$0x4] =	wrdreg $0xC0  }
0xab: {  	_ =	task [dreg:s6], $0x5FFFF  }
0xac: {  	[dreg:$0x1] =	wrdreg $0xFFFFFFFF  }
0xad: {  	[dreg:$0x0] =	wrdreg $0x60  }
0xae: {  	[dreg:$0x2] =	wrdreg s24  }
0xaf: {  	[dreg:$0x3] =	wrdreg $0x5C000  }
0xb0: {  	[dreg:$0x4] =	wrdreg $0x9  }
0xb1: {  	_ =	task.clear_ibuf [dreg:s6], $0x5FFFF;
	_ =	strace $0x90000046  }
0xb2: {  	s29 =	simm.s32 $0x9;
	_ =	strace $0x80000048  }
0xb3: {  	_ =	swait.ge [sflag:s29], $0x1  }
0xb4: {  	[sflag:s29] =	ssyncadd.s32 $0xFFFFFFFF  }
0xb5: {  	_ =	strace $0x90000048  }
0xb6: {  	_ =	sfence  }
0xb7: {  	s30 =	sld [smem:$0x0];
	_ =	sdelay $0x2  }
0xb8: {  	s31 =	sshll.u32 s1, $0xD;
	s1 =	sshrl.u32 s1, $0x2  }
0xb9: {  	s3 =	sand.u32 $0x4000, s31;
	s1 =	sadd.s32 s1, s30  }
0xba: {  	s0 =	sor.u32 s3, s0;
	s1 =	sshll.u32 s1, $0x11  }
0xbb: {  	s0 =	sor.u32 s1, s0  }
0xbc: {  	s0 =	sadd.s32 $0x8F2B, s0  }
0xbd: {  	[sflag:s0] =	ssyncadd.remote.s32 $0x1  }
0xbe: {  	_ =	sfence.sel $0xFFFF  }
0xbf: {  	[dreg:$0x0] =	wrdreg $0xFFFFFFFF;
	(pc) =	sbr.abs _section_cstart, $3  }
0xc0: {  	[dreg:$0x1] =	wrdreg $0xFFFFFFFF  }
0xc1: {  	_ =	task.clear_ibuf [dreg:s6], $0x2FFFF;
	_ =	strace $0x9FFFFFFF  }
0xc2: {  	(tm) =	ssettm $0x7FFFFFFF  }
0xc3: {  	_ =	shalt  }
tec
execute0_lowered:
.L_overlay_start_1:
0x0: {  	(tag) =	ssettag $0x1  }
0x1: {  	s5 =	rddreg [dreg:$0x0]  }
0x2: {  	s2 =	rddreg [dreg:$0x1]  }
0x3: {  	s0 =	rddreg [dreg:$0x2];
	s1 =	stileid.u32  }
0x4: {  	s3 =	simm.s32 $0x0;
	s4 =	srdreg.scid;
	s9 =	smul.u32 $0x14000, s1  }
0x5: {  	s19 =	simm.s32 $0x4100;
	s20 =	simm.s32 $0x1;
	s12 =	smul.u32 $0x50000, s1  }
0x6: {  	[smem:$0x7FF] =	sst s3;
	s6 =	sand.u32 $0x1, s4;
	s14 =	smul.u32 $0x1C00, s1  }
0x7: {  	s10 =	sadd.s32 $0x4200, s5;
	s4 =	sadd.s32 $0x41200, s5;
	s7 =	smul.u32 $0x3, s6  }
0x8: {  	s15 =	sadd.s32 $0x41A00, s5;
	s31 =	sshll.u32 s1, $0x6;
	s21 =	smul.u32 $0x54000, s6  }
0x9: {  	_ =	strace $0x80000047;
	s11 =	ssub.s32 $0x2, s6;
	s6 =	smul.u32 $0x3C0000, s6  }
0xa: {  	s8 =	sshrl.u32 s9, $0x3;
	s13 =	sshrl.u32 s11, $0x1;
	s22 =	sshrl.u32 s12, $0x2  }
0xb: {  	s8 =	sadd.s32 s8, s5;
	s13 =	ssub.s32 s11, s13;
	s7 =	sadd.s32 $0x1, s7  }
0xc: {  	s16 =	sadd.s32 s22, s2;
	s23 =	sadd.s32 s14, s21;
	s17 =	sadd.s32 s9, s6  }
0xd: {  	s21 =	simm.s32 $0x0;
	s24 =	smul.u32 $0x1C000, s7;
	s5 =	sadd.s32 $0x19200, s8  }
0xe: {  	s25 =	sshrl.u32 s23, $0x3;
	s18 =	sshrl.u32 s17, $0x3;
	s26 =	smul.u32 $0x140000, s7  }
0xf: {  	s11 =	sadd.s32 $0x38000, s23;
	s29 =	sadd.s32 $0x280000, s17;
	s17 =	simm.s32 $0x7D  }
0x10: {  	s6 =	sadd.s32 s10, s25;
	s7 =	sadd.s32 s15, s18;
	s11 =	sshrl.u32 s11, $0x3  }
0x11: {  	s30 =	sshrl.u32 s29, $0x3;
	s18 =	simm.s32 $0x4080;
	s12 =	sadd.s32 s14, s24  }
0x12: {  	s9 =	sadd.s32 s9, s26;
	s14 =	sor.u32 $0x1C02, s31;
	s28 =	sshrl.u32 s12, $0x3  }
0x13: {  	s9 =	sshrl.u32 s9, $0x3;
	s12 =	smax.u32 s13, $0x1;
	s13 =	simm.s32 $0x2  }
0x14: {  	s8 =	sadd.s32 s10, s28;
	s9 =	sadd.s32 s15, s9;
	s10 =	sadd.s32 s10, s11  }
0x15: {  	s11 =	sadd.s32 s15, s30;
	s15 =	sshrl.u32 s16, $0x3;
	s16 =	simm.s32 $0x4000  }
.LBB2_1:
0x16: {  	[tilespmem:s3], [sflag:$0x2] =	stream.linear.gather [hbm4b:s4+s3], $0x3E80, $0x38;
	[tilespmem:$0x19C00] =	vst v63  }
0x17: {  	_ =	swait.ge [sflag:s13], $0x3E80  }
0x18: {  	[sflag:s13] =	ssyncset.done $0x0  }
0x19: {  	[sflag:s13] =	ssyncadd.s32 $0xFFFFC180  }
0x1a: {  	[spmem:s15], [sflag:s14] =	dma.local [hbm:s5], $0x2800  }
0x1b: {  	_ =	swait.ge [sflag:s13], $0x2800  }
0x1c: {  	[sflag:s13] =	ssyncset.done $0x0  }
0x1d: {  	[sflag:s13] =	ssyncadd.s32 $0xFFFFD800  }
0x1e: {  	[tilespmem:s16], [sflag:$0x2] =	stream.linear.gather [hbm4b:s6+s3], $0x1900, $0x38;
	[tilespmem:$0x19C00] =	vst v63  }
0x1f: {  	_ =	swait.ge [sflag:s13], $0x1900  }
0x20: {  	[sflag:s13] =	ssyncset.done $0x0  }
0x21: {  	[sflag:s13] =	ssyncadd.s32 $0xFFFFE700  }
0x22: {  	[bflag:$0x0] =	sbarrier.arrive $0xFFFF  }
0x23: {  	[spmem:s2] =	stream.indirect.scatter.add.f32 [tilespmem:s3], [sflag:$0x1], $0x80, s16, s17, $0xb8;
	[tilespmem:$0x19C00] =	vst v63  }
0x24: {  	_ = 	snop  }
0x25: {  	[spmem:s2] =	stream.indirect.scatter.add.f32 [tilespmem:s3], [sflag:$0x1], $0x80, s18, s17, $0xb8;
	[tilespmem:$0x19C00] =	vst v63  }
0x26: {  	_ = 	snop  }
0x27: {  	[spmem:s2] =	stream.indirect.scatter.add.f32 [tilespmem:s3], [sflag:$0x1], $0x80, s19, s17, $0xb8;
	[tilespmem:$0x19C00] =	vst v63  }
0x28: {  	s22 =	simm.s32 $0x4180  }
0x29: {  	[spmem:s2] =	stream.indirect.scatter.add.f32 [tilespmem:s3], [sflag:$0x1], $0x80, s22, s17, $0xb8;
	[tilespmem:$0x19C00] =	vst v63  }
0x2a: {  	s22 =	simm.s32 $0x800;
	_ =	swait.ge [sflag:s20], $0x3E80  }
.LBB2_2:
0x2b: {  	s23 =	sshra.s32 s22, $0x2;
	[sflag:s20] =	ssyncset.done $0x0;
	p0 =	sne.s32 s22, $0x6200  }
.Ltmp0:
0x2c: {  	s23 =	sadd.s32 $0x4000, s23;
	[sflag:s20] =	ssyncadd.s32 $0xFFFFC180;
	(pc) =	sbr.rel @p0 .LBB2_2-.Ltmp0, $3  }
0x2d: {  	[spmem:s2] =	stream.indirect.scatter.add.f32 [tilespmem:s3], [sflag:$0x1], $0x80, s23, s17, $0xb8;
	[tilespmem:$0x19C00] =	vst v63  }
0x2e: {  	s22 =	sadd.s32 $0x200, s22;
	_ =	sdelay $0x1  }
0x2f: {  	_ =	swait.ge [sflag:s20], $0x3E80  }
0x30: {  	[sflag:s20] =	ssyncset.done $0x0  }
0x31: {  	[sflag:s20] =	ssyncadd.s32 $0xFFFFC180  }
0x32: {  	_ =	swait.ge [sflag:s20], $0x3E80  }
0x33: {  	[sflag:s20] =	ssyncset.done $0x0  }
0x34: {  	[sflag:s20] =	ssyncadd.s32 $0xFFFFC180  }
0x35: {  	_ =	swait.ge [sflag:s20], $0x3E80  }
0x36: {  	[sflag:s20] =	ssyncset.done $0x0  }
0x37: {  	[sflag:s20] =	ssyncadd.s32 $0xFFFFC180  }
0x38: {  	_ =	swait.ge [sflag:s20], $0x3E80  }
0x39: {  	[sflag:s20] =	ssyncset.done $0x0  }
0x3a: {  	[sflag:s20] =	ssyncadd.s32 $0xFFFFC180  }
0x3b: {  	[bflag:$0x0] =	sbarrier.arrive $0xFFFF  }
0x3c: {  	[hbm:s7], [sflag:s14] =	dma.local [spmem:s15], $0x2800  }
0x3d: {  	_ =	swait.ge [sflag:s13], $0x2800  }
0x3e: {  	[sflag:s13] =	ssyncset.done $0x0  }
0x3f: {  	[sflag:s13] =	ssyncadd.s32 $0xFFFFD800  }
0x40: {  	[bflag:$0x0] =	sbarrier.arrive $0xFFFF  }
0x41: {  	[spmem:s15], [sflag:s14] =	dma.local [hbm:s5], $0x2800  }
0x42: {  	_ =	swait.ge [sflag:s13], $0x2800  }
0x43: {  	[sflag:s13] =	ssyncset.done $0x0  }
0x44: {  	[sflag:s13] =	ssyncadd.s32 $0xFFFFD800  }
0x45: {  	[tilespmem:s16], [sflag:$0x2] =	stream.linear.gather [hbm4b:s8+s3], $0x1900, $0x38;
	[tilespmem:$0x19C00] =	vst v63  }
0x46: {  	_ =	swait.ge [sflag:s13], $0x1900  }
0x47: {  	[sflag:s13] =	ssyncset.done $0x0  }
0x48: {  	[sflag:s13] =	ssyncadd.s32 $0xFFFFE700  }
0x49: {  	[bflag:$0x0] =	sbarrier.arrive $0xFFFF  }
0x4a: {  	[spmem:s2] =	stream.indirect.scatter.add.f32 [tilespmem:s3], [sflag:$0x1], $0x80, s16, s17, $0xb8;
	[tilespmem:$0x19C00] =	vst v63  }
0x4b: {  	_ = 	snop  }
0x4c: {  	[spmem:s2] =	stream.indirect.scatter.add.f32 [tilespmem:s3], [sflag:$0x1], $0x80, s18, s17, $0xb8;
	[tilespmem:$0x19C00] =	vst v63  }
0x4d: {  	_ = 	snop  }
0x4e: {  	[spmem:s2] =	stream.indirect.scatter.add.f32 [tilespmem:s3], [sflag:$0x1], $0x80, s19, s17, $0xb8;
	[tilespmem:$0x19C00] =	vst v63  }
0x4f: {  	s22 =	simm.s32 $0x4180  }
0x50: {  	[spmem:s2] =	stream.indirect.scatter.add.f32 [tilespmem:s3], [sflag:$0x1], $0x80, s22, s17, $0xb8;
	[tilespmem:$0x19C00] =	vst v63  }
0x51: {  	s22 =	simm.s32 $0x800;
	_ =	swait.ge [sflag:s20], $0x3E80  }
.LBB2_4:
0x52: {  	s23 =	sshra.s32 s22, $0x2;
	[sflag:s20] =	ssyncset.done $0x0;
	p0 =	sne.s32 s22, $0x6200  }
.Ltmp1:
0x53: {  	s23 =	sadd.s32 $0x4000, s23;
	[sflag:s20] =	ssyncadd.s32 $0xFFFFC180;
	(pc) =	sbr.rel @p0 .LBB2_4-.Ltmp1, $3  }
0x54: {  	[spmem:s2] =	stream.indirect.scatter.add.f32 [tilespmem:s3], [sflag:$0x1], $0x80, s23, s17, $0xb8;
	[tilespmem:$0x19C00] =	vst v63  }
0x55: {  	s22 =	sadd.s32 $0x200, s22;
	_ =	sdelay $0x1  }
0x56: {  	_ =	swait.ge [sflag:s20], $0x3E80  }
0x57: {  	[sflag:s20] =	ssyncset.done $0x0  }
0x58: {  	[sflag:s20] =	ssyncadd.s32 $0xFFFFC180  }
0x59: {  	_ =	swait.ge [sflag:s20], $0x3E80  }
0x5a: {  	[sflag:s20] =	ssyncset.done $0x0  }
0x5b: {  	[sflag:s20] =	ssyncadd.s32 $0xFFFFC180  }
0x5c: {  	_ =	swait.ge [sflag:s20], $0x3E80  }
0x5d: {  	[sflag:s20] =	ssyncset.done $0x0  }
0x5e: {  	[sflag:s20] =	ssyncadd.s32 $0xFFFFC180  }
0x5f: {  	_ =	swait.ge [sflag:s20], $0x3E80  }
0x60: {  	[sflag:s20] =	ssyncset.done $0x0  }
0x61: {  	[sflag:s20] =	ssyncadd.s32 $0xFFFFC180  }
0x62: {  	[bflag:$0x0] =	sbarrier.arrive $0xFFFF  }
0x63: {  	[hbm:s9], [sflag:s14] =	dma.local [spmem:s15], $0x2800  }
0x64: {  	_ =	swait.ge [sflag:s13], $0x2800  }
0x65: {  	[sflag:s13] =	ssyncset.done $0x0  }
0x66: {  	[sflag:s13] =	ssyncadd.s32 $0xFFFFD800  }
0x67: {  	[bflag:$0x0] =	sbarrier.arrive $0xFFFF  }
0x68: {  	[spmem:s15], [sflag:s14] =	dma.local [hbm:s5], $0x2800  }
0x69: {  	_ =	swait.ge [sflag:s13], $0x2800  }
0x6a: {  	[sflag:s13] =	ssyncset.done $0x0  }
0x6b: {  	[sflag:s13] =	ssyncadd.s32 $0xFFFFD800  }
0x6c: {  	[tilespmem:s16], [sflag:$0x2] =	stream.linear.gather [hbm4b:s10+s3], $0x1900, $0x38;
	[tilespmem:$0x19C00] =	vst v63  }
0x6d: {  	_ =	swait.ge [sflag:s13], $0x1900  }
0x6e: {  	[sflag:s13] =	ssyncset.done $0x0  }
0x6f: {  	[sflag:s13] =	ssyncadd.s32 $0xFFFFE700  }
0x70: {  	[bflag:$0x0] =	sbarrier.arrive $0xFFFF  }
0x71: {  	[spmem:s2] =	stream.indirect.scatter.add.f32 [tilespmem:s3], [sflag:$0x1], $0x80, s16, s17, $0xb8;
	[tilespmem:$0x19C00] =	vst v63  }
0x72: {  	_ = 	snop  }
0x73: {  	[spmem:s2] =	stream.indirect.scatter.add.f32 [tilespmem:s3], [sflag:$0x1], $0x80, s18, s17, $0xb8;
	[tilespmem:$0x19C00] =	vst v63  }
0x74: {  	_ = 	snop  }
0x75: {  	[spmem:s2] =	stream.indirect.scatter.add.f32 [tilespmem:s3], [sflag:$0x1], $0x80, s19, s17, $0xb8;
	[tilespmem:$0x19C00] =	vst v63  }
0x76: {  	s22 =	simm.s32 $0x4180  }
0x77: {  	[spmem:s2] =	stream.indirect.scatter.add.f32 [tilespmem:s3], [sflag:$0x1], $0x80, s22, s17, $0xb8;
	[tilespmem:$0x19C00] =	vst v63  }
0x78: {  	s22 =	simm.s32 $0x800;
	_ =	swait.ge [sflag:s20], $0x3E80  }
.LBB2_6:
0x79: {  	s23 =	sshra.s32 s22, $0x2;
	[sflag:s20] =	ssyncset.done $0x0;
	p0 =	sne.s32 s22, $0x6200  }
.Ltmp2:
0x7a: {  	s23 =	sadd.s32 $0x4000, s23;
	[sflag:s20] =	ssyncadd.s32 $0xFFFFC180;
	(pc) =	sbr.rel @p0 .LBB2_6-.Ltmp2, $3  }
0x7b: {  	[spmem:s2] =	stream.indirect.scatter.add.f32 [tilespmem:s3], [sflag:$0x1], $0x80, s23, s17, $0xb8;
	[tilespmem:$0x19C00] =	vst v63  }
0x7c: {  	s22 =	sadd.s32 $0x200, s22;
	_ =	sdelay $0x1  }
0x7d: {  	_ =	swait.ge [sflag:s20], $0x3E80  }
0x7e: {  	[sflag:s20] =	ssyncset.done $0x0  }
0x7f: {  	[sflag:s20] =	ssyncadd.s32 $0xFFFFC180  }
0x80: {  	_ =	swait.ge [sflag:s20], $0x3E80  }
0x81: {  	[sflag:s20] =	ssyncset.done $0x0  }
0x82: {  	[sflag:s20] =	ssyncadd.s32 $0xFFFFC180  }
0x83: {  	_ =	swait.ge [sflag:s20], $0x3E80  }
0x84: {  	[sflag:s20] =	ssyncset.done $0x0  }
0x85: {  	[sflag:s20] =	ssyncadd.s32 $0xFFFFC180  }
0x86: {  	_ =	swait.ge [sflag:s20], $0x3E80  }
0x87: {  	[sflag:s20] =	ssyncset.done $0x0  }
0x88: {  	s21 =	sadd.s32 $0x1, s21;
	[sflag:s20] =	ssyncadd.s32 $0xFFFFC180  }
0x89: {  	p0 =	sne.s32 s21, s12;
	[bflag:$0x0] =	sbarrier.arrive $0xFFFF  }
0x8a: {  	[hbm:s11], [sflag:s14] =	dma.local [spmem:s15], $0x2800  }
.Ltmp3:
0x8b: {  	_ =	swait.ge [sflag:s13], $0x2800;
	(pc) =	sbr.rel @p0 .LBB2_1-.Ltmp3, $3  }
0x8c: {  	[sflag:s13] =	ssyncset.done $0x0  }
0x8d: {  	[sflag:s13] =	ssyncadd.s32 $0xFFFFD800  }
0x8e: {  	[bflag:$0x0] =	sbarrier.arrive $0xFFFF;
	_ =	sdelay $0x1  }
0x8f: {  	_ =	sfence.sel $0x180000  }
0x90: {  	[bflag:$0x0] =	sbarrier.arrive $0xFFFF  }
0x91: {  	p0 =	sne.s32 s1, $0x0;
	_ =	strace $0x90000047  }
0x92: {  	s0 =	sadd.s32 @!p0 $0x100000, s0;
	[bflag:$0x2] =	sbarrier.arrive $0xFFFF  }
0x93: {  	[sflag:s0] =	ssyncadd.tile.s32 @!p0 $0x1;
	_ =	shalt  }
.Lfunc_end2:
_tile_overlayer_lowered:
.L_overlay_start_2:
0x94: {  	(tag) =	ssettag $0x2  }
0x95: {  	s0 =	rddreg [dreg:$0x0];
	s2 =	stileid.u32  }
0x96: {  	s1 =	rddreg [dreg:$0x1];
	p0 =	sne.s32 s2, $0x0  }
0x97: {  	s3 =	rddreg [dreg:$0x2];
	[bflag:$0x3] =	sbarrier.arrive $0xFFFF;
	s2 =	simm.s32 @!p0 $0x1C02  }
0x98: {  	[timem:s3], [sflag:s2] =	dma.local @!p0 [hbm:s0], s1  }
0x99: {  	s0 =	simm.s32 @!p0 $0x2  }
0x9a: {  	_ =	swait.ge @!p0 [sflag:s0], s1  }
0x9b: {  	s1 =	ssub.s32 @!p0 $0x0, s1;
	[sflag:s0] =	ssyncset.done @!p0 $0x0  }
0x9c: {  	[sflag:s0] =	ssyncadd.s32 @!p0 s1  }
0x9d: {  	[bflag:$0x3] =	sbarrier.arrive $0xFFFF  }
0x9e: {  	_ =	shalt  }

</sc_bundles>
